<compile_context>
chip_gen: v7x
topology: tpu7x:2x2x1
jax: 0.10.2.dev20260603
libtpu: 0.0.44.dev20260713+nightly
codegen_flags: <defaults>
</compile_context>

<pallas_src>
import functools

import jax
import jax.numpy as jnp
from jax import lax
from jax.experimental import pallas as pl
from jax.experimental.pallas import tpu as pltpu
from jax.experimental.pallas import tpu_sc as plsc

_NC = 2
_NS = 16
_NW = _NC * _NS


def _fc1_body(x_ref, w_ref, b_ref, o_ref):
    o_ref[...] = (
        lax.dot_general(x_ref[...], w_ref[...], (((1,), (1,)), ((), ())),
                        preferred_element_type=jnp.float32)
        + b_ref[...]
    )


def _fc1(x, w, b):
    n, d = x.shape
    blk = 5000
    return pl.pallas_call(
        _fc1_body,
        grid=(n // blk,),
        in_specs=[
            pl.BlockSpec((blk, d), lambda i: (i, 0)),
            pl.BlockSpec((d, d), lambda i: (0, 0)),
            pl.BlockSpec((1, d), lambda i: (0, 0)),
        ],
        out_specs=pl.BlockSpec((blk, d), lambda i: (i, 0)),
        out_shape=jax.ShapeDtypeStruct((n, d), jnp.float32),
    )(x, w, b.reshape(1, d))


def _make_seg_sum(n, d, e):
    k = 128
    nblk = e // k
    nit = nblk // _NW
    nextra = nblk - nit * _NW
    assert nit % 3 == 0
    rows_pt = (n // _NS) // 8 * 8
    rtail = n - rows_pt * _NS

    mesh = plsc.VectorSubcoreMesh(core_axis_name="c", subcore_axis_name="s")

    @functools.partial(
        pl.kernel,
        out_type=jax.ShapeDtypeStruct((_NC, n, d), jnp.float32),
        mesh=mesh,
        scratch_types=[
            pltpu.VMEM((2, k), jnp.int32),
            pltpu.VMEM((2, k), jnp.int32),
            pltpu.VMEM((2, k), jnp.int32),
            pltpu.VMEM((k, d), jnp.float32),
            pltpu.VMEM((k, d), jnp.float32),
            pltpu.VMEM((k, d), jnp.float32),
            pltpu.VMEM_SHARED((n, d), jnp.float32),
            pltpu.SemaphoreType.DMA,
            pltpu.SemaphoreType.DMA,
            pltpu.SemaphoreType.DMA,
            pltpu.SemaphoreType.DMA,
            pltpu.SemaphoreType.DMA,
            pltpu.SemaphoreType.DMA,
        ],
    )
    def seg_sum(h_hbm, ei3_hbm, out_hbm,
                idx0, idx1, idx2, rows0, rows1, rows2, acc_sh,
                sg0, sg1, sg2, si0, si1, si2):
        cid = lax.axis_index("c")
        sid = lax.axis_index("s")
        wid = sid * _NC + cid

        def zrow(r, carry):
            for c in range(d // 16):
                rows0[r, pl.ds(c * 16, 16)] = jnp.zeros((16,), jnp.float32)
            return carry

        lax.fori_loop(0, k, zrow, 0)
        for i in range(rows_pt // k):
            pltpu.sync_copy(rows0,
                            acc_sh.at[pl.ds(sid * rows_pt + i * k, k)])
        zrem = rows_pt % k
        if zrem:
            pltpu.sync_copy(
                rows0.at[pl.ds(0, zrem)],
                acc_sh.at[pl.ds(sid * rows_pt + (rows_pt // k) * k, zrem)])
        if rtail:
            @pl.when(sid == _NS - 1)
            def _():
                pltpu.sync_copy(rows0.at[pl.ds(0, rtail)],
                                acc_sh.at[pl.ds(rows_pt * _NS, rtail)])
        plsc.subcore_barrier()

        idx = [idx0, idx1, idx2]
        rows = [rows0, rows1, rows2]
        sg = [sg0, sg1, sg2]
        si = [si0, si1, si2]
        blk0 = wid * nit

        def iload(c, s):
            pltpu.async_copy(ei3_hbm.at[blk0 + c], idx[s], si[s])

        def iwait(s):
            pltpu.make_async_copy(ei3_hbm.at[0], idx[s], si[s]).wait()

        def gather(s):
            pltpu.async_copy(h_hbm.at[idx[s].at[0]], rows[s], sg[s])

        def gwait(s):
            pltpu.make_async_copy(h_hbm.at[pl.ds(0, k)], rows[s],
                                  sg[s]).wait()

        def scatter(s):
            pltpu.sync_copy(rows[s], acc_sh.at[idx[s].at[1]], add=True)

        iload(0, 0)
        iload(1, 1)
        iload(2, 2)
        iwait(0)
        gather(0)
        iwait(1)
        gather(1)

        def body(j, carry):
            c0 = j * 3
            for s in range(3):
                c = c0 + s
                gwait(s)
                scatter(s)

                @pl.when(c + 3 < nit)
                def _():
                    iload(c + 3, s)

                @pl.when(c + 2 < nit)
                def _():
                    iwait((s + 2) % 3)
                    gather((s + 2) % 3)

            return carry

        lax.fori_loop(0, nit // 3, body, 0)

        if nextra:
            @pl.when(wid < nextra)
            def _():
                pltpu.async_copy(ei3_hbm.at[_NW * nit + wid], idx0, si0)
                iwait(0)
                gather(0)
                gwait(0)
                scatter(0)

        plsc.subcore_barrier()
        pltpu.sync_copy(acc_sh.at[pl.ds(sid * rows_pt, rows_pt)],
                        out_hbm.at[cid, pl.ds(sid * rows_pt, rows_pt)])
        if rtail:
            @pl.when(sid == _NS - 1)
            def _():
                pltpu.sync_copy(acc_sh.at[pl.ds(rows_pt * _NS, rtail)],
                                out_hbm.at[cid, pl.ds(rows_pt * _NS, rtail)])

    return seg_sum


def _mlp_body(scale_ref, h1_ref, a0_ref, a1_ref,
              w1_ref, b1_ref, w2_ref, b2_ref, bng_ref, bnb_ref,
              l1w_ref, l1b_ref, l2w_ref, l2b_ref, o_ref):
    u = scale_ref[0, 0] * h1_ref[...] + a0_ref[0] + a1_ref[0]
    dn = (((1,), (1,)), ((), ()))
    t = jnp.maximum(
        lax.dot_general(u, w1_ref[...], dn, preferred_element_type=jnp.float32)
        + b1_ref[...], 0.0)
    t = jnp.maximum(
        lax.dot_general(t, w2_ref[...], dn, preferred_element_type=jnp.float32)
        + b2_ref[...], 0.0)
    t = t * (bng_ref[...] * (1.0 / jnp.sqrt(1.0 + 1e-5))) + bnb_ref[...]
    t = jnp.maximum(
        lax.dot_general(t, l1w_ref[...], dn, preferred_element_type=jnp.float32)
        + l1b_ref[...], 0.0)
    o_ref[...] = (
        lax.dot_general(t, l2w_ref[...], dn, preferred_element_type=jnp.float32)
        + l2b_ref[...])


def _mlp(scale, h1, aggs, w1, b1, w2, b2, bn_g, bn_b, l1w, l1b, l2w, l2b):
    n, d = h1.shape
    h = w1.shape[0]
    blk = 2000
    full = lambda shape: pl.BlockSpec(shape, lambda i: tuple(0 for _ in shape))
    row = lambda width: pl.BlockSpec((blk, width), lambda i: (i, 0))
    return pl.pallas_call(
        _mlp_body,
        grid=(n // blk,),
        in_specs=[
            pl.BlockSpec(memory_space=pltpu.SMEM),
            row(d),
            pl.BlockSpec((1, blk, d), lambda i: (0, i, 0)),
            pl.BlockSpec((1, blk, d), lambda i: (1, i, 0)),
            full((h, d)), full((1, h)), full((h, h)), full((1, h)),
            full((1, h)), full((1, h)),
            full((h, h)), full((1, h)), full((h, h)), full((1, h)),
        ],
        out_specs=row(h),
        out_shape=jax.ShapeDtypeStruct((n, h), jnp.float32),
    )(scale, h1, aggs, aggs, w1, b1.reshape(1, h), w2, b2.reshape(1, h),
      bn_g.reshape(1, h), bn_b.reshape(1, h),
      l1w, l1b.reshape(1, h), l2w, l2b.reshape(1, h))


def _make_pair_gather(n, h, e, b):
    bpt = b // _NW
    m = 64
    nsub = bpt // m
    assert bpt % m == 0 and nsub % 2 == 0
    nv = h // 16

    mesh = plsc.VectorSubcoreMesh(core_axis_name="c", subcore_axis_name="s")

    @functools.partial(
        pl.kernel,
        out_type=jax.ShapeDtypeStruct((b, h), jnp.float32),
        mesh=mesh,
        scratch_types=[
            pltpu.VMEM((bpt,), jnp.int32),
            pltpu.VMEM((bpt,), jnp.int32),
            pltpu.VMEM((bpt,), jnp.int32),
            pltpu.VMEM((nsub, m), jnp.int32),
            pltpu.VMEM((nsub, m), jnp.int32),
            pltpu.VMEM((m, h), jnp.float32),
            pltpu.VMEM((m, h), jnp.float32),
            pltpu.VMEM((m, h), jnp.float32),
            pltpu.VMEM((m, h), jnp.float32),
            pltpu.SemaphoreType.DMA,
            pltpu.SemaphoreType.DMA,
            pltpu.SemaphoreType.DMA,
        ],
    )
    def pair(h_hbm, flat_hbm, te_hbm, out_hbm,
             te_v, t0_v, t1_v, s_v, d_v, x1a, x2a, x1b, x2b,
             sem1, sem2, sem_i):
        cid = lax.axis_index("c")
        sid = lax.axis_index("s")
        wid = sid * _NC + cid
        base = wid * bpt
        pltpu.sync_copy(te_hbm.at[pl.ds(base, bpt)], te_v)

        def tmap(i, carry):
            sl = pl.ds(i * 16, 16)
            t = te_v[sl]
            a = ((t >> 7) << 8) | (t & 127)
            t0_v[sl] = a
            t1_v[sl] = a + 128
            return carry

        lax.fori_loop(0, bpt // 16, tmap, 0)

        for j in range(nsub):
            pltpu.async_copy(flat_hbm.at[t0_v.at[pl.ds(j * m, m)]],
                             s_v.at[j], sem_i)
            pltpu.async_copy(flat_hbm.at[t1_v.at[pl.ds(j * m, m)]],
                             d_v.at[j], sem_i)
        for j in range(2 * nsub):
            pltpu.make_async_copy(flat_hbm.at[pl.ds(0, m)],
                                  s_v.at[0], sem_i).wait()

        def xgather(j, x1, x2):
            pltpu.async_copy(h_hbm.at[s_v.at[j]], x1, sem1)
            pltpu.async_copy(h_hbm.at[d_v.at[j]], x2, sem2)

        def xwait(x1, x2):
            pltpu.make_async_copy(h_hbm.at[pl.ds(0, m)], x1, sem1).wait()
            pltpu.make_async_copy(h_hbm.at[pl.ds(0, m)], x2, sem2).wait()

        def mul_write(j, x1, x2):
            def mul_row(r, carry):
                for c in range(nv):
                    sl = pl.ds(c * 16, 16)
                    x1[r, sl] = x1[r, sl] * x2[r, sl]
                return carry

            lax.fori_loop(0, m, mul_row, 0)
            pltpu.sync_copy(x1, out_hbm.at[pl.ds(base + j * m, m)])

        xgather(0, x1a, x2a)
        for j in range(0, nsub, 2):
            xwait(x1a, x2a)
            if j + 1 < nsub:
                xgather(j + 1, x1b, x2b)
            mul_write(j, x1a, x2a)
            xwait(x1b, x2b)
            if j + 2 < nsub:
                xgather(j + 2, x1a, x2a)
            mul_write(j + 1, x1b, x2b)

    return pair


def _fc2_body(f_ref, w_ref, b_ref, o_ref):
    o_ref[...] = (
        lax.dot_general(w_ref[...], f_ref[...], (((1,), (1,)), ((), ())),
                        preferred_element_type=jnp.float32)
        + b_ref[...])


def _fc2(fused, w, bias):
    b, h = fused.shape
    c = w.shape[0]
    blk = 4096
    out_t = pl.pallas_call(
        _fc2_body,
        grid=(b // blk,),
        in_specs=[
            pl.BlockSpec((blk, h), lambda i: (i, 0)),
            pl.BlockSpec((c, h), lambda i: (0, 0)),
            pl.BlockSpec((c, 1), lambda i: (0, 0)),
        ],
        out_specs=pl.BlockSpec((c, blk), lambda i: (0, i)),
        out_shape=jax.ShapeDtypeStruct((c, b), jnp.float32),
    )(fused, w, bias.reshape(c, 1))
    return out_t.T


def kernel(x, edge_index, train_edge_id, fc1_w, fc1_b, eps, w1, b1, w2, b2,
           bn_g, bn_b, lin1_w, lin1_b, lin2_w, lin2_b, fc2_w, fc2_b):
    n, d = x.shape
    e = edge_index.shape[1]
    b = train_edge_id.shape[0]
    h = w1.shape[0]

    ei3 = edge_index.reshape(2, e // 128, 128).swapaxes(0, 1)
    flat = ei3.reshape(2 * e)

    h1 = _fc1(x, fc1_w, fc1_b)

    aggs = _make_seg_sum(n, d, e)(h1, ei3)

    scale = (1.0 + eps).reshape(1, 1)
    h5 = _mlp(scale, h1, aggs, w1, b1, w2, b2, bn_g, bn_b,
              lin1_w, lin1_b, lin2_w, lin2_b)

    fused = _make_pair_gather(n, h, e, b)(h5, flat, train_edge_id)

    return _fc2(fused, fc2_w, fc2_b)

# --- scband reference (transcript-rebuilt; emitter-appended) ---
"""Pipeline reference for scband-gin-net3-44349832299061 (READ-ONLY COPY).

The authoritative reference and input builder live on the scoring server;
editing this copy changes nothing except your own understanding.
"""

import jax, jax.numpy as jnp
import numpy as np

N = 10000
E = 320000
D = 128   # embed_size == gin_in_feature
H = 256   # hidden
C = 7     # class_num
B = 16384 # train edges


def _lin_init(key, out_f, in_f):
    kw, kb = jax.random.split(key)
    bound = 1.0 / np.sqrt(in_f)
    w = jax.random.uniform(kw, (out_f, in_f), minval=-bound, maxval=bound, dtype=jnp.float32)
    b = jax.random.uniform(kb, (out_f,), minval=-bound, maxval=bound, dtype=jnp.float32)
    return w, b


def setup_inputs(seed: int = 0) -> dict:
    key = jax.random.key(seed)
    ks = jax.random.split(key, 12)
    inp = {}
    inp['x'] = jax.random.normal(ks[0], (N, D), dtype=jnp.float32)
    inp['edge_index'] = jax.random.randint(ks[1], (2, E), 0, N, dtype=jnp.int32)
    inp['train_edge_id'] = jax.random.randint(ks[2], (B,), 0, E, dtype=jnp.int32)
    # parameters
    inp['fc1_w'], inp['fc1_b'] = _lin_init(ks[3], D, D)        # fc1: embed_size -> gin_in_feature
    inp['eps'] = jnp.zeros((), dtype=jnp.float32)               # GINConv learnable eps (init 0)
    inp['w1'], inp['b1'] = _lin_init(ks[4], H, D)               # mlp lin1: gin_in -> hidden
    inp['w2'], inp['b2'] = _lin_init(ks[5], H, H)               # mlp lin2: hidden -> hidden
    inp['bn_g'] = jnp.ones((H,), dtype=jnp.float32)             # BatchNorm1d gamma
    inp['bn_b'] = jnp.zeros((H,), dtype=jnp.float32)            # BatchNorm1d beta
    inp['lin1_w'], inp['lin1_b'] = _lin_init(ks[6], H, H)
    inp['lin2_w'], inp['lin2_b'] = _lin_init(ks[7], H, H)
    inp['fc2_w'], inp['fc2_b'] = _lin_init(ks[8], C, H)
    return inp


def reference(x, edge_index, train_edge_id, fc1_w, fc1_b, eps, w1, b1, w2, b2, bn_g, bn_b, lin1_w, lin1_b, lin2_w, lin2_b, fc2_w, fc2_b):
    # x = self.fc1(x)
    h = x @ fc1_w.T + fc1_b
    # GINConv: out = mlp((1+eps) * x + sum_{j in N(i)} x_j)
    src = edge_index[0]
    dst = edge_index[1]
    agg = jax.ops.segment_sum(h[src], dst, num_segments=N)
    h = (1.0 + eps) * h + agg
    h = jax.nn.relu(h @ w1.T + b1)
    h = jax.nn.relu(h @ w2.T + b2)
    # BatchNorm1d in eval mode: running_mean=0, running_var=1
    h = h / jnp.sqrt(1.0 + 1e-5) * bn_g + bn_b
    # lin1 + relu (dropout is identity in eval mode)
    h = jax.nn.relu(h @ lin1_w.T + lin1_b)
    h = h @ lin2_w.T + lin2_b
    # gather endpoint pairs of training edges
    node_id = edge_index[:, train_edge_id]
    x1 = h[node_id[0]]
    x2 = h[node_id[1]]
    # feature_fusion is None -> elementwise mul
    fused = x1 * x2
    out = fused @ fc2_w.T + fc2_b
    return out

if __name__ == "__main__":
    import jax
    _d = setup_inputs()
    print(jax.jit(kernel)(*tuple(_d.values())))

</pallas_src>

<mosaic_0001>
#map = affine_map<(d0, d1) -> (0, 0)>
#map1 = affine_map<(d0, d1) -> (0)>
module attributes {stable_mosaic.version = 14 : i64} {
  func.func @pair(%arg0: i32, %arg1: i32, %arg2: memref<10000x256xf32, #tpu.memory_space<hbm>>, %arg3: memref<640000xi32, #tpu.memory_space<hbm>>, %arg4: memref<16384xi32, #tpu.memory_space<hbm>>, %arg5: memref<16384x256xf32, #tpu.memory_space<hbm>>, %arg6: memref<512xi32, #tpu.memory_space<vmem>>, %arg7: memref<512xi32, #tpu.memory_space<vmem>>, %arg8: memref<512xi32, #tpu.memory_space<vmem>>, %arg9: memref<8x64xi32, #tpu.memory_space<vmem>>, %arg10: memref<8x64xi32, #tpu.memory_space<vmem>>, %arg11: memref<64x256xf32, #tpu.memory_space<vmem>>, %arg12: memref<64x256xf32, #tpu.memory_space<vmem>>, %arg13: memref<64x256xf32, #tpu.memory_space<vmem>>, %arg14: memref<64x256xf32, #tpu.memory_space<vmem>>, %arg15: memref<!tpu.dma_semaphore, #tpu.memory_space<semaphore_mem>>, %arg16: memref<!tpu.dma_semaphore, #tpu.memory_space<semaphore_mem>>, %arg17: memref<!tpu.dma_semaphore, #tpu.memory_space<semaphore_mem>>) attributes {dimension_semantics = [#tpu.dimension_semantics<core_parallel>, #tpu.dimension_semantics<subcore_parallel>], iteration_bounds = array<i64: 2, 16>, scalar_prefetch = 0 : i64, scratch_operands = 12 : i64, tpu.core_type = #tpu.core_type<sc_vector_subcore>, window_params = [{transform_indices = #map}, {transform_indices = #map1}, {transform_indices = #map1}, {transform_indices = #map}]} {
    %mul3A = arith.constant 2 : i32
    %mul3A_0 = arith.muli %arg1, %mul3A : i32
    %add3A = arith.addi %mul3A_0, %arg0 : i32
    %mul3A_1 = arith.constant 512 : i32
    %mul3A_2 = arith.muli %add3A, %mul3A_1 : i32
    "tpu.region"() ({
      %run_scoped3A = tpu.sem_alloc : memref<!tpu.dma_semaphore, #tpu.memory_space<semaphore_mem>>
      %dma_start3A_582 = tpu.memref_slice %arg4[%mul3A_2] : memref<16384xi32, #tpu.memory_space<hbm>> -> memref<512xi32, #tpu.memory_space<hbm>>
      %dma_start3A_583 = tpu.memref_slice %arg4[%mul3A_2] : memref<16384xi32, #tpu.memory_space<hbm>> -> memref<512xi32, #tpu.memory_space<hbm>>
      tpu.enqueue_dma source(%dma_start3A_583 : memref<512xi32, #tpu.memory_space<hbm>>) target(%arg6 : memref<512xi32, #tpu.memory_space<vmem>>) target_semaphore(%run_scoped3A : memref<!tpu.dma_semaphore, #tpu.memory_space<semaphore_mem>>)
      %dma_wait3A_584 = tpu.memref_slice %arg4[%mul3A_2] : memref<16384xi32, #tpu.memory_space<hbm>> -> memref<512xi32, #tpu.memory_space<hbm>>
      %dma_wait3A_585 = tpu.memref_slice %arg4[%mul3A_2] : memref<16384xi32, #tpu.memory_space<hbm>> -> memref<512xi32, #tpu.memory_space<hbm>>
      tpu.wait_dma2 semaphore(%run_scoped3A : memref<!tpu.dma_semaphore, #tpu.memory_space<semaphore_mem>>) src(%dma_wait3A_585 : memref<512xi32, #tpu.memory_space<hbm>>) dst(%arg6 : memref<512xi32, #tpu.memory_space<vmem>>)
      tpu.yield
    }) : () -> ()
    %scan3A = arith.constant 0 : i32
    %scan3A_3 = arith.constant 0 : i32
    %scan3A_4 = arith.constant 32 : i32
    %scan3A_5 = arith.addi %scan3A_3, %scan3A_4 : i32
    %scan3A_6 = arith.constant 1 : i32
    scf.for %scan3A_582 = %scan3A_3 to %scan3A_5 step %scan3A_6  : i32 {
      %mul3A_583 = arith.constant 16 : i32
      %mul3A_584 = arith.muli %scan3A_582, %mul3A_583 : i32
      %get3A = arith.index_cast %mul3A_584 : i32 to index
      %get3A_585 = tpu.vector_load %arg6[%get3A] {strides = array<i32>} : memref<512xi32, #tpu.memory_space<vmem>>, vector<16xi32>,
      %get3A_586 = vector.shape_cast %get3A_585 : vector<16xi32> to vector<16xi32>
      %shift_right_arithmetic3A = arith.constant 7 : i32
      %shift_right_arithmetic3A_587 = vector.broadcast %shift_right_arithmetic3A : i32 to vector<16xi32>
      %shift_right_arithmetic3A_588 = arith.shrsi %get3A_586, %shift_right_arithmetic3A_587 : vector<16xi32>
      %shift_left3A = arith.constant 8 : i32
      %shift_left3A_589 = vector.broadcast %shift_left3A : i32 to vector<16xi32>
      %shift_left3A_590 = arith.shli %shift_right_arithmetic3A_588, %shift_left3A_589 : vector<16xi32>
      %and3A = arith.constant 127 : i32
      %and3A_591 = vector.broadcast %and3A : i32 to vector<16xi32>
      %and3A_592 = arith.andi %get3A_586, %and3A_591 : vector<16xi32>
      %or3A = arith.ori %shift_left3A_590, %and3A_592 : vector<16xi32>
      %swap3A = arith.index_cast %mul3A_584 : i32 to index
      %swap3A_593 = tpu.vector_load %arg7[%swap3A] {strides = array<i32>} : memref<512xi32, #tpu.memory_space<vmem>>, vector<16xi32>,
      %swap3A_594 = vector.shape_cast %swap3A_593 : vector<16xi32> to vector<16xi32>
      %swap3A_595 = vector.shape_cast %or3A : vector<16xi32> to vector<16xi32>
      tpu.vector_store %arg7[%swap3A], %swap3A_595 {strides = array<i32>} : memref<512xi32, #tpu.memory_space<vmem>>, vector<16xi32>,
      %add3A_596 = arith.constant 128 : i32
      %add3A_597 = vector.broadcast %add3A_596 : i32 to vector<16xi32>
      %add3A_598 = arith.addi %or3A, %add3A_597 : vector<16xi32>
      %swap3A_599 = arith.index_cast %mul3A_584 : i32 to index
      %swap3A_600 = tpu.vector_load %arg8[%swap3A_599] {strides = array<i32>} : memref<512xi32, #tpu.memory_space<vmem>>, vector<16xi32>,
      %swap3A_601 = vector.shape_cast %swap3A_600 : vector<16xi32> to vector<16xi32>
      %swap3A_602 = vector.shape_cast %add3A_598 : vector<16xi32> to vector<16xi32>
      tpu.vector_store %arg8[%swap3A_599], %swap3A_602 {strides = array<i32>} : memref<512xi32, #tpu.memory_space<vmem>>, vector<16xi32>,
    }
    %scan3A_7 = arith.constant 32 : i32
    %dma_start3A = arith.constant 0 : i32
    %dma_start3A_8 = arith.constant 0 : i32
    %dma_start3A_9 = tpu.memref_slice %arg9[%dma_start3A, %dma_start3A_8] : memref<8x64xi32, #tpu.memory_space<vmem>> -> memref<1x64xi32, #tpu.memory_space<vmem>>
    %dma_start3A_10 = tpu.memref_squeeze %dma_start3A_9 : memref<1x64xi32, #tpu.memory_space<vmem>> -> memref<64xi32, #tpu.memory_space<vmem>>
    %dma_start3A_11 = arith.constant 0 : i32
    %dma_start3A_12 = tpu.memref_slice %arg7[%dma_start3A_11] : memref<512xi32, #tpu.memory_space<vmem>> -> memref<64xi32, #tpu.memory_space<vmem>>
    %dma_start3A_13 = arith.constant 0 : i32
    %dma_start3A_14 = tpu.memref_slice %arg3[%dma_start3A_13] : memref<640000xi32, #tpu.memory_space<hbm>> -> memref<640000xi32, #tpu.memory_space<hbm>>
    tpu.enqueue_indirect_dma source(%dma_start3A_14 : memref<640000xi32, #tpu.memory_space<hbm>>) target(%dma_start3A_10 : memref<64xi32, #tpu.memory_space<vmem>>) offsets(%dma_start3A_12 : memref<64xi32, #tpu.memory_space<vmem>>) semaphore(%arg17 : memref<!tpu.dma_semaphore, #tpu.memory_space<semaphore_mem>>)
    %dma_start3A_15 = arith.constant 0 : i32
    %dma_start3A_16 = arith.constant 0 : i32
    %dma_start3A_17 = tpu.memref_slice %arg10[%dma_start3A_15, %dma_start3A_16] : memref<8x64xi32, #tpu.memory_space<vmem>> -> memref<1x64xi32, #tpu.memory_space<vmem>>
    %dma_start3A_18 = tpu.memref_squeeze %dma_start3A_17 : memref<1x64xi32, #tpu.memory_space<vmem>> -> memref<64xi32, #tpu.memory_space<vmem>>
    %dma_start3A_19 = arith.constant 0 : i32
    %dma_start3A_20 = tpu.memref_slice %arg8[%dma_start3A_19] : memref<512xi32, #tpu.memory_space<vmem>> -> memref<64xi32, #tpu.memory_space<vmem>>
    %dma_start3A_21 = arith.constant 0 : i32
    %dma_start3A_22 = tpu.memref_slice %arg3[%dma_start3A_21] : memref<640000xi32, #tpu.memory_space<hbm>> -> memref<640000xi32, #tpu.memory_space<hbm>>
    tpu.enqueue_indirect_dma source(%dma_start3A_22 : memref<640000xi32, #tpu.memory_space<hbm>>) target(%dma_start3A_18 : memref<64xi32, #tpu.memory_space<vmem>>) offsets(%dma_start3A_20 : memref<64xi32, #tpu.memory_space<vmem>>) semaphore(%arg17 : memref<!tpu.dma_semaphore, #tpu.memory_space<semaphore_mem>>)
    %dma_start3A_23 = arith.constant 1 : i32
    %dma_start3A_24 = arith.constant 0 : i32
    %dma_start3A_25 = tpu.memref_slice %arg9[%dma_start3A_23, %dma_start3A_24] : memref<8x64xi32, #tpu.memory_space<vmem>> -> memref<1x64xi32, #tpu.memory_space<vmem>>
    %dma_start3A_26 = tpu.memref_squeeze %dma_start3A_25 : memref<1x64xi32, #tpu.memory_space<vmem>> -> memref<64xi32, #tpu.memory_space<vmem>>
    %dma_start3A_27 = arith.constant 64 : i32
    %dma_start3A_28 = tpu.memref_slice %arg7[%dma_start3A_27] : memref<512xi32, #tpu.memory_space<vmem>> -> memref<64xi32, #tpu.memory_space<vmem>>
    %dma_start3A_29 = arith.constant 0 : i32
    %dma_start3A_30 = tpu.memref_slice %arg3[%dma_start3A_29] : memref<640000xi32, #tpu.memory_space<hbm>> -> memref<640000xi32, #tpu.memory_space<hbm>>
    tpu.enqueue_indirect_dma source(%dma_start3A_30 : memref<640000xi32, #tpu.memory_space<hbm>>) target(%dma_start3A_26 : memref<64xi32, #tpu.memory_space<vmem>>) offsets(%dma_start3A_28 : memref<64xi32, #tpu.memory_space<vmem>>) semaphore(%arg17 : memref<!tpu.dma_semaphore, #tpu.memory_space<semaphore_mem>>)
    %dma_start3A_31 = arith.constant 1 : i32
    %dma_start3A_32 = arith.constant 0 : i32
    %dma_start3A_33 = tpu.memref_slice %arg10[%dma_start3A_31, %dma_start3A_32] : memref<8x64xi32, #tpu.memory_space<vmem>> -> memref<1x64xi32, #tpu.memory_space<vmem>>
    %dma_start3A_34 = tpu.memref_squeeze %dma_start3A_33 : memref<1x64xi32, #tpu.memory_space<vmem>> -> memref<64xi32, #tpu.memory_space<vmem>>
    %dma_start3A_35 = arith.constant 64 : i32
    %dma_start3A_36 = tpu.memref_slice %arg8[%dma_start3A_35] : memref<512xi32, #tpu.memory_space<vmem>> -> memref<64xi32, #tpu.memory_space<vmem>>
    %dma_start3A_37 = arith.constant 0 : i32
    %dma_start3A_38 = tpu.memref_slice %arg3[%dma_start3A_37] : memref<640000xi32, #tpu.memory_space<hbm>> -> memref<640000xi32, #tpu.memory_space<hbm>>
    tpu.enqueue_indirect_dma source(%dma_start3A_38 : memref<640000xi32, #tpu.memory_space<hbm>>) target(%dma_start3A_34 : memref<64xi32, #tpu.memory_space<vmem>>) offsets(%dma_start3A_36 : memref<64xi32, #tpu.memory_space<vmem>>) semaphore(%arg17 : memref<!tpu.dma_semaphore, #tpu.memory_space<semaphore_mem>>)
    %dma_start3A_39 = arith.constant 2 : i32
    %dma_start3A_40 = arith.constant 0 : i32
    %dma_start3A_41 = tpu.memref_slice %arg9[%dma_start3A_39, %dma_start3A_40] : memref<8x64xi32, #tpu.memory_space<vmem>> -> memref<1x64xi32, #tpu.memory_space<vmem>>
    %dma_start3A_42 = tpu.memref_squeeze %dma_start3A_41 : memref<1x64xi32, #tpu.memory_space<vmem>> -> memref<64xi32, #tpu.memory_space<vmem>>
    %dma_start3A_43 = arith.constant 128 : i32
    %dma_start3A_44 = tpu.memref_slice %arg7[%dma_start3A_43] : memref<512xi32, #tpu.memory_space<vmem>> -> memref<64xi32, #tpu.memory_space<vmem>>
    %dma_start3A_45 = arith.constant 0 : i32
    %dma_start3A_46 = tpu.memref_slice %arg3[%dma_start3A_45] : memref<640000xi32, #tpu.memory_space<hbm>> -> memref<640000xi32, #tpu.memory_space<hbm>>
    tpu.enqueue_indirect_dma source(%dma_start3A_46 : memref<640000xi32, #tpu.memory_space<hbm>>) target(%dma_start3A_42 : memref<64xi32, #tpu.memory_space<vmem>>) offsets(%dma_start3A_44 : memref<64xi32, #tpu.memory_space<vmem>>) semaphore(%arg17 : memref<!tpu.dma_semaphore, #tpu.memory_space<semaphore_mem>>)
    %dma_start3A_47 = arith.constant 2 : i32
    %dma_start3A_48 = arith.constant 0 : i32
    %dma_start3A_49 = tpu.memref_slice %arg10[%dma_start3A_47, %dma_start3A_48] : memref<8x64xi32, #tpu.memory_space<vmem>> -> memref<1x64xi32, #tpu.memory_space<vmem>>
    %dma_start3A_50 = tpu.memref_squeeze %dma_start3A_49 : memref<1x64xi32, #tpu.memory_space<vmem>> -> memref<64xi32, #tpu.memory_space<vmem>>
    %dma_start3A_51 = arith.constant 128 : i32
    %dma_start3A_52 = tpu.memref_slice %arg8[%dma_start3A_51] : memref<512xi32, #tpu.memory_space<vmem>> -> memref<64xi32, #tpu.memory_space<vmem>>
    %dma_start3A_53 = arith.constant 0 : i32
    %dma_start3A_54 = tpu.memref_slice %arg3[%dma_start3A_53] : memref<640000xi32, #tpu.memory_space<hbm>> -> memref<640000xi32, #tpu.memory_space<hbm>>
    tpu.enqueue_indirect_dma source(%dma_start3A_54 : memref<640000xi32, #tpu.memory_space<hbm>>) target(%dma_start3A_50 : memref<64xi32, #tpu.memory_space<vmem>>) offsets(%dma_start3A_52 : memref<64xi32, #tpu.memory_space<vmem>>) semaphore(%arg17 : memref<!tpu.dma_semaphore, #tpu.memory_space<semaphore_mem>>)
    %dma_start3A_55 = arith.constant 3 : i32
    %dma_start3A_56 = arith.constant 0 : i32
    %dma_start3A_57 = tpu.memref_slice %arg9[%dma_start3A_55, %dma_start3A_56] : memref<8x64xi32, #tpu.memory_space<vmem>> -> memref<1x64xi32, #tpu.memory_space<vmem>>
    %dma_start3A_58 = tpu.memref_squeeze %dma_start3A_57 : memref<1x64xi32, #tpu.memory_space<vmem>> -> memref<64xi32, #tpu.memory_space<vmem>>
    %dma_start3A_59 = arith.constant 192 : i32
    %dma_start3A_60 = tpu.memref_slice %arg7[%dma_start3A_59] : memref<512xi32, #tpu.memory_space<vmem>> -> memref<64xi32, #tpu.memory_space<vmem>>
    %dma_start3A_61 = arith.constant 0 : i32
    %dma_start3A_62 = tpu.memref_slice %arg3[%dma_start3A_61] : memref<640000xi32, #tpu.memory_space<hbm>> -> memref<640000xi32, #tpu.memory_space<hbm>>
    tpu.enqueue_indirect_dma source(%dma_start3A_62 : memref<640000xi32, #tpu.memory_space<hbm>>) target(%dma_start3A_58 : memref<64xi32, #tpu.memory_space<vmem>>) offsets(%dma_start3A_60 : memref<64xi32, #tpu.memory_space<vmem>>) semaphore(%arg17 : memref<!tpu.dma_semaphore, #tpu.memory_space<semaphore_mem>>)
    %dma_start3A_63 = arith.constant 3 : i32
    %dma_start3A_64 = arith.constant 0 : i32
    %dma_start3A_65 = tpu.memref_slice %arg10[%dma_start3A_63, %dma_start3A_64] : memref<8x64xi32, #tpu.memory_space<vmem>> -> memref<1x64xi32, #tpu.memory_space<vmem>>
    %dma_start3A_66 = tpu.memref_squeeze %dma_start3A_65 : memref<1x64xi32, #tpu.memory_space<vmem>> -> memref<64xi32, #tpu.memory_space<vmem>>
    %dma_start3A_67 = arith.constant 192 : i32
    %dma_start3A_68 = tpu.memref_slice %arg8[%dma_start3A_67] : memref<512xi32, #tpu.memory_space<vmem>> -> memref<64xi32, #tpu.memory_space<vmem>>
    %dma_start3A_69 = arith.constant 0 : i32
    %dma_start3A_70 = tpu.memref_slice %arg3[%dma_start3A_69] : memref<640000xi32, #tpu.memory_space<hbm>> -> memref<640000xi32, #tpu.memory_space<hbm>>
    tpu.enqueue_indirect_dma source(%dma_start3A_70 : memref<640000xi32, #tpu.memory_space<hbm>>) target(%dma_start3A_66 : memref<64xi32, #tpu.memory_space<vmem>>) offsets(%dma_start3A_68 : memref<64xi32, #tpu.memory_space<vmem>>) semaphore(%arg17 : memref<!tpu.dma_semaphore, #tpu.memory_space<semaphore_mem>>)
    %dma_start3A_71 = arith.constant 4 : i32
    %dma_start3A_72 = arith.constant 0 : i32
    %dma_start3A_73 = tpu.memref_slice %arg9[%dma_start3A_71, %dma_start3A_72] : memref<8x64xi32, #tpu.memory_space<vmem>> -> memref<1x64xi32, #tpu.memory_space<vmem>>
    %dma_start3A_74 = tpu.memref_squeeze %dma_start3A_73 : memref<1x64xi32, #tpu.memory_space<vmem>> -> memref<64xi32, #tpu.memory_space<vmem>>
    %dma_start3A_75 = arith.constant 256 : i32
    %dma_start3A_76 = tpu.memref_slice %arg7[%dma_start3A_75] : memref<512xi32, #tpu.memory_space<vmem>> -> memref<64xi32, #tpu.memory_space<vmem>>
    %dma_start3A_77 = arith.constant 0 : i32
    %dma_start3A_78 = tpu.memref_slice %arg3[%dma_start3A_77] : memref<640000xi32, #tpu.memory_space<hbm>> -> memref<640000xi32, #tpu.memory_space<hbm>>
    tpu.enqueue_indirect_dma source(%dma_start3A_78 : memref<640000xi32, #tpu.memory_space<hbm>>) target(%dma_start3A_74 : memref<64xi32, #tpu.memory_space<vmem>>) offsets(%dma_start3A_76 : memref<64xi32, #tpu.memory_space<vmem>>) semaphore(%arg17 : memref<!tpu.dma_semaphore, #tpu.memory_space<semaphore_mem>>)
    %dma_start3A_79 = arith.constant 4 : i32
    %dma_start3A_80 = arith.constant 0 : i32
    %dma_start3A_81 = tpu.memref_slice %arg10[%dma_start3A_79, %dma_start3A_80] : memref<8x64xi32, #tpu.memory_space<vmem>> -> memref<1x64xi32, #tpu.memory_space<vmem>>
    %dma_start3A_82 = tpu.memref_squeeze %dma_start3A_81 : memref<1x64xi32, #tpu.memory_space<vmem>> -> memref<64xi32, #tpu.memory_space<vmem>>
    %dma_start3A_83 = arith.constant 256 : i32
    %dma_start3A_84 = tpu.memref_slice %arg8[%dma_start3A_83] : memref<512xi32, #tpu.memory_space<vmem>> -> memref<64xi32, #tpu.memory_space<vmem>>
    %dma_start3A_85 = arith.constant 0 : i32
    %dma_start3A_86 = tpu.memref_slice %arg3[%dma_start3A_85] : memref<640000xi32, #tpu.memory_space<hbm>> -> memref<640000xi32, #tpu.memory_space<hbm>>
    tpu.enqueue_indirect_dma source(%dma_start3A_86 : memref<640000xi32, #tpu.memory_space<hbm>>) target(%dma_start3A_82 : memref<64xi32, #tpu.memory_space<vmem>>) offsets(%dma_start3A_84 : memref<64xi32, #tpu.memory_space<vmem>>) semaphore(%arg17 : memref<!tpu.dma_semaphore, #tpu.memory_space<semaphore_mem>>)
    %dma_start3A_87 = arith.constant 5 : i32
    %dma_start3A_88 = arith.constant 0 : i32
    %dma_start3A_89 = tpu.memref_slice %arg9[%dma_start3A_87, %dma_start3A_88] : memref<8x64xi32, #tpu.memory_space<vmem>> -> memref<1x64xi32, #tpu.memory_space<vmem>>
    %dma_start3A_90 = tpu.memref_squeeze %dma_start3A_89 : memref<1x64xi32, #tpu.memory_space<vmem>> -> memref<64xi32, #tpu.memory_space<vmem>>
    %dma_start3A_91 = arith.constant 320 : i32
    %dma_start3A_92 = tpu.memref_slice %arg7[%dma_start3A_91] : memref<512xi32, #tpu.memory_space<vmem>> -> memref<64xi32, #tpu.memory_space<vmem>>
    %dma_start3A_93 = arith.constant 0 : i32
    %dma_start3A_94 = tpu.memref_slice %arg3[%dma_start3A_93] : memref<640000xi32, #tpu.memory_space<hbm>> -> memref<640000xi32, #tpu.memory_space<hbm>>
    tpu.enqueue_indirect_dma source(%dma_start3A_94 : memref<640000xi32, #tpu.memory_space<hbm>>) target(%dma_start3A_90 : memref<64xi32, #tpu.memory_space<vmem>>) offsets(%dma_start3A_92 : memref<64xi32, #tpu.memory_space<vmem>>) semaphore(%arg17 : memref<!tpu.dma_semaphore, #tpu.memory_space<semaphore_mem>>)
    %dma_start3A_95 = arith.constant 5 : i32
    %dma_start3A_96 = arith.constant 0 : i32
    %dma_start3A_97 = tpu.memref_slice %arg10[%dma_start3A_95, %dma_start3A_96] : memref<8x64xi32, #tpu.memory_space<vmem>> -> memref<1x64xi32, #tpu.memory_space<vmem>>
    %dma_start3A_98 = tpu.memref_squeeze %dma_start3A_97 : memref<1x64xi32, #tpu.memory_space<vmem>> -> memref<64xi32, #tpu.memory_space<vmem>>
    %dma_start3A_99 = arith.constant 320 : i32
    %dma_start3A_100 = tpu.memref_slice %arg8[%dma_start3A_99] : memref<512xi32, #tpu.memory_space<vmem>> -> memref<64xi32, #tpu.memory_space<vmem>>
    %dma_start3A_101 = arith.constant 0 : i32
    %dma_start3A_102 = tpu.memref_slice %arg3[%dma_start3A_101] : memref<640000xi32, #tpu.memory_space<hbm>> -> memref<640000xi32, #tpu.memory_space<hbm>>
    tpu.enqueue_indirect_dma source(%dma_start3A_102 : memref<640000xi32, #tpu.memory_space<hbm>>) target(%dma_start3A_98 : memref<64xi32, #tpu.memory_space<vmem>>) offsets(%dma_start3A_100 : memref<64xi32, #tpu.memory_space<vmem>>) semaphore(%arg17 : memref<!tpu.dma_semaphore, #tpu.memory_space<semaphore_mem>>)
    %dma_start3A_103 = arith.constant 6 : i32
    %dma_start3A_104 = arith.constant 0 : i32
    %dma_start3A_105 = tpu.memref_slice %arg9[%dma_start3A_103, %dma_start3A_104] : memref<8x64xi32, #tpu.memory_space<vmem>> -> memref<1x64xi32, #tpu.memory_space<vmem>>
    %dma_start3A_106 = tpu.memref_squeeze %dma_start3A_105 : memref<1x64xi32, #tpu.memory_space<vmem>> -> memref<64xi32, #tpu.memory_space<vmem>>
    %dma_start3A_107 = arith.constant 384 : i32
    %dma_start3A_108 = tpu.memref_slice %arg7[%dma_start3A_107] : memref<512xi32, #tpu.memory_space<vmem>> -> memref<64xi32, #tpu.memory_space<vmem>>
    %dma_start3A_109 = arith.constant 0 : i32
    %dma_start3A_110 = tpu.memref_slice %arg3[%dma_start3A_109] : memref<640000xi32, #tpu.memory_space<hbm>> -> memref<640000xi32, #tpu.memory_space<hbm>>
    tpu.enqueue_indirect_dma source(%dma_start3A_110 : memref<640000xi32, #tpu.memory_space<hbm>>) target(%dma_start3A_106 : memref<64xi32, #tpu.memory_space<vmem>>) offsets(%dma_start3A_108 : memref<64xi32, #tpu.memory_space<vmem>>) semaphore(%arg17 : memref<!tpu.dma_semaphore, #tpu.memory_space<semaphore_mem>>)
    %dma_start3A_111 = arith.constant 6 : i32
    %dma_start3A_112 = arith.constant 0 : i32
    %dma_start3A_113 = tpu.memref_slice %arg10[%dma_start3A_111, %dma_start3A_112] : memref<8x64xi32, #tpu.memory_space<vmem>> -> memref<1x64xi32, #tpu.memory_space<vmem>>
    %dma_start3A_114 = tpu.memref_squeeze %dma_start3A_113 : memref<1x64xi32, #tpu.memory_space<vmem>> -> memref<64xi32, #tpu.memory_space<vmem>>
    %dma_start3A_115 = arith.constant 384 : i32
    %dma_start3A_116 = tpu.memref_slice %arg8[%dma_start3A_115] : memref<512xi32, #tpu.memory_space<vmem>> -> memref<64xi32, #tpu.memory_space<vmem>>
    %dma_start3A_117 = arith.constant 0 : i32
    %dma_start3A_118 = tpu.memref_slice %arg3[%dma_start3A_117] : memref<640000xi32, #tpu.memory_space<hbm>> -> memref<640000xi32, #tpu.memory_space<hbm>>
    tpu.enqueue_indirect_dma source(%dma_start3A_118 : memref<640000xi32, #tpu.memory_space<hbm>>) target(%dma_start3A_114 : memref<64xi32, #tpu.memory_space<vmem>>) offsets(%dma_start3A_116 : memref<64xi32, #tpu.memory_space<vmem>>) semaphore(%arg17 : memref<!tpu.dma_semaphore, #tpu.memory_space<semaphore_mem>>)
    %dma_start3A_119 = arith.constant 7 : i32
    %dma_start3A_120 = arith.constant 0 : i32
    %dma_start3A_121 = tpu.memref_slice %arg9[%dma_start3A_119, %dma_start3A_120] : memref<8x64xi32, #tpu.memory_space<vmem>> -> memref<1x64xi32, #tpu.memory_space<vmem>>
    %dma_start3A_122 = tpu.memref_squeeze %dma_start3A_121 : memref<1x64xi32, #tpu.memory_space<vmem>> -> memref<64xi32, #tpu.memory_space<vmem>>
    %dma_start3A_123 = arith.constant 448 : i32
    %dma_start3A_124 = tpu.memref_slice %arg7[%dma_start3A_123] : memref<512xi32, #tpu.memory_space<vmem>> -> memref<64xi32, #tpu.memory_space<vmem>>
    %dma_start3A_125 = arith.constant 0 : i32
    %dma_start3A_126 = tpu.memref_slice %arg3[%dma_start3A_125] : memref<640000xi32, #tpu.memory_space<hbm>> -> memref<640000xi32, #tpu.memory_space<hbm>>
    tpu.enqueue_indirect_dma source(%dma_start3A_126 : memref<640000xi32, #tpu.memory_space<hbm>>) target(%dma_start3A_122 : memref<64xi32, #tpu.memory_space<vmem>>) offsets(%dma_start3A_124 : memref<64xi32, #tpu.memory_space<vmem>>) semaphore(%arg17 : memref<!tpu.dma_semaphore, #tpu.memory_space<semaphore_mem>>)
    %dma_start3A_127 = arith.constant 7 : i32
    %dma_start3A_128 = arith.constant 0 : i32
    %dma_start3A_129 = tpu.memref_slice %arg10[%dma_start3A_127, %dma_start3A_128] : memref<8x64xi32, #tpu.memory_space<vmem>> -> memref<1x64xi32, #tpu.memory_space<vmem>>
    %dma_start3A_130 = tpu.memref_squeeze %dma_start3A_129 : memref<1x64xi32, #tpu.memory_space<vmem>> -> memref<64xi32, #tpu.memory_space<vmem>>
    %dma_start3A_131 = arith.constant 448 : i32
    %dma_start3A_132 = tpu.memref_slice %arg8[%dma_start3A_131] : memref<512xi32, #tpu.memory_space<vmem>> -> memref<64xi32, #tpu.memory_space<vmem>>
    %dma_start3A_133 = arith.constant 0 : i32
    %dma_start3A_134 = tpu.memref_slice %arg3[%dma_start3A_133] : memref<640000xi32, #tpu.memory_space<hbm>> -> memref<640000xi32, #tpu.memory_space<hbm>>
    tpu.enqueue_indirect_dma source(%dma_start3A_134 : memref<640000xi32, #tpu.memory_space<hbm>>) target(%dma_start3A_130 : memref<64xi32, #tpu.memory_space<vmem>>) offsets(%dma_start3A_132 : memref<64xi32, #tpu.memory_space<vmem>>) semaphore(%arg17 : memref<!tpu.dma_semaphore, #tpu.memory_space<semaphore_mem>>)
    %dma_wait3A = arith.constant 0 : i32
    %dma_wait3A_135 = arith.constant 0 : i32
    %dma_wait3A_136 = tpu.memref_slice %arg9[%dma_wait3A, %dma_wait3A_135] : memref<8x64xi32, #tpu.memory_space<vmem>> -> memref<1x64xi32, #tpu.memory_space<vmem>>
    %dma_wait3A_137 = tpu.memref_squeeze %dma_wait3A_136 : memref<1x64xi32, #tpu.memory_space<vmem>> -> memref<64xi32, #tpu.memory_space<vmem>>
    %dma_wait3A_138 = arith.constant 0 : i32
    %dma_wait3A_139 = tpu.memref_slice %arg3[%dma_wait3A_138] : memref<640000xi32, #tpu.memory_space<hbm>> -> memref<64xi32, #tpu.memory_space<hbm>>
    %dma_wait3A_140 = arith.constant 0 : i32
    %dma_wait3A_141 = tpu.memref_slice %arg9[%dma_wait3A, %dma_wait3A_140] : memref<8x64xi32, #tpu.memory_space<vmem>> -> memref<1x64xi32, #tpu.memory_space<vmem>>
    %dma_wait3A_142 = tpu.memref_squeeze %dma_wait3A_141 : memref<1x64xi32, #tpu.memory_space<vmem>> -> memref<64xi32, #tpu.memory_space<vmem>>
    %dma_wait3A_143 = arith.constant 0 : i32
    %dma_wait3A_144 = tpu.memref_slice %arg3[%dma_wait3A_143] : memref<640000xi32, #tpu.memory_space<hbm>> -> memref<64xi32, #tpu.memory_space<hbm>>
    tpu.wait_dma2 semaphore(%arg17 : memref<!tpu.dma_semaphore, #tpu.memory_space<semaphore_mem>>) src(%dma_wait3A_144 : memref<64xi32, #tpu.memory_space<hbm>>) dst(%dma_wait3A_142 : memref<64xi32, #tpu.memory_space<vmem>>)
    %dma_wait3A_145 = arith.constant 0 : i32
    %dma_wait3A_146 = arith.constant 0 : i32
    %dma_wait3A_147 = tpu.memref_slice %arg9[%dma_wait3A_145, %dma_wait3A_146] : memref<8x64xi32, #tpu.memory_space<vmem>> -> memref<1x64xi32, #tpu.memory_space<vmem>>
    %dma_wait3A_148 = tpu.memref_squeeze %dma_wait3A_147 : memref<1x64xi32, #tpu.memory_space<vmem>> -> memref<64xi32, #tpu.memory_space<vmem>>
    %dma_wait3A_149 = arith.constant 0 : i32
    %dma_wait3A_150 = tpu.memref_slice %arg3[%dma_wait3A_149] : memref<640000xi32, #tpu.memory_space<hbm>> -> memref<64xi32, #tpu.memory_space<hbm>>
    %dma_wait3A_151 = arith.constant 0 : i32
    %dma_wait3A_152 = tpu.memref_slice %arg9[%dma_wait3A_145, %dma_wait3A_151] : memref<8x64xi32, #tpu.memory_space<vmem>> -> memref<1x64xi32, #tpu.memory_space<vmem>>
    %dma_wait3A_153 = tpu.memref_squeeze %dma_wait3A_152 : memref<1x64xi32, #tpu.memory_space<vmem>> -> memref<64xi32, #tpu.memory_space<vmem>>
    %dma_wait3A_154 = arith.constant 0 : i32
    %dma_wait3A_155 = tpu.memref_slice %arg3[%dma_wait3A_154] : memref<640000xi32, #tpu.memory_space<hbm>> -> memref<64xi32, #tpu.memory_space<hbm>>
    tpu.wait_dma2 semaphore(%arg17 : memref<!tpu.dma_semaphore, #tpu.memory_space<semaphore_mem>>) src(%dma_wait3A_155 : memref<64xi32, #tpu.memory_space<hbm>>) dst(%dma_wait3A_153 : memref<64xi32, #tpu.memory_space<vmem>>)
    %dma_wait3A_156 = arith.constant 0 : i32
    %dma_wait3A_157 = arith.constant 0 : i32
    %dma_wait3A_158 = tpu.memref_slice %arg9[%dma_wait3A_156, %dma_wait3A_157] : memref<8x64xi32, #tpu.memory_space<vmem>> -> memref<1x64xi32, #tpu.memory_space<vmem>>
    %dma_wait3A_159 = tpu.memref_squeeze %dma_wait3A_158 : memref<1x64xi32, #tpu.memory_space<vmem>> -> memref<64xi32, #tpu.memory_space<vmem>>
    %dma_wait3A_160 = arith.constant 0 : i32
    %dma_wait3A_161 = tpu.memref_slice %arg3[%dma_wait3A_160] : memref<640000xi32, #tpu.memory_space<hbm>> -> memref<64xi32, #tpu.memory_space<hbm>>
    %dma_wait3A_162 = arith.constant 0 : i32
    %dma_wait3A_163 = tpu.memref_slice %arg9[%dma_wait3A_156, %dma_wait3A_162] : memref<8x64xi32, #tpu.memory_space<vmem>> -> memref<1x64xi32, #tpu.memory_space<vmem>>
    %dma_wait3A_164 = tpu.memref_squeeze %dma_wait3A_163 : memref<1x64xi32, #tpu.memory_space<vmem>> -> memref<64xi32, #tpu.memory_space<vmem>>
    %dma_wait3A_165 = arith.constant 0 : i32
    %dma_wait3A_166 = tpu.memref_slice %arg3[%dma_wait3A_165] : memref<640000xi32, #tpu.memory_space<hbm>> -> memref<64xi32, #tpu.memory_space<hbm>>
    tpu.wait_dma2 semaphore(%arg17 : memref<!tpu.dma_semaphore, #tpu.memory_space<semaphore_mem>>) src(%dma_wait3A_166 : memref<64xi32, #tpu.memory_space<hbm>>) dst(%dma_wait3A_164 : memref<64xi32, #tpu.memory_space<vmem>>)
    %dma_wait3A_167 = arith.constant 0 : i32
    %dma_wait3A_168 = arith.constant 0 : i32
    %dma_wait3A_169 = tpu.memref_slice %arg9[%dma_wait3A_167, %dma_wait3A_168] : memref<8x64xi32, #tpu.memory_space<vmem>> -> memref<1x64xi32, #tpu.memory_space<vmem>>
    %dma_wait3A_170 = tpu.memref_squeeze %dma_wait3A_169 : memref<1x64xi32, #tpu.memory_space<vmem>> -> memref<64xi32, #tpu.memory_space<vmem>>
    %dma_wait3A_171 = arith.constant 0 : i32
    %dma_wait3A_172 = tpu.memref_slice %arg3[%dma_wait3A_171] : memref<640000xi32, #tpu.memory_space<hbm>> -> memref<64xi32, #tpu.memory_space<hbm>>
    %dma_wait3A_173 = arith.constant 0 : i32
    %dma_wait3A_174 = tpu.memref_slice %arg9[%dma_wait3A_167, %dma_wait3A_173] : memref<8x64xi32, #tpu.memory_space<vmem>> -> memref<1x64xi32, #tpu.memory_space<vmem>>
    %dma_wait3A_175 = tpu.memref_squeeze %dma_wait3A_174 : memref<1x64xi32, #tpu.memory_space<vmem>> -> memref<64xi32, #tpu.memory_space<vmem>>
    %dma_wait3A_176 = arith.constant 0 : i32
    %dma_wait3A_177 = tpu.memref_slice %arg3[%dma_wait3A_176] : memref<640000xi32, #tpu.memory_space<hbm>> -> memref<64xi32, #tpu.memory_space<hbm>>
    tpu.wait_dma2 semaphore(%arg17 : memref<!tpu.dma_semaphore, #tpu.memory_space<semaphore_mem>>) src(%dma_wait3A_177 : memref<64xi32, #tpu.memory_space<hbm>>) dst(%dma_wait3A_175 : memref<64xi32, #tpu.memory_space<vmem>>)
    %dma_wait3A_178 = arith.constant 0 : i32
    %dma_wait3A_179 = arith.constant 0 : i32
    %dma_wait3A_180 = tpu.memref_slice %arg9[%dma_wait3A_178, %dma_wait3A_179] : memref<8x64xi32, #tpu.memory_space<vmem>> -> memref<1x64xi32, #tpu.memory_space<vmem>>
    %dma_wait3A_181 = tpu.memref_squeeze %dma_wait3A_180 : memref<1x64xi32, #tpu.memory_space<vmem>> -> memref<64xi32, #tpu.memory_space<vmem>>
    %dma_wait3A_182 = arith.constant 0 : i32
    %dma_wait3A_183 = tpu.memref_slice %arg3[%dma_wait3A_182] : memref<640000xi32, #tpu.memory_space<hbm>> -> memref<64xi32, #tpu.memory_space<hbm>>
    %dma_wait3A_184 = arith.constant 0 : i32
    %dma_wait3A_185 = tpu.memref_slice %arg9[%dma_wait3A_178, %dma_wait3A_184] : memref<8x64xi32, #tpu.memory_space<vmem>> -> memref<1x64xi32, #tpu.memory_space<vmem>>
    %dma_wait3A_186 = tpu.memref_squeeze %dma_wait3A_185 : memref<1x64xi32, #tpu.memory_space<vmem>> -> memref<64xi32, #tpu.memory_space<vmem>>
    %dma_wait3A_187 = arith.constant 0 : i32
    %dma_wait3A_188 = tpu.memref_slice %arg3[%dma_wait3A_187] : memref<640000xi32, #tpu.memory_space<hbm>> -> memref<64xi32, #tpu.memory_space<hbm>>
    tpu.wait_dma2 semaphore(%arg17 : memref<!tpu.dma_semaphore, #tpu.memory_space<semaphore_mem>>) src(%dma_wait3A_188 : memref<64xi32, #tpu.memory_space<hbm>>) dst(%dma_wait3A_186 : memref<64xi32, #tpu.memory_space<vmem>>)
    %dma_wait3A_189 = arith.constant 0 : i32
    %dma_wait3A_190 = arith.constant 0 : i32
    %dma_wait3A_191 = tpu.memref_slice %arg9[%dma_wait3A_189, %dma_wait3A_190] : memref<8x64xi32, #tpu.memory_space<vmem>> -> memref<1x64xi32, #tpu.memory_space<vmem>>
    %dma_wait3A_192 = tpu.memref_squeeze %dma_wait3A_191 : memref<1x64xi32, #tpu.memory_space<vmem>> -> memref<64xi32, #tpu.memory_space<vmem>>
    %dma_wait3A_193 = arith.constant 0 : i32
    %dma_wait3A_194 = tpu.memref_slice %arg3[%dma_wait3A_193] : memref<640000xi32, #tpu.memory_space<hbm>> -> memref<64xi32, #tpu.memory_space<hbm>>
    %dma_wait3A_195 = arith.constant 0 : i32
    %dma_wait3A_196 = tpu.memref_slice %arg9[%dma_wait3A_189, %dma_wait3A_195] : memref<8x64xi32, #tpu.memory_space<vmem>> -> memref<1x64xi32, #tpu.memory_space<vmem>>
    %dma_wait3A_197 = tpu.memref_squeeze %dma_wait3A_196 : memref<1x64xi32, #tpu.memory_space<vmem>> -> memref<64xi32, #tpu.memory_space<vmem>>
    %dma_wait3A_198 = arith.constant 0 : i32
    %dma_wait3A_199 = tpu.memref_slice %arg3[%dma_wait3A_198] : memref<640000xi32, #tpu.memory_space<hbm>> -> memref<64xi32, #tpu.memory_space<hbm>>
    tpu.wait_dma2 semaphore(%arg17 : memref<!tpu.dma_semaphore, #tpu.memory_space<semaphore_mem>>) src(%dma_wait3A_199 : memref<64xi32, #tpu.memory_space<hbm>>) dst(%dma_wait3A_197 : memref<64xi32, #tpu.memory_space<vmem>>)
    %dma_wait3A_200 = arith.constant 0 : i32
    %dma_wait3A_201 = arith.constant 0 : i32
    %dma_wait3A_202 = tpu.memref_slice %arg9[%dma_wait3A_200, %dma_wait3A_201] : memref<8x64xi32, #tpu.memory_space<vmem>> -> memref<1x64xi32, #tpu.memory_space<vmem>>
    %dma_wait3A_203 = tpu.memref_squeeze %dma_wait3A_202 : memref<1x64xi32, #tpu.memory_space<vmem>> -> memref<64xi32, #tpu.memory_space<vmem>>
    %dma_wait3A_204 = arith.constant 0 : i32
    %dma_wait3A_205 = tpu.memref_slice %arg3[%dma_wait3A_204] : memref<640000xi32, #tpu.memory_space<hbm>> -> memref<64xi32, #tpu.memory_space<hbm>>
    %dma_wait3A_206 = arith.constant 0 : i32
    %dma_wait3A_207 = tpu.memref_slice %arg9[%dma_wait3A_200, %dma_wait3A_206] : memref<8x64xi32, #tpu.memory_space<vmem>> -> memref<1x64xi32, #tpu.memory_space<vmem>>
    %dma_wait3A_208 = tpu.memref_squeeze %dma_wait3A_207 : memref<1x64xi32, #tpu.memory_space<vmem>> -> memref<64xi32, #tpu.memory_space<vmem>>
    %dma_wait3A_209 = arith.constant 0 : i32
    %dma_wait3A_210 = tpu.memref_slice %arg3[%dma_wait3A_209] : memref<640000xi32, #tpu.memory_space<hbm>> -> memref<64xi32, #tpu.memory_space<hbm>>
    tpu.wait_dma2 semaphore(%arg17 : memref<!tpu.dma_semaphore, #tpu.memory_space<semaphore_mem>>) src(%dma_wait3A_210 : memref<64xi32, #tpu.memory_space<hbm>>) dst(%dma_wait3A_208 : memref<64xi32, #tpu.memory_space<vmem>>)
    %dma_wait3A_211 = arith.constant 0 : i32
    %dma_wait3A_212 = arith.constant 0 : i32
    %dma_wait3A_213 = tpu.memref_slice %arg9[%dma_wait3A_211, %dma_wait3A_212] : memref<8x64xi32, #tpu.memory_space<vmem>> -> memref<1x64xi32, #tpu.memory_space<vmem>>
    %dma_wait3A_214 = tpu.memref_squeeze %dma_wait3A_213 : memref<1x64xi32, #tpu.memory_space<vmem>> -> memref<64xi32, #tpu.memory_space<vmem>>
    %dma_wait3A_215 = arith.constant 0 : i32
    %dma_wait3A_216 = tpu.memref_slice %arg3[%dma_wait3A_215] : memref<640000xi32, #tpu.memory_space<hbm>> -> memref<64xi32, #tpu.memory_space<hbm>>
    %dma_wait3A_217 = arith.constant 0 : i32
    %dma_wait3A_218 = tpu.memref_slice %arg9[%dma_wait3A_211, %dma_wait3A_217] : memref<8x64xi32, #tpu.memory_space<vmem>> -> memref<1x64xi32, #tpu.memory_space<vmem>>
    %dma_wait3A_219 = tpu.memref_squeeze %dma_wait3A_218 : memref<1x64xi32, #tpu.memory_space<vmem>> -> memref<64xi32, #tpu.memory_space<vmem>>
    %dma_wait3A_220 = arith.constant 0 : i32
    %dma_wait3A_221 = tpu.memref_slice %arg3[%dma_wait3A_220] : memref<640000xi32, #tpu.memory_space<hbm>> -> memref<64xi32, #tpu.memory_space<hbm>>
    tpu.wait_dma2 semaphore(%arg17 : memref<!tpu.dma_semaphore, #tpu.memory_space<semaphore_mem>>) src(%dma_wait3A_221 : memref<64xi32, #tpu.memory_space<hbm>>) dst(%dma_wait3A_219 : memref<64xi32, #tpu.memory_space<vmem>>)
    %dma_wait3A_222 = arith.constant 0 : i32
    %dma_wait3A_223 = arith.constant 0 : i32
    %dma_wait3A_224 = tpu.memref_slice %arg9[%dma_wait3A_222, %dma_wait3A_223] : memref<8x64xi32, #tpu.memory_space<vmem>> -> memref<1x64xi32, #tpu.memory_space<vmem>>
    %dma_wait3A_225 = tpu.memref_squeeze %dma_wait3A_224 : memref<1x64xi32, #tpu.memory_space<vmem>> -> memref<64xi32, #tpu.memory_space<vmem>>
    %dma_wait3A_226 = arith.constant 0 : i32
    %dma_wait3A_227 = tpu.memref_slice %arg3[%dma_wait3A_226] : memref<640000xi32, #tpu.memory_space<hbm>> -> memref<64xi32, #tpu.memory_space<hbm>>
    %dma_wait3A_228 = arith.constant 0 : i32
    %dma_wait3A_229 = tpu.memref_slice %arg9[%dma_wait3A_222, %dma_wait3A_228] : memref<8x64xi32, #tpu.memory_space<vmem>> -> memref<1x64xi32, #tpu.memory_space<vmem>>
    %dma_wait3A_230 = tpu.memref_squeeze %dma_wait3A_229 : memref<1x64xi32, #tpu.memory_space<vmem>> -> memref<64xi32, #tpu.memory_space<vmem>>
    %dma_wait3A_231 = arith.constant 0 : i32
    %dma_wait3A_232 = tpu.memref_slice %arg3[%dma_wait3A_231] : memref<640000xi32, #tpu.memory_space<hbm>> -> memref<64xi32, #tpu.memory_space<hbm>>
    tpu.wait_dma2 semaphore(%arg17 : memref<!tpu.dma_semaphore, #tpu.memory_space<semaphore_mem>>) src(%dma_wait3A_232 : memref<64xi32, #tpu.memory_space<hbm>>) dst(%dma_wait3A_230 : memref<64xi32, #tpu.memory_space<vmem>>)
    %dma_wait3A_233 = arith.constant 0 : i32
    %dma_wait3A_234 = arith.constant 0 : i32
    %dma_wait3A_235 = tpu.memref_slice %arg9[%dma_wait3A_233, %dma_wait3A_234] : memref<8x64xi32, #tpu.memory_space<vmem>> -> memref<1x64xi32, #tpu.memory_space<vmem>>
    %dma_wait3A_236 = tpu.memref_squeeze %dma_wait3A_235 : memref<1x64xi32, #tpu.memory_space<vmem>> -> memref<64xi32, #tpu.memory_space<vmem>>
    %dma_wait3A_237 = arith.constant 0 : i32
    %dma_wait3A_238 = tpu.memref_slice %arg3[%dma_wait3A_237] : memref<640000xi32, #tpu.memory_space<hbm>> -> memref<64xi32, #tpu.memory_space<hbm>>
    %dma_wait3A_239 = arith.constant 0 : i32
    %dma_wait3A_240 = tpu.memref_slice %arg9[%dma_wait3A_233, %dma_wait3A_239] : memref<8x64xi32, #tpu.memory_space<vmem>> -> memref<1x64xi32, #tpu.memory_space<vmem>>
    %dma_wait3A_241 = tpu.memref_squeeze %dma_wait3A_240 : memref<1x64xi32, #tpu.memory_space<vmem>> -> memref<64xi32, #tpu.memory_space<vmem>>
    %dma_wait3A_242 = arith.constant 0 : i32
    %dma_wait3A_243 = tpu.memref_slice %arg3[%dma_wait3A_242] : memref<640000xi32, #tpu.memory_space<hbm>> -> memref<64xi32, #tpu.memory_space<hbm>>
    tpu.wait_dma2 semaphore(%arg17 : memref<!tpu.dma_semaphore, #tpu.memory_space<semaphore_mem>>) src(%dma_wait3A_243 : memref<64xi32, #tpu.memory_space<hbm>>) dst(%dma_wait3A_241 : memref<64xi32, #tpu.memory_space<vmem>>)
    %dma_wait3A_244 = arith.constant 0 : i32
    %dma_wait3A_245 = arith.constant 0 : i32
    %dma_wait3A_246 = tpu.memref_slice %arg9[%dma_wait3A_244, %dma_wait3A_245] : memref<8x64xi32, #tpu.memory_space<vmem>> -> memref<1x64xi32, #tpu.memory_space<vmem>>
    %dma_wait3A_247 = tpu.memref_squeeze %dma_wait3A_246 : memref<1x64xi32, #tpu.memory_space<vmem>> -> memref<64xi32, #tpu.memory_space<vmem>>
    %dma_wait3A_248 = arith.constant 0 : i32
    %dma_wait3A_249 = tpu.memref_slice %arg3[%dma_wait3A_248] : memref<640000xi32, #tpu.memory_space<hbm>> -> memref<64xi32, #tpu.memory_space<hbm>>
    %dma_wait3A_250 = arith.constant 0 : i32
    %dma_wait3A_251 = tpu.memref_slice %arg9[%dma_wait3A_244, %dma_wait3A_250] : memref<8x64xi32, #tpu.memory_space<vmem>> -> memref<1x64xi32, #tpu.memory_space<vmem>>
    %dma_wait3A_252 = tpu.memref_squeeze %dma_wait3A_251 : memref<1x64xi32, #tpu.memory_space<vmem>> -> memref<64xi32, #tpu.memory_space<vmem>>
    %dma_wait3A_253 = arith.constant 0 : i32
    %dma_wait3A_254 = tpu.memref_slice %arg3[%dma_wait3A_253] : memref<640000xi32, #tpu.memory_space<hbm>> -> memref<64xi32, #tpu.memory_space<hbm>>
    tpu.wait_dma2 semaphore(%arg17 : memref<!tpu.dma_semaphore, #tpu.memory_space<semaphore_mem>>) src(%dma_wait3A_254 : memref<64xi32, #tpu.memory_space<hbm>>) dst(%dma_wait3A_252 : memref<64xi32, #tpu.memory_space<vmem>>)
    %dma_wait3A_255 = arith.constant 0 : i32
    %dma_wait3A_256 = arith.constant 0 : i32
    %dma_wait3A_257 = tpu.memref_slice %arg9[%dma_wait3A_255, %dma_wait3A_256] : memref<8x64xi32, #tpu.memory_space<vmem>> -> memref<1x64xi32, #tpu.memory_space<vmem>>
    %dma_wait3A_258 = tpu.memref_squeeze %dma_wait3A_257 : memref<1x64xi32, #tpu.memory_space<vmem>> -> memref<64xi32, #tpu.memory_space<vmem>>
    %dma_wait3A_259 = arith.constant 0 : i32
    %dma_wait3A_260 = tpu.memref_slice %arg3[%dma_wait3A_259] : memref<640000xi32, #tpu.memory_space<hbm>> -> memref<64xi32, #tpu.memory_space<hbm>>
    %dma_wait3A_261 = arith.constant 0 : i32
    %dma_wait3A_262 = tpu.memref_slice %arg9[%dma_wait3A_255, %dma_wait3A_261] : memref<8x64xi32, #tpu.memory_space<vmem>> -> memref<1x64xi32, #tpu.memory_space<vmem>>
    %dma_wait3A_263 = tpu.memref_squeeze %dma_wait3A_262 : memref<1x64xi32, #tpu.memory_space<vmem>> -> memref<64xi32, #tpu.memory_space<vmem>>
    %dma_wait3A_264 = arith.constant 0 : i32
    %dma_wait3A_265 = tpu.memref_slice %arg3[%dma_wait3A_264] : memref<640000xi32, #tpu.memory_space<hbm>> -> memref<64xi32, #tpu.memory_space<hbm>>
    tpu.wait_dma2 semaphore(%arg17 : memref<!tpu.dma_semaphore, #tpu.memory_space<semaphore_mem>>) src(%dma_wait3A_265 : memref<64xi32, #tpu.memory_space<hbm>>) dst(%dma_wait3A_263 : memref<64xi32, #tpu.memory_space<vmem>>)
    %dma_wait3A_266 = arith.constant 0 : i32
    %dma_wait3A_267 = arith.constant 0 : i32
    %dma_wait3A_268 = tpu.memref_slice %arg9[%dma_wait3A_266, %dma_wait3A_267] : memref<8x64xi32, #tpu.memory_space<vmem>> -> memref<1x64xi32, #tpu.memory_space<vmem>>
    %dma_wait3A_269 = tpu.memref_squeeze %dma_wait3A_268 : memref<1x64xi32, #tpu.memory_space<vmem>> -> memref<64xi32, #tpu.memory_space<vmem>>
    %dma_wait3A_270 = arith.constant 0 : i32
    %dma_wait3A_271 = tpu.memref_slice %arg3[%dma_wait3A_270] : memref<640000xi32, #tpu.memory_space<hbm>> -> memref<64xi32, #tpu.memory_space<hbm>>
    %dma_wait3A_272 = arith.constant 0 : i32
    %dma_wait3A_273 = tpu.memref_slice %arg9[%dma_wait3A_266, %dma_wait3A_272] : memref<8x64xi32, #tpu.memory_space<vmem>> -> memref<1x64xi32, #tpu.memory_space<vmem>>
    %dma_wait3A_274 = tpu.memref_squeeze %dma_wait3A_273 : memref<1x64xi32, #tpu.memory_space<vmem>> -> memref<64xi32, #tpu.memory_space<vmem>>
    %dma_wait3A_275 = arith.constant 0 : i32
    %dma_wait3A_276 = tpu.memref_slice %arg3[%dma_wait3A_275] : memref<640000xi32, #tpu.memory_space<hbm>> -> memref<64xi32, #tpu.memory_space<hbm>>
    tpu.wait_dma2 semaphore(%arg17 : memref<!tpu.dma_semaphore, #tpu.memory_space<semaphore_mem>>) src(%dma_wait3A_276 : memref<64xi32, #tpu.memory_space<hbm>>) dst(%dma_wait3A_274 : memref<64xi32, #tpu.memory_space<vmem>>)
    %dma_wait3A_277 = arith.constant 0 : i32
    %dma_wait3A_278 = arith.constant 0 : i32
    %dma_wait3A_279 = tpu.memref_slice %arg9[%dma_wait3A_277, %dma_wait3A_278] : memref<8x64xi32, #tpu.memory_space<vmem>> -> memref<1x64xi32, #tpu.memory_space<vmem>>
    %dma_wait3A_280 = tpu.memref_squeeze %dma_wait3A_279 : memref<1x64xi32, #tpu.memory_space<vmem>> -> memref<64xi32, #tpu.memory_space<vmem>>
    %dma_wait3A_281 = arith.constant 0 : i32
    %dma_wait3A_282 = tpu.memref_slice %arg3[%dma_wait3A_281] : memref<640000xi32, #tpu.memory_space<hbm>> -> memref<64xi32, #tpu.memory_space<hbm>>
    %dma_wait3A_283 = arith.constant 0 : i32
    %dma_wait3A_284 = tpu.memref_slice %arg9[%dma_wait3A_277, %dma_wait3A_283] : memref<8x64xi32, #tpu.memory_space<vmem>> -> memref<1x64xi32, #tpu.memory_space<vmem>>
    %dma_wait3A_285 = tpu.memref_squeeze %dma_wait3A_284 : memref<1x64xi32, #tpu.memory_space<vmem>> -> memref<64xi32, #tpu.memory_space<vmem>>
    %dma_wait3A_286 = arith.constant 0 : i32
    %dma_wait3A_287 = tpu.memref_slice %arg3[%dma_wait3A_286] : memref<640000xi32, #tpu.memory_space<hbm>> -> memref<64xi32, #tpu.memory_space<hbm>>
    tpu.wait_dma2 semaphore(%arg17 : memref<!tpu.dma_semaphore, #tpu.memory_space<semaphore_mem>>) src(%dma_wait3A_287 : memref<64xi32, #tpu.memory_space<hbm>>) dst(%dma_wait3A_285 : memref<64xi32, #tpu.memory_space<vmem>>)
    %dma_wait3A_288 = arith.constant 0 : i32
    %dma_wait3A_289 = arith.constant 0 : i32
    %dma_wait3A_290 = tpu.memref_slice %arg9[%dma_wait3A_288, %dma_wait3A_289] : memref<8x64xi32, #tpu.memory_space<vmem>> -> memref<1x64xi32, #tpu.memory_space<vmem>>
    %dma_wait3A_291 = tpu.memref_squeeze %dma_wait3A_290 : memref<1x64xi32, #tpu.memory_space<vmem>> -> memref<64xi32, #tpu.memory_space<vmem>>
    %dma_wait3A_292 = arith.constant 0 : i32
    %dma_wait3A_293 = tpu.memref_slice %arg3[%dma_wait3A_292] : memref<640000xi32, #tpu.memory_space<hbm>> -> memref<64xi32, #tpu.memory_space<hbm>>
    %dma_wait3A_294 = arith.constant 0 : i32
    %dma_wait3A_295 = tpu.memref_slice %arg9[%dma_wait3A_288, %dma_wait3A_294] : memref<8x64xi32, #tpu.memory_space<vmem>> -> memref<1x64xi32, #tpu.memory_space<vmem>>
    %dma_wait3A_296 = tpu.memref_squeeze %dma_wait3A_295 : memref<1x64xi32, #tpu.memory_space<vmem>> -> memref<64xi32, #tpu.memory_space<vmem>>
    %dma_wait3A_297 = arith.constant 0 : i32
    %dma_wait3A_298 = tpu.memref_slice %arg3[%dma_wait3A_297] : memref<640000xi32, #tpu.memory_space<hbm>> -> memref<64xi32, #tpu.memory_space<hbm>>
    tpu.wait_dma2 semaphore(%arg17 : memref<!tpu.dma_semaphore, #tpu.memory_space<semaphore_mem>>) src(%dma_wait3A_298 : memref<64xi32, #tpu.memory_space<hbm>>) dst(%dma_wait3A_296 : memref<64xi32, #tpu.memory_space<vmem>>)
    %dma_wait3A_299 = arith.constant 0 : i32
    %dma_wait3A_300 = arith.constant 0 : i32
    %dma_wait3A_301 = tpu.memref_slice %arg9[%dma_wait3A_299, %dma_wait3A_300] : memref<8x64xi32, #tpu.memory_space<vmem>> -> memref<1x64xi32, #tpu.memory_space<vmem>>
    %dma_wait3A_302 = tpu.memref_squeeze %dma_wait3A_301 : memref<1x64xi32, #tpu.memory_space<vmem>> -> memref<64xi32, #tpu.memory_space<vmem>>
    %dma_wait3A_303 = arith.constant 0 : i32
    %dma_wait3A_304 = tpu.memref_slice %arg3[%dma_wait3A_303] : memref<640000xi32, #tpu.memory_space<hbm>> -> memref<64xi32, #tpu.memory_space<hbm>>
    %dma_wait3A_305 = arith.constant 0 : i32
    %dma_wait3A_306 = tpu.memref_slice %arg9[%dma_wait3A_299, %dma_wait3A_305] : memref<8x64xi32, #tpu.memory_space<vmem>> -> memref<1x64xi32, #tpu.memory_space<vmem>>
    %dma_wait3A_307 = tpu.memref_squeeze %dma_wait3A_306 : memref<1x64xi32, #tpu.memory_space<vmem>> -> memref<64xi32, #tpu.memory_space<vmem>>
    %dma_wait3A_308 = arith.constant 0 : i32
    %dma_wait3A_309 = tpu.memref_slice %arg3[%dma_wait3A_308] : memref<640000xi32, #tpu.memory_space<hbm>> -> memref<64xi32, #tpu.memory_space<hbm>>
    tpu.wait_dma2 semaphore(%arg17 : memref<!tpu.dma_semaphore, #tpu.memory_space<semaphore_mem>>) src(%dma_wait3A_309 : memref<64xi32, #tpu.memory_space<hbm>>) dst(%dma_wait3A_307 : memref<64xi32, #tpu.memory_space<vmem>>)
    %dma_start3A_310 = arith.constant 0 : i32
    %dma_start3A_311 = arith.constant 0 : i32
    %dma_start3A_312 = tpu.memref_slice %arg9[%dma_start3A_310, %dma_start3A_311] : memref<8x64xi32, #tpu.memory_space<vmem>> -> memref<1x64xi32, #tpu.memory_space<vmem>>
    %dma_start3A_313 = tpu.memref_squeeze %dma_start3A_312 : memref<1x64xi32, #tpu.memory_space<vmem>> -> memref<64xi32, #tpu.memory_space<vmem>>
    %dma_start3A_314 = arith.constant 0 : i32
    %dma_start3A_315 = arith.constant 0 : i32
    %dma_start3A_316 = tpu.memref_slice %arg2[%dma_start3A_314, %dma_start3A_315] : memref<10000x256xf32, #tpu.memory_space<hbm>> -> memref<10000x256xf32, #tpu.memory_space<hbm>>
    tpu.enqueue_indirect_dma source(%dma_start3A_316 : memref<10000x256xf32, #tpu.memory_space<hbm>>) target(%arg11 : memref<64x256xf32, #tpu.memory_space<vmem>>) offsets(%dma_start3A_313 : memref<64xi32, #tpu.memory_space<vmem>>) semaphore(%arg15 : memref<!tpu.dma_semaphore, #tpu.memory_space<semaphore_mem>>)
    %dma_start3A_317 = arith.constant 0 : i32
    %dma_start3A_318 = arith.constant 0 : i32
    %dma_start3A_319 = tpu.memref_slice %arg10[%dma_start3A_317, %dma_start3A_318] : memref<8x64xi32, #tpu.memory_space<vmem>> -> memref<1x64xi32, #tpu.memory_space<vmem>>
    %dma_start3A_320 = tpu.memref_squeeze %dma_start3A_319 : memref<1x64xi32, #tpu.memory_space<vmem>> -> memref<64xi32, #tpu.memory_space<vmem>>
    %dma_start3A_321 = arith.constant 0 : i32
    %dma_start3A_322 = arith.constant 0 : i32
    %dma_start3A_323 = tpu.memref_slice %arg2[%dma_start3A_321, %dma_start3A_322] : memref<10000x256xf32, #tpu.memory_space<hbm>> -> memref<10000x256xf32, #tpu.memory_space<hbm>>
    tpu.enqueue_indirect_dma source(%dma_start3A_323 : memref<10000x256xf32, #tpu.memory_space<hbm>>) target(%arg12 : memref<64x256xf32, #tpu.memory_space<vmem>>) offsets(%dma_start3A_320 : memref<64xi32, #tpu.memory_space<vmem>>) semaphore(%arg16 : memref<!tpu.dma_semaphore, #tpu.memory_space<semaphore_mem>>)
    %dma_wait3A_324 = arith.constant 0 : i32
    %dma_wait3A_325 = arith.constant 0 : i32
    %dma_wait3A_326 = tpu.memref_slice %arg2[%dma_wait3A_324, %dma_wait3A_325] : memref<10000x256xf32, #tpu.memory_space<hbm>> -> memref<64x256xf32, #tpu.memory_space<hbm>>
    %dma_wait3A_327 = arith.constant 0 : i32
    %dma_wait3A_328 = arith.constant 0 : i32
    %dma_wait3A_329 = tpu.memref_slice %arg2[%dma_wait3A_327, %dma_wait3A_328] : memref<10000x256xf32, #tpu.memory_space<hbm>> -> memref<64x256xf32, #tpu.memory_space<hbm>>
    tpu.wait_dma2 semaphore(%arg15 : memref<!tpu.dma_semaphore, #tpu.memory_space<semaphore_mem>>) src(%dma_wait3A_329 : memref<64x256xf32, #tpu.memory_space<hbm>>) dst(%arg11 : memref<64x256xf32, #tpu.memory_space<vmem>>)
    %dma_wait3A_330 = arith.constant 0 : i32
    %dma_wait3A_331 = arith.constant 0 : i32
    %dma_wait3A_332 = tpu.memref_slice %arg2[%dma_wait3A_330, %dma_wait3A_331] : memref<10000x256xf32, #tpu.memory_space<hbm>> -> memref<64x256xf32, #tpu.memory_space<hbm>>
    %dma_wait3A_333 = arith.constant 0 : i32
    %dma_wait3A_334 = arith.constant 0 : i32
    %dma_wait3A_335 = tpu.memref_slice %arg2[%dma_wait3A_333, %dma_wait3A_334] : memref<10000x256xf32, #tpu.memory_space<hbm>> -> memref<64x256xf32, #tpu.memory_space<hbm>>
    tpu.wait_dma2 semaphore(%arg16 : memref<!tpu.dma_semaphore, #tpu.memory_space<semaphore_mem>>) src(%dma_wait3A_335 : memref<64x256xf32, #tpu.memory_space<hbm>>) dst(%arg12 : memref<64x256xf32, #tpu.memory_space<vmem>>)
    %dma_start3A_336 = arith.constant 1 : i32
    %dma_start3A_337 = arith.constant 0 : i32
    %dma_start3A_338 = tpu.memref_slice %arg9[%dma_start3A_336, %dma_start3A_337] : memref<8x64xi32, #tpu.memory_space<vmem>> -> memref<1x64xi32, #tpu.memory_space<vmem>>
    %dma_start3A_339 = tpu.memref_squeeze %dma_start3A_338 : memref<1x64xi32, #tpu.memory_space<vmem>> -> memref<64xi32, #tpu.memory_space<vmem>>
    %dma_start3A_340 = arith.constant 0 : i32
    %dma_start3A_341 = arith.constant 0 : i32
    %dma_start3A_342 = tpu.memref_slice %arg2[%dma_start3A_340, %dma_start3A_341] : memref<10000x256xf32, #tpu.memory_space<hbm>> -> memref<10000x256xf32, #tpu.memory_space<hbm>>
    tpu.enqueue_indirect_dma source(%dma_start3A_342 : memref<10000x256xf32, #tpu.memory_space<hbm>>) target(%arg13 : memref<64x256xf32, #tpu.memory_space<vmem>>) offsets(%dma_start3A_339 : memref<64xi32, #tpu.memory_space<vmem>>) semaphore(%arg15 : memref<!tpu.dma_semaphore, #tpu.memory_space<semaphore_mem>>)
    %dma_start3A_343 = arith.constant 1 : i32
    %dma_start3A_344 = arith.constant 0 : i32
    %dma_start3A_345 = tpu.memref_slice %arg10[%dma_start3A_343, %dma_start3A_344] : memref<8x64xi32, #tpu.memory_space<vmem>> -> memref<1x64xi32, #tpu.memory_space<vmem>>
    %dma_start3A_346 = tpu.memref_squeeze %dma_start3A_345 : memref<1x64xi32, #tpu.memory_space<vmem>> -> memref<64xi32, #tpu.memory_space<vmem>>
    %dma_start3A_347 = arith.constant 0 : i32
    %dma_start3A_348 = arith.constant 0 : i32
    %dma_start3A_349 = tpu.memref_slice %arg2[%dma_start3A_347, %dma_start3A_348] : memref<10000x256xf32, #tpu.memory_space<hbm>> -> memref<10000x256xf32, #tpu.memory_space<hbm>>
    tpu.enqueue_indirect_dma source(%dma_start3A_349 : memref<10000x256xf32, #tpu.memory_space<hbm>>) target(%arg14 : memref<64x256xf32, #tpu.memory_space<vmem>>) offsets(%dma_start3A_346 : memref<64xi32, #tpu.memory_space<vmem>>) semaphore(%arg16 : memref<!tpu.dma_semaphore, #tpu.memory_space<semaphore_mem>>)
    %scan3A_350 = arith.constant 0 : i32
    %scan3A_351 = arith.constant 0 : i32
    %scan3A_352 = arith.constant 64 : i32
    %scan3A_353 = arith.addi %scan3A_351, %scan3A_352 : i32
    %scan3A_354 = arith.constant 1 : i32
    scf.for %scan3A_582 = %scan3A_351 to %scan3A_353 step %scan3A_354  : i32 {
      %get3A = arith.index_cast %scan3A_582 : i32 to index
      %get3A_583 = arith.constant 0 : index
      %get3A_584 = tpu.vector_load %arg11[%get3A, %get3A_583] {strides = array<i32>} : memref<64x256xf32, #tpu.memory_space<vmem>>, vector<1x16xf32>,
      %get3A_585 = vector.shape_cast %get3A_584 : vector<1x16xf32> to vector<16xf32>
      %get3A_586 = arith.index_cast %scan3A_582 : i32 to index
      %get3A_587 = arith.constant 0 : index
      %get3A_588 = tpu.vector_load %arg12[%get3A_586, %get3A_587] {strides = array<i32>} : memref<64x256xf32, #tpu.memory_space<vmem>>, vector<1x16xf32>,
      %get3A_589 = vector.shape_cast %get3A_588 : vector<1x16xf32> to vector<16xf32>
      %mul3A_590 = arith.mulf %get3A_585, %get3A_589 : vector<16xf32>
      %swap3A = arith.index_cast %scan3A_582 : i32 to index
      %swap3A_591 = arith.constant 0 : index
      %swap3A_592 = tpu.vector_load %arg11[%swap3A, %swap3A_591] {strides = array<i32>} : memref<64x256xf32, #tpu.memory_space<vmem>>, vector<1x16xf32>,
      %swap3A_593 = vector.shape_cast %swap3A_592 : vector<1x16xf32> to vector<16xf32>
      %swap3A_594 = vector.shape_cast %mul3A_590 : vector<16xf32> to vector<1x16xf32>
      tpu.vector_store %arg11[%swap3A, %swap3A_591], %swap3A_594 {strides = array<i32>} : memref<64x256xf32, #tpu.memory_space<vmem>>, vector<1x16xf32>,
      %get3A_595 = arith.index_cast %scan3A_582 : i32 to index
      %get3A_596 = arith.constant 16 : index
      %get3A_597 = tpu.vector_load %arg11[%get3A_595, %get3A_596] {strides = array<i32>} : memref<64x256xf32, #tpu.memory_space<vmem>>, vector<1x16xf32>,
      %get3A_598 = vector.shape_cast %get3A_597 : vector<1x16xf32> to vector<16xf32>
      %get3A_599 = arith.index_cast %scan3A_582 : i32 to index
      %get3A_600 = arith.constant 16 : index
      %get3A_601 = tpu.vector_load %arg12[%get3A_599, %get3A_600] {strides = array<i32>} : memref<64x256xf32, #tpu.memory_space<vmem>>, vector<1x16xf32>,
      %get3A_602 = vector.shape_cast %get3A_601 : vector<1x16xf32> to vector<16xf32>
      %mul3A_603 = arith.mulf %get3A_598, %get3A_602 : vector<16xf32>
      %swap3A_604 = arith.index_cast %scan3A_582 : i32 to index
      %swap3A_605 = arith.constant 16 : index
      %swap3A_606 = tpu.vector_load %arg11[%swap3A_604, %swap3A_605] {strides = array<i32>} : memref<64x256xf32, #tpu.memory_space<vmem>>, vector<1x16xf32>,
      %swap3A_607 = vector.shape_cast %swap3A_606 : vector<1x16xf32> to vector<16xf32>
      %swap3A_608 = vector.shape_cast %mul3A_603 : vector<16xf32> to vector<1x16xf32>
      tpu.vector_store %arg11[%swap3A_604, %swap3A_605], %swap3A_608 {strides = array<i32>} : memref<64x256xf32, #tpu.memory_space<vmem>>, vector<1x16xf32>,
      %get3A_609 = arith.index_cast %scan3A_582 : i32 to index
      %get3A_610 = arith.constant 32 : index
      %get3A_611 = tpu.vector_load %arg11[%get3A_609, %get3A_610] {strides = array<i32>} : memref<64x256xf32, #tpu.memory_space<vmem>>, vector<1x16xf32>,
      %get3A_612 = vector.shape_cast %get3A_611 : vector<1x16xf32> to vector<16xf32>
      %get3A_613 = arith.index_cast %scan3A_582 : i32 to index
      %get3A_614 = arith.constant 32 : index
      %get3A_615 = tpu.vector_load %arg12[%get3A_613, %get3A_614] {strides = array<i32>} : memref<64x256xf32, #tpu.memory_space<vmem>>, vector<1x16xf32>,
      %get3A_616 = vector.shape_cast %get3A_615 : vector<1x16xf32> to vector<16xf32>
      %mul3A_617 = arith.mulf %get3A_612, %get3A_616 : vector<16xf32>
      %swap3A_618 = arith.index_cast %scan3A_582 : i32 to index
      %swap3A_619 = arith.constant 32 : index
      %swap3A_620 = tpu.vector_load %arg11[%swap3A_618, %swap3A_619] {strides = array<i32>} : memref<64x256xf32, #tpu.memory_space<vmem>>, vector<1x16xf32>,
      %swap3A_621 = vector.shape_cast %swap3A_620 : vector<1x16xf32> to vector<16xf32>
      %swap3A_622 = vector.shape_cast %mul3A_617 : vector<16xf32> to vector<1x16xf32>
      tpu.vector_store %arg11[%swap3A_618, %swap3A_619], %swap3A_622 {strides = array<i32>} : memref<64x256xf32, #tpu.memory_space<vmem>>, vector<1x16xf32>,
      %get3A_623 = arith.index_cast %scan3A_582 : i32 to index
      %get3A_624 = arith.constant 48 : index
      %get3A_625 = tpu.vector_load %arg11[%get3A_623, %get3A_624] {strides = array<i32>} : memref<64x256xf32, #tpu.memory_space<vmem>>, vector<1x16xf32>,
      %get3A_626 = vector.shape_cast %get3A_625 : vector<1x16xf32> to vector<16xf32>
      %get3A_627 = arith.index_cast %scan3A_582 : i32 to index
      %get3A_628 = arith.constant 48 : index
      %get3A_629 = tpu.vector_load %arg12[%get3A_627, %get3A_628] {strides = array<i32>} : memref<64x256xf32, #tpu.memory_space<vmem>>, vector<1x16xf32>,
      %get3A_630 = vector.shape_cast %get3A_629 : vector<1x16xf32> to vector<16xf32>
      %mul3A_631 = arith.mulf %get3A_626, %get3A_630 : vector<16xf32>
      %swap3A_632 = arith.index_cast %scan3A_582 : i32 to index
      %swap3A_633 = arith.constant 48 : index
      %swap3A_634 = tpu.vector_load %arg11[%swap3A_632, %swap3A_633] {strides = array<i32>} : memref<64x256xf32, #tpu.memory_space<vmem>>, vector<1x16xf32>,
      %swap3A_635 = vector.shape_cast %swap3A_634 : vector<1x16xf32> to vector<16xf32>
      %swap3A_636 = vector.shape_cast %mul3A_631 : vector<16xf32> to vector<1x16xf32>
      tpu.vector_store %arg11[%swap3A_632, %swap3A_633], %swap3A_636 {strides = array<i32>} : memref<64x256xf32, #tpu.memory_space<vmem>>, vector<1x16xf32>,
      %get3A_637 = arith.index_cast %scan3A_582 : i32 to index
      %get3A_638 = arith.constant 64 : index
      %get3A_639 = tpu.vector_load %arg11[%get3A_637, %get3A_638] {strides = array<i32>} : memref<64x256xf32, #tpu.memory_space<vmem>>, vector<1x16xf32>,
      %get3A_640 = vector.shape_cast %get3A_639 : vector<1x16xf32> to vector<16xf32>
      %get3A_641 = arith.index_cast %scan3A_582 : i32 to index
      %get3A_642 = arith.constant 64 : index
      %get3A_643 = tpu.vector_load %arg12[%get3A_641, %get3A_642] {strides = array<i32>} : memref<64x256xf32, #tpu.memory_space<vmem>>, vector<1x16xf32>,
      %get3A_644 = vector.shape_cast %get3A_643 : vector<1x16xf32> to vector<16xf32>
      %mul3A_645 = arith.mulf %get3A_640, %get3A_644 : vector<16xf32>
      %swap3A_646 = arith.index_cast %scan3A_582 : i32 to index
      %swap3A_647 = arith.constant 64 : index
      %swap3A_648 = tpu.vector_load %arg11[%swap3A_646, %swap3A_647] {strides = array<i32>} : memref<64x256xf32, #tpu.memory_space<vmem>>, vector<1x16xf32>,
      %swap3A_649 = vector.shape_cast %swap3A_648 : vector<1x16xf32> to vector<16xf32>
      %swap3A_650 = vector.shape_cast %mul3A_645 : vector<16xf32> to vector<1x16xf32>
      tpu.vector_store %arg11[%swap3A_646, %swap3A_647], %swap3A_650 {strides = array<i32>} : memref<64x256xf32, #tpu.memory_space<vmem>>, vector<1x16xf32>,
      %get3A_651 = arith.index_cast %scan3A_582 : i32 to index
      %get3A_652 = arith.constant 80 : index
      %get3A_653 = tpu.vector_load %arg11[%get3A_651, %get3A_652] {strides = array<i32>} : memref<64x256xf32, #tpu.memory_space<vmem>>, vector<1x16xf32>,
      %get3A_654 = vector.shape_cast %get3A_653 : vector<1x16xf32> to vector<16xf32>
      %get3A_655 = arith.index_cast %scan3A_582 : i32 to index
      %get3A_656 = arith.constant 80 : index
      %get3A_657 = tpu.vector_load %arg12[%get3A_655, %get3A_656] {strides = array<i32>} : memref<64x256xf32, #tpu.memory_space<vmem>>, vector<1x16xf32>,
      %get3A_658 = vector.shape_cast %get3A_657 : vector<1x16xf32> to vector<16xf32>
      %mul3A_659 = arith.mulf %get3A_654, %get3A_658 : vector<16xf32>
      %swap3A_660 = arith.index_cast %scan3A_582 : i32 to index
      %swap3A_661 = arith.constant 80 : index
      %swap3A_662 = tpu.vector_load %arg11[%swap3A_660, %swap3A_661] {strides = array<i32>} : memref<64x256xf32, #tpu.memory_space<vmem>>, vector<1x16xf32>,
      %swap3A_663 = vector.shape_cast %swap3A_662 : vector<1x16xf32> to vector<16xf32>
      %swap3A_664 = vector.shape_cast %mul3A_659 : vector<16xf32> to vector<1x16xf32>
      tpu.vector_store %arg11[%swap3A_660, %swap3A_661], %swap3A_664 {strides = array<i32>} : memref<64x256xf32, #tpu.memory_space<vmem>>, vector<1x16xf32>,
      %get3A_665 = arith.index_cast %scan3A_582 : i32 to index
      %get3A_666 = arith.constant 96 : index
      %get3A_667 = tpu.vector_load %arg11[%get3A_665, %get3A_666] {strides = array<i32>} : memref<64x256xf32, #tpu.memory_space<vmem>>, vector<1x16xf32>,
      %get3A_668 = vector.shape_cast %get3A_667 : vector<1x16xf32> to vector<16xf32>
      %get3A_669 = arith.index_cast %scan3A_582 : i32 to index
      %get3A_670 = arith.constant 96 : index
      %get3A_671 = tpu.vector_load %arg12[%get3A_669, %get3A_670] {strides = array<i32>} : memref<64x256xf32, #tpu.memory_space<vmem>>, vector<1x16xf32>,
      %get3A_672 = vector.shape_cast %get3A_671 : vector<1x16xf32> to vector<16xf32>
      %mul3A_673 = arith.mulf %get3A_668, %get3A_672 : vector<16xf32>
      %swap3A_674 = arith.index_cast %scan3A_582 : i32 to index
      %swap3A_675 = arith.constant 96 : index
      %swap3A_676 = tpu.vector_load %arg11[%swap3A_674, %swap3A_675] {strides = array<i32>} : memref<64x256xf32, #tpu.memory_space<vmem>>, vector<1x16xf32>,
      %swap3A_677 = vector.shape_cast %swap3A_676 : vector<1x16xf32> to vector<16xf32>
      %swap3A_678 = vector.shape_cast %mul3A_673 : vector<16xf32> to vector<1x16xf32>
      tpu.vector_store %arg11[%swap3A_674, %swap3A_675], %swap3A_678 {strides = array<i32>} : memref<64x256xf32, #tpu.memory_space<vmem>>, vector<1x16xf32>,
      %get3A_679 = arith.index_cast %scan3A_582 : i32 to index
      %get3A_680 = arith.constant 112 : index
      %get3A_681 = tpu.vector_load %arg11[%get3A_679, %get3A_680] {strides = array<i32>} : memref<64x256xf32, #tpu.memory_space<vmem>>, vector<1x16xf32>,
      %get3A_682 = vector.shape_cast %get3A_681 : vector<1x16xf32> to vector<16xf32>
      %get3A_683 = arith.index_cast %scan3A_582 : i32 to index
      %get3A_684 = arith.constant 112 : index
      %get3A_685 = tpu.vector_load %arg12[%get3A_683, %get3A_684] {strides = array<i32>} : memref<64x256xf32, #tpu.memory_space<vmem>>, vector<1x16xf32>,
      %get3A_686 = vector.shape_cast %get3A_685 : vector<1x16xf32> to vector<16xf32>
      %mul3A_687 = arith.mulf %get3A_682, %get3A_686 : vector<16xf32>
      %swap3A_688 = arith.index_cast %scan3A_582 : i32 to index
      %swap3A_689 = arith.constant 112 : index
      %swap3A_690 = tpu.vector_load %arg11[%swap3A_688, %swap3A_689] {strides = array<i32>} : memref<64x256xf32, #tpu.memory_space<vmem>>, vector<1x16xf32>,
      %swap3A_691 = vector.shape_cast %swap3A_690 : vector<1x16xf32> to vector<16xf32>
      %swap3A_692 = vector.shape_cast %mul3A_687 : vector<16xf32> to vector<1x16xf32>
      tpu.vector_store %arg11[%swap3A_688, %swap3A_689], %swap3A_692 {strides = array<i32>} : memref<64x256xf32, #tpu.memory_space<vmem>>, vector<1x16xf32>,
      %get3A_693 = arith.index_cast %scan3A_582 : i32 to index
      %get3A_694 = arith.constant 128 : index
      %get3A_695 = tpu.vector_load %arg11[%get3A_693, %get3A_694] {strides = array<i32>} : memref<64x256xf32, #tpu.memory_space<vmem>>, vector<1x16xf32>,
      %get3A_696 = vector.shape_cast %get3A_695 : vector<1x16xf32> to vector<16xf32>
      %get3A_697 = arith.index_cast %scan3A_582 : i32 to index
      %get3A_698 = arith.constant 128 : index
      %get3A_699 = tpu.vector_load %arg12[%get3A_697, %get3A_698] {strides = array<i32>} : memref<64x256xf32, #tpu.memory_space<vmem>>, vector<1x16xf32>,
      %get3A_700 = vector.shape_cast %get3A_699 : vector<1x16xf32> to vector<16xf32>
      %mul3A_701 = arith.mulf %get3A_696, %get3A_700 : vector<16xf32>
      %swap3A_702 = arith.index_cast %scan3A_582 : i32 to index
      %swap3A_703 = arith.constant 128 : index
      %swap3A_704 = tpu.vector_load %arg11[%swap3A_702, %swap3A_703] {strides = array<i32>} : memref<64x256xf32, #tpu.memory_space<vmem>>, vector<1x16xf32>,
      %swap3A_705 = vector.shape_cast %swap3A_704 : vector<1x16xf32> to vector<16xf32>
      %swap3A_706 = vector.shape_cast %mul3A_701 : vector<16xf32> to vector<1x16xf32>
      tpu.vector_store %arg11[%swap3A_702, %swap3A_703], %swap3A_706 {strides = array<i32>} : memref<64x256xf32, #tpu.memory_space<vmem>>, vector<1x16xf32>,
      %get3A_707 = arith.index_cast %scan3A_582 : i32 to index
      %get3A_708 = arith.constant 144 : index
      %get3A_709 = tpu.vector_load %arg11[%get3A_707, %get3A_708] {strides = array<i32>} : memref<64x256xf32, #tpu.memory_space<vmem>>, vector<1x16xf32>,
      %get3A_710 = vector.shape_cast %get3A_709 : vector<1x16xf32> to vector<16xf32>
      %get3A_711 = arith.index_cast %scan3A_582 : i32 to index
      %get3A_712 = arith.constant 144 : index
      %get3A_713 = tpu.vector_load %arg12[%get3A_711, %get3A_712] {strides = array<i32>} : memref<64x256xf32, #tpu.memory_space<vmem>>, vector<1x16xf32>,
      %get3A_714 = vector.shape_cast %get3A_713 : vector<1x16xf32> to vector<16xf32>
      %mul3A_715 = arith.mulf %get3A_710, %get3A_714 : vector<16xf32>
      %swap3A_716 = arith.index_cast %scan3A_582 : i32 to index
      %swap3A_717 = arith.constant 144 : index
      %swap3A_718 = tpu.vector_load %arg11[%swap3A_716, %swap3A_717] {strides = array<i32>} : memref<64x256xf32, #tpu.memory_space<vmem>>, vector<1x16xf32>,
      %swap3A_719 = vector.shape_cast %swap3A_718 : vector<1x16xf32> to vector<16xf32>
      %swap3A_720 = vector.shape_cast %mul3A_715 : vector<16xf32> to vector<1x16xf32>
      tpu.vector_store %arg11[%swap3A_716, %swap3A_717], %swap3A_720 {strides = array<i32>} : memref<64x256xf32, #tpu.memory_space<vmem>>, vector<1x16xf32>,
      %get3A_721 = arith.index_cast %scan3A_582 : i32 to index
      %get3A_722 = arith.constant 160 : index
      %get3A_723 = tpu.vector_load %arg11[%get3A_721, %get3A_722] {strides = array<i32>} : memref<64x256xf32, #tpu.memory_space<vmem>>, vector<1x16xf32>,
      %get3A_724 = vector.shape_cast %get3A_723 : vector<1x16xf32> to vector<16xf32>
      %get3A_725 = arith.index_cast %scan3A_582 : i32 to index
      %get3A_726 = arith.constant 160 : index
      %get3A_727 = tpu.vector_load %arg12[%get3A_725, %get3A_726] {strides = array<i32>} : memref<64x256xf32, #tpu.memory_space<vmem>>, vector<1x16xf32>,
      %get3A_728 = vector.shape_cast %get3A_727 : vector<1x16xf32> to vector<16xf32>
      %mul3A_729 = arith.mulf %get3A_724, %get3A_728 : vector<16xf32>
      %swap3A_730 = arith.index_cast %scan3A_582 : i32 to index
      %swap3A_731 = arith.constant 160 : index
      %swap3A_732 = tpu.vector_load %arg11[%swap3A_730, %swap3A_731] {strides = array<i32>} : memref<64x256xf32, #tpu.memory_space<vmem>>, vector<1x16xf32>,
      %swap3A_733 = vector.shape_cast %swap3A_732 : vector<1x16xf32> to vector<16xf32>
      %swap3A_734 = vector.shape_cast %mul3A_729 : vector<16xf32> to vector<1x16xf32>
      tpu.vector_store %arg11[%swap3A_730, %swap3A_731], %swap3A_734 {strides = array<i32>} : memref<64x256xf32, #tpu.memory_space<vmem>>, vector<1x16xf32>,
      %get3A_735 = arith.index_cast %scan3A_582 : i32 to index
      %get3A_736 = arith.constant 176 : index
      %get3A_737 = tpu.vector_load %arg11[%get3A_735, %get3A_736] {strides = array<i32>} : memref<64x256xf32, #tpu.memory_space<vmem>>, vector<1x16xf32>,
      %get3A_738 = vector.shape_cast %get3A_737 : vector<1x16xf32> to vector<16xf32>
      %get3A_739 = arith.index_cast %scan3A_582 : i32 to index
      %get3A_740 = arith.constant 176 : index
      %get3A_741 = tpu.vector_load %arg12[%get3A_739, %get3A_740] {strides = array<i32>} : memref<64x256xf32, #tpu.memory_space<vmem>>, vector<1x16xf32>,
      %get3A_742 = vector.shape_cast %get3A_741 : vector<1x16xf32> to vector<16xf32>
      %mul3A_743 = arith.mulf %get3A_738, %get3A_742 : vector<16xf32>
      %swap3A_744 = arith.index_cast %scan3A_582 : i32 to index
      %swap3A_745 = arith.constant 176 : index
      %swap3A_746 = tpu.vector_load %arg11[%swap3A_744, %swap3A_745] {strides = array<i32>} : memref<64x256xf32, #tpu.memory_space<vmem>>, vector<1x16xf32>,
      %swap3A_747 = vector.shape_cast %swap3A_746 : vector<1x16xf32> to vector<16xf32>
      %swap3A_748 = vector.shape_cast %mul3A_743 : vector<16xf32> to vector<1x16xf32>
      tpu.vector_store %arg11[%swap3A_744, %swap3A_745], %swap3A_748 {strides = array<i32>} : memref<64x256xf32, #tpu.memory_space<vmem>>, vector<1x16xf32>,
      %get3A_749 = arith.index_cast %scan3A_582 : i32 to index
      %get3A_750 = arith.constant 192 : index
      %get3A_751 = tpu.vector_load %arg11[%get3A_749, %get3A_750] {strides = array<i32>} : memref<64x256xf32, #tpu.memory_space<vmem>>, vector<1x16xf32>,
      %get3A_752 = vector.shape_cast %get3A_751 : vector<1x16xf32> to vector<16xf32>
      %get3A_753 = arith.index_cast %scan3A_582 : i32 to index
      %get3A_754 = arith.constant 192 : index
      %get3A_755 = tpu.vector_load %arg12[%get3A_753, %get3A_754] {strides = array<i32>} : memref<64x256xf32, #tpu.memory_space<vmem>>, vector<1x16xf32>,
      %get3A_756 = vector.shape_cast %get3A_755 : vector<1x16xf32> to vector<16xf32>
      %mul3A_757 = arith.mulf %get3A_752, %get3A_756 : vector<16xf32>
      %swap3A_758 = arith.index_cast %scan3A_582 : i32 to index
      %swap3A_759 = arith.constant 192 : index
      %swap3A_760 = tpu.vector_load %arg11[%swap3A_758, %swap3A_759] {strides = array<i32>} : memref<64x256xf32, #tpu.memory_space<vmem>>, vector<1x16xf32>,
      %swap3A_761 = vector.shape_cast %swap3A_760 : vector<1x16xf32> to vector<16xf32>
      %swap3A_762 = vector.shape_cast %mul3A_757 : vector<16xf32> to vector<1x16xf32>
      tpu.vector_store %arg11[%swap3A_758, %swap3A_759], %swap3A_762 {strides = array<i32>} : memref<64x256xf32, #tpu.memory_space<vmem>>, vector<1x16xf32>,
      %get3A_763 = arith.index_cast %scan3A_582 : i32 to index
      %get3A_764 = arith.constant 208 : index
      %get3A_765 = tpu.vector_load %arg11[%get3A_763, %get3A_764] {strides = array<i32>} : memref<64x256xf32, #tpu.memory_space<vmem>>, vector<1x16xf32>,
      %get3A_766 = vector.shape_cast %get3A_765 : vector<1x16xf32> to vector<16xf32>
      %get3A_767 = arith.index_cast %scan3A_582 : i32 to index
      %get3A_768 = arith.constant 208 : index
      %get3A_769 = tpu.vector_load %arg12[%get3A_767, %get3A_768] {strides = array<i32>} : memref<64x256xf32, #tpu.memory_space<vmem>>, vector<1x16xf32>,
      %get3A_770 = vector.shape_cast %get3A_769 : vector<1x16xf32> to vector<16xf32>
      %mul3A_771 = arith.mulf %get3A_766, %get3A_770 : vector<16xf32>
      %swap3A_772 = arith.index_cast %scan3A_582 : i32 to index
      %swap3A_773 = arith.constant 208 : index
      %swap3A_774 = tpu.vector_load %arg11[%swap3A_772, %swap3A_773] {strides = array<i32>} : memref<64x256xf32, #tpu.memory_space<vmem>>, vector<1x16xf32>,
      %swap3A_775 = vector.shape_cast %swap3A_774 : vector<1x16xf32> to vector<16xf32>
      %swap3A_776 = vector.shape_cast %mul3A_771 : vector<16xf32> to vector<1x16xf32>
      tpu.vector_store %arg11[%swap3A_772, %swap3A_773], %swap3A_776 {strides = array<i32>} : memref<64x256xf32, #tpu.memory_space<vmem>>, vector<1x16xf32>,
      %get3A_777 = arith.index_cast %scan3A_582 : i32 to index
      %get3A_778 = arith.constant 224 : index
      %get3A_779 = tpu.vector_load %arg11[%get3A_777, %get3A_778] {strides = array<i32>} : memref<64x256xf32, #tpu.memory_space<vmem>>, vector<1x16xf32>,
      %get3A_780 = vector.shape_cast %get3A_779 : vector<1x16xf32> to vector<16xf32>
      %get3A_781 = arith.index_cast %scan3A_582 : i32 to index
      %get3A_782 = arith.constant 224 : index
      %get3A_783 = tpu.vector_load %arg12[%get3A_781, %get3A_782] {strides = array<i32>} : memref<64x256xf32, #tpu.memory_space<vmem>>, vector<1x16xf32>,
      %get3A_784 = vector.shape_cast %get3A_783 : vector<1x16xf32> to vector<16xf32>
      %mul3A_785 = arith.mulf %get3A_780, %get3A_784 : vector<16xf32>
      %swap3A_786 = arith.index_cast %scan3A_582 : i32 to index
      %swap3A_787 = arith.constant 224 : index
      %swap3A_788 = tpu.vector_load %arg11[%swap3A_786, %swap3A_787] {strides = array<i32>} : memref<64x256xf32, #tpu.memory_space<vmem>>, vector<1x16xf32>,
      %swap3A_789 = vector.shape_cast %swap3A_788 : vector<1x16xf32> to vector<16xf32>
      %swap3A_790 = vector.shape_cast %mul3A_785 : vector<16xf32> to vector<1x16xf32>
      tpu.vector_store %arg11[%swap3A_786, %swap3A_787], %swap3A_790 {strides = array<i32>} : memref<64x256xf32, #tpu.memory_space<vmem>>, vector<1x16xf32>,
      %get3A_791 = arith.index_cast %scan3A_582 : i32 to index
      %get3A_792 = arith.constant 240 : index
      %get3A_793 = tpu.vector_load %arg11[%get3A_791, %get3A_792] {strides = array<i32>} : memref<64x256xf32, #tpu.memory_space<vmem>>, vector<1x16xf32>,
      %get3A_794 = vector.shape_cast %get3A_793 : vector<1x16xf32> to vector<16xf32>
      %get3A_795 = arith.index_cast %scan3A_582 : i32 to index
      %get3A_796 = arith.constant 240 : index
      %get3A_797 = tpu.vector_load %arg12[%get3A_795, %get3A_796] {strides = array<i32>} : memref<64x256xf32, #tpu.memory_space<vmem>>, vector<1x16xf32>,
      %get3A_798 = vector.shape_cast %get3A_797 : vector<1x16xf32> to vector<16xf32>
      %mul3A_799 = arith.mulf %get3A_794, %get3A_798 : vector<16xf32>
      %swap3A_800 = arith.index_cast %scan3A_582 : i32 to index
      %swap3A_801 = arith.constant 240 : index
      %swap3A_802 = tpu.vector_load %arg11[%swap3A_800, %swap3A_801] {strides = array<i32>} : memref<64x256xf32, #tpu.memory_space<vmem>>, vector<1x16xf32>,
      %swap3A_803 = vector.shape_cast %swap3A_802 : vector<1x16xf32> to vector<16xf32>
      %swap3A_804 = vector.shape_cast %mul3A_799 : vector<16xf32> to vector<1x16xf32>
      tpu.vector_store %arg11[%swap3A_800, %swap3A_801], %swap3A_804 {strides = array<i32>} : memref<64x256xf32, #tpu.memory_space<vmem>>, vector<1x16xf32>,
    }
    %scan3A_355 = arith.constant 64 : i32
    %add3A_356 = arith.constant 0 : i32
    %add3A_357 = arith.addi %mul3A_2, %add3A_356 : i32
    "tpu.region"() ({
      %run_scoped3A = tpu.sem_alloc : memref<!tpu.dma_semaphore, #tpu.memory_space<semaphore_mem>>
      %dma_start3A_582 = arith.constant 0 : i32
      %dma_start3A_583 = tpu.memref_slice %arg5[%add3A_357, %dma_start3A_582] : memref<16384x256xf32, #tpu.memory_space<hbm>> -> memref<64x256xf32, #tpu.memory_space<hbm>>
      %dma_start3A_584 = arith.constant 0 : i32
      %dma_start3A_585 = tpu.memref_slice %arg5[%add3A_357, %dma_start3A_584] : memref<16384x256xf32, #tpu.memory_space<hbm>> -> memref<64x256xf32, #tpu.memory_space<hbm>>
      tpu.enqueue_dma source(%arg11 : memref<64x256xf32, #tpu.memory_space<vmem>>) target(%dma_start3A_585 : memref<64x256xf32, #tpu.memory_space<hbm>>) target_semaphore(%run_scoped3A : memref<!tpu.dma_semaphore, #tpu.memory_space<semaphore_mem>>)
      %dma_wait3A_586 = arith.constant 0 : i32
      %dma_wait3A_587 = tpu.memref_slice %arg5[%add3A_357, %dma_wait3A_586] : memref<16384x256xf32, #tpu.memory_space<hbm>> -> memref<64x256xf32, #tpu.memory_space<hbm>>
      %dma_wait3A_588 = arith.constant 0 : i32
      %dma_wait3A_589 = tpu.memref_slice %arg5[%add3A_357, %dma_wait3A_588] : memref<16384x256xf32, #tpu.memory_space<hbm>> -> memref<64x256xf32, #tpu.memory_space<hbm>>
      tpu.wait_dma2 semaphore(%run_scoped3A : memref<!tpu.dma_semaphore, #tpu.memory_space<semaphore_mem>>) src(%arg11 : memref<64x256xf32, #tpu.memory_space<vmem>>) dst(%dma_wait3A_589 : memref<64x256xf32, #tpu.memory_space<hbm>>)
      tpu.yield
    }) : () -> ()
    %dma_wait3A_358 = arith.constant 0 : i32
    %dma_wait3A_359 = arith.constant 0 : i32
    %dma_wait3A_360 = tpu.memref_slice %arg2[%dma_wait3A_358, %dma_wait3A_359] : memref<10000x256xf32, #tpu.memory_space<hbm>> -> memref<64x256xf32, #tpu.memory_space<hbm>>
    %dma_wait3A_361 = arith.constant 0 : i32
    %dma_wait3A_362 = arith.constant 0 : i32
    %dma_wait3A_363 = tpu.memref_slice %arg2[%dma_wait3A_361, %dma_wait3A_362] : memref<10000x256xf32, #tpu.memory_space<hbm>> -> memref<64x256xf32, #tpu.memory_space<hbm>>
    tpu.wait_dma2 semaphore(%arg15 : memref<!tpu.dma_semaphore, #tpu.memory_space<semaphore_mem>>) src(%dma_wait3A_363 : memref<64x256xf32, #tpu.memory_space<hbm>>) dst(%arg13 : memref<64x256xf32, #tpu.memory_space<vmem>>)
    %dma_wait3A_364 = arith.constant 0 : i32
    %dma_wait3A_365 = arith.constant 0 : i32
    %dma_wait3A_366 = tpu.memref_slice %arg2[%dma_wait3A_364, %dma_wait3A_365] : memref<10000x256xf32, #tpu.memory_space<hbm>> -> memref<64x256xf32, #tpu.memory_space<hbm>>
    %dma_wait3A_367 = arith.constant 0 : i32
    %dma_wait3A_368 = arith.constant 0 : i32
    %dma_wait3A_369 = tpu.memref_slice %arg2[%dma_wait3A_367, %dma_wait3A_368] : memref<10000x256xf32, #tpu.memory_space<hbm>> -> memref<64x256xf32, #tpu.memory_space<hbm>>
    tpu.wait_dma2 semaphore(%arg16 : memref<!tpu.dma_semaphore, #tpu.memory_space<semaphore_mem>>) src(%dma_wait3A_369 : memref<64x256xf32, #tpu.memory_space<hbm>>) dst(%arg14 : memref<64x256xf32, #tpu.memory_space<vmem>>)
    %dma_start3A_370 = arith.constant 2 : i32
    %dma_start3A_371 = arith.constant 0 : i32
    %dma_start3A_372 = tpu.memref_slice %arg9[%dma_start3A_370, %dma_start3A_371] : memref<8x64xi32, #tpu.memory_space<vmem>> -> memref<1x64xi32, #tpu.memory_space<vmem>>
    %dma_start3A_373 = tpu.memref_squeeze %dma_start3A_372 : memref<1x64xi32, #tpu.memory_space<vmem>> -> memref<64xi32, #tpu.memory_space<vmem>>
    %dma_start3A_374 = arith.constant 0 : i32
    %dma_start3A_375 = arith.constant 0 : i32
    %dma_start3A_376 = tpu.memref_slice %arg2[%dma_start3A_374, %dma_start3A_375] : memref<10000x256xf32, #tpu.memory_space<hbm>> -> memref<10000x256xf32, #tpu.memory_space<hbm>>
    tpu.enqueue_indirect_dma source(%dma_start3A_376 : memref<10000x256xf32, #tpu.memory_space<hbm>>) target(%arg11 : memref<64x256xf32, #tpu.memory_space<vmem>>) offsets(%dma_start3A_373 : memref<64xi32, #tpu.memory_space<vmem>>) semaphore(%arg15 : memref<!tpu.dma_semaphore, #tpu.memory_space<semaphore_mem>>)
    %dma_start3A_377 = arith.constant 2 : i32
    %dma_start3A_378 = arith.constant 0 : i32
    %dma_start3A_379 = tpu.memref_slice %arg10[%dma_start3A_377, %dma_start3A_378] : memref<8x64xi32, #tpu.memory_space<vmem>> -> memref<1x64xi32, #tpu.memory_space<vmem>>
    %dma_start3A_380 = tpu.memref_squeeze %dma_start3A_379 : memref<1x64xi32, #tpu.memory_space<vmem>> -> memref<64xi32, #tpu.memory_space<vmem>>
    %dma_start3A_381 = arith.constant 0 : i32
    %dma_start3A_382 = arith.constant 0 : i32
    %dma_start3A_383 = tpu.memref_slice %arg2[%dma_start3A_381, %dma_start3A_382] : memref<10000x256xf32, #tpu.memory_space<hbm>> -> memref<10000x256xf32, #tpu.memory_space<hbm>>
    tpu.enqueue_indirect_dma source(%dma_start3A_383 : memref<10000x256xf32, #tpu.memory_space<hbm>>) target(%arg12 : memref<64x256xf32, #tpu.memory_space<vmem>>) offsets(%dma_start3A_380 : memref<64xi32, #tpu.memory_space<vmem>>) semaphore(%arg16 : memref<!tpu.dma_semaphore, #tpu.memory_space<semaphore_mem>>)
    %scan3A_384 = arith.constant 0 : i32
    %scan3A_385 = arith.constant 0 : i32
    %scan3A_386 = arith.constant 64 : i32
    %scan3A_387 = arith.addi %scan3A_385, %scan3A_386 : i32
    %scan3A_388 = arith.constant 1 : i32
    scf.for %scan3A_582 = %scan3A_385 to %scan3A_387 step %scan3A_388  : i32 {
      %get3A = arith.index_cast %scan3A_582 : i32 to index
      %get3A_583 = arith.constant 0 : index
      %get3A_584 = tpu.vector_load %arg13[%get3A, %get3A_583] {strides = array<i32>} : memref<64x256xf32, #tpu.memory_space<vmem>>, vector<1x16xf32>,
      %get3A_585 = vector.shape_cast %get3A_584 : vector<1x16xf32> to vector<16xf32>
      %get3A_586 = arith.index_cast %scan3A_582 : i32 to index
      %get3A_587 = arith.constant 0 : index
      %get3A_588 = tpu.vector_load %arg14[%get3A_586, %get3A_587] {strides = array<i32>} : memref<64x256xf32, #tpu.memory_space<vmem>>, vector<1x16xf32>,
      %get3A_589 = vector.shape_cast %get3A_588 : vector<1x16xf32> to vector<16xf32>
      %mul3A_590 = arith.mulf %get3A_585, %get3A_589 : vector<16xf32>
      %swap3A = arith.index_cast %scan3A_582 : i32 to index
      %swap3A_591 = arith.constant 0 : index
      %swap3A_592 = tpu.vector_load %arg13[%swap3A, %swap3A_591] {strides = array<i32>} : memref<64x256xf32, #tpu.memory_space<vmem>>, vector<1x16xf32>,
      %swap3A_593 = vector.shape_cast %swap3A_592 : vector<1x16xf32> to vector<16xf32>
      %swap3A_594 = vector.shape_cast %mul3A_590 : vector<16xf32> to vector<1x16xf32>
      tpu.vector_store %arg13[%swap3A, %swap3A_591], %swap3A_594 {strides = array<i32>} : memref<64x256xf32, #tpu.memory_space<vmem>>, vector<1x16xf32>,
      %get3A_595 = arith.index_cast %scan3A_582 : i32 to index
      %get3A_596 = arith.constant 16 : index
      %get3A_597 = tpu.vector_load %arg13[%get3A_595, %get3A_596] {strides = array<i32>} : memref<64x256xf32, #tpu.memory_space<vmem>>, vector<1x16xf32>,
      %get3A_598 = vector.shape_cast %get3A_597 : vector<1x16xf32> to vector<16xf32>
      %get3A_599 = arith.index_cast %scan3A_582 : i32 to index
      %get3A_600 = arith.constant 16 : index
      %get3A_601 = tpu.vector_load %arg14[%get3A_599, %get3A_600] {strides = array<i32>} : memref<64x256xf32, #tpu.memory_space<vmem>>, vector<1x16xf32>,
      %get3A_602 = vector.shape_cast %get3A_601 : vector<1x16xf32> to vector<16xf32>
      %mul3A_603 = arith.mulf %get3A_598, %get3A_602 : vector<16xf32>
      %swap3A_604 = arith.index_cast %scan3A_582 : i32 to index
      %swap3A_605 = arith.constant 16 : index
      %swap3A_606 = tpu.vector_load %arg13[%swap3A_604, %swap3A_605] {strides = array<i32>} : memref<64x256xf32, #tpu.memory_space<vmem>>, vector<1x16xf32>,
      %swap3A_607 = vector.shape_cast %swap3A_606 : vector<1x16xf32> to vector<16xf32>
      %swap3A_608 = vector.shape_cast %mul3A_603 : vector<16xf32> to vector<1x16xf32>
      tpu.vector_store %arg13[%swap3A_604, %swap3A_605], %swap3A_608 {strides = array<i32>} : memref<64x256xf32, #tpu.memory_space<vmem>>, vector<1x16xf32>,
      %get3A_609 = arith.index_cast %scan3A_582 : i32 to index
      %get3A_610 = arith.constant 32 : index
      %get3A_611 = tpu.vector_load %arg13[%get3A_609, %get3A_610] {strides = array<i32>} : memref<64x256xf32, #tpu.memory_space<vmem>>, vector<1x16xf32>,
      %get3A_612 = vector.shape_cast %get3A_611 : vector<1x16xf32> to vector<16xf32>
      %get3A_613 = arith.index_cast %scan3A_582 : i32 to index
      %get3A_614 = arith.constant 32 : index
      %get3A_615 = tpu.vector_load %arg14[%get3A_613, %get3A_614] {strides = array<i32>} : memref<64x256xf32, #tpu.memory_space<vmem>>, vector<1x16xf32>,
      %get3A_616 = vector.shape_cast %get3A_615 : vector<1x16xf32> to vector<16xf32>
      %mul3A_617 = arith.mulf %get3A_612, %get3A_616 : vector<16xf32>
      %swap3A_618 = arith.index_cast %scan3A_582 : i32 to index
      %swap3A_619 = arith.constant 32 : index
      %swap3A_620 = tpu.vector_load %arg13[%swap3A_618, %swap3A_619] {strides = array<i32>} : memref<64x256xf32, #tpu.memory_space<vmem>>, vector<1x16xf32>,
      %swap3A_621 = vector.shape_cast %swap3A_620 : vector<1x16xf32> to vector<16xf32>
      %swap3A_622 = vector.shape_cast %mul3A_617 : vector<16xf32> to vector<1x16xf32>
      tpu.vector_store %arg13[%swap3A_618, %swap3A_619], %swap3A_622 {strides = array<i32>} : memref<64x256xf32, #tpu.memory_space<vmem>>, vector<1x16xf32>,
      %get3A_623 = arith.index_cast %scan3A_582 : i32 to index
      %get3A_624 = arith.constant 48 : index
      %get3A_625 = tpu.vector_load %arg13[%get3A_623, %get3A_624] {strides = array<i32>} : memref<64x256xf32, #tpu.memory_space<vmem>>, vector<1x16xf32>,
      %get3A_626 = vector.shape_cast %get3A_625 : vector<1x16xf32> to vector<16xf32>
      %get3A_627 = arith.index_cast %scan3A_582 : i32 to index
      %get3A_628 = arith.constant 48 : index
      %get3A_629 = tpu.vector_load %arg14[%get3A_627, %get3A_628] {strides = array<i32>} : memref<64x256xf32, #tpu.memory_space<vmem>>, vector<1x16xf32>,
      %get3A_630 = vector.shape_cast %get3A_629 : vector<1x16xf32> to vector<16xf32>
      %mul3A_631 = arith.mulf %get3A_626, %get3A_630 : vector<16xf32>
      %swap3A_632 = arith.index_cast %scan3A_582 : i32 to index
      %swap3A_633 = arith.constant 48 : index
      %swap3A_634 = tpu.vector_load %arg13[%swap3A_632, %swap3A_633] {strides = array<i32>} : memref<64x256xf32, #tpu.memory_space<vmem>>, vector<1x16xf32>,
      %swap3A_635 = vector.shape_cast %swap3A_634 : vector<1x16xf32> to vector<16xf32>
      %swap3A_636 = vector.shape_cast %mul3A_631 : vector<16xf32> to vector<1x16xf32>
      tpu.vector_store %arg13[%swap3A_632, %swap3A_633], %swap3A_636 {strides = array<i32>} : memref<64x256xf32, #tpu.memory_space<vmem>>, vector<1x16xf32>,
      %get3A_637 = arith.index_cast %scan3A_582 : i32 to index
      %get3A_638 = arith.constant 64 : index
      %get3A_639 = tpu.vector_load %arg13[%get3A_637, %get3A_638] {strides = array<i32>} : memref<64x256xf32, #tpu.memory_space<vmem>>, vector<1x16xf32>,
      %get3A_640 = vector.shape_cast %get3A_639 : vector<1x16xf32> to vector<16xf32>
      %get3A_641 = arith.index_cast %scan3A_582 : i32 to index
      %get3A_642 = arith.constant 64 : index
      %get3A_643 = tpu.vector_load %arg14[%get3A_641, %get3A_642] {strides = array<i32>} : memref<64x256xf32, #tpu.memory_space<vmem>>, vector<1x16xf32>,
      %get3A_644 = vector.shape_cast %get3A_643 : vector<1x16xf32> to vector<16xf32>
      %mul3A_645 = arith.mulf %get3A_640, %get3A_644 : vector<16xf32>
      %swap3A_646 = arith.index_cast %scan3A_582 : i32 to index
      %swap3A_647 = arith.constant 64 : index
      %swap3A_648 = tpu.vector_load %arg13[%swap3A_646, %swap3A_647] {strides = array<i32>} : memref<64x256xf32, #tpu.memory_space<vmem>>, vector<1x16xf32>,
      %swap3A_649 = vector.shape_cast %swap3A_648 : vector<1x16xf32> to vector<16xf32>
      %swap3A_650 = vector.shape_cast %mul3A_645 : vector<16xf32> to vector<1x16xf32>
      tpu.vector_store %arg13[%swap3A_646, %swap3A_647], %swap3A_650 {strides = array<i32>} : memref<64x256xf32, #tpu.memory_space<vmem>>, vector<1x16xf32>,
      %get3A_651 = arith.index_cast %scan3A_582 : i32 to index
      %get3A_652 = arith.constant 80 : index
      %get3A_653 = tpu.vector_load %arg13[%get3A_651, %get3A_652] {strides = array<i32>} : memref<64x256xf32, #tpu.memory_space<vmem>>, vector<1x16xf32>,
      %get3A_654 = vector.shape_cast %get3A_653 : vector<1x16xf32> to vector<16xf32>
      %get3A_655 = arith.index_cast %scan3A_582 : i32 to index
      %get3A_656 = arith.constant 80 : index
      %get3A_657 = tpu.vector_load %arg14[%get3A_655, %get3A_656] {strides = array<i32>} : memref<64x256xf32, #tpu.memory_space<vmem>>, vector<1x16xf32>,
      %get3A_658 = vector.shape_cast %get3A_657 : vector<1x16xf32> to vector<16xf32>
      %mul3A_659 = arith.mulf %get3A_654, %get3A_658 : vector<16xf32>
      %swap3A_660 = arith.index_cast %scan3A_582 : i32 to index
      %swap3A_661 = arith.constant 80 : index
      %swap3A_662 = tpu.vector_load %arg13[%swap3A_660, %swap3A_661] {strides = array<i32>} : memref<64x256xf32, #tpu.memory_space<vmem>>, vector<1x16xf32>,
      %swap3A_663 = vector.shape_cast %swap3A_662 : vector<1x16xf32> to vector<16xf32>
      %swap3A_664 = vector.shape_cast %mul3A_659 : vector<16xf32> to vector<1x16xf32>
      tpu.vector_store %arg13[%swap3A_660, %swap3A_661], %swap3A_664 {strides = array<i32>} : memref<64x256xf32, #tpu.memory_space<vmem>>, vector<1x16xf32>,
      %get3A_665 = arith.index_cast %scan3A_582 : i32 to index
      %get3A_666 = arith.constant 96 : index
      %get3A_667 = tpu.vector_load %arg13[%get3A_665, %get3A_666] {strides = array<i32>} : memref<64x256xf32, #tpu.memory_space<vmem>>, vector<1x16xf32>,
      %get3A_668 = vector.shape_cast %get3A_667 : vector<1x16xf32> to vector<16xf32>
      %get3A_669 = arith.index_cast %scan3A_582 : i32 to index
      %get3A_670 = arith.constant 96 : index
      %get3A_671 = tpu.vector_load %arg14[%get3A_669, %get3A_670] {strides = array<i32>} : memref<64x256xf32, #tpu.memory_space<vmem>>, vector<1x16xf32>,
      %get3A_672 = vector.shape_cast %get3A_671 : vector<1x16xf32> to vector<16xf32>
      %mul3A_673 = arith.mulf %get3A_668, %get3A_672 : vector<16xf32>
      %swap3A_674 = arith.index_cast %scan3A_582 : i32 to index
      %swap3A_675 = arith.constant 96 : index
      %swap3A_676 = tpu.vector_load %arg13[%swap3A_674, %swap3A_675] {strides = array<i32>} : memref<64x256xf32, #tpu.memory_space<vmem>>, vector<1x16xf32>,
      %swap3A_677 = vector.shape_cast %swap3A_676 : vector<1x16xf32> to vector<16xf32>
      %swap3A_678 = vector.shape_cast %mul3A_673 : vector<16xf32> to vector<1x16xf32>
      tpu.vector_store %arg13[%swap3A_674, %swap3A_675], %swap3A_678 {strides = array<i32>} : memref<64x256xf32, #tpu.memory_space<vmem>>, vector<1x16xf32>,
      %get3A_679 = arith.index_cast %scan3A_582 : i32 to index
      %get3A_680 = arith.constant 112 : index
      %get3A_681 = tpu.vector_load %arg13[%get3A_679, %get3A_680] {strides = array<i32>} : memref<64x256xf32, #tpu.memory_space<vmem>>, vector<1x16xf32>,
      %get3A_682 = vector.shape_cast %get3A_681 : vector<1x16xf32> to vector<16xf32>
      %get3A_683 = arith.index_cast %scan3A_582 : i32 to index
      %get3A_684 = arith.constant 112 : index
      %get3A_685 = tpu.vector_load %arg14[%get3A_683, %get3A_684] {strides = array<i32>} : memref<64x256xf32, #tpu.memory_space<vmem>>, vector<1x16xf32>,
      %get3A_686 = vector.shape_cast %get3A_685 : vector<1x16xf32> to vector<16xf32>
      %mul3A_687 = arith.mulf %get3A_682, %get3A_686 : vector<16xf32>
      %swap3A_688 = arith.index_cast %scan3A_582 : i32 to index
      %swap3A_689 = arith.constant 112 : index
      %swap3A_690 = tpu.vector_load %arg13[%swap3A_688, %swap3A_689] {strides = array<i32>} : memref<64x256xf32, #tpu.memory_space<vmem>>, vector<1x16xf32>,
      %swap3A_691 = vector.shape_cast %swap3A_690 : vector<1x16xf32> to vector<16xf32>
      %swap3A_692 = vector.shape_cast %mul3A_687 : vector<16xf32> to vector<1x16xf32>
      tpu.vector_store %arg13[%swap3A_688, %swap3A_689], %swap3A_692 {strides = array<i32>} : memref<64x256xf32, #tpu.memory_space<vmem>>, vector<1x16xf32>,
      %get3A_693 = arith.index_cast %scan3A_582 : i32 to index
      %get3A_694 = arith.constant 128 : index
      %get3A_695 = tpu.vector_load %arg13[%get3A_693, %get3A_694] {strides = array<i32>} : memref<64x256xf32, #tpu.memory_space<vmem>>, vector<1x16xf32>,
      %get3A_696 = vector.shape_cast %get3A_695 : vector<1x16xf32> to vector<16xf32>
      %get3A_697 = arith.index_cast %scan3A_582 : i32 to index
      %get3A_698 = arith.constant 128 : index
      %get3A_699 = tpu.vector_load %arg14[%get3A_697, %get3A_698] {strides = array<i32>} : memref<64x256xf32, #tpu.memory_space<vmem>>, vector<1x16xf32>,
      %get3A_700 = vector.shape_cast %get3A_699 : vector<1x16xf32> to vector<16xf32>
      %mul3A_701 = arith.mulf %get3A_696, %get3A_700 : vector<16xf32>
      %swap3A_702 = arith.index_cast %scan3A_582 : i32 to index
      %swap3A_703 = arith.constant 128 : index
      %swap3A_704 = tpu.vector_load %arg13[%swap3A_702, %swap3A_703] {strides = array<i32>} : memref<64x256xf32, #tpu.memory_space<vmem>>, vector<1x16xf32>,
      %swap3A_705 = vector.shape_cast %swap3A_704 : vector<1x16xf32> to vector<16xf32>
      %swap3A_706 = vector.shape_cast %mul3A_701 : vector<16xf32> to vector<1x16xf32>
      tpu.vector_store %arg13[%swap3A_702, %swap3A_703], %swap3A_706 {strides = array<i32>} : memref<64x256xf32, #tpu.memory_space<vmem>>, vector<1x16xf32>,
      %get3A_707 = arith.index_cast %scan3A_582 : i32 to index
      %get3A_708 = arith.constant 144 : index
      %get3A_709 = tpu.vector_load %arg13[%get3A_707, %get3A_708] {strides = array<i32>} : memref<64x256xf32, #tpu.memory_space<vmem>>, vector<1x16xf32>,
      %get3A_710 = vector.shape_cast %get3A_709 : vector<1x16xf32> to vector<16xf32>
      %get3A_711 = arith.index_cast %scan3A_582 : i32 to index
      %get3A_712 = arith.constant 144 : index
      %get3A_713 = tpu.vector_load %arg14[%get3A_711, %get3A_712] {strides = array<i32>} : memref<64x256xf32, #tpu.memory_space<vmem>>, vector<1x16xf32>,
      %get3A_714 = vector.shape_cast %get3A_713 : vector<1x16xf32> to vector<16xf32>
      %mul3A_715 = arith.mulf %get3A_710, %get3A_714 : vector<16xf32>
      %swap3A_716 = arith.index_cast %scan3A_582 : i32 to index
      %swap3A_717 = arith.constant 144 : index
      %swap3A_718 = tpu.vector_load %arg13[%swap3A_716, %swap3A_717] {strides = array<i32>} : memref<64x256xf32, #tpu.memory_space<vmem>>, vector<1x16xf32>,
      %swap3A_719 = vector.shape_cast %swap3A_718 : vector<1x16xf32> to vector<16xf32>
      %swap3A_720 = vector.shape_cast %mul3A_715 : vector<16xf32> to vector<1x16xf32>
      tpu.vector_store %arg13[%swap3A_716, %swap3A_717], %swap3A_720 {strides = array<i32>} : memref<64x256xf32, #tpu.memory_space<vmem>>, vector<1x16xf32>,
      %get3A_721 = arith.index_cast %scan3A_582 : i32 to index
      %get3A_722 = arith.constant 160 : index
      %get3A_723 = tpu.vector_load %arg13[%get3A_721, %get3A_722] {strides = array<i32>} : memref<64x256xf32, #tpu.memory_space<vmem>>, vector<1x16xf32>,
      %get3A_724 = vector.shape_cast %get3A_723 : vector<1x16xf32> to vector<16xf32>
      %get3A_725 = arith.index_cast %scan3A_582 : i32 to index
      %get3A_726 = arith.constant 160 : index
      %get3A_727 = tpu.vector_load %arg14[%get3A_725, %get3A_726] {strides = array<i32>} : memref<64x256xf32, #tpu.memory_space<vmem>>, vector<1x16xf32>,
      %get3A_728 = vector.shape_cast %get3A_727 : vector<1x16xf32> to vector<16xf32>
      %mul3A_729 = arith.mulf %get3A_724, %get3A_728 : vector<16xf32>
      %swap3A_730 = arith.index_cast %scan3A_582 : i32 to index
      %swap3A_731 = arith.constant 160 : index
      %swap3A_732 = tpu.vector_load %arg13[%swap3A_730, %swap3A_731] {strides = array<i32>} : memref<64x256xf32, #tpu.memory_space<vmem>>, vector<1x16xf32>,
      %swap3A_733 = vector.shape_cast %swap3A_732 : vector<1x16xf32> to vector<16xf32>
      %swap3A_734 = vector.shape_cast %mul3A_729 : vector<16xf32> to vector<1x16xf32>
      tpu.vector_store %arg13[%swap3A_730, %swap3A_731], %swap3A_734 {strides = array<i32>} : memref<64x256xf32, #tpu.memory_space<vmem>>, vector<1x16xf32>,
      %get3A_735 = arith.index_cast %scan3A_582 : i32 to index
      %get3A_736 = arith.constant 176 : index
      %get3A_737 = tpu.vector_load %arg13[%get3A_735, %get3A_736] {strides = array<i32>} : memref<64x256xf32, #tpu.memory_space<vmem>>, vector<1x16xf32>,
      %get3A_738 = vector.shape_cast %get3A_737 : vector<1x16xf32> to vector<16xf32>
      %get3A_739 = arith.index_cast %scan3A_582 : i32 to index
      %get3A_740 = arith.constant 176 : index
      %get3A_741 = tpu.vector_load %arg14[%get3A_739, %get3A_740] {strides = array<i32>} : memref<64x256xf32, #tpu.memory_space<vmem>>, vector<1x16xf32>,
      %get3A_742 = vector.shape_cast %get3A_741 : vector<1x16xf32> to vector<16xf32>
      %mul3A_743 = arith.mulf %get3A_738, %get3A_742 : vector<16xf32>
      %swap3A_744 = arith.index_cast %scan3A_582 : i32 to index
      %swap3A_745 = arith.constant 176 : index
      %swap3A_746 = tpu.vector_load %arg13[%swap3A_744, %swap3A_745] {strides = array<i32>} : memref<64x256xf32, #tpu.memory_space<vmem>>, vector<1x16xf32>,
      %swap3A_747 = vector.shape_cast %swap3A_746 : vector<1x16xf32> to vector<16xf32>
      %swap3A_748 = vector.shape_cast %mul3A_743 : vector<16xf32> to vector<1x16xf32>
      tpu.vector_store %arg13[%swap3A_744, %swap3A_745], %swap3A_748 {strides = array<i32>} : memref<64x256xf32, #tpu.memory_space<vmem>>, vector<1x16xf32>,
      %get3A_749 = arith.index_cast %scan3A_582 : i32 to index
      %get3A_750 = arith.constant 192 : index
      %get3A_751 = tpu.vector_load %arg13[%get3A_749, %get3A_750] {strides = array<i32>} : memref<64x256xf32, #tpu.memory_space<vmem>>, vector<1x16xf32>,
      %get3A_752 = vector.shape_cast %get3A_751 : vector<1x16xf32> to vector<16xf32>
      %get3A_753 = arith.index_cast %scan3A_582 : i32 to index
      %get3A_754 = arith.constant 192 : index
      %get3A_755 = tpu.vector_load %arg14[%get3A_753, %get3A_754] {strides = array<i32>} : memref<64x256xf32, #tpu.memory_space<vmem>>, vector<1x16xf32>,
      %get3A_756 = vector.shape_cast %get3A_755 : vector<1x16xf32> to vector<16xf32>
      %mul3A_757 = arith.mulf %get3A_752, %get3A_756 : vector<16xf32>
      %swap3A_758 = arith.index_cast %scan3A_582 : i32 to index
      %swap3A_759 = arith.constant 192 : index
      %swap3A_760 = tpu.vector_load %arg13[%swap3A_758, %swap3A_759] {strides = array<i32>} : memref<64x256xf32, #tpu.memory_space<vmem>>, vector<1x16xf32>,
      %swap3A_761 = vector.shape_cast %swap3A_760 : vector<1x16xf32> to vector<16xf32>
      %swap3A_762 = vector.shape_cast %mul3A_757 : vector<16xf32> to vector<1x16xf32>
      tpu.vector_store %arg13[%swap3A_758, %swap3A_759], %swap3A_762 {strides = array<i32>} : memref<64x256xf32, #tpu.memory_space<vmem>>, vector<1x16xf32>,
      %get3A_763 = arith.index_cast %scan3A_582 : i32 to index
      %get3A_764 = arith.constant 208 : index
      %get3A_765 = tpu.vector_load %arg13[%get3A_763, %get3A_764] {strides = array<i32>} : memref<64x256xf32, #tpu.memory_space<vmem>>, vector<1x16xf32>,
      %get3A_766 = vector.shape_cast %get3A_765 : vector<1x16xf32> to vector<16xf32>
      %get3A_767 = arith.index_cast %scan3A_582 : i32 to index
      %get3A_768 = arith.constant 208 : index
      %get3A_769 = tpu.vector_load %arg14[%get3A_767, %get3A_768] {strides = array<i32>} : memref<64x256xf32, #tpu.memory_space<vmem>>, vector<1x16xf32>,
      %get3A_770 = vector.shape_cast %get3A_769 : vector<1x16xf32> to vector<16xf32>
      %mul3A_771 = arith.mulf %get3A_766, %get3A_770 : vector<16xf32>
      %swap3A_772 = arith.index_cast %scan3A_582 : i32 to index
      %swap3A_773 = arith.constant 208 : index
      %swap3A_774 = tpu.vector_load %arg13[%swap3A_772, %swap3A_773] {strides = array<i32>} : memref<64x256xf32, #tpu.memory_space<vmem>>, vector<1x16xf32>,
      %swap3A_775 = vector.shape_cast %swap3A_774 : vector<1x16xf32> to vector<16xf32>
      %swap3A_776 = vector.shape_cast %mul3A_771 : vector<16xf32> to vector<1x16xf32>
      tpu.vector_store %arg13[%swap3A_772, %swap3A_773], %swap3A_776 {strides = array<i32>} : memref<64x256xf32, #tpu.memory_space<vmem>>, vector<1x16xf32>,
      %get3A_777 = arith.index_cast %scan3A_582 : i32 to index
      %get3A_778 = arith.constant 224 : index
      %get3A_779 = tpu.vector_load %arg13[%get3A_777, %get3A_778] {strides = array<i32>} : memref<64x256xf32, #tpu.memory_space<vmem>>, vector<1x16xf32>,
      %get3A_780 = vector.shape_cast %get3A_779 : vector<1x16xf32> to vector<16xf32>
      %get3A_781 = arith.index_cast %scan3A_582 : i32 to index
      %get3A_782 = arith.constant 224 : index
      %get3A_783 = tpu.vector_load %arg14[%get3A_781, %get3A_782] {strides = array<i32>} : memref<64x256xf32, #tpu.memory_space<vmem>>, vector<1x16xf32>,
      %get3A_784 = vector.shape_cast %get3A_783 : vector<1x16xf32> to vector<16xf32>
      %mul3A_785 = arith.mulf %get3A_780, %get3A_784 : vector<16xf32>
      %swap3A_786 = arith.index_cast %scan3A_582 : i32 to index
      %swap3A_787 = arith.constant 224 : index
      %swap3A_788 = tpu.vector_load %arg13[%swap3A_786, %swap3A_787] {strides = array<i32>} : memref<64x256xf32, #tpu.memory_space<vmem>>, vector<1x16xf32>,
      %swap3A_789 = vector.shape_cast %swap3A_788 : vector<1x16xf32> to vector<16xf32>
      %swap3A_790 = vector.shape_cast %mul3A_785 : vector<16xf32> to vector<1x16xf32>
      tpu.vector_store %arg13[%swap3A_786, %swap3A_787], %swap3A_790 {strides = array<i32>} : memref<64x256xf32, #tpu.memory_space<vmem>>, vector<1x16xf32>,
      %get3A_791 = arith.index_cast %scan3A_582 : i32 to index
      %get3A_792 = arith.constant 240 : index
      %get3A_793 = tpu.vector_load %arg13[%get3A_791, %get3A_792] {strides = array<i32>} : memref<64x256xf32, #tpu.memory_space<vmem>>, vector<1x16xf32>,
      %get3A_794 = vector.shape_cast %get3A_793 : vector<1x16xf32> to vector<16xf32>
      %get3A_795 = arith.index_cast %scan3A_582 : i32 to index
      %get3A_796 = arith.constant 240 : index
      %get3A_797 = tpu.vector_load %arg14[%get3A_795, %get3A_796] {strides = array<i32>} : memref<64x256xf32, #tpu.memory_space<vmem>>, vector<1x16xf32>,
      %get3A_798 = vector.shape_cast %get3A_797 : vector<1x16xf32> to vector<16xf32>
      %mul3A_799 = arith.mulf %get3A_794, %get3A_798 : vector<16xf32>
      %swap3A_800 = arith.index_cast %scan3A_582 : i32 to index
      %swap3A_801 = arith.constant 240 : index
      %swap3A_802 = tpu.vector_load %arg13[%swap3A_800, %swap3A_801] {strides = array<i32>} : memref<64x256xf32, #tpu.memory_space<vmem>>, vector<1x16xf32>,
      %swap3A_803 = vector.shape_cast %swap3A_802 : vector<1x16xf32> to vector<16xf32>
      %swap3A_804 = vector.shape_cast %mul3A_799 : vector<16xf32> to vector<1x16xf32>
      tpu.vector_store %arg13[%swap3A_800, %swap3A_801], %swap3A_804 {strides = array<i32>} : memref<64x256xf32, #tpu.memory_space<vmem>>, vector<1x16xf32>,
    }
    %scan3A_389 = arith.constant 64 : i32
    %add3A_390 = arith.constant 64 : i32
    %add3A_391 = arith.addi %mul3A_2, %add3A_390 : i32
    "tpu.region"() ({
      %run_scoped3A = tpu.sem_alloc : memref<!tpu.dma_semaphore, #tpu.memory_space<semaphore_mem>>
      %dma_start3A_582 = arith.constant 0 : i32
      %dma_start3A_583 = tpu.memref_slice %arg5[%add3A_391, %dma_start3A_582] : memref<16384x256xf32, #tpu.memory_space<hbm>> -> memref<64x256xf32, #tpu.memory_space<hbm>>
      %dma_start3A_584 = arith.constant 0 : i32
      %dma_start3A_585 = tpu.memref_slice %arg5[%add3A_391, %dma_start3A_584] : memref<16384x256xf32, #tpu.memory_space<hbm>> -> memref<64x256xf32, #tpu.memory_space<hbm>>
      tpu.enqueue_dma source(%arg13 : memref<64x256xf32, #tpu.memory_space<vmem>>) target(%dma_start3A_585 : memref<64x256xf32, #tpu.memory_space<hbm>>) target_semaphore(%run_scoped3A : memref<!tpu.dma_semaphore, #tpu.memory_space<semaphore_mem>>)
      %dma_wait3A_586 = arith.constant 0 : i32
      %dma_wait3A_587 = tpu.memref_slice %arg5[%add3A_391, %dma_wait3A_586] : memref<16384x256xf32, #tpu.memory_space<hbm>> -> memref<64x256xf32, #tpu.memory_space<hbm>>
      %dma_wait3A_588 = arith.constant 0 : i32
      %dma_wait3A_589 = tpu.memref_slice %arg5[%add3A_391, %dma_wait3A_588] : memref<16384x256xf32, #tpu.memory_space<hbm>> -> memref<64x256xf32, #tpu.memory_space<hbm>>
      tpu.wait_dma2 semaphore(%run_scoped3A : memref<!tpu.dma_semaphore, #tpu.memory_space<semaphore_mem>>) src(%arg13 : memref<64x256xf32, #tpu.memory_space<vmem>>) dst(%dma_wait3A_589 : memref<64x256xf32, #tpu.memory_space<hbm>>)
      tpu.yield
    }) : () -> ()
    %dma_wait3A_392 = arith.constant 0 : i32
    %dma_wait3A_393 = arith.constant 0 : i32
    %dma_wait3A_394 = tpu.memref_slice %arg2[%dma_wait3A_392, %dma_wait3A_393] : memref<10000x256xf32, #tpu.memory_space<hbm>> -> memref<64x256xf32, #tpu.memory_space<hbm>>
    %dma_wait3A_395 = arith.constant 0 : i32
    %dma_wait3A_396 = arith.constant 0 : i32
    %dma_wait3A_397 = tpu.memref_slice %arg2[%dma_wait3A_395, %dma_wait3A_396] : memref<10000x256xf32, #tpu.memory_space<hbm>> -> memref<64x256xf32, #tpu.memory_space<hbm>>
    tpu.wait_dma2 semaphore(%arg15 : memref<!tpu.dma_semaphore, #tpu.memory_space<semaphore_mem>>) src(%dma_wait3A_397 : memref<64x256xf32, #tpu.memory_space<hbm>>) dst(%arg11 : memref<64x256xf32, #tpu.memory_space<vmem>>)
    %dma_wait3A_398 = arith.constant 0 : i32
    %dma_wait3A_399 = arith.constant 0 : i32
    %dma_wait3A_400 = tpu.memref_slice %arg2[%dma_wait3A_398, %dma_wait3A_399] : memref<10000x256xf32, #tpu.memory_space<hbm>> -> memref<64x256xf32, #tpu.memory_space<hbm>>
    %dma_wait3A_401 = arith.constant 0 : i32
    %dma_wait3A_402 = arith.constant 0 : i32
    %dma_wait3A_403 = tpu.memref_slice %arg2[%dma_wait3A_401, %dma_wait3A_402] : memref<10000x256xf32, #tpu.memory_space<hbm>> -> memref<64x256xf32, #tpu.memory_space<hbm>>
    tpu.wait_dma2 semaphore(%arg16 : memref<!tpu.dma_semaphore, #tpu.memory_space<semaphore_mem>>) src(%dma_wait3A_403 : memref<64x256xf32, #tpu.memory_space<hbm>>) dst(%arg12 : memref<64x256xf32, #tpu.memory_space<vmem>>)
    %dma_start3A_404 = arith.constant 3 : i32
    %dma_start3A_405 = arith.constant 0 : i32
    %dma_start3A_406 = tpu.memref_slice %arg9[%dma_start3A_404, %dma_start3A_405] : memref<8x64xi32, #tpu.memory_space<vmem>> -> memref<1x64xi32, #tpu.memory_space<vmem>>
    %dma_start3A_407 = tpu.memref_squeeze %dma_start3A_406 : memref<1x64xi32, #tpu.memory_space<vmem>> -> memref<64xi32, #tpu.memory_space<vmem>>
    %dma_start3A_408 = arith.constant 0 : i32
    %dma_start3A_409 = arith.constant 0 : i32
    %dma_start3A_410 = tpu.memref_slice %arg2[%dma_start3A_408, %dma_start3A_409] : memref<10000x256xf32, #tpu.memory_space<hbm>> -> memref<10000x256xf32, #tpu.memory_space<hbm>>
    tpu.enqueue_indirect_dma source(%dma_start3A_410 : memref<10000x256xf32, #tpu.memory_space<hbm>>) target(%arg13 : memref<64x256xf32, #tpu.memory_space<vmem>>) offsets(%dma_start3A_407 : memref<64xi32, #tpu.memory_space<vmem>>) semaphore(%arg15 : memref<!tpu.dma_semaphore, #tpu.memory_space<semaphore_mem>>)
    %dma_start3A_411 = arith.constant 3 : i32
    %dma_start3A_412 = arith.constant 0 : i32
    %dma_start3A_413 = tpu.memref_slice %arg10[%dma_start3A_411, %dma_start3A_412] : memref<8x64xi32, #tpu.memory_space<vmem>> -> memref<1x64xi32, #tpu.memory_space<vmem>>
    %dma_start3A_414 = tpu.memref_squeeze %dma_start3A_413 : memref<1x64xi32, #tpu.memory_space<vmem>> -> memref<64xi32, #tpu.memory_space<vmem>>
    %dma_start3A_415 = arith.constant 0 : i32
    %dma_start3A_416 = arith.constant 0 : i32
    %dma_start3A_417 = tpu.memref_slice %arg2[%dma_start3A_415, %dma_start3A_416] : memref<10000x256xf32, #tpu.memory_space<hbm>> -> memref<10000x256xf32, #tpu.memory_space<hbm>>
    tpu.enqueue_indirect_dma source(%dma_start3A_417 : memref<10000x256xf32, #tpu.memory_space<hbm>>) target(%arg14 : memref<64x256xf32, #tpu.memory_space<vmem>>) offsets(%dma_start3A_414 : memref<64xi32, #tpu.memory_space<vmem>>) semaphore(%arg16 : memref<!tpu.dma_semaphore, #tpu.memory_space<semaphore_mem>>)
    %scan3A_418 = arith.constant 0 : i32
    %scan3A_419 = arith.constant 0 : i32
    %scan3A_420 = arith.constant 64 : i32
    %scan3A_421 = arith.addi %scan3A_419, %scan3A_420 : i32
    %scan3A_422 = arith.constant 1 : i32
    scf.for %scan3A_582 = %scan3A_419 to %scan3A_421 step %scan3A_422  : i32 {
      %get3A = arith.index_cast %scan3A_582 : i32 to index
      %get3A_583 = arith.constant 0 : index
      %get3A_584 = tpu.vector_load %arg11[%get3A, %get3A_583] {strides = array<i32>} : memref<64x256xf32, #tpu.memory_space<vmem>>, vector<1x16xf32>,
      %get3A_585 = vector.shape_cast %get3A_584 : vector<1x16xf32> to vector<16xf32>
      %get3A_586 = arith.index_cast %scan3A_582 : i32 to index
      %get3A_587 = arith.constant 0 : index
      %get3A_588 = tpu.vector_load %arg12[%get3A_586, %get3A_587] {strides = array<i32>} : memref<64x256xf32, #tpu.memory_space<vmem>>, vector<1x16xf32>,
      %get3A_589 = vector.shape_cast %get3A_588 : vector<1x16xf32> to vector<16xf32>
      %mul3A_590 = arith.mulf %get3A_585, %get3A_589 : vector<16xf32>
      %swap3A = arith.index_cast %scan3A_582 : i32 to index
      %swap3A_591 = arith.constant 0 : index
      %swap3A_592 = tpu.vector_load %arg11[%swap3A, %swap3A_591] {strides = array<i32>} : memref<64x256xf32, #tpu.memory_space<vmem>>, vector<1x16xf32>,
      %swap3A_593 = vector.shape_cast %swap3A_592 : vector<1x16xf32> to vector<16xf32>
      %swap3A_594 = vector.shape_cast %mul3A_590 : vector<16xf32> to vector<1x16xf32>
      tpu.vector_store %arg11[%swap3A, %swap3A_591], %swap3A_594 {strides = array<i32>} : memref<64x256xf32, #tpu.memory_space<vmem>>, vector<1x16xf32>,
      %get3A_595 = arith.index_cast %scan3A_582 : i32 to index
      %get3A_596 = arith.constant 16 : index
      %get3A_597 = tpu.vector_load %arg11[%get3A_595, %get3A_596] {strides = array<i32>} : memref<64x256xf32, #tpu.memory_space<vmem>>, vector<1x16xf32>,
      %get3A_598 = vector.shape_cast %get3A_597 : vector<1x16xf32> to vector<16xf32>
      %get3A_599 = arith.index_cast %scan3A_582 : i32 to index
      %get3A_600 = arith.constant 16 : index
      %get3A_601 = tpu.vector_load %arg12[%get3A_599, %get3A_600] {strides = array<i32>} : memref<64x256xf32, #tpu.memory_space<vmem>>, vector<1x16xf32>,
      %get3A_602 = vector.shape_cast %get3A_601 : vector<1x16xf32> to vector<16xf32>
      %mul3A_603 = arith.mulf %get3A_598, %get3A_602 : vector<16xf32>
      %swap3A_604 = arith.index_cast %scan3A_582 : i32 to index
      %swap3A_605 = arith.constant 16 : index
      %swap3A_606 = tpu.vector_load %arg11[%swap3A_604, %swap3A_605] {strides = array<i32>} : memref<64x256xf32, #tpu.memory_space<vmem>>, vector<1x16xf32>,
      %swap3A_607 = vector.shape_cast %swap3A_606 : vector<1x16xf32> to vector<16xf32>
      %swap3A_608 = vector.shape_cast %mul3A_603 : vector<16xf32> to vector<1x16xf32>
      tpu.vector_store %arg11[%swap3A_604, %swap3A_605], %swap3A_608 {strides = array<i32>} : memref<64x256xf32, #tpu.memory_space<vmem>>, vector<1x16xf32>,
      %get3A_609 = arith.index_cast %scan3A_582 : i32 to index
      %get3A_610 = arith.constant 32 : index
      %get3A_611 = tpu.vector_load %arg11[%get3A_609, %get3A_610] {strides = array<i32>} : memref<64x256xf32, #tpu.memory_space<vmem>>, vector<1x16xf32>,
      %get3A_612 = vector.shape_cast %get3A_611 : vector<1x16xf32> to vector<16xf32>
      %get3A_613 = arith.index_cast %scan3A_582 : i32 to index
      %get3A_614 = arith.constant 32 : index
      %get3A_615 = tpu.vector_load %arg12[%get3A_613, %get3A_614] {strides = array<i32>} : memref<64x256xf32, #tpu.memory_space<vmem>>, vector<1x16xf32>,
      %get3A_616 = vector.shape_cast %get3A_615 : vector<1x16xf32> to vector<16xf32>
      %mul3A_617 = arith.mulf %get3A_612, %get3A_616 : vector<16xf32>
      %swap3A_618 = arith.index_cast %scan3A_582 : i32 to index
      %swap3A_619 = arith.constant 32 : index
      %swap3A_620 = tpu.vector_load %arg11[%swap3A_618, %swap3A_619] {strides = array<i32>} : memref<64x256xf32, #tpu.memory_space<vmem>>, vector<1x16xf32>,
      %swap3A_621 = vector.shape_cast %swap3A_620 : vector<1x16xf32> to vector<16xf32>
      %swap3A_622 = vector.shape_cast %mul3A_617 : vector<16xf32> to vector<1x16xf32>
      tpu.vector_store %arg11[%swap3A_618, %swap3A_619], %swap3A_622 {strides = array<i32>} : memref<64x256xf32, #tpu.memory_space<vmem>>, vector<1x16xf32>,
      %get3A_623 = arith.index_cast %scan3A_582 : i32 to index
      %get3A_624 = arith.constant 48 : index
      %get3A_625 = tpu.vector_load %arg11[%get3A_623, %get3A_624] {strides = array<i32>} : memref<64x256xf32, #tpu.memory_space<vmem>>, vector<1x16xf32>,
      %get3A_626 = vector.shape_cast %get3A_625 : vector<1x16xf32> to vector<16xf32>
      %get3A_627 = arith.index_cast %scan3A_582 : i32 to index
      %get3A_628 = arith.constant 48 : index
      %get3A_629 = tpu.vector_load %arg12[%get3A_627, %get3A_628] {strides = array<i32>} : memref<64x256xf32, #tpu.memory_space<vmem>>, vector<1x16xf32>,
      %get3A_630 = vector.shape_cast %get3A_629 : vector<1x16xf32> to vector<16xf32>
      %mul3A_631 = arith.mulf %get3A_626, %get3A_630 : vector<16xf32>
      %swap3A_632 = arith.index_cast %scan3A_582 : i32 to index
      %swap3A_633 = arith.constant 48 : index
      %swap3A_634 = tpu.vector_load %arg11[%swap3A_632, %swap3A_633] {strides = array<i32>} : memref<64x256xf32, #tpu.memory_space<vmem>>, vector<1x16xf32>,
      %swap3A_635 = vector.shape_cast %swap3A_634 : vector<1x16xf32> to vector<16xf32>
      %swap3A_636 = vector.shape_cast %mul3A_631 : vector<16xf32> to vector<1x16xf32>
      tpu.vector_store %arg11[%swap3A_632, %swap3A_633], %swap3A_636 {strides = array<i32>} : memref<64x256xf32, #tpu.memory_space<vmem>>, vector<1x16xf32>,
      %get3A_637 = arith.index_cast %scan3A_582 : i32 to index
      %get3A_638 = arith.constant 64 : index
      %get3A_639 = tpu.vector_load %arg11[%get3A_637, %get3A_638] {strides = array<i32>} : memref<64x256xf32, #tpu.memory_space<vmem>>, vector<1x16xf32>,
      %get3A_640 = vector.shape_cast %get3A_639 : vector<1x16xf32> to vector<16xf32>
      %get3A_641 = arith.index_cast %scan3A_582 : i32 to index
      %get3A_642 = arith.constant 64 : index
      %get3A_643 = tpu.vector_load %arg12[%get3A_641, %get3A_642] {strides = array<i32>} : memref<64x256xf32, #tpu.memory_space<vmem>>, vector<1x16xf32>,
      %get3A_644 = vector.shape_cast %get3A_643 : vector<1x16xf32> to vector<16xf32>
      %mul3A_645 = arith.mulf %get3A_640, %get3A_644 : vector<16xf32>
      %swap3A_646 = arith.index_cast %scan3A_582 : i32 to index
      %swap3A_647 = arith.constant 64 : index
      %swap3A_648 = tpu.vector_load %arg11[%swap3A_646, %swap3A_647] {strides = array<i32>} : memref<64x256xf32, #tpu.memory_space<vmem>>, vector<1x16xf32>,
      %swap3A_649 = vector.shape_cast %swap3A_648 : vector<1x16xf32> to vector<16xf32>
      %swap3A_650 = vector.shape_cast %mul3A_645 : vector<16xf32> to vector<1x16xf32>
      tpu.vector_store %arg11[%swap3A_646, %swap3A_647], %swap3A_650 {strides = array<i32>} : memref<64x256xf32, #tpu.memory_space<vmem>>, vector<1x16xf32>,
      %get3A_651 = arith.index_cast %scan3A_582 : i32 to index
      %get3A_652 = arith.constant 80 : index
      %get3A_653 = tpu.vector_load %arg11[%get3A_651, %get3A_652] {strides = array<i32>} : memref<64x256xf32, #tpu.memory_space<vmem>>, vector<1x16xf32>,
      %get3A_654 = vector.shape_cast %get3A_653 : vector<1x16xf32> to vector<16xf32>
      %get3A_655 = arith.index_cast %scan3A_582 : i32 to index
      %get3A_656 = arith.constant 80 : index
      %get3A_657 = tpu.vector_load %arg12[%get3A_655, %get3A_656] {strides = array<i32>} : memref<64x256xf32, #tpu.memory_space<vmem>>, vector<1x16xf32>,
      %get3A_658 = vector.shape_cast %get3A_657 : vector<1x16xf32> to vector<16xf32>
      %mul3A_659 = arith.mulf %get3A_654, %get3A_658 : vector<16xf32>
      %swap3A_660 = arith.index_cast %scan3A_582 : i32 to index
      %swap3A_661 = arith.constant 80 : index
      %swap3A_662 = tpu.vector_load %arg11[%swap3A_660, %swap3A_661] {strides = array<i32>} : memref<64x256xf32, #tpu.memory_space<vmem>>, vector<1x16xf32>,
      %swap3A_663 = vector.shape_cast %swap3A_662 : vector<1x16xf32> to vector<16xf32>
      %swap3A_664 = vector.shape_cast %mul3A_659 : vector<16xf32> to vector<1x16xf32>
      tpu.vector_store %arg11[%swap3A_660, %swap3A_661], %swap3A_664 {strides = array<i32>} : memref<64x256xf32, #tpu.memory_space<vmem>>, vector<1x16xf32>,
      %get3A_665 = arith.index_cast %scan3A_582 : i32 to index
      %get3A_666 = arith.constant 96 : index
      %get3A_667 = tpu.vector_load %arg11[%get3A_665, %get3A_666] {strides = array<i32>} : memref<64x256xf32, #tpu.memory_space<vmem>>, vector<1x16xf32>,
      %get3A_668 = vector.shape_cast %get3A_667 : vector<1x16xf32> to vector<16xf32>
      %get3A_669 = arith.index_cast %scan3A_582 : i32 to index
      %get3A_670 = arith.constant 96 : index
      %get3A_671 = tpu.vector_load %arg12[%get3A_669, %get3A_670] {strides = array<i32>} : memref<64x256xf32, #tpu.memory_space<vmem>>, vector<1x16xf32>,
      %get3A_672 = vector.shape_cast %get3A_671 : vector<1x16xf32> to vector<16xf32>
      %mul3A_673 = arith.mulf %get3A_668, %get3A_672 : vector<16xf32>
      %swap3A_674 = arith.index_cast %scan3A_582 : i32 to index
      %swap3A_675 = arith.constant 96 : index
      %swap3A_676 = tpu.vector_load %arg11[%swap3A_674, %swap3A_675] {strides = array<i32>} : memref<64x256xf32, #tpu.memory_space<vmem>>, vector<1x16xf32>,
      %swap3A_677 = vector.shape_cast %swap3A_676 : vector<1x16xf32> to vector<16xf32>
      %swap3A_678 = vector.shape_cast %mul3A_673 : vector<16xf32> to vector<1x16xf32>
      tpu.vector_store %arg11[%swap3A_674, %swap3A_675], %swap3A_678 {strides = array<i32>} : memref<64x256xf32, #tpu.memory_space<vmem>>, vector<1x16xf32>,
      %get3A_679 = arith.index_cast %scan3A_582 : i32 to index
      %get3A_680 = arith.constant 112 : index
      %get3A_681 = tpu.vector_load %arg11[%get3A_679, %get3A_680] {strides = array<i32>} : memref<64x256xf32, #tpu.memory_space<vmem>>, vector<1x16xf32>,
      %get3A_682 = vector.shape_cast %get3A_681 : vector<1x16xf32> to vector<16xf32>
      %get3A_683 = arith.index_cast %scan3A_582 : i32 to index
      %get3A_684 = arith.constant 112 : index
      %get3A_685 = tpu.vector_load %arg12[%get3A_683, %get3A_684] {strides = array<i32>} : memref<64x256xf32, #tpu.memory_space<vmem>>, vector<1x16xf32>,
      %get3A_686 = vector.shape_cast %get3A_685 : vector<1x16xf32> to vector<16xf32>
      %mul3A_687 = arith.mulf %get3A_682, %get3A_686 : vector<16xf32>
      %swap3A_688 = arith.index_cast %scan3A_582 : i32 to index
      %swap3A_689 = arith.constant 112 : index
      %swap3A_690 = tpu.vector_load %arg11[%swap3A_688, %swap3A_689] {strides = array<i32>} : memref<64x256xf32, #tpu.memory_space<vmem>>, vector<1x16xf32>,
      %swap3A_691 = vector.shape_cast %swap3A_690 : vector<1x16xf32> to vector<16xf32>
      %swap3A_692 = vector.shape_cast %mul3A_687 : vector<16xf32> to vector<1x16xf32>
      tpu.vector_store %arg11[%swap3A_688, %swap3A_689], %swap3A_692 {strides = array<i32>} : memref<64x256xf32, #tpu.memory_space<vmem>>, vector<1x16xf32>,
      %get3A_693 = arith.index_cast %scan3A_582 : i32 to index
      %get3A_694 = arith.constant 128 : index
      %get3A_695 = tpu.vector_load %arg11[%get3A_693, %get3A_694] {strides = array<i32>} : memref<64x256xf32, #tpu.memory_space<vmem>>, vector<1x16xf32>,
      %get3A_696 = vector.shape_cast %get3A_695 : vector<1x16xf32> to vector<16xf32>
      %get3A_697 = arith.index_cast %scan3A_582 : i32 to index
      %get3A_698 = arith.constant 128 : index
      %get3A_699 = tpu.vector_load %arg12[%get3A_697, %get3A_698] {strides = array<i32>} : memref<64x256xf32, #tpu.memory_space<vmem>>, vector<1x16xf32>,
      %get3A_700 = vector.shape_cast %get3A_699 : vector<1x16xf32> to vector<16xf32>
      %mul3A_701 = arith.mulf %get3A_696, %get3A_700 : vector<16xf32>
      %swap3A_702 = arith.index_cast %scan3A_582 : i32 to index
      %swap3A_703 = arith.constant 128 : index
      %swap3A_704 = tpu.vector_load %arg11[%swap3A_702, %swap3A_703] {strides = array<i32>} : memref<64x256xf32, #tpu.memory_space<vmem>>, vector<1x16xf32>,
      %swap3A_705 = vector.shape_cast %swap3A_704 : vector<1x16xf32> to vector<16xf32>
      %swap3A_706 = vector.shape_cast %mul3A_701 : vector<16xf32> to vector<1x16xf32>
      tpu.vector_store %arg11[%swap3A_702, %swap3A_703], %swap3A_706 {strides = array<i32>} : memref<64x256xf32, #tpu.memory_space<vmem>>, vector<1x16xf32>,
      %get3A_707 = arith.index_cast %scan3A_582 : i32 to index
      %get3A_708 = arith.constant 144 : index
      %get3A_709 = tpu.vector_load %arg11[%get3A_707, %get3A_708] {strides = array<i32>} : memref<64x256xf32, #tpu.memory_space<vmem>>, vector<1x16xf32>,
      %get3A_710 = vector.shape_cast %get3A_709 : vector<1x16xf32> to vector<16xf32>
      %get3A_711 = arith.index_cast %scan3A_582 : i32 to index
      %get3A_712 = arith.constant 144 : index
      %get3A_713 = tpu.vector_load %arg12[%get3A_711, %get3A_712] {strides = array<i32>} : memref<64x256xf32, #tpu.memory_space<vmem>>, vector<1x16xf32>,
      %get3A_714 = vector.shape_cast %get3A_713 : vector<1x16xf32> to vector<16xf32>
      %mul3A_715 = arith.mulf %get3A_710, %get3A_714 : vector<16xf32>
      %swap3A_716 = arith.index_cast %scan3A_582 : i32 to index
      %swap3A_717 = arith.constant 144 : index
      %swap3A_718 = tpu.vector_load %arg11[%swap3A_716, %swap3A_717] {strides = array<i32>} : memref<64x256xf32, #tpu.memory_space<vmem>>, vector<1x16xf32>,
      %swap3A_719 = vector.shape_cast %swap3A_718 : vector<1x16xf32> to vector<16xf32>
      %swap3A_720 = vector.shape_cast %mul3A_715 : vector<16xf32> to vector<1x16xf32>
      tpu.vector_store %arg11[%swap3A_716, %swap3A_717], %swap3A_720 {strides = array<i32>} : memref<64x256xf32, #tpu.memory_space<vmem>>, vector<1x16xf32>,
      %get3A_721 = arith.index_cast %scan3A_582 : i32 to index
      %get3A_722 = arith.constant 160 : index
      %get3A_723 = tpu.vector_load %arg11[%get3A_721, %get3A_722] {strides = array<i32>} : memref<64x256xf32, #tpu.memory_space<vmem>>, vector<1x16xf32>,
      %get3A_724 = vector.shape_cast %get3A_723 : vector<1x16xf32> to vector<16xf32>
      %get3A_725 = arith.index_cast %scan3A_582 : i32 to index
      %get3A_726 = arith.constant 160 : index
      %get3A_727 = tpu.vector_load %arg12[%get3A_725, %get3A_726] {strides = array<i32>} : memref<64x256xf32, #tpu.memory_space<vmem>>, vector<1x16xf32>,
      %get3A_728 = vector.shape_cast %get3A_727 : vector<1x16xf32> to vector<16xf32>
      %mul3A_729 = arith.mulf %get3A_724, %get3A_728 : vector<16xf32>
      %swap3A_730 = arith.index_cast %scan3A_582 : i32 to index
      %swap3A_731 = arith.constant 160 : index
      %swap3A_732 = tpu.vector_load %arg11[%swap3A_730, %swap3A_731] {strides = array<i32>} : memref<64x256xf32, #tpu.memory_space<vmem>>, vector<1x16xf32>,
      %swap3A_733 = vector.shape_cast %swap3A_732 : vector<1x16xf32> to vector<16xf32>
      %swap3A_734 = vector.shape_cast %mul3A_729 : vector<16xf32> to vector<1x16xf32>
      tpu.vector_store %arg11[%swap3A_730, %swap3A_731], %swap3A_734 {strides = array<i32>} : memref<64x256xf32, #tpu.memory_space<vmem>>, vector<1x16xf32>,
      %get3A_735 = arith.index_cast %scan3A_582 : i32 to index
      %get3A_736 = arith.constant 176 : index
      %get3A_737 = tpu.vector_load %arg11[%get3A_735, %get3A_736] {strides = array<i32>} : memref<64x256xf32, #tpu.memory_space<vmem>>, vector<1x16xf32>,
      %get3A_738 = vector.shape_cast %get3A_737 : vector<1x16xf32> to vector<16xf32>
      %get3A_739 = arith.index_cast %scan3A_582 : i32 to index
      %get3A_740 = arith.constant 176 : index
      %get3A_741 = tpu.vector_load %arg12[%get3A_739, %get3A_740] {strides = array<i32>} : memref<64x256xf32, #tpu.memory_space<vmem>>, vector<1x16xf32>,
      %get3A_742 = vector.shape_cast %get3A_741 : vector<1x16xf32> to vector<16xf32>
      %mul3A_743 = arith.mulf %get3A_738, %get3A_742 : vector<16xf32>
      %swap3A_744 = arith.index_cast %scan3A_582 : i32 to index
      %swap3A_745 = arith.constant 176 : index
      %swap3A_746 = tpu.vector_load %arg11[%swap3A_744, %swap3A_745] {strides = array<i32>} : memref<64x256xf32, #tpu.memory_space<vmem>>, vector<1x16xf32>,
      %swap3A_747 = vector.shape_cast %swap3A_746 : vector<1x16xf32> to vector<16xf32>
      %swap3A_748 = vector.shape_cast %mul3A_743 : vector<16xf32> to vector<1x16xf32>
      tpu.vector_store %arg11[%swap3A_744, %swap3A_745], %swap3A_748 {strides = array<i32>} : memref<64x256xf32, #tpu.memory_space<vmem>>, vector<1x16xf32>,
      %get3A_749 = arith.index_cast %scan3A_582 : i32 to index
      %get3A_750 = arith.constant 192 : index
      %get3A_751 = tpu.vector_load %arg11[%get3A_749, %get3A_750] {strides = array<i32>} : memref<64x256xf32, #tpu.memory_space<vmem>>, vector<1x16xf32>,
      %get3A_752 = vector.shape_cast %get3A_751 : vector<1x16xf32> to vector<16xf32>
      %get3A_753 = arith.index_cast %scan3A_582 : i32 to index
      %get3A_754 = arith.constant 192 : index
      %get3A_755 = tpu.vector_load %arg12[%get3A_753, %get3A_754] {strides = array<i32>} : memref<64x256xf32, #tpu.memory_space<vmem>>, vector<1x16xf32>,
      %get3A_756 = vector.shape_cast %get3A_755 : vector<1x16xf32> to vector<16xf32>
      %mul3A_757 = arith.mulf %get3A_752, %get3A_756 : vector<16xf32>
      %swap3A_758 = arith.index_cast %scan3A_582 : i32 to index
      %swap3A_759 = arith.constant 192 : index
      %swap3A_760 = tpu.vector_load %arg11[%swap3A_758, %swap3A_759] {strides = array<i32>} : memref<64x256xf32, #tpu.memory_space<vmem>>, vector<1x16xf32>,
      %swap3A_761 = vector.shape_cast %swap3A_760 : vector<1x16xf32> to vector<16xf32>
      %swap3A_762 = vector.shape_cast %mul3A_757 : vector<16xf32> to vector<1x16xf32>
      tpu.vector_store %arg11[%swap3A_758, %swap3A_759], %swap3A_762 {strides = array<i32>} : memref<64x256xf32, #tpu.memory_space<vmem>>, vector<1x16xf32>,
      %get3A_763 = arith.index_cast %scan3A_582 : i32 to index
      %get3A_764 = arith.constant 208 : index
      %get3A_765 = tpu.vector_load %arg11[%get3A_763, %get3A_764] {strides = array<i32>} : memref<64x256xf32, #tpu.memory_space<vmem>>, vector<1x16xf32>,
      %get3A_766 = vector.shape_cast %get3A_765 : vector<1x16xf32> to vector<16xf32>
      %get3A_767 = arith.index_cast %scan3A_582 : i32 to index
      %get3A_768 = arith.constant 208 : index
      %get3A_769 = tpu.vector_load %arg12[%get3A_767, %get3A_768] {strides = array<i32>} : memref<64x256xf32, #tpu.memory_space<vmem>>, vector<1x16xf32>,
      %get3A_770 = vector.shape_cast %get3A_769 : vector<1x16xf32> to vector<16xf32>
      %mul3A_771 = arith.mulf %get3A_766, %get3A_770 : vector<16xf32>
      %swap3A_772 = arith.index_cast %scan3A_582 : i32 to index
      %swap3A_773 = arith.constant 208 : index
      %swap3A_774 = tpu.vector_load %arg11[%swap3A_772, %swap3A_773] {strides = array<i32>} : memref<64x256xf32, #tpu.memory_space<vmem>>, vector<1x16xf32>,
      %swap3A_775 = vector.shape_cast %swap3A_774 : vector<1x16xf32> to vector<16xf32>
      %swap3A_776 = vector.shape_cast %mul3A_771 : vector<16xf32> to vector<1x16xf32>
      tpu.vector_store %arg11[%swap3A_772, %swap3A_773], %swap3A_776 {strides = array<i32>} : memref<64x256xf32, #tpu.memory_space<vmem>>, vector<1x16xf32>,
      %get3A_777 = arith.index_cast %scan3A_582 : i32 to index
      %get3A_778 = arith.constant 224 : index
      %get3A_779 = tpu.vector_load %arg11[%get3A_777, %get3A_778] {strides = array<i32>} : memref<64x256xf32, #tpu.memory_space<vmem>>, vector<1x16xf32>,
      %get3A_780 = vector.shape_cast %get3A_779 : vector<1x16xf32> to vector<16xf32>
      %get3A_781 = arith.index_cast %scan3A_582 : i32 to index
      %get3A_782 = arith.constant 224 : index
      %get3A_783 = tpu.vector_load %arg12[%get3A_781, %get3A_782] {strides = array<i32>} : memref<64x256xf32, #tpu.memory_space<vmem>>, vector<1x16xf32>,
      %get3A_784 = vector.shape_cast %get3A_783 : vector<1x16xf32> to vector<16xf32>
      %mul3A_785 = arith.mulf %get3A_780, %get3A_784 : vector<16xf32>
      %swap3A_786 = arith.index_cast %scan3A_582 : i32 to index
      %swap3A_787 = arith.constant 224 : index
      %swap3A_788 = tpu.vector_load %arg11[%swap3A_786, %swap3A_787] {strides = array<i32>} : memref<64x256xf32, #tpu.memory_space<vmem>>, vector<1x16xf32>,
      %swap3A_789 = vector.shape_cast %swap3A_788 : vector<1x16xf32> to vector<16xf32>
      %swap3A_790 = vector.shape_cast %mul3A_785 : vector<16xf32> to vector<1x16xf32>
      tpu.vector_store %arg11[%swap3A_786, %swap3A_787], %swap3A_790 {strides = array<i32>} : memref<64x256xf32, #tpu.memory_space<vmem>>, vector<1x16xf32>,
      %get3A_791 = arith.index_cast %scan3A_582 : i32 to index
      %get3A_792 = arith.constant 240 : index
      %get3A_793 = tpu.vector_load %arg11[%get3A_791, %get3A_792] {strides = array<i32>} : memref<64x256xf32, #tpu.memory_space<vmem>>, vector<1x16xf32>,
      %get3A_794 = vector.shape_cast %get3A_793 : vector<1x16xf32> to vector<16xf32>
      %get3A_795 = arith.index_cast %scan3A_582 : i32 to index
      %get3A_796 = arith.constant 240 : index
      %get3A_797 = tpu.vector_load %arg12[%get3A_795, %get3A_796] {strides = array<i32>} : memref<64x256xf32, #tpu.memory_space<vmem>>, vector<1x16xf32>,
      %get3A_798 = vector.shape_cast %get3A_797 : vector<1x16xf32> to vector<16xf32>
      %mul3A_799 = arith.mulf %get3A_794, %get3A_798 : vector<16xf32>
      %swap3A_800 = arith.index_cast %scan3A_582 : i32 to index
      %swap3A_801 = arith.constant 240 : index
      %swap3A_802 = tpu.vector_load %arg11[%swap3A_800, %swap3A_801] {strides = array<i32>} : memref<64x256xf32, #tpu.memory_space<vmem>>, vector<1x16xf32>,
      %swap3A_803 = vector.shape_cast %swap3A_802 : vector<1x16xf32> to vector<16xf32>
      %swap3A_804 = vector.shape_cast %mul3A_799 : vector<16xf32> to vector<1x16xf32>
      tpu.vector_store %arg11[%swap3A_800, %swap3A_801], %swap3A_804 {strides = array<i32>} : memref<64x256xf32, #tpu.memory_space<vmem>>, vector<1x16xf32>,
    }
    %scan3A_423 = arith.constant 64 : i32
    %add3A_424 = arith.constant 128 : i32
    %add3A_425 = arith.addi %mul3A_2, %add3A_424 : i32
    "tpu.region"() ({
      %run_scoped3A = tpu.sem_alloc : memref<!tpu.dma_semaphore, #tpu.memory_space<semaphore_mem>>
      %dma_start3A_582 = arith.constant 0 : i32
      %dma_start3A_583 = tpu.memref_slice %arg5[%add3A_425, %dma_start3A_582] : memref<16384x256xf32, #tpu.memory_space<hbm>> -> memref<64x256xf32, #tpu.memory_space<hbm>>
      %dma_start3A_584 = arith.constant 0 : i32
      %dma_start3A_585 = tpu.memref_slice %arg5[%add3A_425, %dma_start3A_584] : memref<16384x256xf32, #tpu.memory_space<hbm>> -> memref<64x256xf32, #tpu.memory_space<hbm>>
      tpu.enqueue_dma source(%arg11 : memref<64x256xf32, #tpu.memory_space<vmem>>) target(%dma_start3A_585 : memref<64x256xf32, #tpu.memory_space<hbm>>) target_semaphore(%run_scoped3A : memref<!tpu.dma_semaphore, #tpu.memory_space<semaphore_mem>>)
      %dma_wait3A_586 = arith.constant 0 : i32
      %dma_wait3A_587 = tpu.memref_slice %arg5[%add3A_425, %dma_wait3A_586] : memref<16384x256xf32, #tpu.memory_space<hbm>> -> memref<64x256xf32, #tpu.memory_space<hbm>>
      %dma_wait3A_588 = arith.constant 0 : i32
      %dma_wait3A_589 = tpu.memref_slice %arg5[%add3A_425, %dma_wait3A_588] : memref<16384x256xf32, #tpu.memory_space<hbm>> -> memref<64x256xf32, #tpu.memory_space<hbm>>
      tpu.wait_dma2 semaphore(%run_scoped3A : memref<!tpu.dma_semaphore, #tpu.memory_space<semaphore_mem>>) src(%arg11 : memref<64x256xf32, #tpu.memory_space<vmem>>) dst(%dma_wait3A_589 : memref<64x256xf32, #tpu.memory_space<hbm>>)
      tpu.yield
    }) : () -> ()
    %dma_wait3A_426 = arith.constant 0 : i32
    %dma_wait3A_427 = arith.constant 0 : i32
    %dma_wait3A_428 = tpu.memref_slice %arg2[%dma_wait3A_426, %dma_wait3A_427] : memref<10000x256xf32, #tpu.memory_space<hbm>> -> memref<64x256xf32, #tpu.memory_space<hbm>>
    %dma_wait3A_429 = arith.constant 0 : i32
    %dma_wait3A_430 = arith.constant 0 : i32
    %dma_wait3A_431 = tpu.memref_slice %arg2[%dma_wait3A_429, %dma_wait3A_430] : memref<10000x256xf32, #tpu.memory_space<hbm>> -> memref<64x256xf32, #tpu.memory_space<hbm>>
    tpu.wait_dma2 semaphore(%arg15 : memref<!tpu.dma_semaphore, #tpu.memory_space<semaphore_mem>>) src(%dma_wait3A_431 : memref<64x256xf32, #tpu.memory_space<hbm>>) dst(%arg13 : memref<64x256xf32, #tpu.memory_space<vmem>>)
    %dma_wait3A_432 = arith.constant 0 : i32
    %dma_wait3A_433 = arith.constant 0 : i32
    %dma_wait3A_434 = tpu.memref_slice %arg2[%dma_wait3A_432, %dma_wait3A_433] : memref<10000x256xf32, #tpu.memory_space<hbm>> -> memref<64x256xf32, #tpu.memory_space<hbm>>
    %dma_wait3A_435 = arith.constant 0 : i32
    %dma_wait3A_436 = arith.constant 0 : i32
    %dma_wait3A_437 = tpu.memref_slice %arg2[%dma_wait3A_435, %dma_wait3A_436] : memref<10000x256xf32, #tpu.memory_space<hbm>> -> memref<64x256xf32, #tpu.memory_space<hbm>>
    tpu.wait_dma2 semaphore(%arg16 : memref<!tpu.dma_semaphore, #tpu.memory_space<semaphore_mem>>) src(%dma_wait3A_437 : memref<64x256xf32, #tpu.memory_space<hbm>>) dst(%arg14 : memref<64x256xf32, #tpu.memory_space<vmem>>)
    %dma_start3A_438 = arith.constant 4 : i32
    %dma_start3A_439 = arith.constant 0 : i32
    %dma_start3A_440 = tpu.memref_slice %arg9[%dma_start3A_438, %dma_start3A_439] : memref<8x64xi32, #tpu.memory_space<vmem>> -> memref<1x64xi32, #tpu.memory_space<vmem>>
    %dma_start3A_441 = tpu.memref_squeeze %dma_start3A_440 : memref<1x64xi32, #tpu.memory_space<vmem>> -> memref<64xi32, #tpu.memory_space<vmem>>
    %dma_start3A_442 = arith.constant 0 : i32
    %dma_start3A_443 = arith.constant 0 : i32
    %dma_start3A_444 = tpu.memref_slice %arg2[%dma_start3A_442, %dma_start3A_443] : memref<10000x256xf32, #tpu.memory_space<hbm>> -> memref<10000x256xf32, #tpu.memory_space<hbm>>
    tpu.enqueue_indirect_dma source(%dma_start3A_444 : memref<10000x256xf32, #tpu.memory_space<hbm>>) target(%arg11 : memref<64x256xf32, #tpu.memory_space<vmem>>) offsets(%dma_start3A_441 : memref<64xi32, #tpu.memory_space<vmem>>) semaphore(%arg15 : memref<!tpu.dma_semaphore, #tpu.memory_space<semaphore_mem>>)
    %dma_start3A_445 = arith.constant 4 : i32
    %dma_start3A_446 = arith.constant 0 : i32
    %dma_start3A_447 = tpu.memref_slice %arg10[%dma_start3A_445, %dma_start3A_446] : memref<8x64xi32, #tpu.memory_space<vmem>> -> memref<1x64xi32, #tpu.memory_space<vmem>>
    %dma_start3A_448 = tpu.memref_squeeze %dma_start3A_447 : memref<1x64xi32, #tpu.memory_space<vmem>> -> memref<64xi32, #tpu.memory_space<vmem>>
    %dma_start3A_449 = arith.constant 0 : i32
    %dma_start3A_450 = arith.constant 0 : i32
    %dma_start3A_451 = tpu.memref_slice %arg2[%dma_start3A_449, %dma_start3A_450] : memref<10000x256xf32, #tpu.memory_space<hbm>> -> memref<10000x256xf32, #tpu.memory_space<hbm>>
    tpu.enqueue_indirect_dma source(%dma_start3A_451 : memref<10000x256xf32, #tpu.memory_space<hbm>>) target(%arg12 : memref<64x256xf32, #tpu.memory_space<vmem>>) offsets(%dma_start3A_448 : memref<64xi32, #tpu.memory_space<vmem>>) semaphore(%arg16 : memref<!tpu.dma_semaphore, #tpu.memory_space<semaphore_mem>>)
    %scan3A_452 = arith.constant 0 : i32
    %scan3A_453 = arith.constant 0 : i32
    %scan3A_454 = arith.constant 64 : i32
    %scan3A_455 = arith.addi %scan3A_453, %scan3A_454 : i32
    %scan3A_456 = arith.constant 1 : i32
    scf.for %scan3A_582 = %scan3A_453 to %scan3A_455 step %scan3A_456  : i32 {
      %get3A = arith.index_cast %scan3A_582 : i32 to index
      %get3A_583 = arith.constant 0 : index
      %get3A_584 = tpu.vector_load %arg13[%get3A, %get3A_583] {strides = array<i32>} : memref<64x256xf32, #tpu.memory_space<vmem>>, vector<1x16xf32>,
      %get3A_585 = vector.shape_cast %get3A_584 : vector<1x16xf32> to vector<16xf32>
      %get3A_586 = arith.index_cast %scan3A_582 : i32 to index
      %get3A_587 = arith.constant 0 : index
      %get3A_588 = tpu.vector_load %arg14[%get3A_586, %get3A_587] {strides = array<i32>} : memref<64x256xf32, #tpu.memory_space<vmem>>, vector<1x16xf32>,
      %get3A_589 = vector.shape_cast %get3A_588 : vector<1x16xf32> to vector<16xf32>
      %mul3A_590 = arith.mulf %get3A_585, %get3A_589 : vector<16xf32>
      %swap3A = arith.index_cast %scan3A_582 : i32 to index
      %swap3A_591 = arith.constant 0 : index
      %swap3A_592 = tpu.vector_load %arg13[%swap3A, %swap3A_591] {strides = array<i32>} : memref<64x256xf32, #tpu.memory_space<vmem>>, vector<1x16xf32>,
      %swap3A_593 = vector.shape_cast %swap3A_592 : vector<1x16xf32> to vector<16xf32>
      %swap3A_594 = vector.shape_cast %mul3A_590 : vector<16xf32> to vector<1x16xf32>
      tpu.vector_store %arg13[%swap3A, %swap3A_591], %swap3A_594 {strides = array<i32>} : memref<64x256xf32, #tpu.memory_space<vmem>>, vector<1x16xf32>,
      %get3A_595 = arith.index_cast %scan3A_582 : i32 to index
      %get3A_596 = arith.constant 16 : index
      %get3A_597 = tpu.vector_load %arg13[%get3A_595, %get3A_596] {strides = array<i32>} : memref<64x256xf32, #tpu.memory_space<vmem>>, vector<1x16xf32>,
      %get3A_598 = vector.shape_cast %get3A_597 : vector<1x16xf32> to vector<16xf32>
      %get3A_599 = arith.index_cast %scan3A_582 : i32 to index
      %get3A_600 = arith.constant 16 : index
      %get3A_601 = tpu.vector_load %arg14[%get3A_599, %get3A_600] {strides = array<i32>} : memref<64x256xf32, #tpu.memory_space<vmem>>, vector<1x16xf32>,
      %get3A_602 = vector.shape_cast %get3A_601 : vector<1x16xf32> to vector<16xf32>
      %mul3A_603 = arith.mulf %get3A_598, %get3A_602 : vector<16xf32>
      %swap3A_604 = arith.index_cast %scan3A_582 : i32 to index
      %swap3A_605 = arith.constant 16 : index
      %swap3A_606 = tpu.vector_load %arg13[%swap3A_604, %swap3A_605] {strides = array<i32>} : memref<64x256xf32, #tpu.memory_space<vmem>>, vector<1x16xf32>,
      %swap3A_607 = vector.shape_cast %swap3A_606 : vector<1x16xf32> to vector<16xf32>
      %swap3A_608 = vector.shape_cast %mul3A_603 : vector<16xf32> to vector<1x16xf32>
      tpu.vector_store %arg13[%swap3A_604, %swap3A_605], %swap3A_608 {strides = array<i32>} : memref<64x256xf32, #tpu.memory_space<vmem>>, vector<1x16xf32>,
      %get3A_609 = arith.index_cast %scan3A_582 : i32 to index
      %get3A_610 = arith.constant 32 : index
      %get3A_611 = tpu.vector_load %arg13[%get3A_609, %get3A_610] {strides = array<i32>} : memref<64x256xf32, #tpu.memory_space<vmem>>, vector<1x16xf32>,
      %get3A_612 = vector.shape_cast %get3A_611 : vector<1x16xf32> to vector<16xf32>
      %get3A_613 = arith.index_cast %scan3A_582 : i32 to index
      %get3A_614 = arith.constant 32 : index
      %get3A_615 = tpu.vector_load %arg14[%get3A_613, %get3A_614] {strides = array<i32>} : memref<64x256xf32, #tpu.memory_space<vmem>>, vector<1x16xf32>,
      %get3A_616 = vector.shape_cast %get3A_615 : vector<1x16xf32> to vector<16xf32>
      %mul3A_617 = arith.mulf %get3A_612, %get3A_616 : vector<16xf32>
      %swap3A_618 = arith.index_cast %scan3A_582 : i32 to index
      %swap3A_619 = arith.constant 32 : index
      %swap3A_620 = tpu.vector_load %arg13[%swap3A_618, %swap3A_619] {strides = array<i32>} : memref<64x256xf32, #tpu.memory_space<vmem>>, vector<1x16xf32>,
      %swap3A_621 = vector.shape_cast %swap3A_620 : vector<1x16xf32> to vector<16xf32>
      %swap3A_622 = vector.shape_cast %mul3A_617 : vector<16xf32> to vector<1x16xf32>
      tpu.vector_store %arg13[%swap3A_618, %swap3A_619], %swap3A_622 {strides = array<i32>} : memref<64x256xf32, #tpu.memory_space<vmem>>, vector<1x16xf32>,
      %get3A_623 = arith.index_cast %scan3A_582 : i32 to index
      %get3A_624 = arith.constant 48 : index
      %get3A_625 = tpu.vector_load %arg13[%get3A_623, %get3A_624] {strides = array<i32>} : memref<64x256xf32, #tpu.memory_space<vmem>>, vector<1x16xf32>,
      %get3A_626 = vector.shape_cast %get3A_625 : vector<1x16xf32> to vector<16xf32>
      %get3A_627 = arith.index_cast %scan3A_582 : i32 to index
      %get3A_628 = arith.constant 48 : index
      %get3A_629 = tpu.vector_load %arg14[%get3A_627, %get3A_628] {strides = array<i32>} : memref<64x256xf32, #tpu.memory_space<vmem>>, vector<1x16xf32>,
      %get3A_630 = vector.shape_cast %get3A_629 : vector<1x16xf32> to vector<16xf32>
      %mul3A_631 = arith.mulf %get3A_626, %get3A_630 : vector<16xf32>
      %swap3A_632 = arith.index_cast %scan3A_582 : i32 to index
      %swap3A_633 = arith.constant 48 : index
      %swap3A_634 = tpu.vector_load %arg13[%swap3A_632, %swap3A_633] {strides = array<i32>} : memref<64x256xf32, #tpu.memory_space<vmem>>, vector<1x16xf32>,
      %swap3A_635 = vector.shape_cast %swap3A_634 : vector<1x16xf32> to vector<16xf32>
      %swap3A_636 = vector.shape_cast %mul3A_631 : vector<16xf32> to vector<1x16xf32>
      tpu.vector_store %arg13[%swap3A_632, %swap3A_633], %swap3A_636 {strides = array<i32>} : memref<64x256xf32, #tpu.memory_space<vmem>>, vector<1x16xf32>,
      %get3A_637 = arith.index_cast %scan3A_582 : i32 to index
      %get3A_638 = arith.constant 64 : index
      %get3A_639 = tpu.vector_load %arg13[%get3A_637, %get3A_638] {strides = array<i32>} : memref<64x256xf32, #tpu.memory_space<vmem>>, vector<1x16xf32>,
      %get3A_640 = vector.shape_cast %get3A_639 : vector<1x16xf32> to vector<16xf32>
      %get3A_641 = arith.index_cast %scan3A_582 : i32 to index
      %get3A_642 = arith.constant 64 : index
      %get3A_643 = tpu.vector_load %arg14[%get3A_641, %get3A_642] {strides = array<i32>} : memref<64x256xf32, #tpu.memory_space<vmem>>, vector<1x16xf32>,
      %get3A_644 = vector.shape_cast %get3A_643 : vector<1x16xf32> to vector<16xf32>
      %mul3A_645 = arith.mulf %get3A_640, %get3A_644 : vector<16xf32>
      %swap3A_646 = arith.index_cast %scan3A_582 : i32 to index
      %swap3A_647 = arith.constant 64 : index
      %swap3A_648 = tpu.vector_load %arg13[%swap3A_646, %swap3A_647] {strides = array<i32>} : memref<64x256xf32, #tpu.memory_space<vmem>>, vector<1x16xf32>,
      %swap3A_649 = vector.shape_cast %swap3A_648 : vector<1x16xf32> to vector<16xf32>
      %swap3A_650 = vector.shape_cast %mul3A_645 : vector<16xf32> to vector<1x16xf32>
      tpu.vector_store %arg13[%swap3A_646, %swap3A_647], %swap3A_650 {strides = array<i32>} : memref<64x256xf32, #tpu.memory_space<vmem>>, vector<1x16xf32>,
      %get3A_651 = arith.index_cast %scan3A_582 : i32 to index
      %get3A_652 = arith.constant 80 : index
      %get3A_653 = tpu.vector_load %arg13[%get3A_651, %get3A_652] {strides = array<i32>} : memref<64x256xf32, #tpu.memory_space<vmem>>, vector<1x16xf32>,
      %get3A_654 = vector.shape_cast %get3A_653 : vector<1x16xf32> to vector<16xf32>
      %get3A_655 = arith.index_cast %scan3A_582 : i32 to index
      %get3A_656 = arith.constant 80 : index
      %get3A_657 = tpu.vector_load %arg14[%get3A_655, %get3A_656] {strides = array<i32>} : memref<64x256xf32, #tpu.memory_space<vmem>>, vector<1x16xf32>,
      %get3A_658 = vector.shape_cast %get3A_657 : vector<1x16xf32> to vector<16xf32>
      %mul3A_659 = arith.mulf %get3A_654, %get3A_658 : vector<16xf32>
      %swap3A_660 = arith.index_cast %scan3A_582 : i32 to index
      %swap3A_661 = arith.constant 80 : index
      %swap3A_662 = tpu.vector_load %arg13[%swap3A_660, %swap3A_661] {strides = array<i32>} : memref<64x256xf32, #tpu.memory_space<vmem>>, vector<1x16xf32>,
      %swap3A_663 = vector.shape_cast %swap3A_662 : vector<1x16xf32> to vector<16xf32>
      %swap3A_664 = vector.shape_cast %mul3A_659 : vector<16xf32> to vector<1x16xf32>
      tpu.vector_store %arg13[%swap3A_660, %swap3A_661], %swap3A_664 {strides = array<i32>} : memref<64x256xf32, #tpu.memory_space<vmem>>, vector<1x16xf32>,
      %get3A_665 = arith.index_cast %scan3A_582 : i32 to index
      %get3A_666 = arith.constant 96 : index
      %get3A_667 = tpu.vector_load %arg13[%get3A_665, %get3A_666] {strides = array<i32>} : memref<64x256xf32, #tpu.memory_space<vmem>>, vector<1x16xf32>,
      %get3A_668 = vector.shape_cast %get3A_667 : vector<1x16xf32> to vector<16xf32>
      %get3A_669 = arith.index_cast %scan3A_582 : i32 to index
      %get3A_670 = arith.constant 96 : index
      %get3A_671 = tpu.vector_load %arg14[%get3A_669, %get3A_670] {strides = array<i32>} : memref<64x256xf32, #tpu.memory_space<vmem>>, vector<1x16xf32>,
      %get3A_672 = vector.shape_cast %get3A_671 : vector<1x16xf32> to vector<16xf32>
      %mul3A_673 = arith.mulf %get3A_668, %get3A_672 : vector<16xf32>
      %swap3A_674 = arith.index_cast %scan3A_582 : i32 to index
      %swap3A_675 = arith.constant 96 : index
      %swap3A_676 = tpu.vector_load %arg13[%swap3A_674, %swap3A_675] {strides = array<i32>} : memref<64x256xf32, #tpu.memory_space<vmem>>, vector<1x16xf32>,
      %swap3A_677 = vector.shape_cast %swap3A_676 : vector<1x16xf32> to vector<16xf32>
      %swap3A_678 = vector.shape_cast %mul3A_673 : vector<16xf32> to vector<1x16xf32>
      tpu.vector_store %arg13[%swap3A_674, %swap3A_675], %swap3A_678 {strides = array<i32>} : memref<64x256xf32, #tpu.memory_space<vmem>>, vector<1x16xf32>,
      %get3A_679 = arith.index_cast %scan3A_582 : i32 to index
      %get3A_680 = arith.constant 112 : index
      %get3A_681 = tpu.vector_load %arg13[%get3A_679, %get3A_680] {strides = array<i32>} : memref<64x256xf32, #tpu.memory_space<vmem>>, vector<1x16xf32>,
      %get3A_682 = vector.shape_cast %get3A_681 : vector<1x16xf32> to vector<16xf32>
      %get3A_683 = arith.index_cast %scan3A_582 : i32 to index
      %get3A_684 = arith.constant 112 : index
      %get3A_685 = tpu.vector_load %arg14[%get3A_683, %get3A_684] {strides = array<i32>} : memref<64x256xf32, #tpu.memory_space<vmem>>, vector<1x16xf32>,
      %get3A_686 = vector.shape_cast %get3A_685 : vector<1x16xf32> to vector<16xf32>
      %mul3A_687 = arith.mulf %get3A_682, %get3A_686 : vector<16xf32>
      %swap3A_688 = arith.index_cast %scan3A_582 : i32 to index
      %swap3A_689 = arith.constant 112 : index
      %swap3A_690 = tpu.vector_load %arg13[%swap3A_688, %swap3A_689] {strides = array<i32>} : memref<64x256xf32, #tpu.memory_space<vmem>>, vector<1x16xf32>,
      %swap3A_691 = vector.shape_cast %swap3A_690 : vector<1x16xf32> to vector<16xf32>
      %swap3A_692 = vector.shape_cast %mul3A_687 : vector<16xf32> to vector<1x16xf32>
      tpu.vector_store %arg13[%swap3A_688, %swap3A_689], %swap3A_692 {strides = array<i32>} : memref<64x256xf32, #tpu.memory_space<vmem>>, vector<1x16xf32>,
      %get3A_693 = arith.index_cast %scan3A_582 : i32 to index
      %get3A_694 = arith.constant 128 : index
      %get3A_695 = tpu.vector_load %arg13[%get3A_693, %get3A_694] {strides = array<i32>} : memref<64x256xf32, #tpu.memory_space<vmem>>, vector<1x16xf32>,
      %get3A_696 = vector.shape_cast %get3A_695 : vector<1x16xf32> to vector<16xf32>
      %get3A_697 = arith.index_cast %scan3A_582 : i32 to index
      %get3A_698 = arith.constant 128 : index
      %get3A_699 = tpu.vector_load %arg14[%get3A_697, %get3A_698] {strides = array<i32>} : memref<64x256xf32, #tpu.memory_space<vmem>>, vector<1x16xf32>,
      %get3A_700 = vector.shape_cast %get3A_699 : vector<1x16xf32> to vector<16xf32>
      %mul3A_701 = arith.mulf %get3A_696, %get3A_700 : vector<16xf32>
      %swap3A_702 = arith.index_cast %scan3A_582 : i32 to index
      %swap3A_703 = arith.constant 128 : index
      %swap3A_704 = tpu.vector_load %arg13[%swap3A_702, %swap3A_703] {strides = array<i32>} : memref<64x256xf32, #tpu.memory_space<vmem>>, vector<1x16xf32>,
      %swap3A_705 = vector.shape_cast %swap3A_704 : vector<1x16xf32> to vector<16xf32>
      %swap3A_706 = vector.shape_cast %mul3A_701 : vector<16xf32> to vector<1x16xf32>
      tpu.vector_store %arg13[%swap3A_702, %swap3A_703], %swap3A_706 {strides = array<i32>} : memref<64x256xf32, #tpu.memory_space<vmem>>, vector<1x16xf32>,
      %get3A_707 = arith.index_cast %scan3A_582 : i32 to index
      %get3A_708 = arith.constant 144 : index
      %get3A_709 = tpu.vector_load %arg13[%get3A_707, %get3A_708] {strides = array<i32>} : memref<64x256xf32, #tpu.memory_space<vmem>>, vector<1x16xf32>,
      %get3A_710 = vector.shape_cast %get3A_709 : vector<1x16xf32> to vector<16xf32>
      %get3A_711 = arith.index_cast %scan3A_582 : i32 to index
      %get3A_712 = arith.constant 144 : index
      %get3A_713 = tpu.vector_load %arg14[%get3A_711, %get3A_712] {strides = array<i32>} : memref<64x256xf32, #tpu.memory_space<vmem>>, vector<1x16xf32>,
      %get3A_714 = vector.shape_cast %get3A_713 : vector<1x16xf32> to vector<16xf32>
      %mul3A_715 = arith.mulf %get3A_710, %get3A_714 : vector<16xf32>
      %swap3A_716 = arith.index_cast %scan3A_582 : i32 to index
      %swap3A_717 = arith.constant 144 : index
      %swap3A_718 = tpu.vector_load %arg13[%swap3A_716, %swap3A_717] {strides = array<i32>} : memref<64x256xf32, #tpu.memory_space<vmem>>, vector<1x16xf32>,
      %swap3A_719 = vector.shape_cast %swap3A_718 : vector<1x16xf32> to vector<16xf32>
      %swap3A_720 = vector.shape_cast %mul3A_715 : vector<16xf32> to vector<1x16xf32>
      tpu.vector_store %arg13[%swap3A_716, %swap3A_717], %swap3A_720 {strides = array<i32>} : memref<64x256xf32, #tpu.memory_space<vmem>>, vector<1x16xf32>,
      %get3A_721 = arith.index_cast %scan3A_582 : i32 to index
      %get3A_722 = arith.constant 160 : index
      %get3A_723 = tpu.vector_load %arg13[%get3A_721, %get3A_722] {strides = array<i32>} : memref<64x256xf32, #tpu.memory_space<vmem>>, vector<1x16xf32>,
      %get3A_724 = vector.shape_cast %get3A_723 : vector<1x16xf32> to vector<16xf32>
      %get3A_725 = arith.index_cast %scan3A_582 : i32 to index
      %get3A_726 = arith.constant 160 : index
      %get3A_727 = tpu.vector_load %arg14[%get3A_725, %get3A_726] {strides = array<i32>} : memref<64x256xf32, #tpu.memory_space<vmem>>, vector<1x16xf32>,
      %get3A_728 = vector.shape_cast %get3A_727 : vector<1x16xf32> to vector<16xf32>
      %mul3A_729 = arith.mulf %get3A_724, %get3A_728 : vector<16xf32>
      %swap3A_730 = arith.index_cast %scan3A_582 : i32 to index
      %swap3A_731 = arith.constant 160 : index
      %swap3A_732 = tpu.vector_load %arg13[%swap3A_730, %swap3A_731] {strides = array<i32>} : memref<64x256xf32, #tpu.memory_space<vmem>>, vector<1x16xf32>,
      %swap3A_733 = vector.shape_cast %swap3A_732 : vector<1x16xf32> to vector<16xf32>
      %swap3A_734 = vector.shape_cast %mul3A_729 : vector<16xf32> to vector<1x16xf32>
      tpu.vector_store %arg13[%swap3A_730, %swap3A_731], %swap3A_734 {strides = array<i32>} : memref<64x256xf32, #tpu.memory_space<vmem>>, vector<1x16xf32>,
      %get3A_735 = arith.index_cast %scan3A_582 : i32 to index
      %get3A_736 = arith.constant 176 : index
      %get3A_737 = tpu.vector_load %arg13[%get3A_735, %get3A_736] {strides = array<i32>} : memref<64x256xf32, #tpu.memory_space<vmem>>, vector<1x16xf32>,
      %get3A_738 = vector.shape_cast %get3A_737 : vector<1x16xf32> to vector<16xf32>
      %get3A_739 = arith.index_cast %scan3A_582 : i32 to index
      %get3A_740 = arith.constant 176 : index
      %get3A_741 = tpu.vector_load %arg14[%get3A_739, %get3A_740] {strides = array<i32>} : memref<64x256xf32, #tpu.memory_space<vmem>>, vector<1x16xf32>,
      %get3A_742 = vector.shape_cast %get3A_741 : vector<1x16xf32> to vector<16xf32>
      %mul3A_743 = arith.mulf %get3A_738, %get3A_742 : vector<16xf32>
      %swap3A_744 = arith.index_cast %scan3A_582 : i32 to index
      %swap3A_745 = arith.constant 176 : index
      %swap3A_746 = tpu.vector_load %arg13[%swap3A_744, %swap3A_745] {strides = array<i32>} : memref<64x256xf32, #tpu.memory_space<vmem>>, vector<1x16xf32>,
      %swap3A_747 = vector.shape_cast %swap3A_746 : vector<1x16xf32> to vector<16xf32>
      %swap3A_748 = vector.shape_cast %mul3A_743 : vector<16xf32> to vector<1x16xf32>
      tpu.vector_store %arg13[%swap3A_744, %swap3A_745], %swap3A_748 {strides = array<i32>} : memref<64x256xf32, #tpu.memory_space<vmem>>, vector<1x16xf32>,
      %get3A_749 = arith.index_cast %scan3A_582 : i32 to index
      %get3A_750 = arith.constant 192 : index
      %get3A_751 = tpu.vector_load %arg13[%get3A_749, %get3A_750] {strides = array<i32>} : memref<64x256xf32, #tpu.memory_space<vmem>>, vector<1x16xf32>,
      %get3A_752 = vector.shape_cast %get3A_751 : vector<1x16xf32> to vector<16xf32>
      %get3A_753 = arith.index_cast %scan3A_582 : i32 to index
      %get3A_754 = arith.constant 192 : index
      %get3A_755 = tpu.vector_load %arg14[%get3A_753, %get3A_754] {strides = array<i32>} : memref<64x256xf32, #tpu.memory_space<vmem>>, vector<1x16xf32>,
      %get3A_756 = vector.shape_cast %get3A_755 : vector<1x16xf32> to vector<16xf32>
      %mul3A_757 = arith.mulf %get3A_752, %get3A_756 : vector<16xf32>
      %swap3A_758 = arith.index_cast %scan3A_582 : i32 to index
      %swap3A_759 = arith.constant 192 : index
      %swap3A_760 = tpu.vector_load %arg13[%swap3A_758, %swap3A_759] {strides = array<i32>} : memref<64x256xf32, #tpu.memory_space<vmem>>, vector<1x16xf32>,
      %swap3A_761 = vector.shape_cast %swap3A_760 : vector<1x16xf32> to vector<16xf32>
      %swap3A_762 = vector.shape_cast %mul3A_757 : vector<16xf32> to vector<1x16xf32>
      tpu.vector_store %arg13[%swap3A_758, %swap3A_759], %swap3A_762 {strides = array<i32>} : memref<64x256xf32, #tpu.memory_space<vmem>>, vector<1x16xf32>,
      %get3A_763 = arith.index_cast %scan3A_582 : i32 to index
      %get3A_764 = arith.constant 208 : index
      %get3A_765 = tpu.vector_load %arg13[%get3A_763, %get3A_764] {strides = array<i32>} : memref<64x256xf32, #tpu.memory_space<vmem>>, vector<1x16xf32>,
      %get3A_766 = vector.shape_cast %get3A_765 : vector<1x16xf32> to vector<16xf32>
      %get3A_767 = arith.index_cast %scan3A_582 : i32 to index
      %get3A_768 = arith.constant 208 : index
      %get3A_769 = tpu.vector_load %arg14[%get3A_767, %get3A_768] {strides = array<i32>} : memref<64x256xf32, #tpu.memory_space<vmem>>, vector<1x16xf32>,
      %get3A_770 = vector.shape_cast %get3A_769 : vector<1x16xf32> to vector<16xf32>
      %mul3A_771 = arith.mulf %get3A_766, %get3A_770 : vector<16xf32>
      %swap3A_772 = arith.index_cast %scan3A_582 : i32 to index
      %swap3A_773 = arith.constant 208 : index
      %swap3A_774 = tpu.vector_load %arg13[%swap3A_772, %swap3A_773] {strides = array<i32>} : memref<64x256xf32, #tpu.memory_space<vmem>>, vector<1x16xf32>,
      %swap3A_775 = vector.shape_cast %swap3A_774 : vector<1x16xf32> to vector<16xf32>
      %swap3A_776 = vector.shape_cast %mul3A_771 : vector<16xf32> to vector<1x16xf32>
      tpu.vector_store %arg13[%swap3A_772, %swap3A_773], %swap3A_776 {strides = array<i32>} : memref<64x256xf32, #tpu.memory_space<vmem>>, vector<1x16xf32>,
      %get3A_777 = arith.index_cast %scan3A_582 : i32 to index
      %get3A_778 = arith.constant 224 : index
      %get3A_779 = tpu.vector_load %arg13[%get3A_777, %get3A_778] {strides = array<i32>} : memref<64x256xf32, #tpu.memory_space<vmem>>, vector<1x16xf32>,
      %get3A_780 = vector.shape_cast %get3A_779 : vector<1x16xf32> to vector<16xf32>
      %get3A_781 = arith.index_cast %scan3A_582 : i32 to index
      %get3A_782 = arith.constant 224 : index
      %get3A_783 = tpu.vector_load %arg14[%get3A_781, %get3A_782] {strides = array<i32>} : memref<64x256xf32, #tpu.memory_space<vmem>>, vector<1x16xf32>,
      %get3A_784 = vector.shape_cast %get3A_783 : vector<1x16xf32> to vector<16xf32>
      %mul3A_785 = arith.mulf %get3A_780, %get3A_784 : vector<16xf32>
      %swap3A_786 = arith.index_cast %scan3A_582 : i32 to index
      %swap3A_787 = arith.constant 224 : index
      %swap3A_788 = tpu.vector_load %arg13[%swap3A_786, %swap3A_787] {strides = array<i32>} : memref<64x256xf32, #tpu.memory_space<vmem>>, vector<1x16xf32>,
      %swap3A_789 = vector.shape_cast %swap3A_788 : vector<1x16xf32> to vector<16xf32>
      %swap3A_790 = vector.shape_cast %mul3A_785 : vector<16xf32> to vector<1x16xf32>
      tpu.vector_store %arg13[%swap3A_786, %swap3A_787], %swap3A_790 {strides = array<i32>} : memref<64x256xf32, #tpu.memory_space<vmem>>, vector<1x16xf32>,
      %get3A_791 = arith.index_cast %scan3A_582 : i32 to index
      %get3A_792 = arith.constant 240 : index
      %get3A_793 = tpu.vector_load %arg13[%get3A_791, %get3A_792] {strides = array<i32>} : memref<64x256xf32, #tpu.memory_space<vmem>>, vector<1x16xf32>,
      %get3A_794 = vector.shape_cast %get3A_793 : vector<1x16xf32> to vector<16xf32>
      %get3A_795 = arith.index_cast %scan3A_582 : i32 to index
      %get3A_796 = arith.constant 240 : index
      %get3A_797 = tpu.vector_load %arg14[%get3A_795, %get3A_796] {strides = array<i32>} : memref<64x256xf32, #tpu.memory_space<vmem>>, vector<1x16xf32>,
      %get3A_798 = vector.shape_cast %get3A_797 : vector<1x16xf32> to vector<16xf32>
      %mul3A_799 = arith.mulf %get3A_794, %get3A_798 : vector<16xf32>
      %swap3A_800 = arith.index_cast %scan3A_582 : i32 to index
      %swap3A_801 = arith.constant 240 : index
      %swap3A_802 = tpu.vector_load %arg13[%swap3A_800, %swap3A_801] {strides = array<i32>} : memref<64x256xf32, #tpu.memory_space<vmem>>, vector<1x16xf32>,
      %swap3A_803 = vector.shape_cast %swap3A_802 : vector<1x16xf32> to vector<16xf32>
      %swap3A_804 = vector.shape_cast %mul3A_799 : vector<16xf32> to vector<1x16xf32>
      tpu.vector_store %arg13[%swap3A_800, %swap3A_801], %swap3A_804 {strides = array<i32>} : memref<64x256xf32, #tpu.memory_space<vmem>>, vector<1x16xf32>,
    }
    %scan3A_457 = arith.constant 64 : i32
    %add3A_458 = arith.constant 192 : i32
    %add3A_459 = arith.addi %mul3A_2, %add3A_458 : i32
    "tpu.region"() ({
      %run_scoped3A = tpu.sem_alloc : memref<!tpu.dma_semaphore, #tpu.memory_space<semaphore_mem>>
      %dma_start3A_582 = arith.constant 0 : i32
      %dma_start3A_583 = tpu.memref_slice %arg5[%add3A_459, %dma_start3A_582] : memref<16384x256xf32, #tpu.memory_space<hbm>> -> memref<64x256xf32, #tpu.memory_space<hbm>>
      %dma_start3A_584 = arith.constant 0 : i32
      %dma_start3A_585 = tpu.memref_slice %arg5[%add3A_459, %dma_start3A_584] : memref<16384x256xf32, #tpu.memory_space<hbm>> -> memref<64x256xf32, #tpu.memory_space<hbm>>
      tpu.enqueue_dma source(%arg13 : memref<64x256xf32, #tpu.memory_space<vmem>>) target(%dma_start3A_585 : memref<64x256xf32, #tpu.memory_space<hbm>>) target_semaphore(%run_scoped3A : memref<!tpu.dma_semaphore, #tpu.memory_space<semaphore_mem>>)
      %dma_wait3A_586 = arith.constant 0 : i32
      %dma_wait3A_587 = tpu.memref_slice %arg5[%add3A_459, %dma_wait3A_586] : memref<16384x256xf32, #tpu.memory_space<hbm>> -> memref<64x256xf32, #tpu.memory_space<hbm>>
      %dma_wait3A_588 = arith.constant 0 : i32
      %dma_wait3A_589 = tpu.memref_slice %arg5[%add3A_459, %dma_wait3A_588] : memref<16384x256xf32, #tpu.memory_space<hbm>> -> memref<64x256xf32, #tpu.memory_space<hbm>>
      tpu.wait_dma2 semaphore(%run_scoped3A : memref<!tpu.dma_semaphore, #tpu.memory_space<semaphore_mem>>) src(%arg13 : memref<64x256xf32, #tpu.memory_space<vmem>>) dst(%dma_wait3A_589 : memref<64x256xf32, #tpu.memory_space<hbm>>)
      tpu.yield
    }) : () -> ()
    %dma_wait3A_460 = arith.constant 0 : i32
    %dma_wait3A_461 = arith.constant 0 : i32
    %dma_wait3A_462 = tpu.memref_slice %arg2[%dma_wait3A_460, %dma_wait3A_461] : memref<10000x256xf32, #tpu.memory_space<hbm>> -> memref<64x256xf32, #tpu.memory_space<hbm>>
    %dma_wait3A_463 = arith.constant 0 : i32
    %dma_wait3A_464 = arith.constant 0 : i32
    %dma_wait3A_465 = tpu.memref_slice %arg2[%dma_wait3A_463, %dma_wait3A_464] : memref<10000x256xf32, #tpu.memory_space<hbm>> -> memref<64x256xf32, #tpu.memory_space<hbm>>
    tpu.wait_dma2 semaphore(%arg15 : memref<!tpu.dma_semaphore, #tpu.memory_space<semaphore_mem>>) src(%dma_wait3A_465 : memref<64x256xf32, #tpu.memory_space<hbm>>) dst(%arg11 : memref<64x256xf32, #tpu.memory_space<vmem>>)
    %dma_wait3A_466 = arith.constant 0 : i32
    %dma_wait3A_467 = arith.constant 0 : i32
    %dma_wait3A_468 = tpu.memref_slice %arg2[%dma_wait3A_466, %dma_wait3A_467] : memref<10000x256xf32, #tpu.memory_space<hbm>> -> memref<64x256xf32, #tpu.memory_space<hbm>>
    %dma_wait3A_469 = arith.constant 0 : i32
    %dma_wait3A_470 = arith.constant 0 : i32
    %dma_wait3A_471 = tpu.memref_slice %arg2[%dma_wait3A_469, %dma_wait3A_470] : memref<10000x256xf32, #tpu.memory_space<hbm>> -> memref<64x256xf32, #tpu.memory_space<hbm>>
    tpu.wait_dma2 semaphore(%arg16 : memref<!tpu.dma_semaphore, #tpu.memory_space<semaphore_mem>>) src(%dma_wait3A_471 : memref<64x256xf32, #tpu.memory_space<hbm>>) dst(%arg12 : memref<64x256xf32, #tpu.memory_space<vmem>>)
    %dma_start3A_472 = arith.constant 5 : i32
    %dma_start3A_473 = arith.constant 0 : i32
    %dma_start3A_474 = tpu.memref_slice %arg9[%dma_start3A_472, %dma_start3A_473] : memref<8x64xi32, #tpu.memory_space<vmem>> -> memref<1x64xi32, #tpu.memory_space<vmem>>
    %dma_start3A_475 = tpu.memref_squeeze %dma_start3A_474 : memref<1x64xi32, #tpu.memory_space<vmem>> -> memref<64xi32, #tpu.memory_space<vmem>>
    %dma_start3A_476 = arith.constant 0 : i32
    %dma_start3A_477 = arith.constant 0 : i32
    %dma_start3A_478 = tpu.memref_slice %arg2[%dma_start3A_476, %dma_start3A_477] : memref<10000x256xf32, #tpu.memory_space<hbm>> -> memref<10000x256xf32, #tpu.memory_space<hbm>>
    tpu.enqueue_indirect_dma source(%dma_start3A_478 : memref<10000x256xf32, #tpu.memory_space<hbm>>) target(%arg13 : memref<64x256xf32, #tpu.memory_space<vmem>>) offsets(%dma_start3A_475 : memref<64xi32, #tpu.memory_space<vmem>>) semaphore(%arg15 : memref<!tpu.dma_semaphore, #tpu.memory_space<semaphore_mem>>)
    %dma_start3A_479 = arith.constant 5 : i32
    %dma_start3A_480 = arith.constant 0 : i32
    %dma_start3A_481 = tpu.memref_slice %arg10[%dma_start3A_479, %dma_start3A_480] : memref<8x64xi32, #tpu.memory_space<vmem>> -> memref<1x64xi32, #tpu.memory_space<vmem>>
    %dma_start3A_482 = tpu.memref_squeeze %dma_start3A_481 : memref<1x64xi32, #tpu.memory_space<vmem>> -> memref<64xi32, #tpu.memory_space<vmem>>
    %dma_start3A_483 = arith.constant 0 : i32
    %dma_start3A_484 = arith.constant 0 : i32
    %dma_start3A_485 = tpu.memref_slice %arg2[%dma_start3A_483, %dma_start3A_484] : memref<10000x256xf32, #tpu.memory_space<hbm>> -> memref<10000x256xf32, #tpu.memory_space<hbm>>
    tpu.enqueue_indirect_dma source(%dma_start3A_485 : memref<10000x256xf32, #tpu.memory_space<hbm>>) target(%arg14 : memref<64x256xf32, #tpu.memory_space<vmem>>) offsets(%dma_start3A_482 : memref<64xi32, #tpu.memory_space<vmem>>) semaphore(%arg16 : memref<!tpu.dma_semaphore, #tpu.memory_space<semaphore_mem>>)
    %scan3A_486 = arith.constant 0 : i32
    %scan3A_487 = arith.constant 0 : i32
    %scan3A_488 = arith.constant 64 : i32
    %scan3A_489 = arith.addi %scan3A_487, %scan3A_488 : i32
    %scan3A_490 = arith.constant 1 : i32
    scf.for %scan3A_582 = %scan3A_487 to %scan3A_489 step %scan3A_490  : i32 {
      %get3A = arith.index_cast %scan3A_582 : i32 to index
      %get3A_583 = arith.constant 0 : index
      %get3A_584 = tpu.vector_load %arg11[%get3A, %get3A_583] {strides = array<i32>} : memref<64x256xf32, #tpu.memory_space<vmem>>, vector<1x16xf32>,
      %get3A_585 = vector.shape_cast %get3A_584 : vector<1x16xf32> to vector<16xf32>
      %get3A_586 = arith.index_cast %scan3A_582 : i32 to index
      %get3A_587 = arith.constant 0 : index
      %get3A_588 = tpu.vector_load %arg12[%get3A_586, %get3A_587] {strides = array<i32>} : memref<64x256xf32, #tpu.memory_space<vmem>>, vector<1x16xf32>,
      %get3A_589 = vector.shape_cast %get3A_588 : vector<1x16xf32> to vector<16xf32>
      %mul3A_590 = arith.mulf %get3A_585, %get3A_589 : vector<16xf32>
      %swap3A = arith.index_cast %scan3A_582 : i32 to index
      %swap3A_591 = arith.constant 0 : index
      %swap3A_592 = tpu.vector_load %arg11[%swap3A, %swap3A_591] {strides = array<i32>} : memref<64x256xf32, #tpu.memory_space<vmem>>, vector<1x16xf32>,
      %swap3A_593 = vector.shape_cast %swap3A_592 : vector<1x16xf32> to vector<16xf32>
      %swap3A_594 = vector.shape_cast %mul3A_590 : vector<16xf32> to vector<1x16xf32>
      tpu.vector_store %arg11[%swap3A, %swap3A_591], %swap3A_594 {strides = array<i32>} : memref<64x256xf32, #tpu.memory_space<vmem>>, vector<1x16xf32>,
      %get3A_595 = arith.index_cast %scan3A_582 : i32 to index
      %get3A_596 = arith.constant 16 : index
      %get3A_597 = tpu.vector_load %arg11[%get3A_595, %get3A_596] {strides = array<i32>} : memref<64x256xf32, #tpu.memory_space<vmem>>, vector<1x16xf32>,
      %get3A_598 = vector.shape_cast %get3A_597 : vector<1x16xf32> to vector<16xf32>
      %get3A_599 = arith.index_cast %scan3A_582 : i32 to index
      %get3A_600 = arith.constant 16 : index
      %get3A_601 = tpu.vector_load %arg12[%get3A_599, %get3A_600] {strides = array<i32>} : memref<64x256xf32, #tpu.memory_space<vmem>>, vector<1x16xf32>,
      %get3A_602 = vector.shape_cast %get3A_601 : vector<1x16xf32> to vector<16xf32>
      %mul3A_603 = arith.mulf %get3A_598, %get3A_602 : vector<16xf32>
      %swap3A_604 = arith.index_cast %scan3A_582 : i32 to index
      %swap3A_605 = arith.constant 16 : index
      %swap3A_606 = tpu.vector_load %arg11[%swap3A_604, %swap3A_605] {strides = array<i32>} : memref<64x256xf32, #tpu.memory_space<vmem>>, vector<1x16xf32>,
      %swap3A_607 = vector.shape_cast %swap3A_606 : vector<1x16xf32> to vector<16xf32>
      %swap3A_608 = vector.shape_cast %mul3A_603 : vector<16xf32> to vector<1x16xf32>
      tpu.vector_store %arg11[%swap3A_604, %swap3A_605], %swap3A_608 {strides = array<i32>} : memref<64x256xf32, #tpu.memory_space<vmem>>, vector<1x16xf32>,
      %get3A_609 = arith.index_cast %scan3A_582 : i32 to index
      %get3A_610 = arith.constant 32 : index
      %get3A_611 = tpu.vector_load %arg11[%get3A_609, %get3A_610] {strides = array<i32>} : memref<64x256xf32, #tpu.memory_space<vmem>>, vector<1x16xf32>,
      %get3A_612 = vector.shape_cast %get3A_611 : vector<1x16xf32> to vector<16xf32>
      %get3A_613 = arith.index_cast %scan3A_582 : i32 to index
      %get3A_614 = arith.constant 32 : index
      %get3A_615 = tpu.vector_load %arg12[%get3A_613, %get3A_614] {strides = array<i32>} : memref<64x256xf32, #tpu.memory_space<vmem>>, vector<1x16xf32>,
      %get3A_616 = vector.shape_cast %get3A_615 : vector<1x16xf32> to vector<16xf32>
      %mul3A_617 = arith.mulf %get3A_612, %get3A_616 : vector<16xf32>
      %swap3A_618 = arith.index_cast %scan3A_582 : i32 to index
      %swap3A_619 = arith.constant 32 : index
      %swap3A_620 = tpu.vector_load %arg11[%swap3A_618, %swap3A_619] {strides = array<i32>} : memref<64x256xf32, #tpu.memory_space<vmem>>, vector<1x16xf32>,
      %swap3A_621 = vector.shape_cast %swap3A_620 : vector<1x16xf32> to vector<16xf32>
      %swap3A_622 = vector.shape_cast %mul3A_617 : vector<16xf32> to vector<1x16xf32>
      tpu.vector_store %arg11[%swap3A_618, %swap3A_619], %swap3A_622 {strides = array<i32>} : memref<64x256xf32, #tpu.memory_space<vmem>>, vector<1x16xf32>,
      %get3A_623 = arith.index_cast %scan3A_582 : i32 to index
      %get3A_624 = arith.constant 48 : index
      %get3A_625 = tpu.vector_load %arg11[%get3A_623, %get3A_624] {strides = array<i32>} : memref<64x256xf32, #tpu.memory_space<vmem>>, vector<1x16xf32>,
      %get3A_626 = vector.shape_cast %get3A_625 : vector<1x16xf32> to vector<16xf32>
      %get3A_627 = arith.index_cast %scan3A_582 : i32 to index
      %get3A_628 = arith.constant 48 : index
      %get3A_629 = tpu.vector_load %arg12[%get3A_627, %get3A_628] {strides = array<i32>} : memref<64x256xf32, #tpu.memory_space<vmem>>, vector<1x16xf32>,
      %get3A_630 = vector.shape_cast %get3A_629 : vector<1x16xf32> to vector<16xf32>
      %mul3A_631 = arith.mulf %get3A_626, %get3A_630 : vector<16xf32>
      %swap3A_632 = arith.index_cast %scan3A_582 : i32 to index
      %swap3A_633 = arith.constant 48 : index
      %swap3A_634 = tpu.vector_load %arg11[%swap3A_632, %swap3A_633] {strides = array<i32>} : memref<64x256xf32, #tpu.memory_space<vmem>>, vector<1x16xf32>,
      %swap3A_635 = vector.shape_cast %swap3A_634 : vector<1x16xf32> to vector<16xf32>
      %swap3A_636 = vector.shape_cast %mul3A_631 : vector<16xf32> to vector<1x16xf32>
      tpu.vector_store %arg11[%swap3A_632, %swap3A_633], %swap3A_636 {strides = array<i32>} : memref<64x256xf32, #tpu.memory_space<vmem>>, vector<1x16xf32>,
      %get3A_637 = arith.index_cast %scan3A_582 : i32 to index
      %get3A_638 = arith.constant 64 : index
      %get3A_639 = tpu.vector_load %arg11[%get3A_637, %get3A_638] {strides = array<i32>} : memref<64x256xf32, #tpu.memory_space<vmem>>, vector<1x16xf32>,
      %get3A_640 = vector.shape_cast %get3A_639 : vector<1x16xf32> to vector<16xf32>
      %get3A_641 = arith.index_cast %scan3A_582 : i32 to index
      %get3A_642 = arith.constant 64 : index
      %get3A_643 = tpu.vector_load %arg12[%get3A_641, %get3A_642] {strides = array<i32>} : memref<64x256xf32, #tpu.memory_space<vmem>>, vector<1x16xf32>,
      %get3A_644 = vector.shape_cast %get3A_643 : vector<1x16xf32> to vector<16xf32>
      %mul3A_645 = arith.mulf %get3A_640, %get3A_644 : vector<16xf32>
      %swap3A_646 = arith.index_cast %scan3A_582 : i32 to index
      %swap3A_647 = arith.constant 64 : index
      %swap3A_648 = tpu.vector_load %arg11[%swap3A_646, %swap3A_647] {strides = array<i32>} : memref<64x256xf32, #tpu.memory_space<vmem>>, vector<1x16xf32>,
      %swap3A_649 = vector.shape_cast %swap3A_648 : vector<1x16xf32> to vector<16xf32>
      %swap3A_650 = vector.shape_cast %mul3A_645 : vector<16xf32> to vector<1x16xf32>
      tpu.vector_store %arg11[%swap3A_646, %swap3A_647], %swap3A_650 {strides = array<i32>} : memref<64x256xf32, #tpu.memory_space<vmem>>, vector<1x16xf32>,
      %get3A_651 = arith.index_cast %scan3A_582 : i32 to index
      %get3A_652 = arith.constant 80 : index
      %get3A_653 = tpu.vector_load %arg11[%get3A_651, %get3A_652] {strides = array<i32>} : memref<64x256xf32, #tpu.memory_space<vmem>>, vector<1x16xf32>,
      %get3A_654 = vector.shape_cast %get3A_653 : vector<1x16xf32> to vector<16xf32>
      %get3A_655 = arith.index_cast %scan3A_582 : i32 to index
      %get3A_656 = arith.constant 80 : index
      %get3A_657 = tpu.vector_load %arg12[%get3A_655, %get3A_656] {strides = array<i32>} : memref<64x256xf32, #tpu.memory_space<vmem>>, vector<1x16xf32>,
      %get3A_658 = vector.shape_cast %get3A_657 : vector<1x16xf32> to vector<16xf32>
      %mul3A_659 = arith.mulf %get3A_654, %get3A_658 : vector<16xf32>
      %swap3A_660 = arith.index_cast %scan3A_582 : i32 to index
      %swap3A_661 = arith.constant 80 : index
      %swap3A_662 = tpu.vector_load %arg11[%swap3A_660, %swap3A_661] {strides = array<i32>} : memref<64x256xf32, #tpu.memory_space<vmem>>, vector<1x16xf32>,
      %swap3A_663 = vector.shape_cast %swap3A_662 : vector<1x16xf32> to vector<16xf32>
      %swap3A_664 = vector.shape_cast %mul3A_659 : vector<16xf32> to vector<1x16xf32>
      tpu.vector_store %arg11[%swap3A_660, %swap3A_661], %swap3A_664 {strides = array<i32>} : memref<64x256xf32, #tpu.memory_space<vmem>>, vector<1x16xf32>,
      %get3A_665 = arith.index_cast %scan3A_582 : i32 to index
      %get3A_666 = arith.constant 96 : index
      %get3A_667 = tpu.vector_load %arg11[%get3A_665, %get3A_666] {strides = array<i32>} : memref<64x256xf32, #tpu.memory_space<vmem>>, vector<1x16xf32>,
      %get3A_668 = vector.shape_cast %get3A_667 : vector<1x16xf32> to vector<16xf32>
      %get3A_669 = arith.index_cast %scan3A_582 : i32 to index
      %get3A_670 = arith.constant 96 : index
      %get3A_671 = tpu.vector_load %arg12[%get3A_669, %get3A_670] {strides = array<i32>} : memref<64x256xf32, #tpu.memory_space<vmem>>, vector<1x16xf32>,
      %get3A_672 = vector.shape_cast %get3A_671 : vector<1x16xf32> to vector<16xf32>
      %mul3A_673 = arith.mulf %get3A_668, %get3A_672 : vector<16xf32>
      %swap3A_674 = arith.index_cast %scan3A_582 : i32 to index
      %swap3A_675 = arith.constant 96 : index
      %swap3A_676 = tpu.vector_load %arg11[%swap3A_674, %swap3A_675] {strides = array<i32>} : memref<64x256xf32, #tpu.memory_space<vmem>>, vector<1x16xf32>,
      %swap3A_677 = vector.shape_cast %swap3A_676 : vector<1x16xf32> to vector<16xf32>
      %swap3A_678 = vector.shape_cast %mul3A_673 : vector<16xf32> to vector<1x16xf32>
      tpu.vector_store %arg11[%swap3A_674, %swap3A_675], %swap3A_678 {strides = array<i32>} : memref<64x256xf32, #tpu.memory_space<vmem>>, vector<1x16xf32>,
      %get3A_679 = arith.index_cast %scan3A_582 : i32 to index
      %get3A_680 = arith.constant 112 : index
      %get3A_681 = tpu.vector_load %arg11[%get3A_679, %get3A_680] {strides = array<i32>} : memref<64x256xf32, #tpu.memory_space<vmem>>, vector<1x16xf32>,
      %get3A_682 = vector.shape_cast %get3A_681 : vector<1x16xf32> to vector<16xf32>
      %get3A_683 = arith.index_cast %scan3A_582 : i32 to index
      %get3A_684 = arith.constant 112 : index
      %get3A_685 = tpu.vector_load %arg12[%get3A_683, %get3A_684] {strides = array<i32>} : memref<64x256xf32, #tpu.memory_space<vmem>>, vector<1x16xf32>,
      %get3A_686 = vector.shape_cast %get3A_685 : vector<1x16xf32> to vector<16xf32>
      %mul3A_687 = arith.mulf %get3A_682, %get3A_686 : vector<16xf32>
      %swap3A_688 = arith.index_cast %scan3A_582 : i32 to index
      %swap3A_689 = arith.constant 112 : index
      %swap3A_690 = tpu.vector_load %arg11[%swap3A_688, %swap3A_689] {strides = array<i32>} : memref<64x256xf32, #tpu.memory_space<vmem>>, vector<1x16xf32>,
      %swap3A_691 = vector.shape_cast %swap3A_690 : vector<1x16xf32> to vector<16xf32>
      %swap3A_692 = vector.shape_cast %mul3A_687 : vector<16xf32> to vector<1x16xf32>
      tpu.vector_store %arg11[%swap3A_688, %swap3A_689], %swap3A_692 {strides = array<i32>} : memref<64x256xf32, #tpu.memory_space<vmem>>, vector<1x16xf32>,
      %get3A_693 = arith.index_cast %scan3A_582 : i32 to index
      %get3A_694 = arith.constant 128 : index
      %get3A_695 = tpu.vector_load %arg11[%get3A_693, %get3A_694] {strides = array<i32>} : memref<64x256xf32, #tpu.memory_space<vmem>>, vector<1x16xf32>,
      %get3A_696 = vector.shape_cast %get3A_695 : vector<1x16xf32> to vector<16xf32>
      %get3A_697 = arith.index_cast %scan3A_582 : i32 to index
      %get3A_698 = arith.constant 128 : index
      %get3A_699 = tpu.vector_load %arg12[%get3A_697, %get3A_698] {strides = array<i32>} : memref<64x256xf32, #tpu.memory_space<vmem>>, vector<1x16xf32>,
      %get3A_700 = vector.shape_cast %get3A_699 : vector<1x16xf32> to vector<16xf32>
      %mul3A_701 = arith.mulf %get3A_696, %get3A_700 : vector<16xf32>
      %swap3A_702 = arith.index_cast %scan3A_582 : i32 to index
      %swap3A_703 = arith.constant 128 : index
      %swap3A_704 = tpu.vector_load %arg11[%swap3A_702, %swap3A_703] {strides = array<i32>} : memref<64x256xf32, #tpu.memory_space<vmem>>, vector<1x16xf32>,
      %swap3A_705 = vector.shape_cast %swap3A_704 : vector<1x16xf32> to vector<16xf32>
      %swap3A_706 = vector.shape_cast %mul3A_701 : vector<16xf32> to vector<1x16xf32>
      tpu.vector_store %arg11[%swap3A_702, %swap3A_703], %swap3A_706 {strides = array<i32>} : memref<64x256xf32, #tpu.memory_space<vmem>>, vector<1x16xf32>,
      %get3A_707 = arith.index_cast %scan3A_582 : i32 to index
      %get3A_708 = arith.constant 144 : index
      %get3A_709 = tpu.vector_load %arg11[%get3A_707, %get3A_708] {strides = array<i32>} : memref<64x256xf32, #tpu.memory_space<vmem>>, vector<1x16xf32>,
      %get3A_710 = vector.shape_cast %get3A_709 : vector<1x16xf32> to vector<16xf32>
      %get3A_711 = arith.index_cast %scan3A_582 : i32 to index
      %get3A_712 = arith.constant 144 : index
      %get3A_713 = tpu.vector_load %arg12[%get3A_711, %get3A_712] {strides = array<i32>} : memref<64x256xf32, #tpu.memory_space<vmem>>, vector<1x16xf32>,
      %get3A_714 = vector.shape_cast %get3A_713 : vector<1x16xf32> to vector<16xf32>
      %mul3A_715 = arith.mulf %get3A_710, %get3A_714 : vector<16xf32>
      %swap3A_716 = arith.index_cast %scan3A_582 : i32 to index
      %swap3A_717 = arith.constant 144 : index
      %swap3A_718 = tpu.vector_load %arg11[%swap3A_716, %swap3A_717] {strides = array<i32>} : memref<64x256xf32, #tpu.memory_space<vmem>>, vector<1x16xf32>,
      %swap3A_719 = vector.shape_cast %swap3A_718 : vector<1x16xf32> to vector<16xf32>
      %swap3A_720 = vector.shape_cast %mul3A_715 : vector<16xf32> to vector<1x16xf32>
      tpu.vector_store %arg11[%swap3A_716, %swap3A_717], %swap3A_720 {strides = array<i32>} : memref<64x256xf32, #tpu.memory_space<vmem>>, vector<1x16xf32>,
      %get3A_721 = arith.index_cast %scan3A_582 : i32 to index
      %get3A_722 = arith.constant 160 : index
      %get3A_723 = tpu.vector_load %arg11[%get3A_721, %get3A_722] {strides = array<i32>} : memref<64x256xf32, #tpu.memory_space<vmem>>, vector<1x16xf32>,
      %get3A_724 = vector.shape_cast %get3A_723 : vector<1x16xf32> to vector<16xf32>
      %get3A_725 = arith.index_cast %scan3A_582 : i32 to index
      %get3A_726 = arith.constant 160 : index
      %get3A_727 = tpu.vector_load %arg12[%get3A_725, %get3A_726] {strides = array<i32>} : memref<64x256xf32, #tpu.memory_space<vmem>>, vector<1x16xf32>,
      %get3A_728 = vector.shape_cast %get3A_727 : vector<1x16xf32> to vector<16xf32>
      %mul3A_729 = arith.mulf %get3A_724, %get3A_728 : vector<16xf32>
      %swap3A_730 = arith.index_cast %scan3A_582 : i32 to index
      %swap3A_731 = arith.constant 160 : index
      %swap3A_732 = tpu.vector_load %arg11[%swap3A_730, %swap3A_731] {strides = array<i32>} : memref<64x256xf32, #tpu.memory_space<vmem>>, vector<1x16xf32>,
      %swap3A_733 = vector.shape_cast %swap3A_732 : vector<1x16xf32> to vector<16xf32>
      %swap3A_734 = vector.shape_cast %mul3A_729 : vector<16xf32> to vector<1x16xf32>
      tpu.vector_store %arg11[%swap3A_730, %swap3A_731], %swap3A_734 {strides = array<i32>} : memref<64x256xf32, #tpu.memory_space<vmem>>, vector<1x16xf32>,
      %get3A_735 = arith.index_cast %scan3A_582 : i32 to index
      %get3A_736 = arith.constant 176 : index
      %get3A_737 = tpu.vector_load %arg11[%get3A_735, %get3A_736] {strides = array<i32>} : memref<64x256xf32, #tpu.memory_space<vmem>>, vector<1x16xf32>,
      %get3A_738 = vector.shape_cast %get3A_737 : vector<1x16xf32> to vector<16xf32>
      %get3A_739 = arith.index_cast %scan3A_582 : i32 to index
      %get3A_740 = arith.constant 176 : index
      %get3A_741 = tpu.vector_load %arg12[%get3A_739, %get3A_740] {strides = array<i32>} : memref<64x256xf32, #tpu.memory_space<vmem>>, vector<1x16xf32>,
      %get3A_742 = vector.shape_cast %get3A_741 : vector<1x16xf32> to vector<16xf32>
      %mul3A_743 = arith.mulf %get3A_738, %get3A_742 : vector<16xf32>
      %swap3A_744 = arith.index_cast %scan3A_582 : i32 to index
      %swap3A_745 = arith.constant 176 : index
      %swap3A_746 = tpu.vector_load %arg11[%swap3A_744, %swap3A_745] {strides = array<i32>} : memref<64x256xf32, #tpu.memory_space<vmem>>, vector<1x16xf32>,
      %swap3A_747 = vector.shape_cast %swap3A_746 : vector<1x16xf32> to vector<16xf32>
      %swap3A_748 = vector.shape_cast %mul3A_743 : vector<16xf32> to vector<1x16xf32>
      tpu.vector_store %arg11[%swap3A_744, %swap3A_745], %swap3A_748 {strides = array<i32>} : memref<64x256xf32, #tpu.memory_space<vmem>>, vector<1x16xf32>,
      %get3A_749 = arith.index_cast %scan3A_582 : i32 to index
      %get3A_750 = arith.constant 192 : index
      %get3A_751 = tpu.vector_load %arg11[%get3A_749, %get3A_750] {strides = array<i32>} : memref<64x256xf32, #tpu.memory_space<vmem>>, vector<1x16xf32>,
      %get3A_752 = vector.shape_cast %get3A_751 : vector<1x16xf32> to vector<16xf32>
      %get3A_753 = arith.index_cast %scan3A_582 : i32 to index
      %get3A_754 = arith.constant 192 : index
      %get3A_755 = tpu.vector_load %arg12[%get3A_753, %get3A_754] {strides = array<i32>} : memref<64x256xf32, #tpu.memory_space<vmem>>, vector<1x16xf32>,
      %get3A_756 = vector.shape_cast %get3A_755 : vector<1x16xf32> to vector<16xf32>
      %mul3A_757 = arith.mulf %get3A_752, %get3A_756 : vector<16xf32>
      %swap3A_758 = arith.index_cast %scan3A_582 : i32 to index
      %swap3A_759 = arith.constant 192 : index
      %swap3A_760 = tpu.vector_load %arg11[%swap3A_758, %swap3A_759] {strides = array<i32>} : memref<64x256xf32, #tpu.memory_space<vmem>>, vector<1x16xf32>,
      %swap3A_761 = vector.shape_cast %swap3A_760 : vector<1x16xf32> to vector<16xf32>
      %swap3A_762 = vector.shape_cast %mul3A_757 : vector<16xf32> to vector<1x16xf32>
      tpu.vector_store %arg11[%swap3A_758, %swap3A_759], %swap3A_762 {strides = array<i32>} : memref<64x256xf32, #tpu.memory_space<vmem>>, vector<1x16xf32>,
      %get3A_763 = arith.index_cast %scan3A_582 : i32 to index
      %get3A_764 = arith.constant 208 : index
      %get3A_765 = tpu.vector_load %arg11[%get3A_763, %get3A_764] {strides = array<i32>} : memref<64x256xf32, #tpu.memory_space<vmem>>, vector<1x16xf32>,
      %get3A_766 = vector.shape_cast %get3A_765 : vector<1x16xf32> to vector<16xf32>
      %get3A_767 = arith.index_cast %scan3A_582 : i32 to index
      %get3A_768 = arith.constant 208 : index
      %get3A_769 = tpu.vector_load %arg12[%get3A_767, %get3A_768] {strides = array<i32>} : memref<64x256xf32, #tpu.memory_space<vmem>>, vector<1x16xf32>,
      %get3A_770 = vector.shape_cast %get3A_769 : vector<1x16xf32> to vector<16xf32>
      %mul3A_771 = arith.mulf %get3A_766, %get3A_770 : vector<16xf32>
      %swap3A_772 = arith.index_cast %scan3A_582 : i32 to index
      %swap3A_773 = arith.constant 208 : index
      %swap3A_774 = tpu.vector_load %arg11[%swap3A_772, %swap3A_773] {strides = array<i32>} : memref<64x256xf32, #tpu.memory_space<vmem>>, vector<1x16xf32>,
      %swap3A_775 = vector.shape_cast %swap3A_774 : vector<1x16xf32> to vector<16xf32>
      %swap3A_776 = vector.shape_cast %mul3A_771 : vector<16xf32> to vector<1x16xf32>
      tpu.vector_store %arg11[%swap3A_772, %swap3A_773], %swap3A_776 {strides = array<i32>} : memref<64x256xf32, #tpu.memory_space<vmem>>, vector<1x16xf32>,
      %get3A_777 = arith.index_cast %scan3A_582 : i32 to index
      %get3A_778 = arith.constant 224 : index
      %get3A_779 = tpu.vector_load %arg11[%get3A_777, %get3A_778] {strides = array<i32>} : memref<64x256xf32, #tpu.memory_space<vmem>>, vector<1x16xf32>,
      %get3A_780 = vector.shape_cast %get3A_779 : vector<1x16xf32> to vector<16xf32>
      %get3A_781 = arith.index_cast %scan3A_582 : i32 to index
      %get3A_782 = arith.constant 224 : index
      %get3A_783 = tpu.vector_load %arg12[%get3A_781, %get3A_782] {strides = array<i32>} : memref<64x256xf32, #tpu.memory_space<vmem>>, vector<1x16xf32>,
      %get3A_784 = vector.shape_cast %get3A_783 : vector<1x16xf32> to vector<16xf32>
      %mul3A_785 = arith.mulf %get3A_780, %get3A_784 : vector<16xf32>
      %swap3A_786 = arith.index_cast %scan3A_582 : i32 to index
      %swap3A_787 = arith.constant 224 : index
      %swap3A_788 = tpu.vector_load %arg11[%swap3A_786, %swap3A_787] {strides = array<i32>} : memref<64x256xf32, #tpu.memory_space<vmem>>, vector<1x16xf32>,
      %swap3A_789 = vector.shape_cast %swap3A_788 : vector<1x16xf32> to vector<16xf32>
      %swap3A_790 = vector.shape_cast %mul3A_785 : vector<16xf32> to vector<1x16xf32>
      tpu.vector_store %arg11[%swap3A_786, %swap3A_787], %swap3A_790 {strides = array<i32>} : memref<64x256xf32, #tpu.memory_space<vmem>>, vector<1x16xf32>,
      %get3A_791 = arith.index_cast %scan3A_582 : i32 to index
      %get3A_792 = arith.constant 240 : index
      %get3A_793 = tpu.vector_load %arg11[%get3A_791, %get3A_792] {strides = array<i32>} : memref<64x256xf32, #tpu.memory_space<vmem>>, vector<1x16xf32>,
      %get3A_794 = vector.shape_cast %get3A_793 : vector<1x16xf32> to vector<16xf32>
      %get3A_795 = arith.index_cast %scan3A_582 : i32 to index
      %get3A_796 = arith.constant 240 : index
      %get3A_797 = tpu.vector_load %arg12[%get3A_795, %get3A_796] {strides = array<i32>} : memref<64x256xf32, #tpu.memory_space<vmem>>, vector<1x16xf32>,
      %get3A_798 = vector.shape_cast %get3A_797 : vector<1x16xf32> to vector<16xf32>
      %mul3A_799 = arith.mulf %get3A_794, %get3A_798 : vector<16xf32>
      %swap3A_800 = arith.index_cast %scan3A_582 : i32 to index
      %swap3A_801 = arith.constant 240 : index
      %swap3A_802 = tpu.vector_load %arg11[%swap3A_800, %swap3A_801] {strides = array<i32>} : memref<64x256xf32, #tpu.memory_space<vmem>>, vector<1x16xf32>,
      %swap3A_803 = vector.shape_cast %swap3A_802 : vector<1x16xf32> to vector<16xf32>
      %swap3A_804 = vector.shape_cast %mul3A_799 : vector<16xf32> to vector<1x16xf32>
      tpu.vector_store %arg11[%swap3A_800, %swap3A_801], %swap3A_804 {strides = array<i32>} : memref<64x256xf32, #tpu.memory_space<vmem>>, vector<1x16xf32>,
    }
    %scan3A_491 = arith.constant 64 : i32
    %add3A_492 = arith.constant 256 : i32
    %add3A_493 = arith.addi %mul3A_2, %add3A_492 : i32
    "tpu.region"() ({
      %run_scoped3A = tpu.sem_alloc : memref<!tpu.dma_semaphore, #tpu.memory_space<semaphore_mem>>
      %dma_start3A_582 = arith.constant 0 : i32
      %dma_start3A_583 = tpu.memref_slice %arg5[%add3A_493, %dma_start3A_582] : memref<16384x256xf32, #tpu.memory_space<hbm>> -> memref<64x256xf32, #tpu.memory_space<hbm>>
      %dma_start3A_584 = arith.constant 0 : i32
      %dma_start3A_585 = tpu.memref_slice %arg5[%add3A_493, %dma_start3A_584] : memref<16384x256xf32, #tpu.memory_space<hbm>> -> memref<64x256xf32, #tpu.memory_space<hbm>>
      tpu.enqueue_dma source(%arg11 : memref<64x256xf32, #tpu.memory_space<vmem>>) target(%dma_start3A_585 : memref<64x256xf32, #tpu.memory_space<hbm>>) target_semaphore(%run_scoped3A : memref<!tpu.dma_semaphore, #tpu.memory_space<semaphore_mem>>)
      %dma_wait3A_586 = arith.constant 0 : i32
      %dma_wait3A_587 = tpu.memref_slice %arg5[%add3A_493, %dma_wait3A_586] : memref<16384x256xf32, #tpu.memory_space<hbm>> -> memref<64x256xf32, #tpu.memory_space<hbm>>
      %dma_wait3A_588 = arith.constant 0 : i32
      %dma_wait3A_589 = tpu.memref_slice %arg5[%add3A_493, %dma_wait3A_588] : memref<16384x256xf32, #tpu.memory_space<hbm>> -> memref<64x256xf32, #tpu.memory_space<hbm>>
      tpu.wait_dma2 semaphore(%run_scoped3A : memref<!tpu.dma_semaphore, #tpu.memory_space<semaphore_mem>>) src(%arg11 : memref<64x256xf32, #tpu.memory_space<vmem>>) dst(%dma_wait3A_589 : memref<64x256xf32, #tpu.memory_space<hbm>>)
      tpu.yield
    }) : () -> ()
    %dma_wait3A_494 = arith.constant 0 : i32
    %dma_wait3A_495 = arith.constant 0 : i32
    %dma_wait3A_496 = tpu.memref_slice %arg2[%dma_wait3A_494, %dma_wait3A_495] : memref<10000x256xf32, #tpu.memory_space<hbm>> -> memref<64x256xf32, #tpu.memory_space<hbm>>
    %dma_wait3A_497 = arith.constant 0 : i32
    %dma_wait3A_498 = arith.constant 0 : i32
    %dma_wait3A_499 = tpu.memref_slice %arg2[%dma_wait3A_497, %dma_wait3A_498] : memref<10000x256xf32, #tpu.memory_space<hbm>> -> memref<64x256xf32, #tpu.memory_space<hbm>>
    tpu.wait_dma2 semaphore(%arg15 : memref<!tpu.dma_semaphore, #tpu.memory_space<semaphore_mem>>) src(%dma_wait3A_499 : memref<64x256xf32, #tpu.memory_space<hbm>>) dst(%arg13 : memref<64x256xf32, #tpu.memory_space<vmem>>)
    %dma_wait3A_500 = arith.constant 0 : i32
    %dma_wait3A_501 = arith.constant 0 : i32
    %dma_wait3A_502 = tpu.memref_slice %arg2[%dma_wait3A_500, %dma_wait3A_501] : memref<10000x256xf32, #tpu.memory_space<hbm>> -> memref<64x256xf32, #tpu.memory_space<hbm>>
    %dma_wait3A_503 = arith.constant 0 : i32
    %dma_wait3A_504 = arith.constant 0 : i32
    %dma_wait3A_505 = tpu.memref_slice %arg2[%dma_wait3A_503, %dma_wait3A_504] : memref<10000x256xf32, #tpu.memory_space<hbm>> -> memref<64x256xf32, #tpu.memory_space<hbm>>
    tpu.wait_dma2 semaphore(%arg16 : memref<!tpu.dma_semaphore, #tpu.memory_space<semaphore_mem>>) src(%dma_wait3A_505 : memref<64x256xf32, #tpu.memory_space<hbm>>) dst(%arg14 : memref<64x256xf32, #tpu.memory_space<vmem>>)
    %dma_start3A_506 = arith.constant 6 : i32
    %dma_start3A_507 = arith.constant 0 : i32
    %dma_start3A_508 = tpu.memref_slice %arg9[%dma_start3A_506, %dma_start3A_507] : memref<8x64xi32, #tpu.memory_space<vmem>> -> memref<1x64xi32, #tpu.memory_space<vmem>>
    %dma_start3A_509 = tpu.memref_squeeze %dma_start3A_508 : memref<1x64xi32, #tpu.memory_space<vmem>> -> memref<64xi32, #tpu.memory_space<vmem>>
    %dma_start3A_510 = arith.constant 0 : i32
    %dma_start3A_511 = arith.constant 0 : i32
    %dma_start3A_512 = tpu.memref_slice %arg2[%dma_start3A_510, %dma_start3A_511] : memref<10000x256xf32, #tpu.memory_space<hbm>> -> memref<10000x256xf32, #tpu.memory_space<hbm>>
    tpu.enqueue_indirect_dma source(%dma_start3A_512 : memref<10000x256xf32, #tpu.memory_space<hbm>>) target(%arg11 : memref<64x256xf32, #tpu.memory_space<vmem>>) offsets(%dma_start3A_509 : memref<64xi32, #tpu.memory_space<vmem>>) semaphore(%arg15 : memref<!tpu.dma_semaphore, #tpu.memory_space<semaphore_mem>>)
    %dma_start3A_513 = arith.constant 6 : i32
    %dma_start3A_514 = arith.constant 0 : i32
    %dma_start3A_515 = tpu.memref_slice %arg10[%dma_start3A_513, %dma_start3A_514] : memref<8x64xi32, #tpu.memory_space<vmem>> -> memref<1x64xi32, #tpu.memory_space<vmem>>
    %dma_start3A_516 = tpu.memref_squeeze %dma_start3A_515 : memref<1x64xi32, #tpu.memory_space<vmem>> -> memref<64xi32, #tpu.memory_space<vmem>>
    %dma_start3A_517 = arith.constant 0 : i32
    %dma_start3A_518 = arith.constant 0 : i32
    %dma_start3A_519 = tpu.memref_slice %arg2[%dma_start3A_517, %dma_start3A_518] : memref<10000x256xf32, #tpu.memory_space<hbm>> -> memref<10000x256xf32, #tpu.memory_space<hbm>>
    tpu.enqueue_indirect_dma source(%dma_start3A_519 : memref<10000x256xf32, #tpu.memory_space<hbm>>) target(%arg12 : memref<64x256xf32, #tpu.memory_space<vmem>>) offsets(%dma_start3A_516 : memref<64xi32, #tpu.memory_space<vmem>>) semaphore(%arg16 : memref<!tpu.dma_semaphore, #tpu.memory_space<semaphore_mem>>)
    %scan3A_520 = arith.constant 0 : i32
    %scan3A_521 = arith.constant 0 : i32
    %scan3A_522 = arith.constant 64 : i32
    %scan3A_523 = arith.addi %scan3A_521, %scan3A_522 : i32
    %scan3A_524 = arith.constant 1 : i32
    scf.for %scan3A_582 = %scan3A_521 to %scan3A_523 step %scan3A_524  : i32 {
      %get3A = arith.index_cast %scan3A_582 : i32 to index
      %get3A_583 = arith.constant 0 : index
      %get3A_584 = tpu.vector_load %arg13[%get3A, %get3A_583] {strides = array<i32>} : memref<64x256xf32, #tpu.memory_space<vmem>>, vector<1x16xf32>,
      %get3A_585 = vector.shape_cast %get3A_584 : vector<1x16xf32> to vector<16xf32>
      %get3A_586 = arith.index_cast %scan3A_582 : i32 to index
      %get3A_587 = arith.constant 0 : index
      %get3A_588 = tpu.vector_load %arg14[%get3A_586, %get3A_587] {strides = array<i32>} : memref<64x256xf32, #tpu.memory_space<vmem>>, vector<1x16xf32>,
      %get3A_589 = vector.shape_cast %get3A_588 : vector<1x16xf32> to vector<16xf32>
      %mul3A_590 = arith.mulf %get3A_585, %get3A_589 : vector<16xf32>
      %swap3A = arith.index_cast %scan3A_582 : i32 to index
      %swap3A_591 = arith.constant 0 : index
      %swap3A_592 = tpu.vector_load %arg13[%swap3A, %swap3A_591] {strides = array<i32>} : memref<64x256xf32, #tpu.memory_space<vmem>>, vector<1x16xf32>,
      %swap3A_593 = vector.shape_cast %swap3A_592 : vector<1x16xf32> to vector<16xf32>
      %swap3A_594 = vector.shape_cast %mul3A_590 : vector<16xf32> to vector<1x16xf32>
      tpu.vector_store %arg13[%swap3A, %swap3A_591], %swap3A_594 {strides = array<i32>} : memref<64x256xf32, #tpu.memory_space<vmem>>, vector<1x16xf32>,
      %get3A_595 = arith.index_cast %scan3A_582 : i32 to index
      %get3A_596 = arith.constant 16 : index
      %get3A_597 = tpu.vector_load %arg13[%get3A_595, %get3A_596] {strides = array<i32>} : memref<64x256xf32, #tpu.memory_space<vmem>>, vector<1x16xf32>,
      %get3A_598 = vector.shape_cast %get3A_597 : vector<1x16xf32> to vector<16xf32>
      %get3A_599 = arith.index_cast %scan3A_582 : i32 to index
      %get3A_600 = arith.constant 16 : index
      %get3A_601 = tpu.vector_load %arg14[%get3A_599, %get3A_600] {strides = array<i32>} : memref<64x256xf32, #tpu.memory_space<vmem>>, vector<1x16xf32>,
      %get3A_602 = vector.shape_cast %get3A_601 : vector<1x16xf32> to vector<16xf32>
      %mul3A_603 = arith.mulf %get3A_598, %get3A_602 : vector<16xf32>
      %swap3A_604 = arith.index_cast %scan3A_582 : i32 to index
      %swap3A_605 = arith.constant 16 : index
      %swap3A_606 = tpu.vector_load %arg13[%swap3A_604, %swap3A_605] {strides = array<i32>} : memref<64x256xf32, #tpu.memory_space<vmem>>, vector<1x16xf32>,
      %swap3A_607 = vector.shape_cast %swap3A_606 : vector<1x16xf32> to vector<16xf32>
      %swap3A_608 = vector.shape_cast %mul3A_603 : vector<16xf32> to vector<1x16xf32>
      tpu.vector_store %arg13[%swap3A_604, %swap3A_605], %swap3A_608 {strides = array<i32>} : memref<64x256xf32, #tpu.memory_space<vmem>>, vector<1x16xf32>,
      %get3A_609 = arith.index_cast %scan3A_582 : i32 to index
      %get3A_610 = arith.constant 32 : index
      %get3A_611 = tpu.vector_load %arg13[%get3A_609, %get3A_610] {strides = array<i32>} : memref<64x256xf32, #tpu.memory_space<vmem>>, vector<1x16xf32>,
      %get3A_612 = vector.shape_cast %get3A_611 : vector<1x16xf32> to vector<16xf32>
      %get3A_613 = arith.index_cast %scan3A_582 : i32 to index
      %get3A_614 = arith.constant 32 : index
      %get3A_615 = tpu.vector_load %arg14[%get3A_613, %get3A_614] {strides = array<i32>} : memref<64x256xf32, #tpu.memory_space<vmem>>, vector<1x16xf32>,
      %get3A_616 = vector.shape_cast %get3A_615 : vector<1x16xf32> to vector<16xf32>
      %mul3A_617 = arith.mulf %get3A_612, %get3A_616 : vector<16xf32>
      %swap3A_618 = arith.index_cast %scan3A_582 : i32 to index
      %swap3A_619 = arith.constant 32 : index
      %swap3A_620 = tpu.vector_load %arg13[%swap3A_618, %swap3A_619] {strides = array<i32>} : memref<64x256xf32, #tpu.memory_space<vmem>>, vector<1x16xf32>,
      %swap3A_621 = vector.shape_cast %swap3A_620 : vector<1x16xf32> to vector<16xf32>
      %swap3A_622 = vector.shape_cast %mul3A_617 : vector<16xf32> to vector<1x16xf32>
      tpu.vector_store %arg13[%swap3A_618, %swap3A_619], %swap3A_622 {strides = array<i32>} : memref<64x256xf32, #tpu.memory_space<vmem>>, vector<1x16xf32>,
      %get3A_623 = arith.index_cast %scan3A_582 : i32 to index
      %get3A_624 = arith.constant 48 : index
      %get3A_625 = tpu.vector_load %arg13[%get3A_623, %get3A_624] {strides = array<i32>} : memref<64x256xf32, #tpu.memory_space<vmem>>, vector<1x16xf32>,
      %get3A_626 = vector.shape_cast %get3A_625 : vector<1x16xf32> to vector<16xf32>
      %get3A_627 = arith.index_cast %scan3A_582 : i32 to index
      %get3A_628 = arith.constant 48 : index
      %get3A_629 = tpu.vector_load %arg14[%get3A_627, %get3A_628] {strides = array<i32>} : memref<64x256xf32, #tpu.memory_space<vmem>>, vector<1x16xf32>,
      %get3A_630 = vector.shape_cast %get3A_629 : vector<1x16xf32> to vector<16xf32>
      %mul3A_631 = arith.mulf %get3A_626, %get3A_630 : vector<16xf32>
      %swap3A_632 = arith.index_cast %scan3A_582 : i32 to index
      %swap3A_633 = arith.constant 48 : index
      %swap3A_634 = tpu.vector_load %arg13[%swap3A_632, %swap3A_633] {strides = array<i32>} : memref<64x256xf32, #tpu.memory_space<vmem>>, vector<1x16xf32>,
      %swap3A_635 = vector.shape_cast %swap3A_634 : vector<1x16xf32> to vector<16xf32>
      %swap3A_636 = vector.shape_cast %mul3A_631 : vector<16xf32> to vector<1x16xf32>
      tpu.vector_store %arg13[%swap3A_632, %swap3A_633], %swap3A_636 {strides = array<i32>} : memref<64x256xf32, #tpu.memory_space<vmem>>, vector<1x16xf32>,
      %get3A_637 = arith.index_cast %scan3A_582 : i32 to index
      %get3A_638 = arith.constant 64 : index
      %get3A_639 = tpu.vector_load %arg13[%get3A_637, %get3A_638] {strides = array<i32>} : memref<64x256xf32, #tpu.memory_space<vmem>>, vector<1x16xf32>,
      %get3A_640 = vector.shape_cast %get3A_639 : vector<1x16xf32> to vector<16xf32>
      %get3A_641 = arith.index_cast %scan3A_582 : i32 to index
      %get3A_642 = arith.constant 64 : index
      %get3A_643 = tpu.vector_load %arg14[%get3A_641, %get3A_642] {strides = array<i32>} : memref<64x256xf32, #tpu.memory_space<vmem>>, vector<1x16xf32>,
      %get3A_644 = vector.shape_cast %get3A_643 : vector<1x16xf32> to vector<16xf32>
      %mul3A_645 = arith.mulf %get3A_640, %get3A_644 : vector<16xf32>
      %swap3A_646 = arith.index_cast %scan3A_582 : i32 to index
      %swap3A_647 = arith.constant 64 : index
      %swap3A_648 = tpu.vector_load %arg13[%swap3A_646, %swap3A_647] {strides = array<i32>} : memref<64x256xf32, #tpu.memory_space<vmem>>, vector<1x16xf32>,
      %swap3A_649 = vector.shape_cast %swap3A_648 : vector<1x16xf32> to vector<16xf32>
      %swap3A_650 = vector.shape_cast %mul3A_645 : vector<16xf32> to vector<1x16xf32>
      tpu.vector_store %arg13[%swap3A_646, %swap3A_647], %swap3A_650 {strides = array<i32>} : memref<64x256xf32, #tpu.memory_space<vmem>>, vector<1x16xf32>,
      %get3A_651 = arith.index_cast %scan3A_582 : i32 to index
      %get3A_652 = arith.constant 80 : index
      %get3A_653 = tpu.vector_load %arg13[%get3A_651, %get3A_652] {strides = array<i32>} : memref<64x256xf32, #tpu.memory_space<vmem>>, vector<1x16xf32>,
      %get3A_654 = vector.shape_cast %get3A_653 : vector<1x16xf32> to vector<16xf32>
      %get3A_655 = arith.index_cast %scan3A_582 : i32 to index
      %get3A_656 = arith.constant 80 : index
      %get3A_657 = tpu.vector_load %arg14[%get3A_655, %get3A_656] {strides = array<i32>} : memref<64x256xf32, #tpu.memory_space<vmem>>, vector<1x16xf32>,
      %get3A_658 = vector.shape_cast %get3A_657 : vector<1x16xf32> to vector<16xf32>
      %mul3A_659 = arith.mulf %get3A_654, %get3A_658 : vector<16xf32>
      %swap3A_660 = arith.index_cast %scan3A_582 : i32 to index
      %swap3A_661 = arith.constant 80 : index
      %swap3A_662 = tpu.vector_load %arg13[%swap3A_660, %swap3A_661] {strides = array<i32>} : memref<64x256xf32, #tpu.memory_space<vmem>>, vector<1x16xf32>,
      %swap3A_663 = vector.shape_cast %swap3A_662 : vector<1x16xf32> to vector<16xf32>
      %swap3A_664 = vector.shape_cast %mul3A_659 : vector<16xf32> to vector<1x16xf32>
      tpu.vector_store %arg13[%swap3A_660, %swap3A_661], %swap3A_664 {strides = array<i32>} : memref<64x256xf32, #tpu.memory_space<vmem>>, vector<1x16xf32>,
      %get3A_665 = arith.index_cast %scan3A_582 : i32 to index
      %get3A_666 = arith.constant 96 : index
      %get3A_667 = tpu.vector_load %arg13[%get3A_665, %get3A_666] {strides = array<i32>} : memref<64x256xf32, #tpu.memory_space<vmem>>, vector<1x16xf32>,
      %get3A_668 = vector.shape_cast %get3A_667 : vector<1x16xf32> to vector<16xf32>
      %get3A_669 = arith.index_cast %scan3A_582 : i32 to index
      %get3A_670 = arith.constant 96 : index
      %get3A_671 = tpu.vector_load %arg14[%get3A_669, %get3A_670] {strides = array<i32>} : memref<64x256xf32, #tpu.memory_space<vmem>>, vector<1x16xf32>,
      %get3A_672 = vector.shape_cast %get3A_671 : vector<1x16xf32> to vector<16xf32>
      %mul3A_673 = arith.mulf %get3A_668, %get3A_672 : vector<16xf32>
      %swap3A_674 = arith.index_cast %scan3A_582 : i32 to index
      %swap3A_675 = arith.constant 96 : index
      %swap3A_676 = tpu.vector_load %arg13[%swap3A_674, %swap3A_675] {strides = array<i32>} : memref<64x256xf32, #tpu.memory_space<vmem>>, vector<1x16xf32>,
      %swap3A_677 = vector.shape_cast %swap3A_676 : vector<1x16xf32> to vector<16xf32>
      %swap3A_678 = vector.shape_cast %mul3A_673 : vector<16xf32> to vector<1x16xf32>
      tpu.vector_store %arg13[%swap3A_674, %swap3A_675], %swap3A_678 {strides = array<i32>} : memref<64x256xf32, #tpu.memory_space<vmem>>, vector<1x16xf32>,
      %get3A_679 = arith.index_cast %scan3A_582 : i32 to index
      %get3A_680 = arith.constant 112 : index
      %get3A_681 = tpu.vector_load %arg13[%get3A_679, %get3A_680] {strides = array<i32>} : memref<64x256xf32, #tpu.memory_space<vmem>>, vector<1x16xf32>,
      %get3A_682 = vector.shape_cast %get3A_681 : vector<1x16xf32> to vector<16xf32>
      %get3A_683 = arith.index_cast %scan3A_582 : i32 to index
      %get3A_684 = arith.constant 112 : index
      %get3A_685 = tpu.vector_load %arg14[%get3A_683, %get3A_684] {strides = array<i32>} : memref<64x256xf32, #tpu.memory_space<vmem>>, vector<1x16xf32>,
      %get3A_686 = vector.shape_cast %get3A_685 : vector<1x16xf32> to vector<16xf32>
      %mul3A_687 = arith.mulf %get3A_682, %get3A_686 : vector<16xf32>
      %swap3A_688 = arith.index_cast %scan3A_582 : i32 to index
      %swap3A_689 = arith.constant 112 : index
      %swap3A_690 = tpu.vector_load %arg13[%swap3A_688, %swap3A_689] {strides = array<i32>} : memref<64x256xf32, #tpu.memory_space<vmem>>, vector<1x16xf32>,
      %swap3A_691 = vector.shape_cast %swap3A_690 : vector<1x16xf32> to vector<16xf32>
      %swap3A_692 = vector.shape_cast %mul3A_687 : vector<16xf32> to vector<1x16xf32>
      tpu.vector_store %arg13[%swap3A_688, %swap3A_689], %swap3A_692 {strides = array<i32>} : memref<64x256xf32, #tpu.memory_space<vmem>>, vector<1x16xf32>,
      %get3A_693 = arith.index_cast %scan3A_582 : i32 to index
      %get3A_694 = arith.constant 128 : index
      %get3A_695 = tpu.vector_load %arg13[%get3A_693, %get3A_694] {strides = array<i32>} : memref<64x256xf32, #tpu.memory_space<vmem>>, vector<1x16xf32>,
      %get3A_696 = vector.shape_cast %get3A_695 : vector<1x16xf32> to vector<16xf32>
      %get3A_697 = arith.index_cast %scan3A_582 : i32 to index
      %get3A_698 = arith.constant 128 : index
      %get3A_699 = tpu.vector_load %arg14[%get3A_697, %get3A_698] {strides = array<i32>} : memref<64x256xf32, #tpu.memory_space<vmem>>, vector<1x16xf32>,
      %get3A_700 = vector.shape_cast %get3A_699 : vector<1x16xf32> to vector<16xf32>
      %mul3A_701 = arith.mulf %get3A_696, %get3A_700 : vector<16xf32>
      %swap3A_702 = arith.index_cast %scan3A_582 : i32 to index
      %swap3A_703 = arith.constant 128 : index
      %swap3A_704 = tpu.vector_load %arg13[%swap3A_702, %swap3A_703] {strides = array<i32>} : memref<64x256xf32, #tpu.memory_space<vmem>>, vector<1x16xf32>,
      %swap3A_705 = vector.shape_cast %swap3A_704 : vector<1x16xf32> to vector<16xf32>
      %swap3A_706 = vector.shape_cast %mul3A_701 : vector<16xf32> to vector<1x16xf32>
      tpu.vector_store %arg13[%swap3A_702, %swap3A_703], %swap3A_706 {strides = array<i32>} : memref<64x256xf32, #tpu.memory_space<vmem>>, vector<1x16xf32>,
      %get3A_707 = arith.index_cast %scan3A_582 : i32 to index
      %get3A_708 = arith.constant 144 : index
      %get3A_709 = tpu.vector_load %arg13[%get3A_707, %get3A_708] {strides = array<i32>} : memref<64x256xf32, #tpu.memory_space<vmem>>, vector<1x16xf32>,
      %get3A_710 = vector.shape_cast %get3A_709 : vector<1x16xf32> to vector<16xf32>
      %get3A_711 = arith.index_cast %scan3A_582 : i32 to index
      %get3A_712 = arith.constant 144 : index
      %get3A_713 = tpu.vector_load %arg14[%get3A_711, %get3A_712] {strides = array<i32>} : memref<64x256xf32, #tpu.memory_space<vmem>>, vector<1x16xf32>,
      %get3A_714 = vector.shape_cast %get3A_713 : vector<1x16xf32> to vector<16xf32>
      %mul3A_715 = arith.mulf %get3A_710, %get3A_714 : vector<16xf32>
      %swap3A_716 = arith.index_cast %scan3A_582 : i32 to index
      %swap3A_717 = arith.constant 144 : index
      %swap3A_718 = tpu.vector_load %arg13[%swap3A_716, %swap3A_717] {strides = array<i32>} : memref<64x256xf32, #tpu.memory_space<vmem>>, vector<1x16xf32>,
      %swap3A_719 = vector.shape_cast %swap3A_718 : vector<1x16xf32> to vector<16xf32>
      %swap3A_720 = vector.shape_cast %mul3A_715 : vector<16xf32> to vector<1x16xf32>
      tpu.vector_store %arg13[%swap3A_716, %swap3A_717], %swap3A_720 {strides = array<i32>} : memref<64x256xf32, #tpu.memory_space<vmem>>, vector<1x16xf32>,
      %get3A_721 = arith.index_cast %scan3A_582 : i32 to index
      %get3A_722 = arith.constant 160 : index
      %get3A_723 = tpu.vector_load %arg13[%get3A_721, %get3A_722] {strides = array<i32>} : memref<64x256xf32, #tpu.memory_space<vmem>>, vector<1x16xf32>,
      %get3A_724 = vector.shape_cast %get3A_723 : vector<1x16xf32> to vector<16xf32>
      %get3A_725 = arith.index_cast %scan3A_582 : i32 to index
      %get3A_726 = arith.constant 160 : index
      %get3A_727 = tpu.vector_load %arg14[%get3A_725, %get3A_726] {strides = array<i32>} : memref<64x256xf32, #tpu.memory_space<vmem>>, vector<1x16xf32>,
      %get3A_728 = vector.shape_cast %get3A_727 : vector<1x16xf32> to vector<16xf32>
      %mul3A_729 = arith.mulf %get3A_724, %get3A_728 : vector<16xf32>
      %swap3A_730 = arith.index_cast %scan3A_582 : i32 to index
      %swap3A_731 = arith.constant 160 : index
      %swap3A_732 = tpu.vector_load %arg13[%swap3A_730, %swap3A_731] {strides = array<i32>} : memref<64x256xf32, #tpu.memory_space<vmem>>, vector<1x16xf32>,
      %swap3A_733 = vector.shape_cast %swap3A_732 : vector<1x16xf32> to vector<16xf32>
      %swap3A_734 = vector.shape_cast %mul3A_729 : vector<16xf32> to vector<1x16xf32>
      tpu.vector_store %arg13[%swap3A_730, %swap3A_731], %swap3A_734 {strides = array<i32>} : memref<64x256xf32, #tpu.memory_space<vmem>>, vector<1x16xf32>,
      %get3A_735 = arith.index_cast %scan3A_582 : i32 to index
      %get3A_736 = arith.constant 176 : index
      %get3A_737 = tpu.vector_load %arg13[%get3A_735, %get3A_736] {strides = array<i32>} : memref<64x256xf32, #tpu.memory_space<vmem>>, vector<1x16xf32>,
      %get3A_738 = vector.shape_cast %get3A_737 : vector<1x16xf32> to vector<16xf32>
      %get3A_739 = arith.index_cast %scan3A_582 : i32 to index
      %get3A_740 = arith.constant 176 : index
      %get3A_741 = tpu.vector_load %arg14[%get3A_739, %get3A_740] {strides = array<i32>} : memref<64x256xf32, #tpu.memory_space<vmem>>, vector<1x16xf32>,
      %get3A_742 = vector.shape_cast %get3A_741 : vector<1x16xf32> to vector<16xf32>
      %mul3A_743 = arith.mulf %get3A_738, %get3A_742 : vector<16xf32>
      %swap3A_744 = arith.index_cast %scan3A_582 : i32 to index
      %swap3A_745 = arith.constant 176 : index
      %swap3A_746 = tpu.vector_load %arg13[%swap3A_744, %swap3A_745] {strides = array<i32>} : memref<64x256xf32, #tpu.memory_space<vmem>>, vector<1x16xf32>,
      %swap3A_747 = vector.shape_cast %swap3A_746 : vector<1x16xf32> to vector<16xf32>
      %swap3A_748 = vector.shape_cast %mul3A_743 : vector<16xf32> to vector<1x16xf32>
      tpu.vector_store %arg13[%swap3A_744, %swap3A_745], %swap3A_748 {strides = array<i32>} : memref<64x256xf32, #tpu.memory_space<vmem>>, vector<1x16xf32>,
      %get3A_749 = arith.index_cast %scan3A_582 : i32 to index
      %get3A_750 = arith.constant 192 : index
      %get3A_751 = tpu.vector_load %arg13[%get3A_749, %get3A_750] {strides = array<i32>} : memref<64x256xf32, #tpu.memory_space<vmem>>, vector<1x16xf32>,
      %get3A_752 = vector.shape_cast %get3A_751 : vector<1x16xf32> to vector<16xf32>
      %get3A_753 = arith.index_cast %scan3A_582 : i32 to index
      %get3A_754 = arith.constant 192 : index
      %get3A_755 = tpu.vector_load %arg14[%get3A_753, %get3A_754] {strides = array<i32>} : memref<64x256xf32, #tpu.memory_space<vmem>>, vector<1x16xf32>,
      %get3A_756 = vector.shape_cast %get3A_755 : vector<1x16xf32> to vector<16xf32>
      %mul3A_757 = arith.mulf %get3A_752, %get3A_756 : vector<16xf32>
      %swap3A_758 = arith.index_cast %scan3A_582 : i32 to index
      %swap3A_759 = arith.constant 192 : index
      %swap3A_760 = tpu.vector_load %arg13[%swap3A_758, %swap3A_759] {strides = array<i32>} : memref<64x256xf32, #tpu.memory_space<vmem>>, vector<1x16xf32>,
      %swap3A_761 = vector.shape_cast %swap3A_760 : vector<1x16xf32> to vector<16xf32>
      %swap3A_762 = vector.shape_cast %mul3A_757 : vector<16xf32> to vector<1x16xf32>
      tpu.vector_store %arg13[%swap3A_758, %swap3A_759], %swap3A_762 {strides = array<i32>} : memref<64x256xf32, #tpu.memory_space<vmem>>, vector<1x16xf32>,
      %get3A_763 = arith.index_cast %scan3A_582 : i32 to index
      %get3A_764 = arith.constant 208 : index
      %get3A_765 = tpu.vector_load %arg13[%get3A_763, %get3A_764] {strides = array<i32>} : memref<64x256xf32, #tpu.memory_space<vmem>>, vector<1x16xf32>,
      %get3A_766 = vector.shape_cast %get3A_765 : vector<1x16xf32> to vector<16xf32>
      %get3A_767 = arith.index_cast %scan3A_582 : i32 to index
      %get3A_768 = arith.constant 208 : index
      %get3A_769 = tpu.vector_load %arg14[%get3A_767, %get3A_768] {strides = array<i32>} : memref<64x256xf32, #tpu.memory_space<vmem>>, vector<1x16xf32>,
      %get3A_770 = vector.shape_cast %get3A_769 : vector<1x16xf32> to vector<16xf32>
      %mul3A_771 = arith.mulf %get3A_766, %get3A_770 : vector<16xf32>
      %swap3A_772 = arith.index_cast %scan3A_582 : i32 to index
      %swap3A_773 = arith.constant 208 : index
      %swap3A_774 = tpu.vector_load %arg13[%swap3A_772, %swap3A_773] {strides = array<i32>} : memref<64x256xf32, #tpu.memory_space<vmem>>, vector<1x16xf32>,
      %swap3A_775 = vector.shape_cast %swap3A_774 : vector<1x16xf32> to vector<16xf32>
      %swap3A_776 = vector.shape_cast %mul3A_771 : vector<16xf32> to vector<1x16xf32>
      tpu.vector_store %arg13[%swap3A_772, %swap3A_773], %swap3A_776 {strides = array<i32>} : memref<64x256xf32, #tpu.memory_space<vmem>>, vector<1x16xf32>,
      %get3A_777 = arith.index_cast %scan3A_582 : i32 to index
      %get3A_778 = arith.constant 224 : index
      %get3A_779 = tpu.vector_load %arg13[%get3A_777, %get3A_778] {strides = array<i32>} : memref<64x256xf32, #tpu.memory_space<vmem>>, vector<1x16xf32>,
      %get3A_780 = vector.shape_cast %get3A_779 : vector<1x16xf32> to vector<16xf32>
      %get3A_781 = arith.index_cast %scan3A_582 : i32 to index
      %get3A_782 = arith.constant 224 : index
      %get3A_783 = tpu.vector_load %arg14[%get3A_781, %get3A_782] {strides = array<i32>} : memref<64x256xf32, #tpu.memory_space<vmem>>, vector<1x16xf32>,
      %get3A_784 = vector.shape_cast %get3A_783 : vector<1x16xf32> to vector<16xf32>
      %mul3A_785 = arith.mulf %get3A_780, %get3A_784 : vector<16xf32>
      %swap3A_786 = arith.index_cast %scan3A_582 : i32 to index
      %swap3A_787 = arith.constant 224 : index
      %swap3A_788 = tpu.vector_load %arg13[%swap3A_786, %swap3A_787] {strides = array<i32>} : memref<64x256xf32, #tpu.memory_space<vmem>>, vector<1x16xf32>,
      %swap3A_789 = vector.shape_cast %swap3A_788 : vector<1x16xf32> to vector<16xf32>
      %swap3A_790 = vector.shape_cast %mul3A_785 : vector<16xf32> to vector<1x16xf32>
      tpu.vector_store %arg13[%swap3A_786, %swap3A_787], %swap3A_790 {strides = array<i32>} : memref<64x256xf32, #tpu.memory_space<vmem>>, vector<1x16xf32>,
      %get3A_791 = arith.index_cast %scan3A_582 : i32 to index
      %get3A_792 = arith.constant 240 : index
      %get3A_793 = tpu.vector_load %arg13[%get3A_791, %get3A_792] {strides = array<i32>} : memref<64x256xf32, #tpu.memory_space<vmem>>, vector<1x16xf32>,
      %get3A_794 = vector.shape_cast %get3A_793 : vector<1x16xf32> to vector<16xf32>
      %get3A_795 = arith.index_cast %scan3A_582 : i32 to index
      %get3A_796 = arith.constant 240 : index
      %get3A_797 = tpu.vector_load %arg14[%get3A_795, %get3A_796] {strides = array<i32>} : memref<64x256xf32, #tpu.memory_space<vmem>>, vector<1x16xf32>,
      %get3A_798 = vector.shape_cast %get3A_797 : vector<1x16xf32> to vector<16xf32>
      %mul3A_799 = arith.mulf %get3A_794, %get3A_798 : vector<16xf32>
      %swap3A_800 = arith.index_cast %scan3A_582 : i32 to index
      %swap3A_801 = arith.constant 240 : index
      %swap3A_802 = tpu.vector_load %arg13[%swap3A_800, %swap3A_801] {strides = array<i32>} : memref<64x256xf32, #tpu.memory_space<vmem>>, vector<1x16xf32>,
      %swap3A_803 = vector.shape_cast %swap3A_802 : vector<1x16xf32> to vector<16xf32>
      %swap3A_804 = vector.shape_cast %mul3A_799 : vector<16xf32> to vector<1x16xf32>
      tpu.vector_store %arg13[%swap3A_800, %swap3A_801], %swap3A_804 {strides = array<i32>} : memref<64x256xf32, #tpu.memory_space<vmem>>, vector<1x16xf32>,
    }
    %scan3A_525 = arith.constant 64 : i32
    %add3A_526 = arith.constant 320 : i32
    %add3A_527 = arith.addi %mul3A_2, %add3A_526 : i32
    "tpu.region"() ({
      %run_scoped3A = tpu.sem_alloc : memref<!tpu.dma_semaphore, #tpu.memory_space<semaphore_mem>>
      %dma_start3A_582 = arith.constant 0 : i32
      %dma_start3A_583 = tpu.memref_slice %arg5[%add3A_527, %dma_start3A_582] : memref<16384x256xf32, #tpu.memory_space<hbm>> -> memref<64x256xf32, #tpu.memory_space<hbm>>
      %dma_start3A_584 = arith.constant 0 : i32
      %dma_start3A_585 = tpu.memref_slice %arg5[%add3A_527, %dma_start3A_584] : memref<16384x256xf32, #tpu.memory_space<hbm>> -> memref<64x256xf32, #tpu.memory_space<hbm>>
      tpu.enqueue_dma source(%arg13 : memref<64x256xf32, #tpu.memory_space<vmem>>) target(%dma_start3A_585 : memref<64x256xf32, #tpu.memory_space<hbm>>) target_semaphore(%run_scoped3A : memref<!tpu.dma_semaphore, #tpu.memory_space<semaphore_mem>>)
      %dma_wait3A_586 = arith.constant 0 : i32
      %dma_wait3A_587 = tpu.memref_slice %arg5[%add3A_527, %dma_wait3A_586] : memref<16384x256xf32, #tpu.memory_space<hbm>> -> memref<64x256xf32, #tpu.memory_space<hbm>>
      %dma_wait3A_588 = arith.constant 0 : i32
      %dma_wait3A_589 = tpu.memref_slice %arg5[%add3A_527, %dma_wait3A_588] : memref<16384x256xf32, #tpu.memory_space<hbm>> -> memref<64x256xf32, #tpu.memory_space<hbm>>
      tpu.wait_dma2 semaphore(%run_scoped3A : memref<!tpu.dma_semaphore, #tpu.memory_space<semaphore_mem>>) src(%arg13 : memref<64x256xf32, #tpu.memory_space<vmem>>) dst(%dma_wait3A_589 : memref<64x256xf32, #tpu.memory_space<hbm>>)
      tpu.yield
    }) : () -> ()
    %dma_wait3A_528 = arith.constant 0 : i32
    %dma_wait3A_529 = arith.constant 0 : i32
    %dma_wait3A_530 = tpu.memref_slice %arg2[%dma_wait3A_528, %dma_wait3A_529] : memref<10000x256xf32, #tpu.memory_space<hbm>> -> memref<64x256xf32, #tpu.memory_space<hbm>>
    %dma_wait3A_531 = arith.constant 0 : i32
    %dma_wait3A_532 = arith.constant 0 : i32
    %dma_wait3A_533 = tpu.memref_slice %arg2[%dma_wait3A_531, %dma_wait3A_532] : memref<10000x256xf32, #tpu.memory_space<hbm>> -> memref<64x256xf32, #tpu.memory_space<hbm>>
    tpu.wait_dma2 semaphore(%arg15 : memref<!tpu.dma_semaphore, #tpu.memory_space<semaphore_mem>>) src(%dma_wait3A_533 : memref<64x256xf32, #tpu.memory_space<hbm>>) dst(%arg11 : memref<64x256xf32, #tpu.memory_space<vmem>>)
    %dma_wait3A_534 = arith.constant 0 : i32
    %dma_wait3A_535 = arith.constant 0 : i32
    %dma_wait3A_536 = tpu.memref_slice %arg2[%dma_wait3A_534, %dma_wait3A_535] : memref<10000x256xf32, #tpu.memory_space<hbm>> -> memref<64x256xf32, #tpu.memory_space<hbm>>
    %dma_wait3A_537 = arith.constant 0 : i32
    %dma_wait3A_538 = arith.constant 0 : i32
    %dma_wait3A_539 = tpu.memref_slice %arg2[%dma_wait3A_537, %dma_wait3A_538] : memref<10000x256xf32, #tpu.memory_space<hbm>> -> memref<64x256xf32, #tpu.memory_space<hbm>>
    tpu.wait_dma2 semaphore(%arg16 : memref<!tpu.dma_semaphore, #tpu.memory_space<semaphore_mem>>) src(%dma_wait3A_539 : memref<64x256xf32, #tpu.memory_space<hbm>>) dst(%arg12 : memref<64x256xf32, #tpu.memory_space<vmem>>)
    %dma_start3A_540 = arith.constant 7 : i32
    %dma_start3A_541 = arith.constant 0 : i32
    %dma_start3A_542 = tpu.memref_slice %arg9[%dma_start3A_540, %dma_start3A_541] : memref<8x64xi32, #tpu.memory_space<vmem>> -> memref<1x64xi32, #tpu.memory_space<vmem>>
    %dma_start3A_543 = tpu.memref_squeeze %dma_start3A_542 : memref<1x64xi32, #tpu.memory_space<vmem>> -> memref<64xi32, #tpu.memory_space<vmem>>
    %dma_start3A_544 = arith.constant 0 : i32
    %dma_start3A_545 = arith.constant 0 : i32
    %dma_start3A_546 = tpu.memref_slice %arg2[%dma_start3A_544, %dma_start3A_545] : memref<10000x256xf32, #tpu.memory_space<hbm>> -> memref<10000x256xf32, #tpu.memory_space<hbm>>
    tpu.enqueue_indirect_dma source(%dma_start3A_546 : memref<10000x256xf32, #tpu.memory_space<hbm>>) target(%arg13 : memref<64x256xf32, #tpu.memory_space<vmem>>) offsets(%dma_start3A_543 : memref<64xi32, #tpu.memory_space<vmem>>) semaphore(%arg15 : memref<!tpu.dma_semaphore, #tpu.memory_space<semaphore_mem>>)
    %dma_start3A_547 = arith.constant 7 : i32
    %dma_start3A_548 = arith.constant 0 : i32
    %dma_start3A_549 = tpu.memref_slice %arg10[%dma_start3A_547, %dma_start3A_548] : memref<8x64xi32, #tpu.memory_space<vmem>> -> memref<1x64xi32, #tpu.memory_space<vmem>>
    %dma_start3A_550 = tpu.memref_squeeze %dma_start3A_549 : memref<1x64xi32, #tpu.memory_space<vmem>> -> memref<64xi32, #tpu.memory_space<vmem>>
    %dma_start3A_551 = arith.constant 0 : i32
    %dma_start3A_552 = arith.constant 0 : i32
    %dma_start3A_553 = tpu.memref_slice %arg2[%dma_start3A_551, %dma_start3A_552] : memref<10000x256xf32, #tpu.memory_space<hbm>> -> memref<10000x256xf32, #tpu.memory_space<hbm>>
    tpu.enqueue_indirect_dma source(%dma_start3A_553 : memref<10000x256xf32, #tpu.memory_space<hbm>>) target(%arg14 : memref<64x256xf32, #tpu.memory_space<vmem>>) offsets(%dma_start3A_550 : memref<64xi32, #tpu.memory_space<vmem>>) semaphore(%arg16 : memref<!tpu.dma_semaphore, #tpu.memory_space<semaphore_mem>>)
    %scan3A_554 = arith.constant 0 : i32
    %scan3A_555 = arith.constant 0 : i32
    %scan3A_556 = arith.constant 64 : i32
    %scan3A_557 = arith.addi %scan3A_555, %scan3A_556 : i32
    %scan3A_558 = arith.constant 1 : i32
    scf.for %scan3A_582 = %scan3A_555 to %scan3A_557 step %scan3A_558  : i32 {
      %get3A = arith.index_cast %scan3A_582 : i32 to index
      %get3A_583 = arith.constant 0 : index
      %get3A_584 = tpu.vector_load %arg11[%get3A, %get3A_583] {strides = array<i32>} : memref<64x256xf32, #tpu.memory_space<vmem>>, vector<1x16xf32>,
      %get3A_585 = vector.shape_cast %get3A_584 : vector<1x16xf32> to vector<16xf32>
      %get3A_586 = arith.index_cast %scan3A_582 : i32 to index
      %get3A_587 = arith.constant 0 : index
      %get3A_588 = tpu.vector_load %arg12[%get3A_586, %get3A_587] {strides = array<i32>} : memref<64x256xf32, #tpu.memory_space<vmem>>, vector<1x16xf32>,
      %get3A_589 = vector.shape_cast %get3A_588 : vector<1x16xf32> to vector<16xf32>
      %mul3A_590 = arith.mulf %get3A_585, %get3A_589 : vector<16xf32>
      %swap3A = arith.index_cast %scan3A_582 : i32 to index
      %swap3A_591 = arith.constant 0 : index
      %swap3A_592 = tpu.vector_load %arg11[%swap3A, %swap3A_591] {strides = array<i32>} : memref<64x256xf32, #tpu.memory_space<vmem>>, vector<1x16xf32>,
      %swap3A_593 = vector.shape_cast %swap3A_592 : vector<1x16xf32> to vector<16xf32>
      %swap3A_594 = vector.shape_cast %mul3A_590 : vector<16xf32> to vector<1x16xf32>
      tpu.vector_store %arg11[%swap3A, %swap3A_591], %swap3A_594 {strides = array<i32>} : memref<64x256xf32, #tpu.memory_space<vmem>>, vector<1x16xf32>,
      %get3A_595 = arith.index_cast %scan3A_582 : i32 to index
      %get3A_596 = arith.constant 16 : index
      %get3A_597 = tpu.vector_load %arg11[%get3A_595, %get3A_596] {strides = array<i32>} : memref<64x256xf32, #tpu.memory_space<vmem>>, vector<1x16xf32>,
      %get3A_598 = vector.shape_cast %get3A_597 : vector<1x16xf32> to vector<16xf32>
      %get3A_599 = arith.index_cast %scan3A_582 : i32 to index
      %get3A_600 = arith.constant 16 : index
      %get3A_601 = tpu.vector_load %arg12[%get3A_599, %get3A_600] {strides = array<i32>} : memref<64x256xf32, #tpu.memory_space<vmem>>, vector<1x16xf32>,
      %get3A_602 = vector.shape_cast %get3A_601 : vector<1x16xf32> to vector<16xf32>
      %mul3A_603 = arith.mulf %get3A_598, %get3A_602 : vector<16xf32>
      %swap3A_604 = arith.index_cast %scan3A_582 : i32 to index
      %swap3A_605 = arith.constant 16 : index
      %swap3A_606 = tpu.vector_load %arg11[%swap3A_604, %swap3A_605] {strides = array<i32>} : memref<64x256xf32, #tpu.memory_space<vmem>>, vector<1x16xf32>,
      %swap3A_607 = vector.shape_cast %swap3A_606 : vector<1x16xf32> to vector<16xf32>
      %swap3A_608 = vector.shape_cast %mul3A_603 : vector<16xf32> to vector<1x16xf32>
      tpu.vector_store %arg11[%swap3A_604, %swap3A_605], %swap3A_608 {strides = array<i32>} : memref<64x256xf32, #tpu.memory_space<vmem>>, vector<1x16xf32>,
      %get3A_609 = arith.index_cast %scan3A_582 : i32 to index
      %get3A_610 = arith.constant 32 : index
      %get3A_611 = tpu.vector_load %arg11[%get3A_609, %get3A_610] {strides = array<i32>} : memref<64x256xf32, #tpu.memory_space<vmem>>, vector<1x16xf32>,
      %get3A_612 = vector.shape_cast %get3A_611 : vector<1x16xf32> to vector<16xf32>
      %get3A_613 = arith.index_cast %scan3A_582 : i32 to index
      %get3A_614 = arith.constant 32 : index
      %get3A_615 = tpu.vector_load %arg12[%get3A_613, %get3A_614] {strides = array<i32>} : memref<64x256xf32, #tpu.memory_space<vmem>>, vector<1x16xf32>,
      %get3A_616 = vector.shape_cast %get3A_615 : vector<1x16xf32> to vector<16xf32>
      %mul3A_617 = arith.mulf %get3A_612, %get3A_616 : vector<16xf32>
      %swap3A_618 = arith.index_cast %scan3A_582 : i32 to index
      %swap3A_619 = arith.constant 32 : index
      %swap3A_620 = tpu.vector_load %arg11[%swap3A_618, %swap3A_619] {strides = array<i32>} : memref<64x256xf32, #tpu.memory_space<vmem>>, vector<1x16xf32>,
      %swap3A_621 = vector.shape_cast %swap3A_620 : vector<1x16xf32> to vector<16xf32>
      %swap3A_622 = vector.shape_cast %mul3A_617 : vector<16xf32> to vector<1x16xf32>
      tpu.vector_store %arg11[%swap3A_618, %swap3A_619], %swap3A_622 {strides = array<i32>} : memref<64x256xf32, #tpu.memory_space<vmem>>, vector<1x16xf32>,
      %get3A_623 = arith.index_cast %scan3A_582 : i32 to index
      %get3A_624 = arith.constant 48 : index
      %get3A_625 = tpu.vector_load %arg11[%get3A_623, %get3A_624] {strides = array<i32>} : memref<64x256xf32, #tpu.memory_space<vmem>>, vector<1x16xf32>,
      %get3A_626 = vector.shape_cast %get3A_625 : vector<1x16xf32> to vector<16xf32>
      %get3A_627 = arith.index_cast %scan3A_582 : i32 to index
      %get3A_628 = arith.constant 48 : index
      %get3A_629 = tpu.vector_load %arg12[%get3A_627, %get3A_628] {strides = array<i32>} : memref<64x256xf32, #tpu.memory_space<vmem>>, vector<1x16xf32>,
      %get3A_630 = vector.shape_cast %get3A_629 : vector<1x16xf32> to vector<16xf32>
      %mul3A_631 = arith.mulf %get3A_626, %get3A_630 : vector<16xf32>
      %swap3A_632 = arith.index_cast %scan3A_582 : i32 to index
      %swap3A_633 = arith.constant 48 : index
      %swap3A_634 = tpu.vector_load %arg11[%swap3A_632, %swap3A_633] {strides = array<i32>} : memref<64x256xf32, #tpu.memory_space<vmem>>, vector<1x16xf32>,
      %swap3A_635 = vector.shape_cast %swap3A_634 : vector<1x16xf32> to vector<16xf32>
      %swap3A_636 = vector.shape_cast %mul3A_631 : vector<16xf32> to vector<1x16xf32>
      tpu.vector_store %arg11[%swap3A_632, %swap3A_633], %swap3A_636 {strides = array<i32>} : memref<64x256xf32, #tpu.memory_space<vmem>>, vector<1x16xf32>,
      %get3A_637 = arith.index_cast %scan3A_582 : i32 to index
      %get3A_638 = arith.constant 64 : index
      %get3A_639 = tpu.vector_load %arg11[%get3A_637, %get3A_638] {strides = array<i32>} : memref<64x256xf32, #tpu.memory_space<vmem>>, vector<1x16xf32>,
      %get3A_640 = vector.shape_cast %get3A_639 : vector<1x16xf32> to vector<16xf32>
      %get3A_641 = arith.index_cast %scan3A_582 : i32 to index
      %get3A_642 = arith.constant 64 : index
      %get3A_643 = tpu.vector_load %arg12[%get3A_641, %get3A_642] {strides = array<i32>} : memref<64x256xf32, #tpu.memory_space<vmem>>, vector<1x16xf32>,
      %get3A_644 = vector.shape_cast %get3A_643 : vector<1x16xf32> to vector<16xf32>
      %mul3A_645 = arith.mulf %get3A_640, %get3A_644 : vector<16xf32>
      %swap3A_646 = arith.index_cast %scan3A_582 : i32 to index
      %swap3A_647 = arith.constant 64 : index
      %swap3A_648 = tpu.vector_load %arg11[%swap3A_646, %swap3A_647] {strides = array<i32>} : memref<64x256xf32, #tpu.memory_space<vmem>>, vector<1x16xf32>,
      %swap3A_649 = vector.shape_cast %swap3A_648 : vector<1x16xf32> to vector<16xf32>
      %swap3A_650 = vector.shape_cast %mul3A_645 : vector<16xf32> to vector<1x16xf32>
      tpu.vector_store %arg11[%swap3A_646, %swap3A_647], %swap3A_650 {strides = array<i32>} : memref<64x256xf32, #tpu.memory_space<vmem>>, vector<1x16xf32>,
      %get3A_651 = arith.index_cast %scan3A_582 : i32 to index
      %get3A_652 = arith.constant 80 : index
      %get3A_653 = tpu.vector_load %arg11[%get3A_651, %get3A_652] {strides = array<i32>} : memref<64x256xf32, #tpu.memory_space<vmem>>, vector<1x16xf32>,
      %get3A_654 = vector.shape_cast %get3A_653 : vector<1x16xf32> to vector<16xf32>
      %get3A_655 = arith.index_cast %scan3A_582 : i32 to index
      %get3A_656 = arith.constant 80 : index
      %get3A_657 = tpu.vector_load %arg12[%get3A_655, %get3A_656] {strides = array<i32>} : memref<64x256xf32, #tpu.memory_space<vmem>>, vector<1x16xf32>,
      %get3A_658 = vector.shape_cast %get3A_657 : vector<1x16xf32> to vector<16xf32>
      %mul3A_659 = arith.mulf %get3A_654, %get3A_658 : vector<16xf32>
      %swap3A_660 = arith.index_cast %scan3A_582 : i32 to index
      %swap3A_661 = arith.constant 80 : index
      %swap3A_662 = tpu.vector_load %arg11[%swap3A_660, %swap3A_661] {strides = array<i32>} : memref<64x256xf32, #tpu.memory_space<vmem>>, vector<1x16xf32>,
      %swap3A_663 = vector.shape_cast %swap3A_662 : vector<1x16xf32> to vector<16xf32>
      %swap3A_664 = vector.shape_cast %mul3A_659 : vector<16xf32> to vector<1x16xf32>
      tpu.vector_store %arg11[%swap3A_660, %swap3A_661], %swap3A_664 {strides = array<i32>} : memref<64x256xf32, #tpu.memory_space<vmem>>, vector<1x16xf32>,
      %get3A_665 = arith.index_cast %scan3A_582 : i32 to index
      %get3A_666 = arith.constant 96 : index
      %get3A_667 = tpu.vector_load %arg11[%get3A_665, %get3A_666] {strides = array<i32>} : memref<64x256xf32, #tpu.memory_space<vmem>>, vector<1x16xf32>,
      %get3A_668 = vector.shape_cast %get3A_667 : vector<1x16xf32> to vector<16xf32>
      %get3A_669 = arith.index_cast %scan3A_582 : i32 to index
      %get3A_670 = arith.constant 96 : index
      %get3A_671 = tpu.vector_load %arg12[%get3A_669, %get3A_670] {strides = array<i32>} : memref<64x256xf32, #tpu.memory_space<vmem>>, vector<1x16xf32>,
      %get3A_672 = vector.shape_cast %get3A_671 : vector<1x16xf32> to vector<16xf32>
      %mul3A_673 = arith.mulf %get3A_668, %get3A_672 : vector<16xf32>
      %swap3A_674 = arith.index_cast %scan3A_582 : i32 to index
      %swap3A_675 = arith.constant 96 : index
      %swap3A_676 = tpu.vector_load %arg11[%swap3A_674, %swap3A_675] {strides = array<i32>} : memref<64x256xf32, #tpu.memory_space<vmem>>, vector<1x16xf32>,
      %swap3A_677 = vector.shape_cast %swap3A_676 : vector<1x16xf32> to vector<16xf32>
      %swap3A_678 = vector.shape_cast %mul3A_673 : vector<16xf32> to vector<1x16xf32>
      tpu.vector_store %arg11[%swap3A_674, %swap3A_675], %swap3A_678 {strides = array<i32>} : memref<64x256xf32, #tpu.memory_space<vmem>>, vector<1x16xf32>,
      %get3A_679 = arith.index_cast %scan3A_582 : i32 to index
      %get3A_680 = arith.constant 112 : index
      %get3A_681 = tpu.vector_load %arg11[%get3A_679, %get3A_680] {strides = array<i32>} : memref<64x256xf32, #tpu.memory_space<vmem>>, vector<1x16xf32>,
      %get3A_682 = vector.shape_cast %get3A_681 : vector<1x16xf32> to vector<16xf32>
      %get3A_683 = arith.index_cast %scan3A_582 : i32 to index
      %get3A_684 = arith.constant 112 : index
      %get3A_685 = tpu.vector_load %arg12[%get3A_683, %get3A_684] {strides = array<i32>} : memref<64x256xf32, #tpu.memory_space<vmem>>, vector<1x16xf32>,
      %get3A_686 = vector.shape_cast %get3A_685 : vector<1x16xf32> to vector<16xf32>
      %mul3A_687 = arith.mulf %get3A_682, %get3A_686 : vector<16xf32>
      %swap3A_688 = arith.index_cast %scan3A_582 : i32 to index
      %swap3A_689 = arith.constant 112 : index
      %swap3A_690 = tpu.vector_load %arg11[%swap3A_688, %swap3A_689] {strides = array<i32>} : memref<64x256xf32, #tpu.memory_space<vmem>>, vector<1x16xf32>,
      %swap3A_691 = vector.shape_cast %swap3A_690 : vector<1x16xf32> to vector<16xf32>
      %swap3A_692 = vector.shape_cast %mul3A_687 : vector<16xf32> to vector<1x16xf32>
      tpu.vector_store %arg11[%swap3A_688, %swap3A_689], %swap3A_692 {strides = array<i32>} : memref<64x256xf32, #tpu.memory_space<vmem>>, vector<1x16xf32>,
      %get3A_693 = arith.index_cast %scan3A_582 : i32 to index
      %get3A_694 = arith.constant 128 : index
      %get3A_695 = tpu.vector_load %arg11[%get3A_693, %get3A_694] {strides = array<i32>} : memref<64x256xf32, #tpu.memory_space<vmem>>, vector<1x16xf32>,
      %get3A_696 = vector.shape_cast %get3A_695 : vector<1x16xf32> to vector<16xf32>
      %get3A_697 = arith.index_cast %scan3A_582 : i32 to index
      %get3A_698 = arith.constant 128 : index
      %get3A_699 = tpu.vector_load %arg12[%get3A_697, %get3A_698] {strides = array<i32>} : memref<64x256xf32, #tpu.memory_space<vmem>>, vector<1x16xf32>,
      %get3A_700 = vector.shape_cast %get3A_699 : vector<1x16xf32> to vector<16xf32>
      %mul3A_701 = arith.mulf %get3A_696, %get3A_700 : vector<16xf32>
      %swap3A_702 = arith.index_cast %scan3A_582 : i32 to index
      %swap3A_703 = arith.constant 128 : index
      %swap3A_704 = tpu.vector_load %arg11[%swap3A_702, %swap3A_703] {strides = array<i32>} : memref<64x256xf32, #tpu.memory_space<vmem>>, vector<1x16xf32>,
      %swap3A_705 = vector.shape_cast %swap3A_704 : vector<1x16xf32> to vector<16xf32>
      %swap3A_706 = vector.shape_cast %mul3A_701 : vector<16xf32> to vector<1x16xf32>
      tpu.vector_store %arg11[%swap3A_702, %swap3A_703], %swap3A_706 {strides = array<i32>} : memref<64x256xf32, #tpu.memory_space<vmem>>, vector<1x16xf32>,
      %get3A_707 = arith.index_cast %scan3A_582 : i32 to index
      %get3A_708 = arith.constant 144 : index
      %get3A_709 = tpu.vector_load %arg11[%get3A_707, %get3A_708] {strides = array<i32>} : memref<64x256xf32, #tpu.memory_space<vmem>>, vector<1x16xf32>,
      %get3A_710 = vector.shape_cast %get3A_709 : vector<1x16xf32> to vector<16xf32>
      %get3A_711 = arith.index_cast %scan3A_582 : i32 to index
      %get3A_712 = arith.constant 144 : index
      %get3A_713 = tpu.vector_load %arg12[%get3A_711, %get3A_712] {strides = array<i32>} : memref<64x256xf32, #tpu.memory_space<vmem>>, vector<1x16xf32>,
      %get3A_714 = vector.shape_cast %get3A_713 : vector<1x16xf32> to vector<16xf32>
      %mul3A_715 = arith.mulf %get3A_710, %get3A_714 : vector<16xf32>
      %swap3A_716 = arith.index_cast %scan3A_582 : i32 to index
      %swap3A_717 = arith.constant 144 : index
      %swap3A_718 = tpu.vector_load %arg11[%swap3A_716, %swap3A_717] {strides = array<i32>} : memref<64x256xf32, #tpu.memory_space<vmem>>, vector<1x16xf32>,
      %swap3A_719 = vector.shape_cast %swap3A_718 : vector<1x16xf32> to vector<16xf32>
      %swap3A_720 = vector.shape_cast %mul3A_715 : vector<16xf32> to vector<1x16xf32>
      tpu.vector_store %arg11[%swap3A_716, %swap3A_717], %swap3A_720 {strides = array<i32>} : memref<64x256xf32, #tpu.memory_space<vmem>>, vector<1x16xf32>,
      %get3A_721 = arith.index_cast %scan3A_582 : i32 to index
      %get3A_722 = arith.constant 160 : index
      %get3A_723 = tpu.vector_load %arg11[%get3A_721, %get3A_722] {strides = array<i32>} : memref<64x256xf32, #tpu.memory_space<vmem>>, vector<1x16xf32>,
      %get3A_724 = vector.shape_cast %get3A_723 : vector<1x16xf32> to vector<16xf32>
      %get3A_725 = arith.index_cast %scan3A_582 : i32 to index
      %get3A_726 = arith.constant 160 : index
      %get3A_727 = tpu.vector_load %arg12[%get3A_725, %get3A_726] {strides = array<i32>} : memref<64x256xf32, #tpu.memory_space<vmem>>, vector<1x16xf32>,
      %get3A_728 = vector.shape_cast %get3A_727 : vector<1x16xf32> to vector<16xf32>
      %mul3A_729 = arith.mulf %get3A_724, %get3A_728 : vector<16xf32>
      %swap3A_730 = arith.index_cast %scan3A_582 : i32 to index
      %swap3A_731 = arith.constant 160 : index
      %swap3A_732 = tpu.vector_load %arg11[%swap3A_730, %swap3A_731] {strides = array<i32>} : memref<64x256xf32, #tpu.memory_space<vmem>>, vector<1x16xf32>,
      %swap3A_733 = vector.shape_cast %swap3A_732 : vector<1x16xf32> to vector<16xf32>
      %swap3A_734 = vector.shape_cast %mul3A_729 : vector<16xf32> to vector<1x16xf32>
      tpu.vector_store %arg11[%swap3A_730, %swap3A_731], %swap3A_734 {strides = array<i32>} : memref<64x256xf32, #tpu.memory_space<vmem>>, vector<1x16xf32>,
      %get3A_735 = arith.index_cast %scan3A_582 : i32 to index
      %get3A_736 = arith.constant 176 : index
      %get3A_737 = tpu.vector_load %arg11[%get3A_735, %get3A_736] {strides = array<i32>} : memref<64x256xf32, #tpu.memory_space<vmem>>, vector<1x16xf32>,
      %get3A_738 = vector.shape_cast %get3A_737 : vector<1x16xf32> to vector<16xf32>
      %get3A_739 = arith.index_cast %scan3A_582 : i32 to index
      %get3A_740 = arith.constant 176 : index
      %get3A_741 = tpu.vector_load %arg12[%get3A_739, %get3A_740] {strides = array<i32>} : memref<64x256xf32, #tpu.memory_space<vmem>>, vector<1x16xf32>,
      %get3A_742 = vector.shape_cast %get3A_741 : vector<1x16xf32> to vector<16xf32>
      %mul3A_743 = arith.mulf %get3A_738, %get3A_742 : vector<16xf32>
      %swap3A_744 = arith.index_cast %scan3A_582 : i32 to index
      %swap3A_745 = arith.constant 176 : index
      %swap3A_746 = tpu.vector_load %arg11[%swap3A_744, %swap3A_745] {strides = array<i32>} : memref<64x256xf32, #tpu.memory_space<vmem>>, vector<1x16xf32>,
      %swap3A_747 = vector.shape_cast %swap3A_746 : vector<1x16xf32> to vector<16xf32>
      %swap3A_748 = vector.shape_cast %mul3A_743 : vector<16xf32> to vector<1x16xf32>
      tpu.vector_store %arg11[%swap3A_744, %swap3A_745], %swap3A_748 {strides = array<i32>} : memref<64x256xf32, #tpu.memory_space<vmem>>, vector<1x16xf32>,
      %get3A_749 = arith.index_cast %scan3A_582 : i32 to index
      %get3A_750 = arith.constant 192 : index
      %get3A_751 = tpu.vector_load %arg11[%get3A_749, %get3A_750] {strides = array<i32>} : memref<64x256xf32, #tpu.memory_space<vmem>>, vector<1x16xf32>,
      %get3A_752 = vector.shape_cast %get3A_751 : vector<1x16xf32> to vector<16xf32>
      %get3A_753 = arith.index_cast %scan3A_582 : i32 to index
      %get3A_754 = arith.constant 192 : index
      %get3A_755 = tpu.vector_load %arg12[%get3A_753, %get3A_754] {strides = array<i32>} : memref<64x256xf32, #tpu.memory_space<vmem>>, vector<1x16xf32>,
      %get3A_756 = vector.shape_cast %get3A_755 : vector<1x16xf32> to vector<16xf32>
      %mul3A_757 = arith.mulf %get3A_752, %get3A_756 : vector<16xf32>
      %swap3A_758 = arith.index_cast %scan3A_582 : i32 to index
      %swap3A_759 = arith.constant 192 : index
      %swap3A_760 = tpu.vector_load %arg11[%swap3A_758, %swap3A_759] {strides = array<i32>} : memref<64x256xf32, #tpu.memory_space<vmem>>, vector<1x16xf32>,
      %swap3A_761 = vector.shape_cast %swap3A_760 : vector<1x16xf32> to vector<16xf32>
      %swap3A_762 = vector.shape_cast %mul3A_757 : vector<16xf32> to vector<1x16xf32>
      tpu.vector_store %arg11[%swap3A_758, %swap3A_759], %swap3A_762 {strides = array<i32>} : memref<64x256xf32, #tpu.memory_space<vmem>>, vector<1x16xf32>,
      %get3A_763 = arith.index_cast %scan3A_582 : i32 to index
      %get3A_764 = arith.constant 208 : index
      %get3A_765 = tpu.vector_load %arg11[%get3A_763, %get3A_764] {strides = array<i32>} : memref<64x256xf32, #tpu.memory_space<vmem>>, vector<1x16xf32>,
      %get3A_766 = vector.shape_cast %get3A_765 : vector<1x16xf32> to vector<16xf32>
      %get3A_767 = arith.index_cast %scan3A_582 : i32 to index
      %get3A_768 = arith.constant 208 : index
      %get3A_769 = tpu.vector_load %arg12[%get3A_767, %get3A_768] {strides = array<i32>} : memref<64x256xf32, #tpu.memory_space<vmem>>, vector<1x16xf32>,
      %get3A_770 = vector.shape_cast %get3A_769 : vector<1x16xf32> to vector<16xf32>
      %mul3A_771 = arith.mulf %get3A_766, %get3A_770 : vector<16xf32>
      %swap3A_772 = arith.index_cast %scan3A_582 : i32 to index
      %swap3A_773 = arith.constant 208 : index
      %swap3A_774 = tpu.vector_load %arg11[%swap3A_772, %swap3A_773] {strides = array<i32>} : memref<64x256xf32, #tpu.memory_space<vmem>>, vector<1x16xf32>,
      %swap3A_775 = vector.shape_cast %swap3A_774 : vector<1x16xf32> to vector<16xf32>
      %swap3A_776 = vector.shape_cast %mul3A_771 : vector<16xf32> to vector<1x16xf32>
      tpu.vector_store %arg11[%swap3A_772, %swap3A_773], %swap3A_776 {strides = array<i32>} : memref<64x256xf32, #tpu.memory_space<vmem>>, vector<1x16xf32>,
      %get3A_777 = arith.index_cast %scan3A_582 : i32 to index
      %get3A_778 = arith.constant 224 : index
      %get3A_779 = tpu.vector_load %arg11[%get3A_777, %get3A_778] {strides = array<i32>} : memref<64x256xf32, #tpu.memory_space<vmem>>, vector<1x16xf32>,
      %get3A_780 = vector.shape_cast %get3A_779 : vector<1x16xf32> to vector<16xf32>
      %get3A_781 = arith.index_cast %scan3A_582 : i32 to index
      %get3A_782 = arith.constant 224 : index
      %get3A_783 = tpu.vector_load %arg12[%get3A_781, %get3A_782] {strides = array<i32>} : memref<64x256xf32, #tpu.memory_space<vmem>>, vector<1x16xf32>,
      %get3A_784 = vector.shape_cast %get3A_783 : vector<1x16xf32> to vector<16xf32>
      %mul3A_785 = arith.mulf %get3A_780, %get3A_784 : vector<16xf32>
      %swap3A_786 = arith.index_cast %scan3A_582 : i32 to index
      %swap3A_787 = arith.constant 224 : index
      %swap3A_788 = tpu.vector_load %arg11[%swap3A_786, %swap3A_787] {strides = array<i32>} : memref<64x256xf32, #tpu.memory_space<vmem>>, vector<1x16xf32>,
      %swap3A_789 = vector.shape_cast %swap3A_788 : vector<1x16xf32> to vector<16xf32>
      %swap3A_790 = vector.shape_cast %mul3A_785 : vector<16xf32> to vector<1x16xf32>
      tpu.vector_store %arg11[%swap3A_786, %swap3A_787], %swap3A_790 {strides = array<i32>} : memref<64x256xf32, #tpu.memory_space<vmem>>, vector<1x16xf32>,
      %get3A_791 = arith.index_cast %scan3A_582 : i32 to index
      %get3A_792 = arith.constant 240 : index
      %get3A_793 = tpu.vector_load %arg11[%get3A_791, %get3A_792] {strides = array<i32>} : memref<64x256xf32, #tpu.memory_space<vmem>>, vector<1x16xf32>,
      %get3A_794 = vector.shape_cast %get3A_793 : vector<1x16xf32> to vector<16xf32>
      %get3A_795 = arith.index_cast %scan3A_582 : i32 to index
      %get3A_796 = arith.constant 240 : index
      %get3A_797 = tpu.vector_load %arg12[%get3A_795, %get3A_796] {strides = array<i32>} : memref<64x256xf32, #tpu.memory_space<vmem>>, vector<1x16xf32>,
      %get3A_798 = vector.shape_cast %get3A_797 : vector<1x16xf32> to vector<16xf32>
      %mul3A_799 = arith.mulf %get3A_794, %get3A_798 : vector<16xf32>
      %swap3A_800 = arith.index_cast %scan3A_582 : i32 to index
      %swap3A_801 = arith.constant 240 : index
      %swap3A_802 = tpu.vector_load %arg11[%swap3A_800, %swap3A_801] {strides = array<i32>} : memref<64x256xf32, #tpu.memory_space<vmem>>, vector<1x16xf32>,
      %swap3A_803 = vector.shape_cast %swap3A_802 : vector<1x16xf32> to vector<16xf32>
      %swap3A_804 = vector.shape_cast %mul3A_799 : vector<16xf32> to vector<1x16xf32>
      tpu.vector_store %arg11[%swap3A_800, %swap3A_801], %swap3A_804 {strides = array<i32>} : memref<64x256xf32, #tpu.memory_space<vmem>>, vector<1x16xf32>,
    }
    %scan3A_559 = arith.constant 64 : i32
    %add3A_560 = arith.constant 384 : i32
    %add3A_561 = arith.addi %mul3A_2, %add3A_560 : i32
    "tpu.region"() ({
      %run_scoped3A = tpu.sem_alloc : memref<!tpu.dma_semaphore, #tpu.memory_space<semaphore_mem>>
      %dma_start3A_582 = arith.constant 0 : i32
      %dma_start3A_583 = tpu.memref_slice %arg5[%add3A_561, %dma_start3A_582] : memref<16384x256xf32, #tpu.memory_space<hbm>> -> memref<64x256xf32, #tpu.memory_space<hbm>>
      %dma_start3A_584 = arith.constant 0 : i32
      %dma_start3A_585 = tpu.memref_slice %arg5[%add3A_561, %dma_start3A_584] : memref<16384x256xf32, #tpu.memory_space<hbm>> -> memref<64x256xf32, #tpu.memory_space<hbm>>
      tpu.enqueue_dma source(%arg11 : memref<64x256xf32, #tpu.memory_space<vmem>>) target(%dma_start3A_585 : memref<64x256xf32, #tpu.memory_space<hbm>>) target_semaphore(%run_scoped3A : memref<!tpu.dma_semaphore, #tpu.memory_space<semaphore_mem>>)
      %dma_wait3A_586 = arith.constant 0 : i32
      %dma_wait3A_587 = tpu.memref_slice %arg5[%add3A_561, %dma_wait3A_586] : memref<16384x256xf32, #tpu.memory_space<hbm>> -> memref<64x256xf32, #tpu.memory_space<hbm>>
      %dma_wait3A_588 = arith.constant 0 : i32
      %dma_wait3A_589 = tpu.memref_slice %arg5[%add3A_561, %dma_wait3A_588] : memref<16384x256xf32, #tpu.memory_space<hbm>> -> memref<64x256xf32, #tpu.memory_space<hbm>>
      tpu.wait_dma2 semaphore(%run_scoped3A : memref<!tpu.dma_semaphore, #tpu.memory_space<semaphore_mem>>) src(%arg11 : memref<64x256xf32, #tpu.memory_space<vmem>>) dst(%dma_wait3A_589 : memref<64x256xf32, #tpu.memory_space<hbm>>)
      tpu.yield
    }) : () -> ()
    %dma_wait3A_562 = arith.constant 0 : i32
    %dma_wait3A_563 = arith.constant 0 : i32
    %dma_wait3A_564 = tpu.memref_slice %arg2[%dma_wait3A_562, %dma_wait3A_563] : memref<10000x256xf32, #tpu.memory_space<hbm>> -> memref<64x256xf32, #tpu.memory_space<hbm>>
    %dma_wait3A_565 = arith.constant 0 : i32
    %dma_wait3A_566 = arith.constant 0 : i32
    %dma_wait3A_567 = tpu.memref_slice %arg2[%dma_wait3A_565, %dma_wait3A_566] : memref<10000x256xf32, #tpu.memory_space<hbm>> -> memref<64x256xf32, #tpu.memory_space<hbm>>
    tpu.wait_dma2 semaphore(%arg15 : memref<!tpu.dma_semaphore, #tpu.memory_space<semaphore_mem>>) src(%dma_wait3A_567 : memref<64x256xf32, #tpu.memory_space<hbm>>) dst(%arg13 : memref<64x256xf32, #tpu.memory_space<vmem>>)
    %dma_wait3A_568 = arith.constant 0 : i32
    %dma_wait3A_569 = arith.constant 0 : i32
    %dma_wait3A_570 = tpu.memref_slice %arg2[%dma_wait3A_568, %dma_wait3A_569] : memref<10000x256xf32, #tpu.memory_space<hbm>> -> memref<64x256xf32, #tpu.memory_space<hbm>>
    %dma_wait3A_571 = arith.constant 0 : i32
    %dma_wait3A_572 = arith.constant 0 : i32
    %dma_wait3A_573 = tpu.memref_slice %arg2[%dma_wait3A_571, %dma_wait3A_572] : memref<10000x256xf32, #tpu.memory_space<hbm>> -> memref<64x256xf32, #tpu.memory_space<hbm>>
    tpu.wait_dma2 semaphore(%arg16 : memref<!tpu.dma_semaphore, #tpu.memory_space<semaphore_mem>>) src(%dma_wait3A_573 : memref<64x256xf32, #tpu.memory_space<hbm>>) dst(%arg14 : memref<64x256xf32, #tpu.memory_space<vmem>>)
    %scan3A_574 = arith.constant 0 : i32
    %scan3A_575 = arith.constant 0 : i32
    %scan3A_576 = arith.constant 64 : i32
    %scan3A_577 = arith.addi %scan3A_575, %scan3A_576 : i32
    %scan3A_578 = arith.constant 1 : i32
    scf.for %scan3A_582 = %scan3A_575 to %scan3A_577 step %scan3A_578  : i32 {
      %get3A = arith.index_cast %scan3A_582 : i32 to index
      %get3A_583 = arith.constant 0 : index
      %get3A_584 = tpu.vector_load %arg13[%get3A, %get3A_583] {strides = array<i32>} : memref<64x256xf32, #tpu.memory_space<vmem>>, vector<1x16xf32>,
      %get3A_585 = vector.shape_cast %get3A_584 : vector<1x16xf32> to vector<16xf32>
      %get3A_586 = arith.index_cast %scan3A_582 : i32 to index
      %get3A_587 = arith.constant 0 : index
      %get3A_588 = tpu.vector_load %arg14[%get3A_586, %get3A_587] {strides = array<i32>} : memref<64x256xf32, #tpu.memory_space<vmem>>, vector<1x16xf32>,
      %get3A_589 = vector.shape_cast %get3A_588 : vector<1x16xf32> to vector<16xf32>
      %mul3A_590 = arith.mulf %get3A_585, %get3A_589 : vector<16xf32>
      %swap3A = arith.index_cast %scan3A_582 : i32 to index
      %swap3A_591 = arith.constant 0 : index
      %swap3A_592 = tpu.vector_load %arg13[%swap3A, %swap3A_591] {strides = array<i32>} : memref<64x256xf32, #tpu.memory_space<vmem>>, vector<1x16xf32>,
      %swap3A_593 = vector.shape_cast %swap3A_592 : vector<1x16xf32> to vector<16xf32>
      %swap3A_594 = vector.shape_cast %mul3A_590 : vector<16xf32> to vector<1x16xf32>
      tpu.vector_store %arg13[%swap3A, %swap3A_591], %swap3A_594 {strides = array<i32>} : memref<64x256xf32, #tpu.memory_space<vmem>>, vector<1x16xf32>,
      %get3A_595 = arith.index_cast %scan3A_582 : i32 to index
      %get3A_596 = arith.constant 16 : index
      %get3A_597 = tpu.vector_load %arg13[%get3A_595, %get3A_596] {strides = array<i32>} : memref<64x256xf32, #tpu.memory_space<vmem>>, vector<1x16xf32>,
      %get3A_598 = vector.shape_cast %get3A_597 : vector<1x16xf32> to vector<16xf32>
      %get3A_599 = arith.index_cast %scan3A_582 : i32 to index
      %get3A_600 = arith.constant 16 : index
      %get3A_601 = tpu.vector_load %arg14[%get3A_599, %get3A_600] {strides = array<i32>} : memref<64x256xf32, #tpu.memory_space<vmem>>, vector<1x16xf32>,
      %get3A_602 = vector.shape_cast %get3A_601 : vector<1x16xf32> to vector<16xf32>
      %mul3A_603 = arith.mulf %get3A_598, %get3A_602 : vector<16xf32>
      %swap3A_604 = arith.index_cast %scan3A_582 : i32 to index
      %swap3A_605 = arith.constant 16 : index
      %swap3A_606 = tpu.vector_load %arg13[%swap3A_604, %swap3A_605] {strides = array<i32>} : memref<64x256xf32, #tpu.memory_space<vmem>>, vector<1x16xf32>,
      %swap3A_607 = vector.shape_cast %swap3A_606 : vector<1x16xf32> to vector<16xf32>
      %swap3A_608 = vector.shape_cast %mul3A_603 : vector<16xf32> to vector<1x16xf32>
      tpu.vector_store %arg13[%swap3A_604, %swap3A_605], %swap3A_608 {strides = array<i32>} : memref<64x256xf32, #tpu.memory_space<vmem>>, vector<1x16xf32>,
      %get3A_609 = arith.index_cast %scan3A_582 : i32 to index
      %get3A_610 = arith.constant 32 : index
      %get3A_611 = tpu.vector_load %arg13[%get3A_609, %get3A_610] {strides = array<i32>} : memref<64x256xf32, #tpu.memory_space<vmem>>, vector<1x16xf32>,
      %get3A_612 = vector.shape_cast %get3A_611 : vector<1x16xf32> to vector<16xf32>
      %get3A_613 = arith.index_cast %scan3A_582 : i32 to index
      %get3A_614 = arith.constant 32 : index
      %get3A_615 = tpu.vector_load %arg14[%get3A_613, %get3A_614] {strides = array<i32>} : memref<64x256xf32, #tpu.memory_space<vmem>>, vector<1x16xf32>,
      %get3A_616 = vector.shape_cast %get3A_615 : vector<1x16xf32> to vector<16xf32>
      %mul3A_617 = arith.mulf %get3A_612, %get3A_616 : vector<16xf32>
      %swap3A_618 = arith.index_cast %scan3A_582 : i32 to index
      %swap3A_619 = arith.constant 32 : index
      %swap3A_620 = tpu.vector_load %arg13[%swap3A_618, %swap3A_619] {strides = array<i32>} : memref<64x256xf32, #tpu.memory_space<vmem>>, vector<1x16xf32>,
      %swap3A_621 = vector.shape_cast %swap3A_620 : vector<1x16xf32> to vector<16xf32>
      %swap3A_622 = vector.shape_cast %mul3A_617 : vector<16xf32> to vector<1x16xf32>
      tpu.vector_store %arg13[%swap3A_618, %swap3A_619], %swap3A_622 {strides = array<i32>} : memref<64x256xf32, #tpu.memory_space<vmem>>, vector<1x16xf32>,
      %get3A_623 = arith.index_cast %scan3A_582 : i32 to index
      %get3A_624 = arith.constant 48 : index
      %get3A_625 = tpu.vector_load %arg13[%get3A_623, %get3A_624] {strides = array<i32>} : memref<64x256xf32, #tpu.memory_space<vmem>>, vector<1x16xf32>,
      %get3A_626 = vector.shape_cast %get3A_625 : vector<1x16xf32> to vector<16xf32>
      %get3A_627 = arith.index_cast %scan3A_582 : i32 to index
      %get3A_628 = arith.constant 48 : index
      %get3A_629 = tpu.vector_load %arg14[%get3A_627, %get3A_628] {strides = array<i32>} : memref<64x256xf32, #tpu.memory_space<vmem>>, vector<1x16xf32>,
      %get3A_630 = vector.shape_cast %get3A_629 : vector<1x16xf32> to vector<16xf32>
      %mul3A_631 = arith.mulf %get3A_626, %get3A_630 : vector<16xf32>
      %swap3A_632 = arith.index_cast %scan3A_582 : i32 to index
      %swap3A_633 = arith.constant 48 : index
      %swap3A_634 = tpu.vector_load %arg13[%swap3A_632, %swap3A_633] {strides = array<i32>} : memref<64x256xf32, #tpu.memory_space<vmem>>, vector<1x16xf32>,
      %swap3A_635 = vector.shape_cast %swap3A_634 : vector<1x16xf32> to vector<16xf32>
      %swap3A_636 = vector.shape_cast %mul3A_631 : vector<16xf32> to vector<1x16xf32>
      tpu.vector_store %arg13[%swap3A_632, %swap3A_633], %swap3A_636 {strides = array<i32>} : memref<64x256xf32, #tpu.memory_space<vmem>>, vector<1x16xf32>,
      %get3A_637 = arith.index_cast %scan3A_582 : i32 to index
      %get3A_638 = arith.constant 64 : index
      %get3A_639 = tpu.vector_load %arg13[%get3A_637, %get3A_638] {strides = array<i32>} : memref<64x256xf32, #tpu.memory_space<vmem>>, vector<1x16xf32>,
      %get3A_640 = vector.shape_cast %get3A_639 : vector<1x16xf32> to vector<16xf32>
      %get3A_641 = arith.index_cast %scan3A_582 : i32 to index
      %get3A_642 = arith.constant 64 : index
      %get3A_643 = tpu.vector_load %arg14[%get3A_641, %get3A_642] {strides = array<i32>} : memref<64x256xf32, #tpu.memory_space<vmem>>, vector<1x16xf32>,
      %get3A_644 = vector.shape_cast %get3A_643 : vector<1x16xf32> to vector<16xf32>
      %mul3A_645 = arith.mulf %get3A_640, %get3A_644 : vector<16xf32>
      %swap3A_646 = arith.index_cast %scan3A_582 : i32 to index
      %swap3A_647 = arith.constant 64 : index
      %swap3A_648 = tpu.vector_load %arg13[%swap3A_646, %swap3A_647] {strides = array<i32>} : memref<64x256xf32, #tpu.memory_space<vmem>>, vector<1x16xf32>,
      %swap3A_649 = vector.shape_cast %swap3A_648 : vector<1x16xf32> to vector<16xf32>
      %swap3A_650 = vector.shape_cast %mul3A_645 : vector<16xf32> to vector<1x16xf32>
      tpu.vector_store %arg13[%swap3A_646, %swap3A_647], %swap3A_650 {strides = array<i32>} : memref<64x256xf32, #tpu.memory_space<vmem>>, vector<1x16xf32>,
      %get3A_651 = arith.index_cast %scan3A_582 : i32 to index
      %get3A_652 = arith.constant 80 : index
      %get3A_653 = tpu.vector_load %arg13[%get3A_651, %get3A_652] {strides = array<i32>} : memref<64x256xf32, #tpu.memory_space<vmem>>, vector<1x16xf32>,
      %get3A_654 = vector.shape_cast %get3A_653 : vector<1x16xf32> to vector<16xf32>
      %get3A_655 = arith.index_cast %scan3A_582 : i32 to index
      %get3A_656 = arith.constant 80 : index
      %get3A_657 = tpu.vector_load %arg14[%get3A_655, %get3A_656] {strides = array<i32>} : memref<64x256xf32, #tpu.memory_space<vmem>>, vector<1x16xf32>,
      %get3A_658 = vector.shape_cast %get3A_657 : vector<1x16xf32> to vector<16xf32>
      %mul3A_659 = arith.mulf %get3A_654, %get3A_658 : vector<16xf32>
      %swap3A_660 = arith.index_cast %scan3A_582 : i32 to index
      %swap3A_661 = arith.constant 80 : index
      %swap3A_662 = tpu.vector_load %arg13[%swap3A_660, %swap3A_661] {strides = array<i32>} : memref<64x256xf32, #tpu.memory_space<vmem>>, vector<1x16xf32>,
      %swap3A_663 = vector.shape_cast %swap3A_662 : vector<1x16xf32> to vector<16xf32>
      %swap3A_664 = vector.shape_cast %mul3A_659 : vector<16xf32> to vector<1x16xf32>
      tpu.vector_store %arg13[%swap3A_660, %swap3A_661], %swap3A_664 {strides = array<i32>} : memref<64x256xf32, #tpu.memory_space<vmem>>, vector<1x16xf32>,
      %get3A_665 = arith.index_cast %scan3A_582 : i32 to index
      %get3A_666 = arith.constant 96 : index
      %get3A_667 = tpu.vector_load %arg13[%get3A_665, %get3A_666] {strides = array<i32>} : memref<64x256xf32, #tpu.memory_space<vmem>>, vector<1x16xf32>,
      %get3A_668 = vector.shape_cast %get3A_667 : vector<1x16xf32> to vector<16xf32>
      %get3A_669 = arith.index_cast %scan3A_582 : i32 to index
      %get3A_670 = arith.constant 96 : index
      %get3A_671 = tpu.vector_load %arg14[%get3A_669, %get3A_670] {strides = array<i32>} : memref<64x256xf32, #tpu.memory_space<vmem>>, vector<1x16xf32>,
      %get3A_672 = vector.shape_cast %get3A_671 : vector<1x16xf32> to vector<16xf32>
      %mul3A_673 = arith.mulf %get3A_668, %get3A_672 : vector<16xf32>
      %swap3A_674 = arith.index_cast %scan3A_582 : i32 to index
      %swap3A_675 = arith.constant 96 : index
      %swap3A_676 = tpu.vector_load %arg13[%swap3A_674, %swap3A_675] {strides = array<i32>} : memref<64x256xf32, #tpu.memory_space<vmem>>, vector<1x16xf32>,
      %swap3A_677 = vector.shape_cast %swap3A_676 : vector<1x16xf32> to vector<16xf32>
      %swap3A_678 = vector.shape_cast %mul3A_673 : vector<16xf32> to vector<1x16xf32>
      tpu.vector_store %arg13[%swap3A_674, %swap3A_675], %swap3A_678 {strides = array<i32>} : memref<64x256xf32, #tpu.memory_space<vmem>>, vector<1x16xf32>,
      %get3A_679 = arith.index_cast %scan3A_582 : i32 to index
      %get3A_680 = arith.constant 112 : index
      %get3A_681 = tpu.vector_load %arg13[%get3A_679, %get3A_680] {strides = array<i32>} : memref<64x256xf32, #tpu.memory_space<vmem>>, vector<1x16xf32>,
      %get3A_682 = vector.shape_cast %get3A_681 : vector<1x16xf32> to vector<16xf32>
      %get3A_683 = arith.index_cast %scan3A_582 : i32 to index
      %get3A_684 = arith.constant 112 : index
      %get3A_685 = tpu.vector_load %arg14[%get3A_683, %get3A_684] {strides = array<i32>} : memref<64x256xf32, #tpu.memory_space<vmem>>, vector<1x16xf32>,
      %get3A_686 = vector.shape_cast %get3A_685 : vector<1x16xf32> to vector<16xf32>
      %mul3A_687 = arith.mulf %get3A_682, %get3A_686 : vector<16xf32>
      %swap3A_688 = arith.index_cast %scan3A_582 : i32 to index
      %swap3A_689 = arith.constant 112 : index
      %swap3A_690 = tpu.vector_load %arg13[%swap3A_688, %swap3A_689] {strides = array<i32>} : memref<64x256xf32, #tpu.memory_space<vmem>>, vector<1x16xf32>,
      %swap3A_691 = vector.shape_cast %swap3A_690 : vector<1x16xf32> to vector<16xf32>
      %swap3A_692 = vector.shape_cast %mul3A_687 : vector<16xf32> to vector<1x16xf32>
      tpu.vector_store %arg13[%swap3A_688, %swap3A_689], %swap3A_692 {strides = array<i32>} : memref<64x256xf32, #tpu.memory_space<vmem>>, vector<1x16xf32>,
      %get3A_693 = arith.index_cast %scan3A_582 : i32 to index
      %get3A_694 = arith.constant 128 : index
      %get3A_695 = tpu.vector_load %arg13[%get3A_693, %get3A_694] {strides = array<i32>} : memref<64x256xf32, #tpu.memory_space<vmem>>, vector<1x16xf32>,
      %get3A_696 = vector.shape_cast %get3A_695 : vector<1x16xf32> to vector<16xf32>
      %get3A_697 = arith.index_cast %scan3A_582 : i32 to index
      %get3A_698 = arith.constant 128 : index
      %get3A_699 = tpu.vector_load %arg14[%get3A_697, %get3A_698] {strides = array<i32>} : memref<64x256xf32, #tpu.memory_space<vmem>>, vector<1x16xf32>,
      %get3A_700 = vector.shape_cast %get3A_699 : vector<1x16xf32> to vector<16xf32>
      %mul3A_701 = arith.mulf %get3A_696, %get3A_700 : vector<16xf32>
      %swap3A_702 = arith.index_cast %scan3A_582 : i32 to index
      %swap3A_703 = arith.constant 128 : index
      %swap3A_704 = tpu.vector_load %arg13[%swap3A_702, %swap3A_703] {strides = array<i32>} : memref<64x256xf32, #tpu.memory_space<vmem>>, vector<1x16xf32>,
      %swap3A_705 = vector.shape_cast %swap3A_704 : vector<1x16xf32> to vector<16xf32>
      %swap3A_706 = vector.shape_cast %mul3A_701 : vector<16xf32> to vector<1x16xf32>
      tpu.vector_store %arg13[%swap3A_702, %swap3A_703], %swap3A_706 {strides = array<i32>} : memref<64x256xf32, #tpu.memory_space<vmem>>, vector<1x16xf32>,
      %get3A_707 = arith.index_cast %scan3A_582 : i32 to index
      %get3A_708 = arith.constant 144 : index
      %get3A_709 = tpu.vector_load %arg13[%get3A_707, %get3A_708] {strides = array<i32>} : memref<64x256xf32, #tpu.memory_space<vmem>>, vector<1x16xf32>,
      %get3A_710 = vector.shape_cast %get3A_709 : vector<1x16xf32> to vector<16xf32>
      %get3A_711 = arith.index_cast %scan3A_582 : i32 to index
      %get3A_712 = arith.constant 144 : index
      %get3A_713 = tpu.vector_load %arg14[%get3A_711, %get3A_712] {strides = array<i32>} : memref<64x256xf32, #tpu.memory_space<vmem>>, vector<1x16xf32>,
      %get3A_714 = vector.shape_cast %get3A_713 : vector<1x16xf32> to vector<16xf32>
      %mul3A_715 = arith.mulf %get3A_710, %get3A_714 : vector<16xf32>
      %swap3A_716 = arith.index_cast %scan3A_582 : i32 to index
      %swap3A_717 = arith.constant 144 : index
      %swap3A_718 = tpu.vector_load %arg13[%swap3A_716, %swap3A_717] {strides = array<i32>} : memref<64x256xf32, #tpu.memory_space<vmem>>, vector<1x16xf32>,
      %swap3A_719 = vector.shape_cast %swap3A_718 : vector<1x16xf32> to vector<16xf32>
      %swap3A_720 = vector.shape_cast %mul3A_715 : vector<16xf32> to vector<1x16xf32>
      tpu.vector_store %arg13[%swap3A_716, %swap3A_717], %swap3A_720 {strides = array<i32>} : memref<64x256xf32, #tpu.memory_space<vmem>>, vector<1x16xf32>,
      %get3A_721 = arith.index_cast %scan3A_582 : i32 to index
      %get3A_722 = arith.constant 160 : index
      %get3A_723 = tpu.vector_load %arg13[%get3A_721, %get3A_722] {strides = array<i32>} : memref<64x256xf32, #tpu.memory_space<vmem>>, vector<1x16xf32>,
      %get3A_724 = vector.shape_cast %get3A_723 : vector<1x16xf32> to vector<16xf32>
      %get3A_725 = arith.index_cast %scan3A_582 : i32 to index
      %get3A_726 = arith.constant 160 : index
      %get3A_727 = tpu.vector_load %arg14[%get3A_725, %get3A_726] {strides = array<i32>} : memref<64x256xf32, #tpu.memory_space<vmem>>, vector<1x16xf32>,
      %get3A_728 = vector.shape_cast %get3A_727 : vector<1x16xf32> to vector<16xf32>
      %mul3A_729 = arith.mulf %get3A_724, %get3A_728 : vector<16xf32>
      %swap3A_730 = arith.index_cast %scan3A_582 : i32 to index
      %swap3A_731 = arith.constant 160 : index
      %swap3A_732 = tpu.vector_load %arg13[%swap3A_730, %swap3A_731] {strides = array<i32>} : memref<64x256xf32, #tpu.memory_space<vmem>>, vector<1x16xf32>,
      %swap3A_733 = vector.shape_cast %swap3A_732 : vector<1x16xf32> to vector<16xf32>
      %swap3A_734 = vector.shape_cast %mul3A_729 : vector<16xf32> to vector<1x16xf32>
      tpu.vector_store %arg13[%swap3A_730, %swap3A_731], %swap3A_734 {strides = array<i32>} : memref<64x256xf32, #tpu.memory_space<vmem>>, vector<1x16xf32>,
      %get3A_735 = arith.index_cast %scan3A_582 : i32 to index
      %get3A_736 = arith.constant 176 : index
      %get3A_737 = tpu.vector_load %arg13[%get3A_735, %get3A_736] {strides = array<i32>} : memref<64x256xf32, #tpu.memory_space<vmem>>, vector<1x16xf32>,
      %get3A_738 = vector.shape_cast %get3A_737 : vector<1x16xf32> to vector<16xf32>
      %get3A_739 = arith.index_cast %scan3A_582 : i32 to index
      %get3A_740 = arith.constant 176 : index
      %get3A_741 = tpu.vector_load %arg14[%get3A_739, %get3A_740] {strides = array<i32>} : memref<64x256xf32, #tpu.memory_space<vmem>>, vector<1x16xf32>,
      %get3A_742 = vector.shape_cast %get3A_741 : vector<1x16xf32> to vector<16xf32>
      %mul3A_743 = arith.mulf %get3A_738, %get3A_742 : vector<16xf32>
      %swap3A_744 = arith.index_cast %scan3A_582 : i32 to index
      %swap3A_745 = arith.constant 176 : index
      %swap3A_746 = tpu.vector_load %arg13[%swap3A_744, %swap3A_745] {strides = array<i32>} : memref<64x256xf32, #tpu.memory_space<vmem>>, vector<1x16xf32>,
      %swap3A_747 = vector.shape_cast %swap3A_746 : vector<1x16xf32> to vector<16xf32>
      %swap3A_748 = vector.shape_cast %mul3A_743 : vector<16xf32> to vector<1x16xf32>
      tpu.vector_store %arg13[%swap3A_744, %swap3A_745], %swap3A_748 {strides = array<i32>} : memref<64x256xf32, #tpu.memory_space<vmem>>, vector<1x16xf32>,
      %get3A_749 = arith.index_cast %scan3A_582 : i32 to index
      %get3A_750 = arith.constant 192 : index
      %get3A_751 = tpu.vector_load %arg13[%get3A_749, %get3A_750] {strides = array<i32>} : memref<64x256xf32, #tpu.memory_space<vmem>>, vector<1x16xf32>,
      %get3A_752 = vector.shape_cast %get3A_751 : vector<1x16xf32> to vector<16xf32>
      %get3A_753 = arith.index_cast %scan3A_582 : i32 to index
      %get3A_754 = arith.constant 192 : index
      %get3A_755 = tpu.vector_load %arg14[%get3A_753, %get3A_754] {strides = array<i32>} : memref<64x256xf32, #tpu.memory_space<vmem>>, vector<1x16xf32>,
      %get3A_756 = vector.shape_cast %get3A_755 : vector<1x16xf32> to vector<16xf32>
      %mul3A_757 = arith.mulf %get3A_752, %get3A_756 : vector<16xf32>
      %swap3A_758 = arith.index_cast %scan3A_582 : i32 to index
      %swap3A_759 = arith.constant 192 : index
      %swap3A_760 = tpu.vector_load %arg13[%swap3A_758, %swap3A_759] {strides = array<i32>} : memref<64x256xf32, #tpu.memory_space<vmem>>, vector<1x16xf32>,
      %swap3A_761 = vector.shape_cast %swap3A_760 : vector<1x16xf32> to vector<16xf32>
      %swap3A_762 = vector.shape_cast %mul3A_757 : vector<16xf32> to vector<1x16xf32>
      tpu.vector_store %arg13[%swap3A_758, %swap3A_759], %swap3A_762 {strides = array<i32>} : memref<64x256xf32, #tpu.memory_space<vmem>>, vector<1x16xf32>,
      %get3A_763 = arith.index_cast %scan3A_582 : i32 to index
      %get3A_764 = arith.constant 208 : index
      %get3A_765 = tpu.vector_load %arg13[%get3A_763, %get3A_764] {strides = array<i32>} : memref<64x256xf32, #tpu.memory_space<vmem>>, vector<1x16xf32>,
      %get3A_766 = vector.shape_cast %get3A_765 : vector<1x16xf32> to vector<16xf32>
      %get3A_767 = arith.index_cast %scan3A_582 : i32 to index
      %get3A_768 = arith.constant 208 : index
      %get3A_769 = tpu.vector_load %arg14[%get3A_767, %get3A_768] {strides = array<i32>} : memref<64x256xf32, #tpu.memory_space<vmem>>, vector<1x16xf32>,
      %get3A_770 = vector.shape_cast %get3A_769 : vector<1x16xf32> to vector<16xf32>
      %mul3A_771 = arith.mulf %get3A_766, %get3A_770 : vector<16xf32>
      %swap3A_772 = arith.index_cast %scan3A_582 : i32 to index
      %swap3A_773 = arith.constant 208 : index
      %swap3A_774 = tpu.vector_load %arg13[%swap3A_772, %swap3A_773] {strides = array<i32>} : memref<64x256xf32, #tpu.memory_space<vmem>>, vector<1x16xf32>,
      %swap3A_775 = vector.shape_cast %swap3A_774 : vector<1x16xf32> to vector<16xf32>
      %swap3A_776 = vector.shape_cast %mul3A_771 : vector<16xf32> to vector<1x16xf32>
      tpu.vector_store %arg13[%swap3A_772, %swap3A_773], %swap3A_776 {strides = array<i32>} : memref<64x256xf32, #tpu.memory_space<vmem>>, vector<1x16xf32>,
      %get3A_777 = arith.index_cast %scan3A_582 : i32 to index
      %get3A_778 = arith.constant 224 : index
      %get3A_779 = tpu.vector_load %arg13[%get3A_777, %get3A_778] {strides = array<i32>} : memref<64x256xf32, #tpu.memory_space<vmem>>, vector<1x16xf32>,
      %get3A_780 = vector.shape_cast %get3A_779 : vector<1x16xf32> to vector<16xf32>
      %get3A_781 = arith.index_cast %scan3A_582 : i32 to index
      %get3A_782 = arith.constant 224 : index
      %get3A_783 = tpu.vector_load %arg14[%get3A_781, %get3A_782] {strides = array<i32>} : memref<64x256xf32, #tpu.memory_space<vmem>>, vector<1x16xf32>,
      %get3A_784 = vector.shape_cast %get3A_783 : vector<1x16xf32> to vector<16xf32>
      %mul3A_785 = arith.mulf %get3A_780, %get3A_784 : vector<16xf32>
      %swap3A_786 = arith.index_cast %scan3A_582 : i32 to index
      %swap3A_787 = arith.constant 224 : index
      %swap3A_788 = tpu.vector_load %arg13[%swap3A_786, %swap3A_787] {strides = array<i32>} : memref<64x256xf32, #tpu.memory_space<vmem>>, vector<1x16xf32>,
      %swap3A_789 = vector.shape_cast %swap3A_788 : vector<1x16xf32> to vector<16xf32>
      %swap3A_790 = vector.shape_cast %mul3A_785 : vector<16xf32> to vector<1x16xf32>
      tpu.vector_store %arg13[%swap3A_786, %swap3A_787], %swap3A_790 {strides = array<i32>} : memref<64x256xf32, #tpu.memory_space<vmem>>, vector<1x16xf32>,
      %get3A_791 = arith.index_cast %scan3A_582 : i32 to index
      %get3A_792 = arith.constant 240 : index
      %get3A_793 = tpu.vector_load %arg13[%get3A_791, %get3A_792] {strides = array<i32>} : memref<64x256xf32, #tpu.memory_space<vmem>>, vector<1x16xf32>,
      %get3A_794 = vector.shape_cast %get3A_793 : vector<1x16xf32> to vector<16xf32>
      %get3A_795 = arith.index_cast %scan3A_582 : i32 to index
      %get3A_796 = arith.constant 240 : index
      %get3A_797 = tpu.vector_load %arg14[%get3A_795, %get3A_796] {strides = array<i32>} : memref<64x256xf32, #tpu.memory_space<vmem>>, vector<1x16xf32>,
      %get3A_798 = vector.shape_cast %get3A_797 : vector<1x16xf32> to vector<16xf32>
      %mul3A_799 = arith.mulf %get3A_794, %get3A_798 : vector<16xf32>
      %swap3A_800 = arith.index_cast %scan3A_582 : i32 to index
      %swap3A_801 = arith.constant 240 : index
      %swap3A_802 = tpu.vector_load %arg13[%swap3A_800, %swap3A_801] {strides = array<i32>} : memref<64x256xf32, #tpu.memory_space<vmem>>, vector<1x16xf32>,
      %swap3A_803 = vector.shape_cast %swap3A_802 : vector<1x16xf32> to vector<16xf32>
      %swap3A_804 = vector.shape_cast %mul3A_799 : vector<16xf32> to vector<1x16xf32>
      tpu.vector_store %arg13[%swap3A_800, %swap3A_801], %swap3A_804 {strides = array<i32>} : memref<64x256xf32, #tpu.memory_space<vmem>>, vector<1x16xf32>,
    }
    %scan3A_579 = arith.constant 64 : i32
    %add3A_580 = arith.constant 448 : i32
    %add3A_581 = arith.addi %mul3A_2, %add3A_580 : i32
    "tpu.region"() ({
      %run_scoped3A = tpu.sem_alloc : memref<!tpu.dma_semaphore, #tpu.memory_space<semaphore_mem>>
      %dma_start3A_582 = arith.constant 0 : i32
      %dma_start3A_583 = tpu.memref_slice %arg5[%add3A_581, %dma_start3A_582] : memref<16384x256xf32, #tpu.memory_space<hbm>> -> memref<64x256xf32, #tpu.memory_space<hbm>>
      %dma_start3A_584 = arith.constant 0 : i32
      %dma_start3A_585 = tpu.memref_slice %arg5[%add3A_581, %dma_start3A_584] : memref<16384x256xf32, #tpu.memory_space<hbm>> -> memref<64x256xf32, #tpu.memory_space<hbm>>
      tpu.enqueue_dma source(%arg13 : memref<64x256xf32, #tpu.memory_space<vmem>>) target(%dma_start3A_585 : memref<64x256xf32, #tpu.memory_space<hbm>>) target_semaphore(%run_scoped3A : memref<!tpu.dma_semaphore, #tpu.memory_space<semaphore_mem>>)
      %dma_wait3A_586 = arith.constant 0 : i32
      %dma_wait3A_587 = tpu.memref_slice %arg5[%add3A_581, %dma_wait3A_586] : memref<16384x256xf32, #tpu.memory_space<hbm>> -> memref<64x256xf32, #tpu.memory_space<hbm>>
      %dma_wait3A_588 = arith.constant 0 : i32
      %dma_wait3A_589 = tpu.memref_slice %arg5[%add3A_581, %dma_wait3A_588] : memref<16384x256xf32, #tpu.memory_space<hbm>> -> memref<64x256xf32, #tpu.memory_space<hbm>>
      tpu.wait_dma2 semaphore(%run_scoped3A : memref<!tpu.dma_semaphore, #tpu.memory_space<semaphore_mem>>) src(%arg13 : memref<64x256xf32, #tpu.memory_space<vmem>>) dst(%dma_wait3A_589 : memref<64x256xf32, #tpu.memory_space<hbm>>)
      tpu.yield
    }) : () -> ()
    return
  }
}

#map = affine_map<(d0, d1) -> (0, 0)>
#map1 = affine_map<(d0, d1) -> (0, 0, 0)>
module attributes {stable_mosaic.version = 14 : i64} {
  func.func @seg_sum(%arg0: i32, %arg1: i32, %arg2: memref<10000x128xf32, #tpu.memory_space<hbm>>, %arg3: memref<2500x2x128xi32, #tpu.memory_space<hbm>>, %arg4: memref<2x10000x128xf32, #tpu.memory_space<hbm>>, %arg5: memref<2x128xi32, #tpu.memory_space<vmem>>, %arg6: memref<2x128xi32, #tpu.memory_space<vmem>>, %arg7: memref<2x128xi32, #tpu.memory_space<vmem>>, %arg8: memref<128x128xf32, #tpu.memory_space<vmem>>, %arg9: memref<128x128xf32, #tpu.memory_space<vmem>>, %arg10: memref<128x128xf32, #tpu.memory_space<vmem>>, %arg11: memref<10000x128xf32, #tpu.memory_space<vmem_shared>>, %arg12: memref<!tpu.dma_semaphore, #tpu.memory_space<semaphore_mem>>, %arg13: memref<!tpu.dma_semaphore, #tpu.memory_space<semaphore_mem>>, %arg14: memref<!tpu.dma_semaphore, #tpu.memory_space<semaphore_mem>>, %arg15: memref<!tpu.dma_semaphore, #tpu.memory_space<semaphore_mem>>, %arg16: memref<!tpu.dma_semaphore, #tpu.memory_space<semaphore_mem>>, %arg17: memref<!tpu.dma_semaphore, #tpu.memory_space<semaphore_mem>>) attributes {dimension_semantics = [#tpu.dimension_semantics<core_parallel>, #tpu.dimension_semantics<subcore_parallel>], iteration_bounds = array<i64: 2, 16>, scalar_prefetch = 0 : i64, scratch_operands = 13 : i64, tpu.core_type = #tpu.core_type<sc_vector_subcore>, window_params = [{transform_indices = #map}, {transform_indices = #map1}, {transform_indices = #map1}]} {
    %mul3A = arith.constant 2 : i32
    %mul3A_0 = arith.muli %arg1, %mul3A : i32
    %add3A = arith.addi %mul3A_0, %arg0 : i32
    %scan3A = arith.constant 0 : i32
    %scan3A_1 = arith.constant 0 : i32
    %scan3A_2 = arith.constant 128 : i32
    %scan3A_3 = arith.addi %scan3A_1, %scan3A_2 : i32
    %scan3A_4 = arith.constant 1 : i32
    scf.for %scan3A_110 = %scan3A_1 to %scan3A_3 step %scan3A_4  : i32 {
      %broadcast_in_dim3A = arith.constant 0.000000e+00 : f32
      %broadcast_in_dim3A_111 = vector.broadcast %broadcast_in_dim3A : f32 to vector<16xf32>
      %swap3A = arith.index_cast %scan3A_110 : i32 to index
      %swap3A_112 = arith.constant 0 : index
      %swap3A_113 = tpu.vector_load %arg8[%swap3A, %swap3A_112] {strides = array<i32>} : memref<128x128xf32, #tpu.memory_space<vmem>>, vector<1x16xf32>,
      %swap3A_114 = vector.shape_cast %swap3A_113 : vector<1x16xf32> to vector<16xf32>
      %swap3A_115 = vector.shape_cast %broadcast_in_dim3A_111 : vector<16xf32> to vector<1x16xf32>
      tpu.vector_store %arg8[%swap3A, %swap3A_112], %swap3A_115 {strides = array<i32>} : memref<128x128xf32, #tpu.memory_space<vmem>>, vector<1x16xf32>,
      %broadcast_in_dim3A_116 = arith.constant 0.000000e+00 : f32
      %broadcast_in_dim3A_117 = vector.broadcast %broadcast_in_dim3A_116 : f32 to vector<16xf32>
      %swap3A_118 = arith.index_cast %scan3A_110 : i32 to index
      %swap3A_119 = arith.constant 16 : index
      %swap3A_120 = tpu.vector_load %arg8[%swap3A_118, %swap3A_119] {strides = array<i32>} : memref<128x128xf32, #tpu.memory_space<vmem>>, vector<1x16xf32>,
      %swap3A_121 = vector.shape_cast %swap3A_120 : vector<1x16xf32> to vector<16xf32>
      %swap3A_122 = vector.shape_cast %broadcast_in_dim3A_117 : vector<16xf32> to vector<1x16xf32>
      tpu.vector_store %arg8[%swap3A_118, %swap3A_119], %swap3A_122 {strides = array<i32>} : memref<128x128xf32, #tpu.memory_space<vmem>>, vector<1x16xf32>,
      %broadcast_in_dim3A_123 = arith.constant 0.000000e+00 : f32
      %broadcast_in_dim3A_124 = vector.broadcast %broadcast_in_dim3A_123 : f32 to vector<16xf32>
      %swap3A_125 = arith.index_cast %scan3A_110 : i32 to index
      %swap3A_126 = arith.constant 32 : index
      %swap3A_127 = tpu.vector_load %arg8[%swap3A_125, %swap3A_126] {strides = array<i32>} : memref<128x128xf32, #tpu.memory_space<vmem>>, vector<1x16xf32>,
      %swap3A_128 = vector.shape_cast %swap3A_127 : vector<1x16xf32> to vector<16xf32>
      %swap3A_129 = vector.shape_cast %broadcast_in_dim3A_124 : vector<16xf32> to vector<1x16xf32>
      tpu.vector_store %arg8[%swap3A_125, %swap3A_126], %swap3A_129 {strides = array<i32>} : memref<128x128xf32, #tpu.memory_space<vmem>>, vector<1x16xf32>,
      %broadcast_in_dim3A_130 = arith.constant 0.000000e+00 : f32
      %broadcast_in_dim3A_131 = vector.broadcast %broadcast_in_dim3A_130 : f32 to vector<16xf32>
      %swap3A_132 = arith.index_cast %scan3A_110 : i32 to index
      %swap3A_133 = arith.constant 48 : index
      %swap3A_134 = tpu.vector_load %arg8[%swap3A_132, %swap3A_133] {strides = array<i32>} : memref<128x128xf32, #tpu.memory_space<vmem>>, vector<1x16xf32>,
      %swap3A_135 = vector.shape_cast %swap3A_134 : vector<1x16xf32> to vector<16xf32>
      %swap3A_136 = vector.shape_cast %broadcast_in_dim3A_131 : vector<16xf32> to vector<1x16xf32>
      tpu.vector_store %arg8[%swap3A_132, %swap3A_133], %swap3A_136 {strides = array<i32>} : memref<128x128xf32, #tpu.memory_space<vmem>>, vector<1x16xf32>,
      %broadcast_in_dim3A_137 = arith.constant 0.000000e+00 : f32
      %broadcast_in_dim3A_138 = vector.broadcast %broadcast_in_dim3A_137 : f32 to vector<16xf32>
      %swap3A_139 = arith.index_cast %scan3A_110 : i32 to index
      %swap3A_140 = arith.constant 64 : index
      %swap3A_141 = tpu.vector_load %arg8[%swap3A_139, %swap3A_140] {strides = array<i32>} : memref<128x128xf32, #tpu.memory_space<vmem>>, vector<1x16xf32>,
      %swap3A_142 = vector.shape_cast %swap3A_141 : vector<1x16xf32> to vector<16xf32>
      %swap3A_143 = vector.shape_cast %broadcast_in_dim3A_138 : vector<16xf32> to vector<1x16xf32>
      tpu.vector_store %arg8[%swap3A_139, %swap3A_140], %swap3A_143 {strides = array<i32>} : memref<128x128xf32, #tpu.memory_space<vmem>>, vector<1x16xf32>,
      %broadcast_in_dim3A_144 = arith.constant 0.000000e+00 : f32
      %broadcast_in_dim3A_145 = vector.broadcast %broadcast_in_dim3A_144 : f32 to vector<16xf32>
      %swap3A_146 = arith.index_cast %scan3A_110 : i32 to index
      %swap3A_147 = arith.constant 80 : index
      %swap3A_148 = tpu.vector_load %arg8[%swap3A_146, %swap3A_147] {strides = array<i32>} : memref<128x128xf32, #tpu.memory_space<vmem>>, vector<1x16xf32>,
      %swap3A_149 = vector.shape_cast %swap3A_148 : vector<1x16xf32> to vector<16xf32>
      %swap3A_150 = vector.shape_cast %broadcast_in_dim3A_145 : vector<16xf32> to vector<1x16xf32>
      tpu.vector_store %arg8[%swap3A_146, %swap3A_147], %swap3A_150 {strides = array<i32>} : memref<128x128xf32, #tpu.memory_space<vmem>>, vector<1x16xf32>,
      %broadcast_in_dim3A_151 = arith.constant 0.000000e+00 : f32
      %broadcast_in_dim3A_152 = vector.broadcast %broadcast_in_dim3A_151 : f32 to vector<16xf32>
      %swap3A_153 = arith.index_cast %scan3A_110 : i32 to index
      %swap3A_154 = arith.constant 96 : index
      %swap3A_155 = tpu.vector_load %arg8[%swap3A_153, %swap3A_154] {strides = array<i32>} : memref<128x128xf32, #tpu.memory_space<vmem>>, vector<1x16xf32>,
      %swap3A_156 = vector.shape_cast %swap3A_155 : vector<1x16xf32> to vector<16xf32>
      %swap3A_157 = vector.shape_cast %broadcast_in_dim3A_152 : vector<16xf32> to vector<1x16xf32>
      tpu.vector_store %arg8[%swap3A_153, %swap3A_154], %swap3A_157 {strides = array<i32>} : memref<128x128xf32, #tpu.memory_space<vmem>>, vector<1x16xf32>,
      %broadcast_in_dim3A_158 = arith.constant 0.000000e+00 : f32
      %broadcast_in_dim3A_159 = vector.broadcast %broadcast_in_dim3A_158 : f32 to vector<16xf32>
      %swap3A_160 = arith.index_cast %scan3A_110 : i32 to index
      %swap3A_161 = arith.constant 112 : index
      %swap3A_162 = tpu.vector_load %arg8[%swap3A_160, %swap3A_161] {strides = array<i32>} : memref<128x128xf32, #tpu.memory_space<vmem>>, vector<1x16xf32>,
      %swap3A_163 = vector.shape_cast %swap3A_162 : vector<1x16xf32> to vector<16xf32>
      %swap3A_164 = vector.shape_cast %broadcast_in_dim3A_159 : vector<16xf32> to vector<1x16xf32>
      tpu.vector_store %arg8[%swap3A_160, %swap3A_161], %swap3A_164 {strides = array<i32>} : memref<128x128xf32, #tpu.memory_space<vmem>>, vector<1x16xf32>,
    }
    %scan3A_5 = arith.constant 128 : i32
    %mul3A_6 = arith.constant 624 : i32
    %mul3A_7 = arith.muli %arg1, %mul3A_6 : i32
    %add3A_8 = arith.constant 0 : i32
    %add3A_9 = arith.addi %mul3A_7, %add3A_8 : i32
    "tpu.region"() ({
      %run_scoped3A = tpu.sem_alloc : memref<!tpu.dma_semaphore, #tpu.memory_space<semaphore_mem>>
      %dma_start3A_110 = arith.constant 0 : i32
      %dma_start3A_111 = tpu.memref_slice %arg11[%add3A_9, %dma_start3A_110] : memref<10000x128xf32, #tpu.memory_space<vmem_shared>> -> memref<128x128xf32, #tpu.memory_space<vmem_shared>>
      %dma_start3A_112 = arith.constant 0 : i32
      %dma_start3A_113 = tpu.memref_slice %arg11[%add3A_9, %dma_start3A_112] : memref<10000x128xf32, #tpu.memory_space<vmem_shared>> -> memref<128x128xf32, #tpu.memory_space<vmem_shared>>
      tpu.enqueue_dma source(%arg8 : memref<128x128xf32, #tpu.memory_space<vmem>>) target(%dma_start3A_113 : memref<128x128xf32, #tpu.memory_space<vmem_shared>>) target_semaphore(%run_scoped3A : memref<!tpu.dma_semaphore, #tpu.memory_space<semaphore_mem>>)
      %dma_wait3A_114 = arith.constant 0 : i32
      %dma_wait3A_115 = tpu.memref_slice %arg11[%add3A_9, %dma_wait3A_114] : memref<10000x128xf32, #tpu.memory_space<vmem_shared>> -> memref<128x128xf32, #tpu.memory_space<vmem_shared>>
      %dma_wait3A_116 = arith.constant 0 : i32
      %dma_wait3A_117 = tpu.memref_slice %arg11[%add3A_9, %dma_wait3A_116] : memref<10000x128xf32, #tpu.memory_space<vmem_shared>> -> memref<128x128xf32, #tpu.memory_space<vmem_shared>>
      tpu.wait_dma2 semaphore(%run_scoped3A : memref<!tpu.dma_semaphore, #tpu.memory_space<semaphore_mem>>) src(%arg8 : memref<128x128xf32, #tpu.memory_space<vmem>>) dst(%dma_wait3A_117 : memref<128x128xf32, #tpu.memory_space<vmem_shared>>)
      tpu.yield
    }) : () -> ()
    %mul3A_10 = arith.constant 624 : i32
    %mul3A_11 = arith.muli %arg1, %mul3A_10 : i32
    %add3A_12 = arith.constant 128 : i32
    %add3A_13 = arith.addi %mul3A_11, %add3A_12 : i32
    "tpu.region"() ({
      %run_scoped3A = tpu.sem_alloc : memref<!tpu.dma_semaphore, #tpu.memory_space<semaphore_mem>>
      %dma_start3A_110 = arith.constant 0 : i32
      %dma_start3A_111 = tpu.memref_slice %arg11[%add3A_13, %dma_start3A_110] : memref<10000x128xf32, #tpu.memory_space<vmem_shared>> -> memref<128x128xf32, #tpu.memory_space<vmem_shared>>
      %dma_start3A_112 = arith.constant 0 : i32
      %dma_start3A_113 = tpu.memref_slice %arg11[%add3A_13, %dma_start3A_112] : memref<10000x128xf32, #tpu.memory_space<vmem_shared>> -> memref<128x128xf32, #tpu.memory_space<vmem_shared>>
      tpu.enqueue_dma source(%arg8 : memref<128x128xf32, #tpu.memory_space<vmem>>) target(%dma_start3A_113 : memref<128x128xf32, #tpu.memory_space<vmem_shared>>) target_semaphore(%run_scoped3A : memref<!tpu.dma_semaphore, #tpu.memory_space<semaphore_mem>>)
      %dma_wait3A_114 = arith.constant 0 : i32
      %dma_wait3A_115 = tpu.memref_slice %arg11[%add3A_13, %dma_wait3A_114] : memref<10000x128xf32, #tpu.memory_space<vmem_shared>> -> memref<128x128xf32, #tpu.memory_space<vmem_shared>>
      %dma_wait3A_116 = arith.constant 0 : i32
      %dma_wait3A_117 = tpu.memref_slice %arg11[%add3A_13, %dma_wait3A_116] : memref<10000x128xf32, #tpu.memory_space<vmem_shared>> -> memref<128x128xf32, #tpu.memory_space<vmem_shared>>
      tpu.wait_dma2 semaphore(%run_scoped3A : memref<!tpu.dma_semaphore, #tpu.memory_space<semaphore_mem>>) src(%arg8 : memref<128x128xf32, #tpu.memory_space<vmem>>) dst(%dma_wait3A_117 : memref<128x128xf32, #tpu.memory_space<vmem_shared>>)
      tpu.yield
    }) : () -> ()
    %mul3A_14 = arith.constant 624 : i32
    %mul3A_15 = arith.muli %arg1, %mul3A_14 : i32
    %add3A_16 = arith.constant 256 : i32
    %add3A_17 = arith.addi %mul3A_15, %add3A_16 : i32
    "tpu.region"() ({
      %run_scoped3A = tpu.sem_alloc : memref<!tpu.dma_semaphore, #tpu.memory_space<semaphore_mem>>
      %dma_start3A_110 = arith.constant 0 : i32
      %dma_start3A_111 = tpu.memref_slice %arg11[%add3A_17, %dma_start3A_110] : memref<10000x128xf32, #tpu.memory_space<vmem_shared>> -> memref<128x128xf32, #tpu.memory_space<vmem_shared>>
      %dma_start3A_112 = arith.constant 0 : i32
      %dma_start3A_113 = tpu.memref_slice %arg11[%add3A_17, %dma_start3A_112] : memref<10000x128xf32, #tpu.memory_space<vmem_shared>> -> memref<128x128xf32, #tpu.memory_space<vmem_shared>>
      tpu.enqueue_dma source(%arg8 : memref<128x128xf32, #tpu.memory_space<vmem>>) target(%dma_start3A_113 : memref<128x128xf32, #tpu.memory_space<vmem_shared>>) target_semaphore(%run_scoped3A : memref<!tpu.dma_semaphore, #tpu.memory_space<semaphore_mem>>)
      %dma_wait3A_114 = arith.constant 0 : i32
      %dma_wait3A_115 = tpu.memref_slice %arg11[%add3A_17, %dma_wait3A_114] : memref<10000x128xf32, #tpu.memory_space<vmem_shared>> -> memref<128x128xf32, #tpu.memory_space<vmem_shared>>
      %dma_wait3A_116 = arith.constant 0 : i32
      %dma_wait3A_117 = tpu.memref_slice %arg11[%add3A_17, %dma_wait3A_116] : memref<10000x128xf32, #tpu.memory_space<vmem_shared>> -> memref<128x128xf32, #tpu.memory_space<vmem_shared>>
      tpu.wait_dma2 semaphore(%run_scoped3A : memref<!tpu.dma_semaphore, #tpu.memory_space<semaphore_mem>>) src(%arg8 : memref<128x128xf32, #tpu.memory_space<vmem>>) dst(%dma_wait3A_117 : memref<128x128xf32, #tpu.memory_space<vmem_shared>>)
      tpu.yield
    }) : () -> ()
    %mul3A_18 = arith.constant 624 : i32
    %mul3A_19 = arith.muli %arg1, %mul3A_18 : i32
    %add3A_20 = arith.constant 384 : i32
    %add3A_21 = arith.addi %mul3A_19, %add3A_20 : i32
    "tpu.region"() ({
      %run_scoped3A = tpu.sem_alloc : memref<!tpu.dma_semaphore, #tpu.memory_space<semaphore_mem>>
      %dma_start3A_110 = arith.constant 0 : i32
      %dma_start3A_111 = tpu.memref_slice %arg11[%add3A_21, %dma_start3A_110] : memref<10000x128xf32, #tpu.memory_space<vmem_shared>> -> memref<128x128xf32, #tpu.memory_space<vmem_shared>>
      %dma_start3A_112 = arith.constant 0 : i32
      %dma_start3A_113 = tpu.memref_slice %arg11[%add3A_21, %dma_start3A_112] : memref<10000x128xf32, #tpu.memory_space<vmem_shared>> -> memref<128x128xf32, #tpu.memory_space<vmem_shared>>
      tpu.enqueue_dma source(%arg8 : memref<128x128xf32, #tpu.memory_space<vmem>>) target(%dma_start3A_113 : memref<128x128xf32, #tpu.memory_space<vmem_shared>>) target_semaphore(%run_scoped3A : memref<!tpu.dma_semaphore, #tpu.memory_space<semaphore_mem>>)
      %dma_wait3A_114 = arith.constant 0 : i32
      %dma_wait3A_115 = tpu.memref_slice %arg11[%add3A_21, %dma_wait3A_114] : memref<10000x128xf32, #tpu.memory_space<vmem_shared>> -> memref<128x128xf32, #tpu.memory_space<vmem_shared>>
      %dma_wait3A_116 = arith.constant 0 : i32
      %dma_wait3A_117 = tpu.memref_slice %arg11[%add3A_21, %dma_wait3A_116] : memref<10000x128xf32, #tpu.memory_space<vmem_shared>> -> memref<128x128xf32, #tpu.memory_space<vmem_shared>>
      tpu.wait_dma2 semaphore(%run_scoped3A : memref<!tpu.dma_semaphore, #tpu.memory_space<semaphore_mem>>) src(%arg8 : memref<128x128xf32, #tpu.memory_space<vmem>>) dst(%dma_wait3A_117 : memref<128x128xf32, #tpu.memory_space<vmem_shared>>)
      tpu.yield
    }) : () -> ()
    %mul3A_22 = arith.constant 624 : i32
    %mul3A_23 = arith.muli %arg1, %mul3A_22 : i32
    %add3A_24 = arith.constant 512 : i32
    %add3A_25 = arith.addi %mul3A_23, %add3A_24 : i32
    "tpu.region"() ({
      %run_scoped3A = tpu.sem_alloc : memref<!tpu.dma_semaphore, #tpu.memory_space<semaphore_mem>>
      %dma_start3A_110 = arith.constant 0 : i32
      %dma_start3A_111 = arith.constant 0 : i32
      %dma_start3A_112 = tpu.memref_slice %arg8[%dma_start3A_110, %dma_start3A_111] : memref<128x128xf32, #tpu.memory_space<vmem>> -> memref<112x128xf32, #tpu.memory_space<vmem>>
      %dma_start3A_113 = arith.constant 0 : i32
      %dma_start3A_114 = tpu.memref_slice %arg11[%add3A_25, %dma_start3A_113] : memref<10000x128xf32, #tpu.memory_space<vmem_shared>> -> memref<112x128xf32, #tpu.memory_space<vmem_shared>>
      %dma_start3A_115 = arith.constant 0 : i32
      %dma_start3A_116 = tpu.memref_slice %arg11[%add3A_25, %dma_start3A_115] : memref<10000x128xf32, #tpu.memory_space<vmem_shared>> -> memref<112x128xf32, #tpu.memory_space<vmem_shared>>
      %dma_start3A_117 = arith.constant 0 : i32
      %dma_start3A_118 = arith.constant 0 : i32
      %dma_start3A_119 = tpu.memref_slice %arg8[%dma_start3A_117, %dma_start3A_118] : memref<128x128xf32, #tpu.memory_space<vmem>> -> memref<112x128xf32, #tpu.memory_space<vmem>>
      tpu.enqueue_dma source(%dma_start3A_119 : memref<112x128xf32, #tpu.memory_space<vmem>>) target(%dma_start3A_116 : memref<112x128xf32, #tpu.memory_space<vmem_shared>>) target_semaphore(%run_scoped3A : memref<!tpu.dma_semaphore, #tpu.memory_space<semaphore_mem>>)
      %dma_wait3A_120 = arith.constant 0 : i32
      %dma_wait3A_121 = arith.constant 0 : i32
      %dma_wait3A_122 = tpu.memref_slice %arg8[%dma_wait3A_120, %dma_wait3A_121] : memref<128x128xf32, #tpu.memory_space<vmem>> -> memref<112x128xf32, #tpu.memory_space<vmem>>
      %dma_wait3A_123 = arith.constant 0 : i32
      %dma_wait3A_124 = tpu.memref_slice %arg11[%add3A_25, %dma_wait3A_123] : memref<10000x128xf32, #tpu.memory_space<vmem_shared>> -> memref<112x128xf32, #tpu.memory_space<vmem_shared>>
      %dma_wait3A_125 = arith.constant 0 : i32
      %dma_wait3A_126 = tpu.memref_slice %arg11[%add3A_25, %dma_wait3A_125] : memref<10000x128xf32, #tpu.memory_space<vmem_shared>> -> memref<112x128xf32, #tpu.memory_space<vmem_shared>>
      %dma_wait3A_127 = arith.constant 0 : i32
      %dma_wait3A_128 = arith.constant 0 : i32
      %dma_wait3A_129 = tpu.memref_slice %arg8[%dma_wait3A_127, %dma_wait3A_128] : memref<128x128xf32, #tpu.memory_space<vmem>> -> memref<112x128xf32, #tpu.memory_space<vmem>>
      tpu.wait_dma2 semaphore(%run_scoped3A : memref<!tpu.dma_semaphore, #tpu.memory_space<semaphore_mem>>) src(%dma_wait3A_129 : memref<112x128xf32, #tpu.memory_space<vmem>>) dst(%dma_wait3A_126 : memref<112x128xf32, #tpu.memory_space<vmem_shared>>)
      tpu.yield
    }) : () -> ()
    %eq3A = arith.constant 15 : i32
    %eq3A_26 = arith.cmpi eq, %arg1, %eq3A : i32
    %convert_element_type3A = arith.extui %eq3A_26 : i1 to i32
    %cond3A = arith.constant 0 : i32
    %cond3A_27 = arith.cmpi ne, %convert_element_type3A, %cond3A : i32
    scf.if %cond3A_27 {
      "tpu.region"() ({
        %run_scoped3A = tpu.sem_alloc : memref<!tpu.dma_semaphore, #tpu.memory_space<semaphore_mem>>
        %dma_start3A_110 = arith.constant 0 : i32
        %dma_start3A_111 = arith.constant 0 : i32
        %dma_start3A_112 = tpu.memref_slice %arg8[%dma_start3A_110, %dma_start3A_111] : memref<128x128xf32, #tpu.memory_space<vmem>> -> memref<16x128xf32, #tpu.memory_space<vmem>>
        %dma_start3A_113 = arith.constant 9984 : i32
        %dma_start3A_114 = arith.constant 0 : i32
        %dma_start3A_115 = tpu.memref_slice %arg11[%dma_start3A_113, %dma_start3A_114] : memref<10000x128xf32, #tpu.memory_space<vmem_shared>> -> memref<16x128xf32, #tpu.memory_space<vmem_shared>>
        %dma_start3A_116 = arith.constant 9984 : i32
        %dma_start3A_117 = arith.constant 0 : i32
        %dma_start3A_118 = tpu.memref_slice %arg11[%dma_start3A_116, %dma_start3A_117] : memref<10000x128xf32, #tpu.memory_space<vmem_shared>> -> memref<16x128xf32, #tpu.memory_space<vmem_shared>>
        %dma_start3A_119 = arith.constant 0 : i32
        %dma_start3A_120 = arith.constant 0 : i32
        %dma_start3A_121 = tpu.memref_slice %arg8[%dma_start3A_119, %dma_start3A_120] : memref<128x128xf32, #tpu.memory_space<vmem>> -> memref<16x128xf32, #tpu.memory_space<vmem>>
        tpu.enqueue_dma source(%dma_start3A_121 : memref<16x128xf32, #tpu.memory_space<vmem>>) target(%dma_start3A_118 : memref<16x128xf32, #tpu.memory_space<vmem_shared>>) target_semaphore(%run_scoped3A : memref<!tpu.dma_semaphore, #tpu.memory_space<semaphore_mem>>)
        %dma_wait3A_122 = arith.constant 0 : i32
        %dma_wait3A_123 = arith.constant 0 : i32
        %dma_wait3A_124 = tpu.memref_slice %arg8[%dma_wait3A_122, %dma_wait3A_123] : memref<128x128xf32, #tpu.memory_space<vmem>> -> memref<16x128xf32, #tpu.memory_space<vmem>>
        %dma_wait3A_125 = arith.constant 9984 : i32
        %dma_wait3A_126 = arith.constant 0 : i32
        %dma_wait3A_127 = tpu.memref_slice %arg11[%dma_wait3A_125, %dma_wait3A_126] : memref<10000x128xf32, #tpu.memory_space<vmem_shared>> -> memref<16x128xf32, #tpu.memory_space<vmem_shared>>
        %dma_wait3A_128 = arith.constant 9984 : i32
        %dma_wait3A_129 = arith.constant 0 : i32
        %dma_wait3A_130 = tpu.memref_slice %arg11[%dma_wait3A_128, %dma_wait3A_129] : memref<10000x128xf32, #tpu.memory_space<vmem_shared>> -> memref<16x128xf32, #tpu.memory_space<vmem_shared>>
        %dma_wait3A_131 = arith.constant 0 : i32
        %dma_wait3A_132 = arith.constant 0 : i32
        %dma_wait3A_133 = tpu.memref_slice %arg8[%dma_wait3A_131, %dma_wait3A_132] : memref<128x128xf32, #tpu.memory_space<vmem>> -> memref<16x128xf32, #tpu.memory_space<vmem>>
        tpu.wait_dma2 semaphore(%run_scoped3A : memref<!tpu.dma_semaphore, #tpu.memory_space<semaphore_mem>>) src(%dma_wait3A_133 : memref<16x128xf32, #tpu.memory_space<vmem>>) dst(%dma_wait3A_130 : memref<16x128xf32, #tpu.memory_space<vmem_shared>>)
        tpu.yield
      }) : () -> ()
    } else {
    }
    %barrier3A = arith.constant 0 : index
    tpu.barrier barrier_id(%barrier3A)
    %mul3A_28 = arith.constant 78 : i32
    %mul3A_29 = arith.muli %add3A, %mul3A_28 : i32
    %add3A_30 = arith.constant 0 : i32
    %add3A_31 = arith.addi %mul3A_29, %add3A_30 : i32
    %dma_start3A = arith.constant 0 : i32
    %dma_start3A_32 = arith.constant 0 : i32
    %dma_start3A_33 = tpu.memref_slice %arg3[%add3A_31, %dma_start3A, %dma_start3A_32] : memref<2500x2x128xi32, #tpu.memory_space<hbm>> -> memref<1x2x128xi32, #tpu.memory_space<hbm>>
    %dma_start3A_34 = tpu.memref_squeeze %dma_start3A_33 : memref<1x2x128xi32, #tpu.memory_space<hbm>> -> memref<2x128xi32, #tpu.memory_space<hbm>>
    %dma_start3A_35 = arith.constant 0 : i32
    %dma_start3A_36 = arith.constant 0 : i32
    %dma_start3A_37 = tpu.memref_slice %arg3[%add3A_31, %dma_start3A_35, %dma_start3A_36] : memref<2500x2x128xi32, #tpu.memory_space<hbm>> -> memref<1x2x128xi32, #tpu.memory_space<hbm>>
    %dma_start3A_38 = tpu.memref_squeeze %dma_start3A_37 : memref<1x2x128xi32, #tpu.memory_space<hbm>> -> memref<2x128xi32, #tpu.memory_space<hbm>>
    tpu.enqueue_dma source(%dma_start3A_38 : memref<2x128xi32, #tpu.memory_space<hbm>>) target(%arg5 : memref<2x128xi32, #tpu.memory_space<vmem>>) target_semaphore(%arg15 : memref<!tpu.dma_semaphore, #tpu.memory_space<semaphore_mem>>)
    %add3A_39 = arith.constant 1 : i32
    %add3A_40 = arith.addi %mul3A_29, %add3A_39 : i32
    %dma_start3A_41 = arith.constant 0 : i32
    %dma_start3A_42 = arith.constant 0 : i32
    %dma_start3A_43 = tpu.memref_slice %arg3[%add3A_40, %dma_start3A_41, %dma_start3A_42] : memref<2500x2x128xi32, #tpu.memory_space<hbm>> -> memref<1x2x128xi32, #tpu.memory_space<hbm>>
    %dma_start3A_44 = tpu.memref_squeeze %dma_start3A_43 : memref<1x2x128xi32, #tpu.memory_space<hbm>> -> memref<2x128xi32, #tpu.memory_space<hbm>>
    %dma_start3A_45 = arith.constant 0 : i32
    %dma_start3A_46 = arith.constant 0 : i32
    %dma_start3A_47 = tpu.memref_slice %arg3[%add3A_40, %dma_start3A_45, %dma_start3A_46] : memref<2500x2x128xi32, #tpu.memory_space<hbm>> -> memref<1x2x128xi32, #tpu.memory_space<hbm>>
    %dma_start3A_48 = tpu.memref_squeeze %dma_start3A_47 : memref<1x2x128xi32, #tpu.memory_space<hbm>> -> memref<2x128xi32, #tpu.memory_space<hbm>>
    tpu.enqueue_dma source(%dma_start3A_48 : memref<2x128xi32, #tpu.memory_space<hbm>>) target(%arg6 : memref<2x128xi32, #tpu.memory_space<vmem>>) target_semaphore(%arg16 : memref<!tpu.dma_semaphore, #tpu.memory_space<semaphore_mem>>)
    %add3A_49 = arith.constant 2 : i32
    %add3A_50 = arith.addi %mul3A_29, %add3A_49 : i32
    %dma_start3A_51 = arith.constant 0 : i32
    %dma_start3A_52 = arith.constant 0 : i32
    %dma_start3A_53 = tpu.memref_slice %arg3[%add3A_50, %dma_start3A_51, %dma_start3A_52] : memref<2500x2x128xi32, #tpu.memory_space<hbm>> -> memref<1x2x128xi32, #tpu.memory_space<hbm>>
    %dma_start3A_54 = tpu.memref_squeeze %dma_start3A_53 : memref<1x2x128xi32, #tpu.memory_space<hbm>> -> memref<2x128xi32, #tpu.memory_space<hbm>>
    %dma_start3A_55 = arith.constant 0 : i32
    %dma_start3A_56 = arith.constant 0 : i32
    %dma_start3A_57 = tpu.memref_slice %arg3[%add3A_50, %dma_start3A_55, %dma_start3A_56] : memref<2500x2x128xi32, #tpu.memory_space<hbm>> -> memref<1x2x128xi32, #tpu.memory_space<hbm>>
    %dma_start3A_58 = tpu.memref_squeeze %dma_start3A_57 : memref<1x2x128xi32, #tpu.memory_space<hbm>> -> memref<2x128xi32, #tpu.memory_space<hbm>>
    tpu.enqueue_dma source(%dma_start3A_58 : memref<2x128xi32, #tpu.memory_space<hbm>>) target(%arg7 : memref<2x128xi32, #tpu.memory_space<vmem>>) target_semaphore(%arg17 : memref<!tpu.dma_semaphore, #tpu.memory_space<semaphore_mem>>)
    %dma_wait3A = arith.constant 0 : i32
    %dma_wait3A_59 = arith.constant 0 : i32
    %dma_wait3A_60 = arith.constant 0 : i32
    %dma_wait3A_61 = tpu.memref_slice %arg3[%dma_wait3A, %dma_wait3A_59, %dma_wait3A_60] : memref<2500x2x128xi32, #tpu.memory_space<hbm>> -> memref<1x2x128xi32, #tpu.memory_space<hbm>>
    %dma_wait3A_62 = tpu.memref_squeeze %dma_wait3A_61 : memref<1x2x128xi32, #tpu.memory_space<hbm>> -> memref<2x128xi32, #tpu.memory_space<hbm>>
    %dma_wait3A_63 = arith.constant 0 : i32
    %dma_wait3A_64 = arith.constant 0 : i32
    %dma_wait3A_65 = tpu.memref_slice %arg3[%dma_wait3A, %dma_wait3A_63, %dma_wait3A_64] : memref<2500x2x128xi32, #tpu.memory_space<hbm>> -> memref<1x2x128xi32, #tpu.memory_space<hbm>>
    %dma_wait3A_66 = tpu.memref_squeeze %dma_wait3A_65 : memref<1x2x128xi32, #tpu.memory_space<hbm>> -> memref<2x128xi32, #tpu.memory_space<hbm>>
    tpu.wait_dma2 semaphore(%arg15 : memref<!tpu.dma_semaphore, #tpu.memory_space<semaphore_mem>>) src(%dma_wait3A_66 : memref<2x128xi32, #tpu.memory_space<hbm>>) dst(%arg5 : memref<2x128xi32, #tpu.memory_space<vmem>>)
    %dma_start3A_67 = arith.constant 0 : i32
    %dma_start3A_68 = arith.constant 0 : i32
    %dma_start3A_69 = tpu.memref_slice %arg5[%dma_start3A_67, %dma_start3A_68] : memref<2x128xi32, #tpu.memory_space<vmem>> -> memref<1x128xi32, #tpu.memory_space<vmem>>
    %dma_start3A_70 = tpu.memref_squeeze %dma_start3A_69 : memref<1x128xi32, #tpu.memory_space<vmem>> -> memref<128xi32, #tpu.memory_space<vmem>>
    %dma_start3A_71 = arith.constant 0 : i32
    %dma_start3A_72 = arith.constant 0 : i32
    %dma_start3A_73 = tpu.memref_slice %arg2[%dma_start3A_71, %dma_start3A_72] : memref<10000x128xf32, #tpu.memory_space<hbm>> -> memref<10000x128xf32, #tpu.memory_space<hbm>>
    tpu.enqueue_indirect_dma source(%dma_start3A_73 : memref<10000x128xf32, #tpu.memory_space<hbm>>) target(%arg8 : memref<128x128xf32, #tpu.memory_space<vmem>>) offsets(%dma_start3A_70 : memref<128xi32, #tpu.memory_space<vmem>>) semaphore(%arg12 : memref<!tpu.dma_semaphore, #tpu.memory_space<semaphore_mem>>)
    %dma_wait3A_74 = arith.constant 0 : i32
    %dma_wait3A_75 = arith.constant 0 : i32
    %dma_wait3A_76 = arith.constant 0 : i32
    %dma_wait3A_77 = tpu.memref_slice %arg3[%dma_wait3A_74, %dma_wait3A_75, %dma_wait3A_76] : memref<2500x2x128xi32, #tpu.memory_space<hbm>> -> memref<1x2x128xi32, #tpu.memory_space<hbm>>
    %dma_wait3A_78 = tpu.memref_squeeze %dma_wait3A_77 : memref<1x2x128xi32, #tpu.memory_space<hbm>> -> memref<2x128xi32, #tpu.memory_space<hbm>>
    %dma_wait3A_79 = arith.constant 0 : i32
    %dma_wait3A_80 = arith.constant 0 : i32
    %dma_wait3A_81 = tpu.memref_slice %arg3[%dma_wait3A_74, %dma_wait3A_79, %dma_wait3A_80] : memref<2500x2x128xi32, #tpu.memory_space<hbm>> -> memref<1x2x128xi32, #tpu.memory_space<hbm>>
    %dma_wait3A_82 = tpu.memref_squeeze %dma_wait3A_81 : memref<1x2x128xi32, #tpu.memory_space<hbm>> -> memref<2x128xi32, #tpu.memory_space<hbm>>
    tpu.wait_dma2 semaphore(%arg16 : memref<!tpu.dma_semaphore, #tpu.memory_space<semaphore_mem>>) src(%dma_wait3A_82 : memref<2x128xi32, #tpu.memory_space<hbm>>) dst(%arg6 : memref<2x128xi32, #tpu.memory_space<vmem>>)
    %dma_start3A_83 = arith.constant 0 : i32
    %dma_start3A_84 = arith.constant 0 : i32
    %dma_start3A_85 = tpu.memref_slice %arg6[%dma_start3A_83, %dma_start3A_84] : memref<2x128xi32, #tpu.memory_space<vmem>> -> memref<1x128xi32, #tpu.memory_space<vmem>>
    %dma_start3A_86 = tpu.memref_squeeze %dma_start3A_85 : memref<1x128xi32, #tpu.memory_space<vmem>> -> memref<128xi32, #tpu.memory_space<vmem>>
    %dma_start3A_87 = arith.constant 0 : i32
    %dma_start3A_88 = arith.constant 0 : i32
    %dma_start3A_89 = tpu.memref_slice %arg2[%dma_start3A_87, %dma_start3A_88] : memref<10000x128xf32, #tpu.memory_space<hbm>> -> memref<10000x128xf32, #tpu.memory_space<hbm>>
    tpu.enqueue_indirect_dma source(%dma_start3A_89 : memref<10000x128xf32, #tpu.memory_space<hbm>>) target(%arg9 : memref<128x128xf32, #tpu.memory_space<vmem>>) offsets(%dma_start3A_86 : memref<128xi32, #tpu.memory_space<vmem>>) semaphore(%arg13 : memref<!tpu.dma_semaphore, #tpu.memory_space<semaphore_mem>>)
    %scan3A_90 = arith.constant 0 : i32
    %scan3A_91 = arith.constant 0 : i32
    %scan3A_92 = arith.constant 26 : i32
    %scan3A_93 = arith.addi %scan3A_91, %scan3A_92 : i32
    %scan3A_94 = arith.constant 1 : i32
    scf.for %scan3A_110 = %scan3A_91 to %scan3A_93 step %scan3A_94  : i32 {
      %mul3A_111 = arith.constant 3 : i32
      %mul3A_112 = arith.muli %scan3A_110, %mul3A_111 : i32
      %add3A_113 = arith.constant 0 : i32
      %add3A_114 = arith.addi %mul3A_112, %add3A_113 : i32
      %dma_wait3A_115 = arith.constant 0 : i32
      %dma_wait3A_116 = arith.constant 0 : i32
      %dma_wait3A_117 = tpu.memref_slice %arg2[%dma_wait3A_115, %dma_wait3A_116] : memref<10000x128xf32, #tpu.memory_space<hbm>> -> memref<128x128xf32, #tpu.memory_space<hbm>>
      %dma_wait3A_118 = arith.constant 0 : i32
      %dma_wait3A_119 = arith.constant 0 : i32
      %dma_wait3A_120 = tpu.memref_slice %arg2[%dma_wait3A_118, %dma_wait3A_119] : memref<10000x128xf32, #tpu.memory_space<hbm>> -> memref<128x128xf32, #tpu.memory_space<hbm>>
      tpu.wait_dma2 semaphore(%arg12 : memref<!tpu.dma_semaphore, #tpu.memory_space<semaphore_mem>>) src(%dma_wait3A_120 : memref<128x128xf32, #tpu.memory_space<hbm>>) dst(%arg8 : memref<128x128xf32, #tpu.memory_space<vmem>>)
      %run_scoped3A = arith.constant 1 : i32
      "tpu.region"() ({
        %run_scoped3A_181 = tpu.sem_alloc : memref<!tpu.dma_semaphore, #tpu.memory_space<semaphore_mem>>
        %dma_start3A_182 = arith.constant 0 : i32
        %dma_start3A_183 = tpu.memref_slice %arg5[%run_scoped3A, %dma_start3A_182] : memref<2x128xi32, #tpu.memory_space<vmem>> -> memref<1x128xi32, #tpu.memory_space<vmem>>
        %dma_start3A_184 = tpu.memref_squeeze %dma_start3A_183 : memref<1x128xi32, #tpu.memory_space<vmem>> -> memref<128xi32, #tpu.memory_space<vmem>>
        %dma_start3A_185 = arith.constant 0 : i32
        %dma_start3A_186 = arith.constant 0 : i32
        %dma_start3A_187 = tpu.memref_slice %arg11[%dma_start3A_185, %dma_start3A_186] : memref<10000x128xf32, #tpu.memory_space<vmem_shared>> -> memref<10000x128xf32, #tpu.memory_space<vmem_shared>>
        tpu.enqueue_indirect_dma source(%arg8 : memref<128x128xf32, #tpu.memory_space<vmem>>) target(%dma_start3A_187 : memref<10000x128xf32, #tpu.memory_space<vmem_shared>>) offsets(%dma_start3A_184 : memref<128xi32, #tpu.memory_space<vmem>>) semaphore(%run_scoped3A_181 : memref<!tpu.dma_semaphore, #tpu.memory_space<semaphore_mem>>) {add = true}
        %dma_wait3A_188 = arith.constant 0 : i32
        %dma_wait3A_189 = tpu.memref_slice %arg5[%run_scoped3A, %dma_wait3A_188] : memref<2x128xi32, #tpu.memory_space<vmem>> -> memref<1x128xi32, #tpu.memory_space<vmem>>
        %dma_wait3A_190 = tpu.memref_squeeze %dma_wait3A_189 : memref<1x128xi32, #tpu.memory_space<vmem>> -> memref<128xi32, #tpu.memory_space<vmem>>
        %dma_wait3A_191 = arith.constant 0 : i32
        %dma_wait3A_192 = arith.constant 0 : i32
        %dma_wait3A_193 = tpu.memref_slice %arg11[%dma_wait3A_191, %dma_wait3A_192] : memref<10000x128xf32, #tpu.memory_space<vmem_shared>> -> memref<10000x128xf32, #tpu.memory_space<vmem_shared>>
        tpu.wait_indirect_dma semaphore(%run_scoped3A_181 : memref<!tpu.dma_semaphore, #tpu.memory_space<semaphore_mem>>) src(%arg8 : memref<128x128xf32, #tpu.memory_space<vmem>>) dst(%dma_wait3A_193 : memref<10000x128xf32, #tpu.memory_space<vmem_shared>>)
        tpu.yield
      }) : () -> ()
      %add3A_121 = arith.constant 3 : i32
      %add3A_122 = arith.addi %add3A_114, %add3A_121 : i32
      %lt3A_123 = arith.constant 78 : i32
      %lt3A_124 = arith.cmpi slt, %add3A_122, %lt3A_123 : i32
      %convert_element_type3A_125 = arith.extui %lt3A_124 : i1 to i32
      %cond3A_126 = arith.constant 0 : i32
      %cond3A_127 = arith.cmpi ne, %convert_element_type3A_125, %cond3A_126 : i32
      scf.if %cond3A_127 {
        %add3A_181 = arith.constant 3 : i32
        %add3A_182 = arith.addi %add3A_114, %add3A_181 : i32
        %add3A_183 = arith.addi %mul3A_29, %add3A_182 : i32
        %dma_start3A_184 = arith.constant 0 : i32
        %dma_start3A_185 = arith.constant 0 : i32
        %dma_start3A_186 = tpu.memref_slice %arg3[%add3A_183, %dma_start3A_184, %dma_start3A_185] : memref<2500x2x128xi32, #tpu.memory_space<hbm>> -> memref<1x2x128xi32, #tpu.memory_space<hbm>>
        %dma_start3A_187 = tpu.memref_squeeze %dma_start3A_186 : memref<1x2x128xi32, #tpu.memory_space<hbm>> -> memref<2x128xi32, #tpu.memory_space<hbm>>
        %dma_start3A_188 = arith.constant 0 : i32
        %dma_start3A_189 = arith.constant 0 : i32
        %dma_start3A_190 = tpu.memref_slice %arg3[%add3A_183, %dma_start3A_188, %dma_start3A_189] : memref<2500x2x128xi32, #tpu.memory_space<hbm>> -> memref<1x2x128xi32, #tpu.memory_space<hbm>>
        %dma_start3A_191 = tpu.memref_squeeze %dma_start3A_190 : memref<1x2x128xi32, #tpu.memory_space<hbm>> -> memref<2x128xi32, #tpu.memory_space<hbm>>
        tpu.enqueue_dma source(%dma_start3A_191 : memref<2x128xi32, #tpu.memory_space<hbm>>) target(%arg5 : memref<2x128xi32, #tpu.memory_space<vmem>>) target_semaphore(%arg15 : memref<!tpu.dma_semaphore, #tpu.memory_space<semaphore_mem>>)
      } else {
      }
      %add3A_128 = arith.constant 2 : i32
      %add3A_129 = arith.addi %add3A_114, %add3A_128 : i32
      %lt3A_130 = arith.constant 78 : i32
      %lt3A_131 = arith.cmpi slt, %add3A_129, %lt3A_130 : i32
      %convert_element_type3A_132 = arith.extui %lt3A_131 : i1 to i32
      %cond3A_133 = arith.constant 0 : i32
      %cond3A_134 = arith.cmpi ne, %convert_element_type3A_132, %cond3A_133 : i32
      scf.if %cond3A_134 {
        %dma_wait3A_181 = arith.constant 0 : i32
        %dma_wait3A_182 = arith.constant 0 : i32
        %dma_wait3A_183 = arith.constant 0 : i32
        %dma_wait3A_184 = tpu.memref_slice %arg3[%dma_wait3A_181, %dma_wait3A_182, %dma_wait3A_183] : memref<2500x2x128xi32, #tpu.memory_space<hbm>> -> memref<1x2x128xi32, #tpu.memory_space<hbm>>
        %dma_wait3A_185 = tpu.memref_squeeze %dma_wait3A_184 : memref<1x2x128xi32, #tpu.memory_space<hbm>> -> memref<2x128xi32, #tpu.memory_space<hbm>>
        %dma_wait3A_186 = arith.constant 0 : i32
        %dma_wait3A_187 = arith.constant 0 : i32
        %dma_wait3A_188 = tpu.memref_slice %arg3[%dma_wait3A_181, %dma_wait3A_186, %dma_wait3A_187] : memref<2500x2x128xi32, #tpu.memory_space<hbm>> -> memref<1x2x128xi32, #tpu.memory_space<hbm>>
        %dma_wait3A_189 = tpu.memref_squeeze %dma_wait3A_188 : memref<1x2x128xi32, #tpu.memory_space<hbm>> -> memref<2x128xi32, #tpu.memory_space<hbm>>
        tpu.wait_dma2 semaphore(%arg17 : memref<!tpu.dma_semaphore, #tpu.memory_space<semaphore_mem>>) src(%dma_wait3A_189 : memref<2x128xi32, #tpu.memory_space<hbm>>) dst(%arg7 : memref<2x128xi32, #tpu.memory_space<vmem>>)
        %dma_start3A_190 = arith.constant 0 : i32
        %dma_start3A_191 = arith.constant 0 : i32
        %dma_start3A_192 = tpu.memref_slice %arg7[%dma_start3A_190, %dma_start3A_191] : memref<2x128xi32, #tpu.memory_space<vmem>> -> memref<1x128xi32, #tpu.memory_space<vmem>>
        %dma_start3A_193 = tpu.memref_squeeze %dma_start3A_192 : memref<1x128xi32, #tpu.memory_space<vmem>> -> memref<128xi32, #tpu.memory_space<vmem>>
        %dma_start3A_194 = arith.constant 0 : i32
        %dma_start3A_195 = arith.constant 0 : i32
        %dma_start3A_196 = tpu.memref_slice %arg2[%dma_start3A_194, %dma_start3A_195] : memref<10000x128xf32, #tpu.memory_space<hbm>> -> memref<10000x128xf32, #tpu.memory_space<hbm>>
        tpu.enqueue_indirect_dma source(%dma_start3A_196 : memref<10000x128xf32, #tpu.memory_space<hbm>>) target(%arg10 : memref<128x128xf32, #tpu.memory_space<vmem>>) offsets(%dma_start3A_193 : memref<128xi32, #tpu.memory_space<vmem>>) semaphore(%arg14 : memref<!tpu.dma_semaphore, #tpu.memory_space<semaphore_mem>>)
      } else {
      }
      %add3A_135 = arith.constant 1 : i32
      %add3A_136 = arith.addi %mul3A_112, %add3A_135 : i32
      %dma_wait3A_137 = arith.constant 0 : i32
      %dma_wait3A_138 = arith.constant 0 : i32
      %dma_wait3A_139 = tpu.memref_slice %arg2[%dma_wait3A_137, %dma_wait3A_138] : memref<10000x128xf32, #tpu.memory_space<hbm>> -> memref<128x128xf32, #tpu.memory_space<hbm>>
      %dma_wait3A_140 = arith.constant 0 : i32
      %dma_wait3A_141 = arith.constant 0 : i32
      %dma_wait3A_142 = tpu.memref_slice %arg2[%dma_wait3A_140, %dma_wait3A_141] : memref<10000x128xf32, #tpu.memory_space<hbm>> -> memref<128x128xf32, #tpu.memory_space<hbm>>
      tpu.wait_dma2 semaphore(%arg13 : memref<!tpu.dma_semaphore, #tpu.memory_space<semaphore_mem>>) src(%dma_wait3A_142 : memref<128x128xf32, #tpu.memory_space<hbm>>) dst(%arg9 : memref<128x128xf32, #tpu.memory_space<vmem>>)
      %run_scoped3A_143 = arith.constant 1 : i32
      "tpu.region"() ({
        %run_scoped3A_181 = tpu.sem_alloc : memref<!tpu.dma_semaphore, #tpu.memory_space<semaphore_mem>>
        %dma_start3A_182 = arith.constant 0 : i32
        %dma_start3A_183 = tpu.memref_slice %arg6[%run_scoped3A_143, %dma_start3A_182] : memref<2x128xi32, #tpu.memory_space<vmem>> -> memref<1x128xi32, #tpu.memory_space<vmem>>
        %dma_start3A_184 = tpu.memref_squeeze %dma_start3A_183 : memref<1x128xi32, #tpu.memory_space<vmem>> -> memref<128xi32, #tpu.memory_space<vmem>>
        %dma_start3A_185 = arith.constant 0 : i32
        %dma_start3A_186 = arith.constant 0 : i32
        %dma_start3A_187 = tpu.memref_slice %arg11[%dma_start3A_185, %dma_start3A_186] : memref<10000x128xf32, #tpu.memory_space<vmem_shared>> -> memref<10000x128xf32, #tpu.memory_space<vmem_shared>>
        tpu.enqueue_indirect_dma source(%arg9 : memref<128x128xf32, #tpu.memory_space<vmem>>) target(%dma_start3A_187 : memref<10000x128xf32, #tpu.memory_space<vmem_shared>>) offsets(%dma_start3A_184 : memref<128xi32, #tpu.memory_space<vmem>>) semaphore(%run_scoped3A_181 : memref<!tpu.dma_semaphore, #tpu.memory_space<semaphore_mem>>) {add = true}
        %dma_wait3A_188 = arith.constant 0 : i32
        %dma_wait3A_189 = tpu.memref_slice %arg6[%run_scoped3A_143, %dma_wait3A_188] : memref<2x128xi32, #tpu.memory_space<vmem>> -> memref<1x128xi32, #tpu.memory_space<vmem>>
        %dma_wait3A_190 = tpu.memref_squeeze %dma_wait3A_189 : memref<1x128xi32, #tpu.memory_space<vmem>> -> memref<128xi32, #tpu.memory_space<vmem>>
        %dma_wait3A_191 = arith.constant 0 : i32
        %dma_wait3A_192 = arith.constant 0 : i32
        %dma_wait3A_193 = tpu.memref_slice %arg11[%dma_wait3A_191, %dma_wait3A_192] : memref<10000x128xf32, #tpu.memory_space<vmem_shared>> -> memref<10000x128xf32, #tpu.memory_space<vmem_shared>>
        tpu.wait_indirect_dma semaphore(%run_scoped3A_181 : memref<!tpu.dma_semaphore, #tpu.memory_space<semaphore_mem>>) src(%arg9 : memref<128x128xf32, #tpu.memory_space<vmem>>) dst(%dma_wait3A_193 : memref<10000x128xf32, #tpu.memory_space<vmem_shared>>)
        tpu.yield
      }) : () -> ()
      %add3A_144 = arith.constant 3 : i32
      %add3A_145 = arith.addi %add3A_136, %add3A_144 : i32
      %lt3A_146 = arith.constant 78 : i32
      %lt3A_147 = arith.cmpi slt, %add3A_145, %lt3A_146 : i32
      %convert_element_type3A_148 = arith.extui %lt3A_147 : i1 to i32
      %cond3A_149 = arith.constant 0 : i32
      %cond3A_150 = arith.cmpi ne, %convert_element_type3A_148, %cond3A_149 : i32
      scf.if %cond3A_150 {
        %add3A_181 = arith.constant 3 : i32
        %add3A_182 = arith.addi %add3A_136, %add3A_181 : i32
        %add3A_183 = arith.addi %mul3A_29, %add3A_182 : i32
        %dma_start3A_184 = arith.constant 0 : i32
        %dma_start3A_185 = arith.constant 0 : i32
        %dma_start3A_186 = tpu.memref_slice %arg3[%add3A_183, %dma_start3A_184, %dma_start3A_185] : memref<2500x2x128xi32, #tpu.memory_space<hbm>> -> memref<1x2x128xi32, #tpu.memory_space<hbm>>
        %dma_start3A_187 = tpu.memref_squeeze %dma_start3A_186 : memref<1x2x128xi32, #tpu.memory_space<hbm>> -> memref<2x128xi32, #tpu.memory_space<hbm>>
        %dma_start3A_188 = arith.constant 0 : i32
        %dma_start3A_189 = arith.constant 0 : i32
        %dma_start3A_190 = tpu.memref_slice %arg3[%add3A_183, %dma_start3A_188, %dma_start3A_189] : memref<2500x2x128xi32, #tpu.memory_space<hbm>> -> memref<1x2x128xi32, #tpu.memory_space<hbm>>
        %dma_start3A_191 = tpu.memref_squeeze %dma_start3A_190 : memref<1x2x128xi32, #tpu.memory_space<hbm>> -> memref<2x128xi32, #tpu.memory_space<hbm>>
        tpu.enqueue_dma source(%dma_start3A_191 : memref<2x128xi32, #tpu.memory_space<hbm>>) target(%arg6 : memref<2x128xi32, #tpu.memory_space<vmem>>) target_semaphore(%arg16 : memref<!tpu.dma_semaphore, #tpu.memory_space<semaphore_mem>>)
      } else {
      }
      %add3A_151 = arith.constant 2 : i32
      %add3A_152 = arith.addi %add3A_136, %add3A_151 : i32
      %lt3A_153 = arith.constant 78 : i32
      %lt3A_154 = arith.cmpi slt, %add3A_152, %lt3A_153 : i32
      %convert_element_type3A_155 = arith.extui %lt3A_154 : i1 to i32
      %cond3A_156 = arith.constant 0 : i32
      %cond3A_157 = arith.cmpi ne, %convert_element_type3A_155, %cond3A_156 : i32
      scf.if %cond3A_157 {
        %dma_wait3A_181 = arith.constant 0 : i32
        %dma_wait3A_182 = arith.constant 0 : i32
        %dma_wait3A_183 = arith.constant 0 : i32
        %dma_wait3A_184 = tpu.memref_slice %arg3[%dma_wait3A_181, %dma_wait3A_182, %dma_wait3A_183] : memref<2500x2x128xi32, #tpu.memory_space<hbm>> -> memref<1x2x128xi32, #tpu.memory_space<hbm>>
        %dma_wait3A_185 = tpu.memref_squeeze %dma_wait3A_184 : memref<1x2x128xi32, #tpu.memory_space<hbm>> -> memref<2x128xi32, #tpu.memory_space<hbm>>
        %dma_wait3A_186 = arith.constant 0 : i32
        %dma_wait3A_187 = arith.constant 0 : i32
        %dma_wait3A_188 = tpu.memref_slice %arg3[%dma_wait3A_181, %dma_wait3A_186, %dma_wait3A_187] : memref<2500x2x128xi32, #tpu.memory_space<hbm>> -> memref<1x2x128xi32, #tpu.memory_space<hbm>>
        %dma_wait3A_189 = tpu.memref_squeeze %dma_wait3A_188 : memref<1x2x128xi32, #tpu.memory_space<hbm>> -> memref<2x128xi32, #tpu.memory_space<hbm>>
        tpu.wait_dma2 semaphore(%arg15 : memref<!tpu.dma_semaphore, #tpu.memory_space<semaphore_mem>>) src(%dma_wait3A_189 : memref<2x128xi32, #tpu.memory_space<hbm>>) dst(%arg5 : memref<2x128xi32, #tpu.memory_space<vmem>>)
        %dma_start3A_190 = arith.constant 0 : i32
        %dma_start3A_191 = arith.constant 0 : i32
        %dma_start3A_192 = tpu.memref_slice %arg5[%dma_start3A_190, %dma_start3A_191] : memref<2x128xi32, #tpu.memory_space<vmem>> -> memref<1x128xi32, #tpu.memory_space<vmem>>
        %dma_start3A_193 = tpu.memref_squeeze %dma_start3A_192 : memref<1x128xi32, #tpu.memory_space<vmem>> -> memref<128xi32, #tpu.memory_space<vmem>>
        %dma_start3A_194 = arith.constant 0 : i32
        %dma_start3A_195 = arith.constant 0 : i32
        %dma_start3A_196 = tpu.memref_slice %arg2[%dma_start3A_194, %dma_start3A_195] : memref<10000x128xf32, #tpu.memory_space<hbm>> -> memref<10000x128xf32, #tpu.memory_space<hbm>>
        tpu.enqueue_indirect_dma source(%dma_start3A_196 : memref<10000x128xf32, #tpu.memory_space<hbm>>) target(%arg8 : memref<128x128xf32, #tpu.memory_space<vmem>>) offsets(%dma_start3A_193 : memref<128xi32, #tpu.memory_space<vmem>>) semaphore(%arg12 : memref<!tpu.dma_semaphore, #tpu.memory_space<semaphore_mem>>)
      } else {
      }
      %add3A_158 = arith.constant 2 : i32
      %add3A_159 = arith.addi %mul3A_112, %add3A_158 : i32
      %dma_wait3A_160 = arith.constant 0 : i32
      %dma_wait3A_161 = arith.constant 0 : i32
      %dma_wait3A_162 = tpu.memref_slice %arg2[%dma_wait3A_160, %dma_wait3A_161] : memref<10000x128xf32, #tpu.memory_space<hbm>> -> memref<128x128xf32, #tpu.memory_space<hbm>>
      %dma_wait3A_163 = arith.constant 0 : i32
      %dma_wait3A_164 = arith.constant 0 : i32
      %dma_wait3A_165 = tpu.memref_slice %arg2[%dma_wait3A_163, %dma_wait3A_164] : memref<10000x128xf32, #tpu.memory_space<hbm>> -> memref<128x128xf32, #tpu.memory_space<hbm>>
      tpu.wait_dma2 semaphore(%arg14 : memref<!tpu.dma_semaphore, #tpu.memory_space<semaphore_mem>>) src(%dma_wait3A_165 : memref<128x128xf32, #tpu.memory_space<hbm>>) dst(%arg10 : memref<128x128xf32, #tpu.memory_space<vmem>>)
      %run_scoped3A_166 = arith.constant 1 : i32
      "tpu.region"() ({
        %run_scoped3A_181 = tpu.sem_alloc : memref<!tpu.dma_semaphore, #tpu.memory_space<semaphore_mem>>
        %dma_start3A_182 = arith.constant 0 : i32
        %dma_start3A_183 = tpu.memref_slice %arg7[%run_scoped3A_166, %dma_start3A_182] : memref<2x128xi32, #tpu.memory_space<vmem>> -> memref<1x128xi32, #tpu.memory_space<vmem>>
        %dma_start3A_184 = tpu.memref_squeeze %dma_start3A_183 : memref<1x128xi32, #tpu.memory_space<vmem>> -> memref<128xi32, #tpu.memory_space<vmem>>
        %dma_start3A_185 = arith.constant 0 : i32
        %dma_start3A_186 = arith.constant 0 : i32
        %dma_start3A_187 = tpu.memref_slice %arg11[%dma_start3A_185, %dma_start3A_186] : memref<10000x128xf32, #tpu.memory_space<vmem_shared>> -> memref<10000x128xf32, #tpu.memory_space<vmem_shared>>
        tpu.enqueue_indirect_dma source(%arg10 : memref<128x128xf32, #tpu.memory_space<vmem>>) target(%dma_start3A_187 : memref<10000x128xf32, #tpu.memory_space<vmem_shared>>) offsets(%dma_start3A_184 : memref<128xi32, #tpu.memory_space<vmem>>) semaphore(%run_scoped3A_181 : memref<!tpu.dma_semaphore, #tpu.memory_space<semaphore_mem>>) {add = true}
        %dma_wait3A_188 = arith.constant 0 : i32
        %dma_wait3A_189 = tpu.memref_slice %arg7[%run_scoped3A_166, %dma_wait3A_188] : memref<2x128xi32, #tpu.memory_space<vmem>> -> memref<1x128xi32, #tpu.memory_space<vmem>>
        %dma_wait3A_190 = tpu.memref_squeeze %dma_wait3A_189 : memref<1x128xi32, #tpu.memory_space<vmem>> -> memref<128xi32, #tpu.memory_space<vmem>>
        %dma_wait3A_191 = arith.constant 0 : i32
        %dma_wait3A_192 = arith.constant 0 : i32
        %dma_wait3A_193 = tpu.memref_slice %arg11[%dma_wait3A_191, %dma_wait3A_192] : memref<10000x128xf32, #tpu.memory_space<vmem_shared>> -> memref<10000x128xf32, #tpu.memory_space<vmem_shared>>
        tpu.wait_indirect_dma semaphore(%run_scoped3A_181 : memref<!tpu.dma_semaphore, #tpu.memory_space<semaphore_mem>>) src(%arg10 : memref<128x128xf32, #tpu.memory_space<vmem>>) dst(%dma_wait3A_193 : memref<10000x128xf32, #tpu.memory_space<vmem_shared>>)
        tpu.yield
      }) : () -> ()
      %add3A_167 = arith.constant 3 : i32
      %add3A_168 = arith.addi %add3A_159, %add3A_167 : i32
      %lt3A_169 = arith.constant 78 : i32
      %lt3A_170 = arith.cmpi slt, %add3A_168, %lt3A_169 : i32
      %convert_element_type3A_171 = arith.extui %lt3A_170 : i1 to i32
      %cond3A_172 = arith.constant 0 : i32
      %cond3A_173 = arith.cmpi ne, %convert_element_type3A_171, %cond3A_172 : i32
      scf.if %cond3A_173 {
        %add3A_181 = arith.constant 3 : i32
        %add3A_182 = arith.addi %add3A_159, %add3A_181 : i32
        %add3A_183 = arith.addi %mul3A_29, %add3A_182 : i32
        %dma_start3A_184 = arith.constant 0 : i32
        %dma_start3A_185 = arith.constant 0 : i32
        %dma_start3A_186 = tpu.memref_slice %arg3[%add3A_183, %dma_start3A_184, %dma_start3A_185] : memref<2500x2x128xi32, #tpu.memory_space<hbm>> -> memref<1x2x128xi32, #tpu.memory_space<hbm>>
        %dma_start3A_187 = tpu.memref_squeeze %dma_start3A_186 : memref<1x2x128xi32, #tpu.memory_space<hbm>> -> memref<2x128xi32, #tpu.memory_space<hbm>>
        %dma_start3A_188 = arith.constant 0 : i32
        %dma_start3A_189 = arith.constant 0 : i32
        %dma_start3A_190 = tpu.memref_slice %arg3[%add3A_183, %dma_start3A_188, %dma_start3A_189] : memref<2500x2x128xi32, #tpu.memory_space<hbm>> -> memref<1x2x128xi32, #tpu.memory_space<hbm>>
        %dma_start3A_191 = tpu.memref_squeeze %dma_start3A_190 : memref<1x2x128xi32, #tpu.memory_space<hbm>> -> memref<2x128xi32, #tpu.memory_space<hbm>>
        tpu.enqueue_dma source(%dma_start3A_191 : memref<2x128xi32, #tpu.memory_space<hbm>>) target(%arg7 : memref<2x128xi32, #tpu.memory_space<vmem>>) target_semaphore(%arg17 : memref<!tpu.dma_semaphore, #tpu.memory_space<semaphore_mem>>)
      } else {
      }
      %add3A_174 = arith.constant 2 : i32
      %add3A_175 = arith.addi %add3A_159, %add3A_174 : i32
      %lt3A_176 = arith.constant 78 : i32
      %lt3A_177 = arith.cmpi slt, %add3A_175, %lt3A_176 : i32
      %convert_element_type3A_178 = arith.extui %lt3A_177 : i1 to i32
      %cond3A_179 = arith.constant 0 : i32
      %cond3A_180 = arith.cmpi ne, %convert_element_type3A_178, %cond3A_179 : i32
      scf.if %cond3A_180 {
        %dma_wait3A_181 = arith.constant 0 : i32
        %dma_wait3A_182 = arith.constant 0 : i32
        %dma_wait3A_183 = arith.constant 0 : i32
        %dma_wait3A_184 = tpu.memref_slice %arg3[%dma_wait3A_181, %dma_wait3A_182, %dma_wait3A_183] : memref<2500x2x128xi32, #tpu.memory_space<hbm>> -> memref<1x2x128xi32, #tpu.memory_space<hbm>>
        %dma_wait3A_185 = tpu.memref_squeeze %dma_wait3A_184 : memref<1x2x128xi32, #tpu.memory_space<hbm>> -> memref<2x128xi32, #tpu.memory_space<hbm>>
        %dma_wait3A_186 = arith.constant 0 : i32
        %dma_wait3A_187 = arith.constant 0 : i32
        %dma_wait3A_188 = tpu.memref_slice %arg3[%dma_wait3A_181, %dma_wait3A_186, %dma_wait3A_187] : memref<2500x2x128xi32, #tpu.memory_space<hbm>> -> memref<1x2x128xi32, #tpu.memory_space<hbm>>
        %dma_wait3A_189 = tpu.memref_squeeze %dma_wait3A_188 : memref<1x2x128xi32, #tpu.memory_space<hbm>> -> memref<2x128xi32, #tpu.memory_space<hbm>>
        tpu.wait_dma2 semaphore(%arg16 : memref<!tpu.dma_semaphore, #tpu.memory_space<semaphore_mem>>) src(%dma_wait3A_189 : memref<2x128xi32, #tpu.memory_space<hbm>>) dst(%arg6 : memref<2x128xi32, #tpu.memory_space<vmem>>)
        %dma_start3A_190 = arith.constant 0 : i32
        %dma_start3A_191 = arith.constant 0 : i32
        %dma_start3A_192 = tpu.memref_slice %arg6[%dma_start3A_190, %dma_start3A_191] : memref<2x128xi32, #tpu.memory_space<vmem>> -> memref<1x128xi32, #tpu.memory_space<vmem>>
        %dma_start3A_193 = tpu.memref_squeeze %dma_start3A_192 : memref<1x128xi32, #tpu.memory_space<vmem>> -> memref<128xi32, #tpu.memory_space<vmem>>
        %dma_start3A_194 = arith.constant 0 : i32
        %dma_start3A_195 = arith.constant 0 : i32
        %dma_start3A_196 = tpu.memref_slice %arg2[%dma_start3A_194, %dma_start3A_195] : memref<10000x128xf32, #tpu.memory_space<hbm>> -> memref<10000x128xf32, #tpu.memory_space<hbm>>
        tpu.enqueue_indirect_dma source(%dma_start3A_196 : memref<10000x128xf32, #tpu.memory_space<hbm>>) target(%arg9 : memref<128x128xf32, #tpu.memory_space<vmem>>) offsets(%dma_start3A_193 : memref<128xi32, #tpu.memory_space<vmem>>) semaphore(%arg13 : memref<!tpu.dma_semaphore, #tpu.memory_space<semaphore_mem>>)
      } else {
      }
    }
    %scan3A_95 = arith.constant 26 : i32
    %lt3A = arith.constant 4 : i32
    %lt3A_96 = arith.cmpi slt, %add3A, %lt3A : i32
    %convert_element_type3A_97 = arith.extui %lt3A_96 : i1 to i32
    %cond3A_98 = arith.constant 0 : i32
    %cond3A_99 = arith.cmpi ne, %convert_element_type3A_97, %cond3A_98 : i32
    scf.if %cond3A_99 {
      %add3A_110 = arith.constant 2496 : i32
      %add3A_111 = arith.addi %add3A_110, %add3A : i32
      %dma_start3A_112 = arith.constant 0 : i32
      %dma_start3A_113 = arith.constant 0 : i32
      %dma_start3A_114 = tpu.memref_slice %arg3[%add3A_111, %dma_start3A_112, %dma_start3A_113] : memref<2500x2x128xi32, #tpu.memory_space<hbm>> -> memref<1x2x128xi32, #tpu.memory_space<hbm>>
      %dma_start3A_115 = tpu.memref_squeeze %dma_start3A_114 : memref<1x2x128xi32, #tpu.memory_space<hbm>> -> memref<2x128xi32, #tpu.memory_space<hbm>>
      %dma_start3A_116 = arith.constant 0 : i32
      %dma_start3A_117 = arith.constant 0 : i32
      %dma_start3A_118 = tpu.memref_slice %arg3[%add3A_111, %dma_start3A_116, %dma_start3A_117] : memref<2500x2x128xi32, #tpu.memory_space<hbm>> -> memref<1x2x128xi32, #tpu.memory_space<hbm>>
      %dma_start3A_119 = tpu.memref_squeeze %dma_start3A_118 : memref<1x2x128xi32, #tpu.memory_space<hbm>> -> memref<2x128xi32, #tpu.memory_space<hbm>>
      tpu.enqueue_dma source(%dma_start3A_119 : memref<2x128xi32, #tpu.memory_space<hbm>>) target(%arg5 : memref<2x128xi32, #tpu.memory_space<vmem>>) target_semaphore(%arg15 : memref<!tpu.dma_semaphore, #tpu.memory_space<semaphore_mem>>)
      %dma_wait3A_120 = arith.constant 0 : i32
      %dma_wait3A_121 = arith.constant 0 : i32
      %dma_wait3A_122 = arith.constant 0 : i32
      %dma_wait3A_123 = tpu.memref_slice %arg3[%dma_wait3A_120, %dma_wait3A_121, %dma_wait3A_122] : memref<2500x2x128xi32, #tpu.memory_space<hbm>> -> memref<1x2x128xi32, #tpu.memory_space<hbm>>
      %dma_wait3A_124 = tpu.memref_squeeze %dma_wait3A_123 : memref<1x2x128xi32, #tpu.memory_space<hbm>> -> memref<2x128xi32, #tpu.memory_space<hbm>>
      %dma_wait3A_125 = arith.constant 0 : i32
      %dma_wait3A_126 = arith.constant 0 : i32
      %dma_wait3A_127 = tpu.memref_slice %arg3[%dma_wait3A_120, %dma_wait3A_125, %dma_wait3A_126] : memref<2500x2x128xi32, #tpu.memory_space<hbm>> -> memref<1x2x128xi32, #tpu.memory_space<hbm>>
      %dma_wait3A_128 = tpu.memref_squeeze %dma_wait3A_127 : memref<1x2x128xi32, #tpu.memory_space<hbm>> -> memref<2x128xi32, #tpu.memory_space<hbm>>
      tpu.wait_dma2 semaphore(%arg15 : memref<!tpu.dma_semaphore, #tpu.memory_space<semaphore_mem>>) src(%dma_wait3A_128 : memref<2x128xi32, #tpu.memory_space<hbm>>) dst(%arg5 : memref<2x128xi32, #tpu.memory_space<vmem>>)
      %dma_start3A_129 = arith.constant 0 : i32
      %dma_start3A_130 = arith.constant 0 : i32
      %dma_start3A_131 = tpu.memref_slice %arg5[%dma_start3A_129, %dma_start3A_130] : memref<2x128xi32, #tpu.memory_space<vmem>> -> memref<1x128xi32, #tpu.memory_space<vmem>>
      %dma_start3A_132 = tpu.memref_squeeze %dma_start3A_131 : memref<1x128xi32, #tpu.memory_space<vmem>> -> memref<128xi32, #tpu.memory_space<vmem>>
      %dma_start3A_133 = arith.constant 0 : i32
      %dma_start3A_134 = arith.constant 0 : i32
      %dma_start3A_135 = tpu.memref_slice %arg2[%dma_start3A_133, %dma_start3A_134] : memref<10000x128xf32, #tpu.memory_space<hbm>> -> memref<10000x128xf32, #tpu.memory_space<hbm>>
      tpu.enqueue_indirect_dma source(%dma_start3A_135 : memref<10000x128xf32, #tpu.memory_space<hbm>>) target(%arg8 : memref<128x128xf32, #tpu.memory_space<vmem>>) offsets(%dma_start3A_132 : memref<128xi32, #tpu.memory_space<vmem>>) semaphore(%arg12 : memref<!tpu.dma_semaphore, #tpu.memory_space<semaphore_mem>>)
      %dma_wait3A_136 = arith.constant 0 : i32
      %dma_wait3A_137 = arith.constant 0 : i32
      %dma_wait3A_138 = tpu.memref_slice %arg2[%dma_wait3A_136, %dma_wait3A_137] : memref<10000x128xf32, #tpu.memory_space<hbm>> -> memref<128x128xf32, #tpu.memory_space<hbm>>
      %dma_wait3A_139 = arith.constant 0 : i32
      %dma_wait3A_140 = arith.constant 0 : i32
      %dma_wait3A_141 = tpu.memref_slice %arg2[%dma_wait3A_139, %dma_wait3A_140] : memref<10000x128xf32, #tpu.memory_space<hbm>> -> memref<128x128xf32, #tpu.memory_space<hbm>>
      tpu.wait_dma2 semaphore(%arg12 : memref<!tpu.dma_semaphore, #tpu.memory_space<semaphore_mem>>) src(%dma_wait3A_141 : memref<128x128xf32, #tpu.memory_space<hbm>>) dst(%arg8 : memref<128x128xf32, #tpu.memory_space<vmem>>)
      %run_scoped3A = arith.constant 1 : i32
      "tpu.region"() ({
        %run_scoped3A_142 = tpu.sem_alloc : memref<!tpu.dma_semaphore, #tpu.memory_space<semaphore_mem>>
        %dma_start3A_143 = arith.constant 0 : i32
        %dma_start3A_144 = tpu.memref_slice %arg5[%run_scoped3A, %dma_start3A_143] : memref<2x128xi32, #tpu.memory_space<vmem>> -> memref<1x128xi32, #tpu.memory_space<vmem>>
        %dma_start3A_145 = tpu.memref_squeeze %dma_start3A_144 : memref<1x128xi32, #tpu.memory_space<vmem>> -> memref<128xi32, #tpu.memory_space<vmem>>
        %dma_start3A_146 = arith.constant 0 : i32
        %dma_start3A_147 = arith.constant 0 : i32
        %dma_start3A_148 = tpu.memref_slice %arg11[%dma_start3A_146, %dma_start3A_147] : memref<10000x128xf32, #tpu.memory_space<vmem_shared>> -> memref<10000x128xf32, #tpu.memory_space<vmem_shared>>
        tpu.enqueue_indirect_dma source(%arg8 : memref<128x128xf32, #tpu.memory_space<vmem>>) target(%dma_start3A_148 : memref<10000x128xf32, #tpu.memory_space<vmem_shared>>) offsets(%dma_start3A_145 : memref<128xi32, #tpu.memory_space<vmem>>) semaphore(%run_scoped3A_142 : memref<!tpu.dma_semaphore, #tpu.memory_space<semaphore_mem>>) {add = true}
        %dma_wait3A_149 = arith.constant 0 : i32
        %dma_wait3A_150 = tpu.memref_slice %arg5[%run_scoped3A, %dma_wait3A_149] : memref<2x128xi32, #tpu.memory_space<vmem>> -> memref<1x128xi32, #tpu.memory_space<vmem>>
        %dma_wait3A_151 = tpu.memref_squeeze %dma_wait3A_150 : memref<1x128xi32, #tpu.memory_space<vmem>> -> memref<128xi32, #tpu.memory_space<vmem>>
        %dma_wait3A_152 = arith.constant 0 : i32
        %dma_wait3A_153 = arith.constant 0 : i32
        %dma_wait3A_154 = tpu.memref_slice %arg11[%dma_wait3A_152, %dma_wait3A_153] : memref<10000x128xf32, #tpu.memory_space<vmem_shared>> -> memref<10000x128xf32, #tpu.memory_space<vmem_shared>>
        tpu.wait_indirect_dma semaphore(%run_scoped3A_142 : memref<!tpu.dma_semaphore, #tpu.memory_space<semaphore_mem>>) src(%arg8 : memref<128x128xf32, #tpu.memory_space<vmem>>) dst(%dma_wait3A_154 : memref<10000x128xf32, #tpu.memory_space<vmem_shared>>)
        tpu.yield
      }) : () -> ()
    } else {
    }
    %barrier3A_100 = arith.constant 0 : index
    tpu.barrier barrier_id(%barrier3A_100)
    %mul3A_101 = arith.constant 624 : i32
    %mul3A_102 = arith.muli %arg1, %mul3A_101 : i32
    %mul3A_103 = arith.constant 624 : i32
    %mul3A_104 = arith.muli %arg1, %mul3A_103 : i32
    "tpu.region"() ({
      %run_scoped3A = tpu.sem_alloc : memref<!tpu.dma_semaphore, #tpu.memory_space<semaphore_mem>>
      %dma_start3A_110 = arith.constant 0 : i32
      %dma_start3A_111 = tpu.memref_slice %arg4[%arg0, %mul3A_104, %dma_start3A_110] : memref<2x10000x128xf32, #tpu.memory_space<hbm>> -> memref<1x624x128xf32, #tpu.memory_space<hbm>>
      %dma_start3A_112 = tpu.memref_squeeze %dma_start3A_111 : memref<1x624x128xf32, #tpu.memory_space<hbm>> -> memref<624x128xf32, #tpu.memory_space<hbm>>
      %dma_start3A_113 = arith.constant 0 : i32
      %dma_start3A_114 = tpu.memref_slice %arg11[%mul3A_102, %dma_start3A_113] : memref<10000x128xf32, #tpu.memory_space<vmem_shared>> -> memref<624x128xf32, #tpu.memory_space<vmem_shared>>
      tpu.enqueue_dma source(%dma_start3A_114 : memref<624x128xf32, #tpu.memory_space<vmem_shared>>) target(%dma_start3A_112 : memref<624x128xf32, #tpu.memory_space<hbm>>) target_semaphore(%run_scoped3A : memref<!tpu.dma_semaphore, #tpu.memory_space<semaphore_mem>>)
      %dma_wait3A_115 = arith.constant 0 : i32
      %dma_wait3A_116 = tpu.memref_slice %arg4[%arg0, %mul3A_104, %dma_wait3A_115] : memref<2x10000x128xf32, #tpu.memory_space<hbm>> -> memref<1x624x128xf32, #tpu.memory_space<hbm>>
      %dma_wait3A_117 = tpu.memref_squeeze %dma_wait3A_116 : memref<1x624x128xf32, #tpu.memory_space<hbm>> -> memref<624x128xf32, #tpu.memory_space<hbm>>
      %dma_wait3A_118 = arith.constant 0 : i32
      %dma_wait3A_119 = tpu.memref_slice %arg11[%mul3A_102, %dma_wait3A_118] : memref<10000x128xf32, #tpu.memory_space<vmem_shared>> -> memref<624x128xf32, #tpu.memory_space<vmem_shared>>
      tpu.wait_dma2 semaphore(%run_scoped3A : memref<!tpu.dma_semaphore, #tpu.memory_space<semaphore_mem>>) src(%dma_wait3A_119 : memref<624x128xf32, #tpu.memory_space<vmem_shared>>) dst(%dma_wait3A_117 : memref<624x128xf32, #tpu.memory_space<hbm>>)
      tpu.yield
    }) : () -> ()
    %eq3A_105 = arith.constant 15 : i32
    %eq3A_106 = arith.cmpi eq, %arg1, %eq3A_105 : i32
    %convert_element_type3A_107 = arith.extui %eq3A_106 : i1 to i32
    %cond3A_108 = arith.constant 0 : i32
    %cond3A_109 = arith.cmpi ne, %convert_element_type3A_107, %cond3A_108 : i32
    scf.if %cond3A_109 {
      "tpu.region"() ({
        %run_scoped3A = tpu.sem_alloc : memref<!tpu.dma_semaphore, #tpu.memory_space<semaphore_mem>>
        %dma_start3A_110 = arith.constant 9984 : i32
        %dma_start3A_111 = arith.constant 0 : i32
        %dma_start3A_112 = tpu.memref_slice %arg4[%arg0, %dma_start3A_110, %dma_start3A_111] : memref<2x10000x128xf32, #tpu.memory_space<hbm>> -> memref<1x16x128xf32, #tpu.memory_space<hbm>>
        %dma_start3A_113 = tpu.memref_squeeze %dma_start3A_112 : memref<1x16x128xf32, #tpu.memory_space<hbm>> -> memref<16x128xf32, #tpu.memory_space<hbm>>
        %dma_start3A_114 = arith.constant 9984 : i32
        %dma_start3A_115 = arith.constant 0 : i32
        %dma_start3A_116 = tpu.memref_slice %arg11[%dma_start3A_114, %dma_start3A_115] : memref<10000x128xf32, #tpu.memory_space<vmem_shared>> -> memref<16x128xf32, #tpu.memory_space<vmem_shared>>
        tpu.enqueue_dma source(%dma_start3A_116 : memref<16x128xf32, #tpu.memory_space<vmem_shared>>) target(%dma_start3A_113 : memref<16x128xf32, #tpu.memory_space<hbm>>) target_semaphore(%run_scoped3A : memref<!tpu.dma_semaphore, #tpu.memory_space<semaphore_mem>>)
        %dma_wait3A_117 = arith.constant 9984 : i32
        %dma_wait3A_118 = arith.constant 0 : i32
        %dma_wait3A_119 = tpu.memref_slice %arg4[%arg0, %dma_wait3A_117, %dma_wait3A_118] : memref<2x10000x128xf32, #tpu.memory_space<hbm>> -> memref<1x16x128xf32, #tpu.memory_space<hbm>>
        %dma_wait3A_120 = tpu.memref_squeeze %dma_wait3A_119 : memref<1x16x128xf32, #tpu.memory_space<hbm>> -> memref<16x128xf32, #tpu.memory_space<hbm>>
        %dma_wait3A_121 = arith.constant 9984 : i32
        %dma_wait3A_122 = arith.constant 0 : i32
        %dma_wait3A_123 = tpu.memref_slice %arg11[%dma_wait3A_121, %dma_wait3A_122] : memref<10000x128xf32, #tpu.memory_space<vmem_shared>> -> memref<16x128xf32, #tpu.memory_space<vmem_shared>>
        tpu.wait_dma2 semaphore(%run_scoped3A : memref<!tpu.dma_semaphore, #tpu.memory_space<semaphore_mem>>) src(%dma_wait3A_123 : memref<16x128xf32, #tpu.memory_space<vmem_shared>>) dst(%dma_wait3A_120 : memref<16x128xf32, #tpu.memory_space<hbm>>)
        tpu.yield
      }) : () -> ()
    } else {
    }
    return
  }
}

module attributes {stable_mosaic.version = 14 : i64} {
  func.func @_fc2_body(%arg0: i32, %arg1: memref<4096x256xf32, #tpu.memory_space<vmem>>, %arg2: memref<7x256xf32, #tpu.memory_space<vmem>>, %arg3: memref<7x1xf32, #tpu.memory_space<vmem>>, %arg4: memref<7x4096xf32, #tpu.memory_space<vmem>>) attributes {dimension_semantics = [#tpu.dimension_semantics<arbitrary>], iteration_bounds = array<i64: 4>, scalar_prefetch = 0 : i64, scratch_operands = 0 : i64, tpu.core_type = #tpu.core_type<tc>, window_params = [{transform_indices = @transform_0, window_bounds = array<i64: 4096, 256>}, {pipeline_mode = #tpu.pipeline_mode<synchronous>, transform_indices = @transform_1, window_bounds = array<i64: 7, 256>}, {pipeline_mode = #tpu.pipeline_mode<synchronous>, transform_indices = @transform_2, window_bounds = array<i64: 7, 1>}, {transform_indices = @transform_3, window_bounds = array<i64: 7, 4096>}]} {
    %get3A = arith.constant 0 : index
    %get3A_0 = arith.constant 0 : index
    %get3A_1 = vector.load %arg2[%get3A, %get3A_0] : memref<7x256xf32, #tpu.memory_space<vmem>>, vector<7x256xf32>
    %get3A_2 = arith.constant 0 : index
    %get3A_3 = arith.constant 0 : index
    %get3A_4 = vector.load %arg1[%get3A_2, %get3A_3] : memref<4096x256xf32, #tpu.memory_space<vmem>>, vector<4096x256xf32>
    %dot_general3A = arith.constant dense<0.000000e+00> : vector<7x4096xf32>
    %dot_general3A_5 = tpu.matmul %get3A_1, %get3A_4, %dot_general3A {dimension_numbers = #tpu.dot_dimension_numbers<[1], [1], [0], [0], [0, 0, 1, 0], [], []>, transpose_lhs_hint = false} : vector<7x256xf32>, vector<4096x256xf32>, vector<7x4096xf32> -> vector<7x4096xf32>
    %get3A_6 = arith.constant 0 : index
    %get3A_7 = arith.constant 0 : index
    %get3A_8 = vector.load %arg3[%get3A_6, %get3A_7] : memref<7x1xf32, #tpu.memory_space<vmem>>, vector<7x1xf32>
    %add3A = vector.broadcast %get3A_8 : vector<7x1xf32> to vector<7x4096xf32>
    %add3A_9 = arith.addf %dot_general3A_5, %add3A : vector<7x4096xf32>
    %swap3A = arith.constant 0 : index
    %swap3A_10 = arith.constant 0 : index
    %swap3A_11 = vector.load %arg4[%swap3A, %swap3A_10] : memref<7x4096xf32, #tpu.memory_space<vmem>>, vector<7x4096xf32>
    tpu.vector_store %arg4[%swap3A, %swap3A_10], %add3A_9 {strides = array<i32>} : memref<7x4096xf32, #tpu.memory_space<vmem>>, vector<7x4096xf32>,
    return
  }
  func.func @transform_0(%arg0: i32) -> (i32, i32) {
    %c0_i32 = arith.constant 0 : i32
    %c0_i32_0 = arith.constant 0 : i32
    return %arg0, %c0_i32 : i32, i32
  }
  func.func @transform_1(%arg0: i32) -> (i32, i32) {
    %c0_i32 = arith.constant 0 : i32
    %c0_i32_0 = arith.constant 0 : i32
    %c0_i32_1 = arith.constant 0 : i32
    return %c0_i32, %c0_i32_0 : i32, i32
  }
  func.func @transform_2(%arg0: i32) -> (i32, i32) {
    %c0_i32 = arith.constant 0 : i32
    %c0_i32_0 = arith.constant 0 : i32
    %c0_i32_1 = arith.constant 0 : i32
    return %c0_i32, %c0_i32_0 : i32, i32
  }
  func.func @transform_3(%arg0: i32) -> (i32, i32) {
    %c0_i32 = arith.constant 0 : i32
    %c0_i32_0 = arith.constant 0 : i32
    return %c0_i32, %arg0 : i32, i32
  }
}

module attributes {stable_mosaic.version = 14 : i64} {
  func.func @_fc1_body(%arg0: i32, %arg1: memref<5000x128xf32, #tpu.memory_space<vmem>>, %arg2: memref<128x128xf32, #tpu.memory_space<vmem>>, %arg3: memref<1x128xf32, #tpu.memory_space<vmem>>, %arg4: memref<5000x128xf32, #tpu.memory_space<vmem>>) attributes {dimension_semantics = [#tpu.dimension_semantics<arbitrary>], iteration_bounds = array<i64: 2>, scalar_prefetch = 0 : i64, scratch_operands = 0 : i64, tpu.core_type = #tpu.core_type<tc>, window_params = [{transform_indices = @transform_0, window_bounds = array<i64: 5000, 128>}, {pipeline_mode = #tpu.pipeline_mode<synchronous>, transform_indices = @transform_1, window_bounds = array<i64: 128, 128>}, {pipeline_mode = #tpu.pipeline_mode<synchronous>, transform_indices = @transform_2, window_bounds = array<i64: 1, 128>}, {transform_indices = @transform_3, window_bounds = array<i64: 5000, 128>}]} {
    %get3A = arith.constant 0 : index
    %get3A_0 = arith.constant 0 : index
    %get3A_1 = vector.load %arg1[%get3A, %get3A_0] : memref<5000x128xf32, #tpu.memory_space<vmem>>, vector<5000x128xf32>
    %get3A_2 = arith.constant 0 : index
    %get3A_3 = arith.constant 0 : index
    %get3A_4 = vector.load %arg2[%get3A_2, %get3A_3] : memref<128x128xf32, #tpu.memory_space<vmem>>, vector<128x128xf32>
    %dot_general3A = arith.constant dense<0.000000e+00> : vector<5000x128xf32>
    %dot_general3A_5 = tpu.matmul %get3A_1, %get3A_4, %dot_general3A {dimension_numbers = #tpu.dot_dimension_numbers<[1], [1], [0], [0], [0, 0, 1, 0], [], []>, transpose_lhs_hint = false} : vector<5000x128xf32>, vector<128x128xf32>, vector<5000x128xf32> -> vector<5000x128xf32>
    %get3A_6 = arith.constant 0 : index
    %get3A_7 = arith.constant 0 : index
    %get3A_8 = vector.load %arg3[%get3A_6, %get3A_7] : memref<1x128xf32, #tpu.memory_space<vmem>>, vector<1x128xf32>
    %add3A = vector.broadcast %get3A_8 : vector<1x128xf32> to vector<5000x128xf32>
    %add3A_9 = arith.addf %dot_general3A_5, %add3A : vector<5000x128xf32>
    %swap3A = arith.constant 0 : index
    %swap3A_10 = arith.constant 0 : index
    %swap3A_11 = vector.load %arg4[%swap3A, %swap3A_10] : memref<5000x128xf32, #tpu.memory_space<vmem>>, vector<5000x128xf32>
    tpu.vector_store %arg4[%swap3A, %swap3A_10], %add3A_9 {strides = array<i32>} : memref<5000x128xf32, #tpu.memory_space<vmem>>, vector<5000x128xf32>,
    return
  }
  func.func @transform_0(%arg0: i32) -> (i32, i32) {
    %c0_i32 = arith.constant 0 : i32
    %c0_i32_0 = arith.constant 0 : i32
    return %arg0, %c0_i32 : i32, i32
  }
  func.func @transform_1(%arg0: i32) -> (i32, i32) {
    %c0_i32 = arith.constant 0 : i32
    %c0_i32_0 = arith.constant 0 : i32
    %c0_i32_1 = arith.constant 0 : i32
    return %c0_i32, %c0_i32_0 : i32, i32
  }
  func.func @transform_2(%arg0: i32) -> (i32, i32) {
    %c0_i32 = arith.constant 0 : i32
    %c0_i32_0 = arith.constant 0 : i32
    %c0_i32_1 = arith.constant 0 : i32
    return %c0_i32, %c0_i32_0 : i32, i32
  }
  func.func @transform_3(%arg0: i32) -> (i32, i32) {
    %c0_i32 = arith.constant 0 : i32
    %c0_i32_0 = arith.constant 0 : i32
    return %arg0, %c0_i32 : i32, i32
  }
}

module attributes {stable_mosaic.version = 14 : i64} {
  func.func @_mlp_body(%arg0: i32, %arg1: memref<1x1xf32, #tpu.memory_space<smem>>, %arg2: memref<2000x128xf32, #tpu.memory_space<vmem>>, %arg3: memref<1x2000x128xf32, #tpu.memory_space<vmem>>, %arg4: memref<1x2000x128xf32, #tpu.memory_space<vmem>>, %arg5: memref<256x128xf32, #tpu.memory_space<vmem>>, %arg6: memref<1x256xf32, #tpu.memory_space<vmem>>, %arg7: memref<256x256xf32, #tpu.memory_space<vmem>>, %arg8: memref<1x256xf32, #tpu.memory_space<vmem>>, %arg9: memref<1x256xf32, #tpu.memory_space<vmem>>, %arg10: memref<1x256xf32, #tpu.memory_space<vmem>>, %arg11: memref<256x256xf32, #tpu.memory_space<vmem>>, %arg12: memref<1x256xf32, #tpu.memory_space<vmem>>, %arg13: memref<256x256xf32, #tpu.memory_space<vmem>>, %arg14: memref<1x256xf32, #tpu.memory_space<vmem>>, %arg15: memref<2000x256xf32, #tpu.memory_space<vmem>>) attributes {dimension_semantics = [#tpu.dimension_semantics<arbitrary>], iteration_bounds = array<i64: 5>, scalar_prefetch = 0 : i64, scratch_operands = 0 : i64, tpu.core_type = #tpu.core_type<tc>, window_params = [{transform_indices = @transform_0, window_bounds = array<i64: 1, 1>}, {transform_indices = @transform_1, window_bounds = array<i64: 2000, 128>}, {transform_indices = @transform_2, window_bounds = array<i64: 1, 2000, 128>}, {transform_indices = @transform_3, window_bounds = array<i64: 1, 2000, 128>}, {pipeline_mode = #tpu.pipeline_mode<synchronous>, transform_indices = @transform_4, window_bounds = array<i64: 256, 128>}, {pipeline_mode = #tpu.pipeline_mode<synchronous>, transform_indices = @transform_5, window_bounds = array<i64: 1, 256>}, {pipeline_mode = #tpu.pipeline_mode<synchronous>, transform_indices = @transform_6, window_bounds = array<i64: 256, 256>}, {pipeline_mode = #tpu.pipeline_mode<synchronous>, transform_indices = @transform_7, window_bounds = array<i64: 1, 256>}, {pipeline_mode = #tpu.pipeline_mode<synchronous>, transform_indices = @transform_8, window_bounds = array<i64: 1, 256>}, {pipeline_mode = #tpu.pipeline_mode<synchronous>, transform_indices = @transform_9, window_bounds = array<i64: 1, 256>}, {pipeline_mode = #tpu.pipeline_mode<synchronous>, transform_indices = @transform_10, window_bounds = array<i64: 256, 256>}, {pipeline_mode = #tpu.pipeline_mode<synchronous>, transform_indices = @transform_11, window_bounds = array<i64: 1, 256>}, {pipeline_mode = #tpu.pipeline_mode<synchronous>, transform_indices = @transform_12, window_bounds = array<i64: 256, 256>}, {pipeline_mode = #tpu.pipeline_mode<synchronous>, transform_indices = @transform_13, window_bounds = array<i64: 1, 256>}, {transform_indices = @transform_14, window_bounds = array<i64: 2000, 256>}]} {
    %get3A = arith.constant 0 : index
    %get3A_0 = arith.constant 0 : index
    %get3A_1 = memref.load %arg1[%get3A, %get3A_0] : memref<1x1xf32, #tpu.memory_space<smem>>
    %get3A_2 = arith.constant 0 : index
    %get3A_3 = arith.constant 0 : index
    %get3A_4 = vector.load %arg2[%get3A_2, %get3A_3] : memref<2000x128xf32, #tpu.memory_space<vmem>>, vector<2000x128xf32>
    %mul3A = vector.broadcast %get3A_1 : f32 to vector<2000x128xf32>
    %mul3A_5 = arith.mulf %mul3A, %get3A_4 : vector<2000x128xf32>
    %get3A_6 = arith.constant 0 : index
    %get3A_7 = arith.constant 0 : index
    %get3A_8 = arith.constant 0 : index
    %get3A_9 = vector.load %arg3[%get3A_6, %get3A_7, %get3A_8] : memref<1x2000x128xf32, #tpu.memory_space<vmem>>, vector<1x2000x128xf32>
    %get3A_10 = vector.shape_cast %get3A_9 : vector<1x2000x128xf32> to vector<2000x128xf32>
    %add3A = arith.addf %mul3A_5, %get3A_10 : vector<2000x128xf32>
    %get3A_11 = arith.constant 0 : index
    %get3A_12 = arith.constant 0 : index
    %get3A_13 = arith.constant 0 : index
    %get3A_14 = vector.load %arg4[%get3A_11, %get3A_12, %get3A_13] : memref<1x2000x128xf32, #tpu.memory_space<vmem>>, vector<1x2000x128xf32>
    %get3A_15 = vector.shape_cast %get3A_14 : vector<1x2000x128xf32> to vector<2000x128xf32>
    %add3A_16 = arith.addf %add3A, %get3A_15 : vector<2000x128xf32>
    %get3A_17 = arith.constant 0 : index
    %get3A_18 = arith.constant 0 : index
    %get3A_19 = vector.load %arg5[%get3A_17, %get3A_18] : memref<256x128xf32, #tpu.memory_space<vmem>>, vector<256x128xf32>
    %dot_general3A = arith.constant dense<0.000000e+00> : vector<2000x256xf32>
    %dot_general3A_20 = tpu.matmul %add3A_16, %get3A_19, %dot_general3A {dimension_numbers = #tpu.dot_dimension_numbers<[1], [1], [0], [0], [0, 0, 1, 0], [], []>, transpose_lhs_hint = false} : vector<2000x128xf32>, vector<256x128xf32>, vector<2000x256xf32> -> vector<2000x256xf32>
    %get3A_21 = arith.constant 0 : index
    %get3A_22 = arith.constant 0 : index
    %get3A_23 = vector.load %arg6[%get3A_21, %get3A_22] : memref<1x256xf32, #tpu.memory_space<vmem>>, vector<1x256xf32>
    %add3A_24 = vector.broadcast %get3A_23 : vector<1x256xf32> to vector<2000x256xf32>
    %add3A_25 = arith.addf %dot_general3A_20, %add3A_24 : vector<2000x256xf32>
    %max3A = arith.constant 0.000000e+00 : f32
    %max3A_26 = vector.broadcast %max3A : f32 to vector<2000x256xf32>
    %max3A_27 = arith.maximumf %add3A_25, %max3A_26 : vector<2000x256xf32>
    %get3A_28 = arith.constant 0 : index
    %get3A_29 = arith.constant 0 : index
    %get3A_30 = vector.load %arg7[%get3A_28, %get3A_29] : memref<256x256xf32, #tpu.memory_space<vmem>>, vector<256x256xf32>
    %dot_general3A_31 = arith.constant dense<0.000000e+00> : vector<2000x256xf32>
    %dot_general3A_32 = tpu.matmul %max3A_27, %get3A_30, %dot_general3A_31 {dimension_numbers = #tpu.dot_dimension_numbers<[1], [1], [0], [0], [0, 0, 1, 0], [], []>, transpose_lhs_hint = false} : vector<2000x256xf32>, vector<256x256xf32>, vector<2000x256xf32> -> vector<2000x256xf32>
    %get3A_33 = arith.constant 0 : index
    %get3A_34 = arith.constant 0 : index
    %get3A_35 = vector.load %arg8[%get3A_33, %get3A_34] : memref<1x256xf32, #tpu.memory_space<vmem>>, vector<1x256xf32>
    %add3A_36 = vector.broadcast %get3A_35 : vector<1x256xf32> to vector<2000x256xf32>
    %add3A_37 = arith.addf %dot_general3A_32, %add3A_36 : vector<2000x256xf32>
    %max3A_38 = arith.constant 0.000000e+00 : f32
    %max3A_39 = vector.broadcast %max3A_38 : f32 to vector<2000x256xf32>
    %max3A_40 = arith.maximumf %add3A_37, %max3A_39 : vector<2000x256xf32>
    %get3A_41 = arith.constant 0 : index
    %get3A_42 = arith.constant 0 : index
    %get3A_43 = vector.load %arg9[%get3A_41, %get3A_42] : memref<1x256xf32, #tpu.memory_space<vmem>>, vector<1x256xf32>
    %sqrt3A = arith.constant 1.000010e+00 : f32
    %sqrt3A_44 = math.sqrt %sqrt3A : f32
    %div3A = arith.constant 1.000000e+00 : f32
    %div3A_45 = arith.divf %div3A, %sqrt3A_44 : f32
    %mul3A_46 = vector.broadcast %div3A_45 : f32 to vector<1x256xf32>
    %mul3A_47 = arith.mulf %get3A_43, %mul3A_46 : vector<1x256xf32>
    %mul3A_48 = vector.broadcast %mul3A_47 : vector<1x256xf32> to vector<2000x256xf32>
    %mul3A_49 = arith.mulf %max3A_40, %mul3A_48 : vector<2000x256xf32>
    %get3A_50 = arith.constant 0 : index
    %get3A_51 = arith.constant 0 : index
    %get3A_52 = vector.load %arg10[%get3A_50, %get3A_51] : memref<1x256xf32, #tpu.memory_space<vmem>>, vector<1x256xf32>
    %add3A_53 = vector.broadcast %get3A_52 : vector<1x256xf32> to vector<2000x256xf32>
    %add3A_54 = arith.addf %mul3A_49, %add3A_53 : vector<2000x256xf32>
    %get3A_55 = arith.constant 0 : index
    %get3A_56 = arith.constant 0 : index
    %get3A_57 = vector.load %arg11[%get3A_55, %get3A_56] : memref<256x256xf32, #tpu.memory_space<vmem>>, vector<256x256xf32>
    %dot_general3A_58 = arith.constant dense<0.000000e+00> : vector<2000x256xf32>
    %dot_general3A_59 = tpu.matmul %add3A_54, %get3A_57, %dot_general3A_58 {dimension_numbers = #tpu.dot_dimension_numbers<[1], [1], [0], [0], [0, 0, 1, 0], [], []>, transpose_lhs_hint = false} : vector<2000x256xf32>, vector<256x256xf32>, vector<2000x256xf32> -> vector<2000x256xf32>
    %get3A_60 = arith.constant 0 : index
    %get3A_61 = arith.constant 0 : index
    %get3A_62 = vector.load %arg12[%get3A_60, %get3A_61] : memref<1x256xf32, #tpu.memory_space<vmem>>, vector<1x256xf32>
    %add3A_63 = vector.broadcast %get3A_62 : vector<1x256xf32> to vector<2000x256xf32>
    %add3A_64 = arith.addf %dot_general3A_59, %add3A_63 : vector<2000x256xf32>
    %max3A_65 = arith.constant 0.000000e+00 : f32
    %max3A_66 = vector.broadcast %max3A_65 : f32 to vector<2000x256xf32>
    %max3A_67 = arith.maximumf %add3A_64, %max3A_66 : vector<2000x256xf32>
    %get3A_68 = arith.constant 0 : index
    %get3A_69 = arith.constant 0 : index
    %get3A_70 = vector.load %arg13[%get3A_68, %get3A_69] : memref<256x256xf32, #tpu.memory_space<vmem>>, vector<256x256xf32>
    %dot_general3A_71 = arith.constant dense<0.000000e+00> : vector<2000x256xf32>
    %dot_general3A_72 = tpu.matmul %max3A_67, %get3A_70, %dot_general3A_71 {dimension_numbers = #tpu.dot_dimension_numbers<[1], [1], [0], [0], [0, 0, 1, 0], [], []>, transpose_lhs_hint = false} : vector<2000x256xf32>, vector<256x256xf32>, vector<2000x256xf32> -> vector<2000x256xf32>
    %get3A_73 = arith.constant 0 : index
    %get3A_74 = arith.constant 0 : index
    %get3A_75 = vector.load %arg14[%get3A_73, %get3A_74] : memref<1x256xf32, #tpu.memory_space<vmem>>, vector<1x256xf32>
    %add3A_76 = vector.broadcast %get3A_75 : vector<1x256xf32> to vector<2000x256xf32>
    %add3A_77 = arith.addf %dot_general3A_72, %add3A_76 : vector<2000x256xf32>
    %swap3A = arith.constant 0 : index
    %swap3A_78 = arith.constant 0 : index
    %swap3A_79 = vector.load %arg15[%swap3A, %swap3A_78] : memref<2000x256xf32, #tpu.memory_space<vmem>>, vector<2000x256xf32>
    tpu.vector_store %arg15[%swap3A, %swap3A_78], %add3A_77 {strides = array<i32>} : memref<2000x256xf32, #tpu.memory_space<vmem>>, vector<2000x256xf32>,
    return
  }
  func.func @transform_0(%arg0: i32) -> (i32, i32) {
    %c0_i32 = arith.constant 0 : i32
    %c0_i32_0 = arith.constant 0 : i32
    %c0_i32_1 = arith.constant 0 : i32
    return %c0_i32, %c0_i32_0 : i32, i32
  }
  func.func @transform_1(%arg0: i32) -> (i32, i32) {
    %c0_i32 = arith.constant 0 : i32
    %c0_i32_0 = arith.constant 0 : i32
    return %arg0, %c0_i32 : i32, i32
  }
  func.func @transform_2(%arg0: i32) -> (i32, i32, i32) {
    %c0_i32 = arith.constant 0 : i32
    %c0_i32_0 = arith.constant 0 : i32
    %c0_i32_1 = arith.constant 0 : i32
    return %c0_i32, %arg0, %c0_i32_0 : i32, i32, i32
  }
  func.func @transform_3(%arg0: i32) -> (i32, i32, i32) {
    %c1_i32 = arith.constant 1 : i32
    %c0_i32 = arith.constant 0 : i32
    %c0_i32_0 = arith.constant 0 : i32
    return %c1_i32, %arg0, %c0_i32 : i32, i32, i32
  }
  func.func @transform_4(%arg0: i32) -> (i32, i32) {
    %c0_i32 = arith.constant 0 : i32
    %c0_i32_0 = arith.constant 0 : i32
    %c0_i32_1 = arith.constant 0 : i32
    return %c0_i32, %c0_i32_0 : i32, i32
  }
  func.func @transform_5(%arg0: i32) -> (i32, i32) {
    %c0_i32 = arith.constant 0 : i32
    %c0_i32_0 = arith.constant 0 : i32
    %c0_i32_1 = arith.constant 0 : i32
    return %c0_i32, %c0_i32_0 : i32, i32
  }
  func.func @transform_6(%arg0: i32) -> (i32, i32) {
    %c0_i32 = arith.constant 0 : i32
    %c0_i32_0 = arith.constant 0 : i32
    %c0_i32_1 = arith.constant 0 : i32
    return %c0_i32, %c0_i32_0 : i32, i32
  }
  func.func @transform_7(%arg0: i32) -> (i32, i32) {
    %c0_i32 = arith.constant 0 : i32
    %c0_i32_0 = arith.constant 0 : i32
    %c0_i32_1 = arith.constant 0 : i32
    return %c0_i32, %c0_i32_0 : i32, i32
  }
  func.func @transform_8(%arg0: i32) -> (i32, i32) {
    %c0_i32 = arith.constant 0 : i32
    %c0_i32_0 = arith.constant 0 : i32
    %c0_i32_1 = arith.constant 0 : i32
    return %c0_i32, %c0_i32_0 : i32, i32
  }
  func.func @transform_9(%arg0: i32) -> (i32, i32) {
    %c0_i32 = arith.constant 0 : i32
    %c0_i32_0 = arith.constant 0 : i32
    %c0_i32_1 = arith.constant 0 : i32
    return %c0_i32, %c0_i32_0 : i32, i32
  }
  func.func @transform_10(%arg0: i32) -> (i32, i32) {
    %c0_i32 = arith.constant 0 : i32
    %c0_i32_0 = arith.constant 0 : i32
    %c0_i32_1 = arith.constant 0 : i32
    return %c0_i32, %c0_i32_0 : i32, i32
  }
  func.func @transform_11(%arg0: i32) -> (i32, i32) {
    %c0_i32 = arith.constant 0 : i32
    %c0_i32_0 = arith.constant 0 : i32
    %c0_i32_1 = arith.constant 0 : i32
    return %c0_i32, %c0_i32_0 : i32, i32
  }
  func.func @transform_12(%arg0: i32) -> (i32, i32) {
    %c0_i32 = arith.constant 0 : i32
    %c0_i32_0 = arith.constant 0 : i32
    %c0_i32_1 = arith.constant 0 : i32
    return %c0_i32, %c0_i32_0 : i32, i32
  }
  func.func @transform_13(%arg0: i32) -> (i32, i32) {
    %c0_i32 = arith.constant 0 : i32
    %c0_i32_0 = arith.constant 0 : i32
    %c0_i32_1 = arith.constant 0 : i32
    return %c0_i32, %c0_i32_0 : i32, i32
  }
  func.func @transform_14(%arg0: i32) -> (i32, i32) {
    %c0_i32 = arith.constant 0 : i32
    %c0_i32_0 = arith.constant 0 : i32
    return %arg0, %c0_i32 : i32, i32
  }
}

</mosaic_0001>

<sc_bundles>
// kernel: kernel.10.cloned.1.call-start
scs
__scs_entry_jumppad:
0x0: {  	(pc) =	sbr.rel $0x88, $3  }
0x1: {  	(tag) =	ssettag $0x0;
	lr =	simm.s32 $0x1  }
0x2: {  	[smem:$0x3F8F] =	sst lr;
	_ =	strace $0xD0000000  }
0x3: {  	_ = 	snop  }
0x4: {  	_ = 	snop  }
0x5: {  	_ = 	snop  }
0x6: {  	_ = 	snop  }
0x7: {  	_ = 	snop  }
__scs_overlays_trampoline_lowered:
0x8: {  	[smem:$0x3F9E] =	sst s0  }
0x9: {  	[smem:$0x3F9F] =	sst s1  }
0xa: {  	[smem:$0x3FA0] =	sst s2  }
0xb: {  	[smem:$0x3FA1] =	sst s3  }
0xc: {  	[smem:$0x3FA2] =	sst s4  }
0xd: {  	[smem:$0x3FA3] =	sst s5  }
0xe: {  	[smem:$0x3FA4] =	sst s6  }
0xf: {  	[smem:$0x3FA5] =	sst s7  }
0x10: {  	[smem:$0x3FA6] =	sst s8  }
0x11: {  	[smem:$0x3FA7] =	sst s9;
	s0 =	simm.s32 @!p0 $0x0  }
0x12: {  	s1 =	sld [smem:$0x3F8D];
	s0 =	simm.s32 @p0 $0x1  }
0x13: {  	[smem:$0x3FA8] =	sst s0;
	s0 =	simm.s32 @!p1 $0x0  }
0x14: {  	s2 =	sld [smem:$0x3F8C];
	s0 =	simm.s32 @p1 $0x1  }
0x15: {  	[smem:$0x3FA9] =	sst s0;
	s0 =	simm.s32 @!p2 $0x0  }
0x16: {  	s3 =	sld [smem:$0x3FDB];
	s0 =	simm.s32 @p2 $0x1  }
0x17: {  	s4 =	simm.s32 $0x1BF5;
	[smem:$0x3FAB] =	sst s0  }
0x18: {  	s0 =	sld [smem:$0x3F8E];
	_ =	swait.ge [sflag:s4], $0x0  }
0x19: {  	s7 =	sld [smem:$0x3F8F]  }
0x1a: {  	s8 =	sadd.s32 $0xFFFFE003, lr  }
0x1b: {  	s9 =	sadd.s32 $0xFFFFFEF7, lr;
	s5 =	simm.s32 $0xFFFFFFFF;
	p2 =	slt.u32 s8, $0xFFFFF086  }
0x1c: {  	p1 =	slt.u32 s9, $0xF7A;
	s5 =	simm.s32 @!p2 $0x0  }
0x1d: {  	s5 =	simm.s32 @p1 $0x1;
	p0 =	seq.s32 s7, s2  }
0x1e: {  	s7 =	smul.u32 @!p0 $0xF7A, s2;
	p2 =	seq.s32 @!p0 s5, $0x0  }
0x1f: {  	s9 =	smul.u32 $0xF7A, s1;
	s8 =	simm.s32 @!p0 $0x1BF5;
	p2 =	por !p2, p0  }
0x20: {  	[sflag:s8] =	ssyncset.s32 @!p0 $0xFFFFF086;
	s6 =	sadd.s32 @!p0 s3, s7;
	s7 =	simm.s32 @!p0 $0x108  }
0x21: {  	s3 =	sadd.s32 s3, s9;
	s6 =	sadd.s32 @!p0 $0x88, s6;
	s7 =	simm.s32 @p2 $0x1082  }
0x22: {  	[simem:s7], [sflag:s8] =	dma.local @!p0 [hbm:s6], $0xF7A  }
0x23: {  	s9 =	sor.u32 $0xD0000000, s2;
	s6 =	simm.s32 $0x108;
	_ =	swait.ge @!p0 [sflag:s8], $0x0  }
0x24: {  	s3 =	sadd.s32 $0x88, s3;
	s6 =	simm.s32 @!p1 $0x1082;
	[sflag:s4] =	ssyncset.s32 $0xFFFFF086  }
0x25: {  	[simem:s6], [sflag:s4] =	dma.local [hbm:s3], $0xF7A  }
0x26: {  	[smem:$0x3F8F] =	sst s1;
	(tag) =	ssettag s2;
	_ =	strace s9  }
0x27: {  	s1 =	sld [smem:$0x3F9F]  }
0x28: {  	s2 =	sld [smem:$0x3FA0]  }
0x29: {  	s4 =	sld [smem:$0x3FA2]  }
0x2a: {  	p0 =	seq.s32 s5, $0x0;
	s5 =	sld [smem:$0x3FA3]  }
0x2b: {  	s6 =	sld [smem:$0x3FA4]  }
0x2c: {  	s7 =	sld [smem:$0x3FA5]  }
0x2d: {  	s3 =	simm.s32 $0x108;
	s8 =	sld [smem:$0x3FA6]  }
0x2e: {  	s3 =	simm.s32 @!p0 $0x1082;
	s9 =	sld [smem:$0x3FA7]  }
0x2f: {  	lr =	sadd.s32 s0, s3;
	s0 =	sld [smem:$0x3F9E]  }
0x30: {  	s3 =	sld [smem:$0x3FA1]  }
0x31: {  	[smem:$0x3FAA] =	sst s10  }
0x32: {  	s10 =	sld [smem:$0x3FA8];
	_ =	sdelay $0x3  }
0x33: {  	p0 =	seq.s32 s10, $0x1;
	s10 =	sld [smem:$0x3FAA];
	_ =	sdelay $0x3  }
0x34: {  	[smem:$0x3FAA] =	sst s10  }
0x35: {  	s10 =	sld [smem:$0x3FA9];
	_ =	sdelay $0x3  }
0x36: {  	p1 =	seq.s32 s10, $0x1;
	s10 =	sld [smem:$0x3FAA];
	_ =	sdelay $0x3  }
0x37: {  	[smem:$0x3FAA] =	sst s10  }
0x38: {  	s10 =	sld [smem:$0x3FAB]  }
0x39: {  	_ = 	snop;
	(pc) =	sbr.ind lr, $3  }
0x3a: {  	_ = 	snop  }
0x3b: {  	_ = 	snop  }
0x3c: {  	p2 =	seq.s32 s10, $0x1;
	s10 =	sld [smem:$0x3FAA]  }
0x3d: {  	_ =	shalt  }
0x3e: {  	_ =	shalt  }
0x3f: {  	_ =	shalt  }
0x40: {  	_ =	shalt  }
0x41: {  	_ =	shalt  }
0x42: {  	_ =	shalt  }
0x43: {  	_ =	shalt  }
0x44: {  	_ =	shalt  }
0x45: {  	_ =	shalt  }
0x46: {  	_ =	shalt  }
0x47: {  	_ =	shalt  }
0x48: {  	_ =	shalt  }
0x49: {  	_ =	shalt  }
0x4a: {  	_ =	shalt  }
0x4b: {  	_ =	shalt  }
0x4c: {  	_ =	shalt  }
0x4d: {  	_ =	shalt  }
0x4e: {  	_ =	shalt  }
0x4f: {  	_ =	shalt  }
0x50: {  	_ =	shalt  }
0x51: {  	_ =	shalt  }
0x52: {  	_ =	shalt  }
0x53: {  	_ =	shalt  }
0x54: {  	_ =	shalt  }
0x55: {  	_ =	shalt  }
0x56: {  	_ =	shalt  }
0x57: {  	_ =	shalt  }
0x58: {  	_ =	shalt  }
0x59: {  	_ =	shalt  }
0x5a: {  	_ =	shalt  }
0x5b: {  	_ =	shalt  }
0x5c: {  	_ =	shalt  }
0x5d: {  	_ =	shalt  }
0x5e: {  	_ =	shalt  }
0x5f: {  	_ =	shalt  }
0x60: {  	_ =	shalt  }
0x61: {  	_ =	shalt  }
0x62: {  	_ =	shalt  }
0x63: {  	_ =	shalt  }
0x64: {  	_ =	shalt  }
0x65: {  	_ =	shalt  }
0x66: {  	_ =	shalt  }
0x67: {  	_ =	shalt  }
0x68: {  	_ =	shalt  }
0x69: {  	_ =	shalt  }
0x6a: {  	_ =	shalt  }
0x6b: {  	_ =	shalt  }
0x6c: {  	_ =	shalt  }
0x6d: {  	_ =	shalt  }
0x6e: {  	_ =	shalt  }
0x6f: {  	_ =	shalt  }
0x70: {  	_ =	shalt  }
0x71: {  	_ =	shalt  }
0x72: {  	_ =	shalt  }
0x73: {  	_ =	shalt  }
0x74: {  	_ =	shalt  }
0x75: {  	_ =	shalt  }
0x76: {  	_ =	shalt  }
0x77: {  	_ =	shalt  }
0x78: {  	_ =	shalt  }
0x79: {  	_ =	shalt  }
0x7a: {  	_ =	shalt  }
0x7b: {  	_ =	shalt  }
0x7c: {  	_ =	shalt  }
0x7d: {  	_ =	shalt  }
0x7e: {  	_ =	shalt  }
0x7f: {  	_ =	shalt  }
0x80: {  	_ =	shalt  }
0x81: {  	_ =	shalt  }
0x82: {  	_ =	shalt  }
0x83: {  	_ =	shalt  }
0x84: {  	_ =	shalt  }
0x85: {  	_ =	shalt  }
0x86: {  	_ =	shalt  }
0x87: {  	_ =	shalt  }
.Lfunc_end0:
.L_simem_size_0:
called_computation.1_lowered:
.L_overlay_start_0:
0x88: {  	s2 =	sld [smem:$0x3FD9]  }
0x89: {  	s3 =	sld [smem:$0x3FFE];
	_ =	sdelay $0x1  }
0x8a: {  	s1 =	srdreg.scid  }
0x8b: {  	s0 =	sand.u32 $0x1, s1  }
0x8c: {  	s17 =	sshll.u32 s0, $0xA;
	s2 =	sadd.s32 s3, s2  }
0x8d: {  	s2 =	sadd.s32 s2, s17  }
0x8e: {  	[smem:$0x3FB6] =	sst s2  }
0x8f: {  	_ = 	snop  }
0x90: {  	s2 =	sld [smem:$0x3FC8]  }
0x91: {  	s18 =	sld [smem:$0x3FC7];
	(tm) =	ssettm $0x1  }
0x92: {  	s4 =	sld [smem:$0x3FFB];
	_ =	sdelay $0x3  }
0x93: {  	_ =	strace s4  }
0x94: {  	s4 =	sld [smem:$0x3FFC];
	_ =	sdelay $0x3  }
0x95: {  	_ =	strace s4  }
0x96: {  	s4 =	sld [smem:$0x3FFD];
	_ =	sdelay $0x3  }
0x97: {  	_ =	strace s4  }
0x98: {  	_ =	strace $0x8FFFFFFF  }
0x99: {  	s19 =	sld [smem:$0x3FDB];
	_ =	sdelay $0x1  }
0x9a: {  	s5 =	simm.s32 $_scs_section_size  }
0x9b: {  	s6 =	simm.s32 $_size__tile_overlayer_lowered;
	s7 =	simm.s32 $_tile_overlayer_lowered  }
0x9c: {  	s22 =	simm.s32 $0x1BFF;
	s21 =	sshll.u32 s7, $0x1;
	s4 =	sadd.s32 s5, s19  }
0x9d: {  	s8 =	simm.s32 $0x0;
	s20 =	sshll.u32 s6, $0x1;
	s6 =	sadd.s32 s21, s4  }
0x9e: {  	[timem:s8], [sflag:s22] =	dma.local [hbm:s6], s20  }
0x9f: {  	_ =	swait.ge [sflag:s22], s20  }
0xa0: {  	s5 =	ssub.s32 $0x0, s20;
	[sflag:s22] =	ssyncset.done $0x0  }
0xa1: {  	[sflag:s22] =	ssyncadd.s32 s5;
	_ =	sdelay $0x1  }
0xa2: {  	s23 =	simm.s32 $0x1B8B  }
0xa3: {  	_ =	swait.ge [sflag:s23], $0x1  }
0xa4: {  	[sflag:s23] =	ssyncset.done $0x0  }
0xa5: {  	s25 =	simm.s32 $0x1B8E;
	s24 =	sld [smem:$0x3FFE];
	[sflag:s23] =	ssyncadd.s32 $0xFFFFFFFF  }
0xa6: {  	s26 =	simm.s32 $execute0_lowered;
	[smem:$0x3FD2] =	sst s25  }
0xa7: {  	s6 =	sshll.u32 s26, $0x1;
	_ =	strace $0x80000049;
	[dreg:$0x1] =	wrdreg $0xFFFFFFFF  }
0xa8: {  	s28 =	simm.s32 $_size_execute0_lowered;
	s4 =	sadd.s32 s4, s6;
	[dreg:$0x0] =	wrdreg $0x0  }
0xa9: {  	s6 =	sshll.u32 s28, $0x1;
	[dreg:$0x2] =	wrdreg s4  }
0xaa: {  	[dreg:$0x3] =	wrdreg s6  }
0xab: {  	[dreg:$0x4] =	wrdreg $0xC0  }
0xac: {  	_ =	task [dreg:s8], $0x5FFFF  }
0xad: {  	[dreg:$0x1] =	wrdreg $0xFFFFFFFF  }
0xae: {  	[dreg:$0x0] =	wrdreg $0x60  }
0xaf: {  	[dreg:$0x2] =	wrdreg s24  }
0xb0: {  	[dreg:$0x3] =	wrdreg s2  }
0xb1: {  	[dreg:$0x4] =	wrdreg s18  }
0xb2: {  	[dreg:$0x5] =	wrdreg $0x9  }
0xb3: {  	_ =	task.clear_ibuf [dreg:s8], $0x6FFFF;
	_ =	strace $0x90000049  }
0xb4: {  	s29 =	simm.s32 $0x9;
	_ =	strace $0x8000004B  }
0xb5: {  	_ =	swait.ge [sflag:s29], $0x1  }
0xb6: {  	[sflag:s29] =	ssyncadd.s32 $0xFFFFFFFF  }
0xb7: {  	_ =	strace $0x9000004B  }
0xb8: {  	_ =	sfence  }
0xb9: {  	s30 =	sld [smem:$0x0];
	_ =	sdelay $0x2  }
0xba: {  	s31 =	sshll.u32 s1, $0xD;
	s1 =	sshrl.u32 s1, $0x2  }
0xbb: {  	s3 =	sand.u32 $0x4000, s31;
	s1 =	sadd.s32 s1, s30  }
0xbc: {  	s0 =	sor.u32 s3, s0;
	s1 =	sshll.u32 s1, $0x11  }
0xbd: {  	s0 =	sor.u32 s1, s0  }
0xbe: {  	s0 =	sadd.s32 $0x8F2B, s0  }
0xbf: {  	[sflag:s0] =	ssyncadd.remote.s32 $0x1  }
0xc0: {  	_ =	sfence.sel $0xFFFF  }
0xc1: {  	[dreg:$0x0] =	wrdreg $0xFFFFFFFF;
	(pc) =	sbr.abs _section_cstart, $3  }
0xc2: {  	[dreg:$0x1] =	wrdreg $0xFFFFFFFF  }
0xc3: {  	_ =	task.clear_ibuf [dreg:s8], $0x2FFFF;
	_ =	strace $0x9FFFFFFF  }
0xc4: {  	(tm) =	ssettm $0x7FFFFFFF  }
0xc5: {  	_ =	shalt  }
tec
execute0_lowered:
.L_overlay_start_1:
0x0: {  	(tag) =	ssettag $0x1  }
0x1: {  	s0 =	rddreg [dreg:$0x0]  }
0x2: {  	s1 =	rddreg [dreg:$0x1]  }
0x3: {  	s2 =	rddreg [dreg:$0x2]  }
0x4: {  	s3 =	srdreg.scid;
	s29 =	simm.s32 $0x0;
	s4 =	stileid.u32  }
0x5: {  	s15 =	simm.s32 $0x4;
	s16 =	simm.s32 $0x40;
	s17 =	simm.s32 $0x3  }
0x6: {  	s18 =	simm.s32 $0xE00;
	s7 =	simm.s32 $0x8E00;
	s8 =	simm.s32 $0x9600  }
0x7: {  	s9 =	simm.s32 $0x9E00;
	s10 =	simm.s32 $0xA600;
	s3 =	sand.u32 $0x1, s3  }
0x8: {  	[smem:$0x7FF] =	sst s29;
	s4 =	sshll.u32 s4, $0xA;
	s5 =	sshll.u32 s3, $0x9  }
0x9: {  	_ =	strace $0x8000004A;
	s3 =	ssub.s32 $0x2, s3;
	s5 =	sor.u32 s5, s4  }
0xa: {  	s20 =	sshrl.u32 s3, $0x1;
	s6 =	sshll.u32 s5, $0x5;
	s5 =	sshrl.u32 s5, $0x3  }
0xb: {  	s4 =	sadd.s32 $0x2E00, s0;
	s3 =	ssub.s32 s3, s20;
	s2 =	sadd.s32 s2, s5  }
0xc: {  	s0 =	sadd.s32 s6, s0;
	s31 =	smax.u32 s3, $0x1;
	[dreg:$0x4] =	wrdreg s2  }
0xd: {  	s11 =	simm.s32 $0xAE00;
	s21 =	sadd.s32 $0x51000, s0;
	[dreg:$0xd] =	wrdreg s31  }
0xe: {  	s12 =	simm.s32 $0xB600;
	s22 =	sadd.s32 $0x51800, s0;
	[dreg:$0x5] =	wrdreg s21  }
0xf: {  	s13 =	simm.s32 $0xBE00;
	s23 =	sadd.s32 $0x52000, s0;
	[dreg:$0x6] =	wrdreg s22  }
0x10: {  	s14 =	simm.s32 $0xC600;
	s24 =	sadd.s32 $0x52800, s0;
	[dreg:$0x7] =	wrdreg s23  }
0x11: {  	s19 =	simm.s32 $0xCE00;
	s25 =	sadd.s32 $0x53000, s0;
	[dreg:$0x8] =	wrdreg s24  }
0x12: {  	s28 =	simm.s32 $0x0;
	s26 =	sadd.s32 $0x53800, s0;
	[dreg:$0x9] =	wrdreg s25  }
0x13: {  	s20 =	simm.s32 $0xD600;
	s30 =	sadd.s32 $0x54000, s0;
	[dreg:$0xa] =	wrdreg s26  }
0x14: {  	s3 =	simm.s32 $0x8600;
	s0 =	sadd.s32 $0x54800, s0;
	[dreg:$0xb] =	wrdreg s30  }
0x15: {  	v2 =	vlaneseq.u32;
	s5 =	simm.s32 $0x1;
	s6 =	simm.s32 $0x2;
	[dreg:$0xc] =	wrdreg s0  }
0x16: {  	vm0 =	vmmov $0xffff;
	v1 =	vshrl.u32 v2, $0x3;
	s21 =	simm.s32 $0xDE00;
	s22 =	simm.s32 $0xE600;
	s23 =	simm.s32 $0xEE00  }
0x17: {  	v0 =	vand.u32 $0x7, v2;
	v2 =	vor.u32 $0x8, v2;
	v1 =	vmul.u32 $0x8, v1;
	s24 =	simm.s32 $0xF600;
	s25 =	simm.s32 $0xFE00;
	s26 =	simm.s32 $0x10600  }
.LBB2_1:
0x18: {  	s0 =	rddreg [dreg:$0x4]  }
0x19: {  	[tilespmem:s29], [sflag:$0x4] =	stream.linear.gather [hbm4b:s0+s29], $0x200, $0x38;
	[tilespmem:$0x10E00] =	vst v63  }
0x1a: {  	_ =	swait.ge [sflag:s15], $0x200  }
0x1b: {  	[sflag:s15] =	ssyncset.done $0x0  }
0x1c: {  	s29 =	simm.s32 $0x0;
	[sflag:s15] =	ssyncadd.s32 $0xFFFFFE00  }
0x1d: {  	v3 =	vld [tilespmem:s29+$0x0];
	_ =	sdelay $0x2  }
0x1e: {  	s30 =	simm.s32 $0x40  }
.LBB2_2:
0x1f: {  	p0 =	sne.s32 s30, $0x7C0  }
.Ltmp0:
0x20: {  	s31 =	sshra.s32 s30, $0x2;
	s30 =	sadd.s32 $0x40, s30;
	v4 =	vshll.u32 v3, $0x1;
	(pc) =	sbr.rel @p0 .LBB2_2-.Ltmp0, $4  }
0x21: {  	v5 =	vand.u32 $0x7F, v3;
	v4 =	vand.u32 $0xFFFFFF00, v4;
	v3 =	vld [tilespmem:s31+$0x0]  }
0x22: {  	v4 =	vor.u32 v5, v4  }
0x23: {  	[tilespmem:s29+$0x200] =	vst v4;
	v4 =	vor.u32 $0x80, v4  }
0x24: {  	[tilespmem:s29+$0x400] =	vst v4;
	s29 =	smov.u32 s31  }
0x25: {  	_ = 	snop  }
0x26: {  	v4 =	vshll.u32 v3, $0x1  }
0x27: {  	v3 =	vand.u32 $0x7F, v3;
	v4 =	vand.u32 $0xFFFFFF00, v4  }
0x28: {  	v3 =	vor.u32 v3, v4  }
0x29: {  	[tilespmem:s29+$0x200] =	vst v3;
	v3 =	vor.u32 $0x80, v3  }
0x2a: {  	s0 =	simm.s32 $0x200;
	s2 =	simm.s32 $0x600;
	[tilespmem:s29+$0x400] =	vst v3  }
0x2b: {  	[tilespmem:s2], [sflag:$0x3] =	stream.indirect.gather [hbm4b:s1+s16], $0x1, s0, s16, $0xb8;
	[tilespmem:$0x10E00] =	vst v63  }
0x2c: {  	s0 =	simm.s32 $0x400;
	s2 =	simm.s32 $0xA00  }
0x2d: {  	[tilespmem:s2], [sflag:$0x3] =	stream.indirect.gather [hbm4b:s1+s16], $0x1, s0, s16, $0xb8;
	[tilespmem:$0x10E00] =	vst v63  }
0x2e: {  	s0 =	simm.s32 $0x240;
	s2 =	simm.s32 $0x680  }
0x2f: {  	[tilespmem:s2], [sflag:$0x3] =	stream.indirect.gather [hbm4b:s1+s16], $0x1, s0, s16, $0xb8;
	[tilespmem:$0x10E00] =	vst v63  }
0x30: {  	s0 =	simm.s32 $0x440;
	s2 =	simm.s32 $0xA80  }
0x31: {  	[tilespmem:s2], [sflag:$0x3] =	stream.indirect.gather [hbm4b:s1+s16], $0x1, s0, s16, $0xb8;
	[tilespmem:$0x10E00] =	vst v63  }
0x32: {  	s0 =	simm.s32 $0x280;
	s2 =	simm.s32 $0x700  }
0x33: {  	[tilespmem:s2], [sflag:$0x3] =	stream.indirect.gather [hbm4b:s1+s16], $0x1, s0, s16, $0xb8;
	[tilespmem:$0x10E00] =	vst v63  }
0x34: {  	s0 =	simm.s32 $0x480;
	s2 =	simm.s32 $0xB00  }
0x35: {  	[tilespmem:s2], [sflag:$0x3] =	stream.indirect.gather [hbm4b:s1+s16], $0x1, s0, s16, $0xb8;
	[tilespmem:$0x10E00] =	vst v63  }
0x36: {  	s0 =	simm.s32 $0x2C0;
	s2 =	simm.s32 $0x780  }
0x37: {  	[tilespmem:s2], [sflag:$0x3] =	stream.indirect.gather [hbm4b:s1+s16], $0x1, s0, s16, $0xb8;
	[tilespmem:$0x10E00] =	vst v63  }
0x38: {  	s0 =	simm.s32 $0x4C0;
	s2 =	simm.s32 $0xB80  }
0x39: {  	[tilespmem:s2], [sflag:$0x3] =	stream.indirect.gather [hbm4b:s1+s16], $0x1, s0, s16, $0xb8;
	[tilespmem:$0x10E00] =	vst v63  }
0x3a: {  	s0 =	simm.s32 $0x300;
	s2 =	simm.s32 $0x800  }
0x3b: {  	[tilespmem:s2], [sflag:$0x3] =	stream.indirect.gather [hbm4b:s1+s16], $0x1, s0, s16, $0xb8;
	[tilespmem:$0x10E00] =	vst v63  }
0x3c: {  	s0 =	simm.s32 $0x500;
	s2 =	simm.s32 $0xC00  }
0x3d: {  	[tilespmem:s2], [sflag:$0x3] =	stream.indirect.gather [hbm4b:s1+s16], $0x1, s0, s16, $0xb8;
	[tilespmem:$0x10E00] =	vst v63  }
0x3e: {  	s0 =	simm.s32 $0x340;
	s2 =	simm.s32 $0x880  }
0x3f: {  	[tilespmem:s2], [sflag:$0x3] =	stream.indirect.gather [hbm4b:s1+s16], $0x1, s0, s16, $0xb8;
	[tilespmem:$0x10E00] =	vst v63  }
0x40: {  	s0 =	simm.s32 $0x540;
	s2 =	simm.s32 $0xC80  }
0x41: {  	[tilespmem:s2], [sflag:$0x3] =	stream.indirect.gather [hbm4b:s1+s16], $0x1, s0, s16, $0xb8;
	[tilespmem:$0x10E00] =	vst v63  }
0x42: {  	s0 =	simm.s32 $0x380;
	s2 =	simm.s32 $0x900  }
0x43: {  	[tilespmem:s2], [sflag:$0x3] =	stream.indirect.gather [hbm4b:s1+s16], $0x1, s0, s16, $0xb8;
	[tilespmem:$0x10E00] =	vst v63  }
0x44: {  	s0 =	simm.s32 $0x580;
	s2 =	simm.s32 $0xD00  }
0x45: {  	[tilespmem:s2], [sflag:$0x3] =	stream.indirect.gather [hbm4b:s1+s16], $0x1, s0, s16, $0xb8;
	[tilespmem:$0x10E00] =	vst v63  }
0x46: {  	s0 =	simm.s32 $0x3C0;
	s2 =	simm.s32 $0x980  }
0x47: {  	[tilespmem:s2], [sflag:$0x3] =	stream.indirect.gather [hbm4b:s1+s16], $0x1, s0, s16, $0xb8;
	[tilespmem:$0x10E00] =	vst v63  }
0x48: {  	s0 =	simm.s32 $0x5C0;
	s2 =	simm.s32 $0xD80  }
0x49: {  	[tilespmem:s2], [sflag:$0x3] =	stream.indirect.gather [hbm4b:s1+s16], $0x1, s0, s16, $0xb8;
	[tilespmem:$0x10E00] =	vst v63  }
0x4a: {  	_ =	swait.ge [sflag:s17], $0x40  }
0x4b: {  	[sflag:s17] =	ssyncset.done $0x0  }
0x4c: {  	[sflag:s17] =	ssyncadd.s32 $0xFFFFFFC0  }
0x4d: {  	_ =	swait.ge [sflag:s17], $0x40  }
0x4e: {  	[sflag:s17] =	ssyncset.done $0x0  }
0x4f: {  	[sflag:s17] =	ssyncadd.s32 $0xFFFFFFC0  }
0x50: {  	_ =	swait.ge [sflag:s17], $0x40  }
0x51: {  	[sflag:s17] =	ssyncset.done $0x0  }
0x52: {  	[sflag:s17] =	ssyncadd.s32 $0xFFFFFFC0  }
0x53: {  	_ =	swait.ge [sflag:s17], $0x40  }
0x54: {  	[sflag:s17] =	ssyncset.done $0x0  }
0x55: {  	[sflag:s17] =	ssyncadd.s32 $0xFFFFFFC0  }
0x56: {  	_ =	swait.ge [sflag:s17], $0x40  }
0x57: {  	[sflag:s17] =	ssyncset.done $0x0  }
0x58: {  	[sflag:s17] =	ssyncadd.s32 $0xFFFFFFC0  }
0x59: {  	_ =	swait.ge [sflag:s17], $0x40  }
0x5a: {  	[sflag:s17] =	ssyncset.done $0x0  }
0x5b: {  	[sflag:s17] =	ssyncadd.s32 $0xFFFFFFC0  }
0x5c: {  	_ =	swait.ge [sflag:s17], $0x40  }
0x5d: {  	[sflag:s17] =	ssyncset.done $0x0  }
0x5e: {  	[sflag:s17] =	ssyncadd.s32 $0xFFFFFFC0  }
0x5f: {  	_ =	swait.ge [sflag:s17], $0x40  }
0x60: {  	[sflag:s17] =	ssyncset.done $0x0  }
0x61: {  	[sflag:s17] =	ssyncadd.s32 $0xFFFFFFC0  }
0x62: {  	_ =	swait.ge [sflag:s17], $0x40  }
0x63: {  	[sflag:s17] =	ssyncset.done $0x0  }
0x64: {  	[sflag:s17] =	ssyncadd.s32 $0xFFFFFFC0  }
0x65: {  	_ =	swait.ge [sflag:s17], $0x40  }
0x66: {  	[sflag:s17] =	ssyncset.done $0x0  }
0x67: {  	[sflag:s17] =	ssyncadd.s32 $0xFFFFFFC0  }
0x68: {  	_ =	swait.ge [sflag:s17], $0x40  }
0x69: {  	[sflag:s17] =	ssyncset.done $0x0  }
0x6a: {  	[sflag:s17] =	ssyncadd.s32 $0xFFFFFFC0  }
0x6b: {  	_ =	swait.ge [sflag:s17], $0x40  }
0x6c: {  	[sflag:s17] =	ssyncset.done $0x0  }
0x6d: {  	[sflag:s17] =	ssyncadd.s32 $0xFFFFFFC0  }
0x6e: {  	_ =	swait.ge [sflag:s17], $0x40  }
0x6f: {  	[sflag:s17] =	ssyncset.done $0x0  }
0x70: {  	[sflag:s17] =	ssyncadd.s32 $0xFFFFFFC0  }
0x71: {  	_ =	swait.ge [sflag:s17], $0x40  }
0x72: {  	[sflag:s17] =	ssyncset.done $0x0  }
0x73: {  	[sflag:s17] =	ssyncadd.s32 $0xFFFFFFC0  }
0x74: {  	_ =	swait.ge [sflag:s17], $0x40  }
0x75: {  	[sflag:s17] =	ssyncset.done $0x0  }
0x76: {  	[sflag:s17] =	ssyncadd.s32 $0xFFFFFFC0  }
0x77: {  	_ =	swait.ge [sflag:s17], $0x40  }
0x78: {  	[sflag:s17] =	ssyncset.done $0x0  }
0x79: {  	[sflag:s17] =	ssyncadd.s32 $0xFFFFFFC0  }
0x7a: {  	v3 =	vld [tilespmem:$0x600];
	_ =	sdelay $0x4  }
0x7b: {  	v4 =	vshll.u32 v3, $0x1  }
0x7c: {  	v3 =	vand.u32 $0x7, v3;
	v4 =	vand.u32 $0xFFFFFFF0, v4  }
0x7d: {  	v3 =	vor.u32 v3, v4  }
0x7e: {  	v4 =	vperm.xlane v3, v0;
	_ =	sdelay $0x1  }
0x7f: {  	v3 =	vperm.xlane v3, v2;
	v4 =	vadd.s32 v1, v4;
	_ =	sdelay $0x1  }
0x80: {  	v3 =	vadd.s32 v1, v3;
	_ =	sdelay $0x1  }
0x81: {  	s29 =	simm.s32 $0x0  }
0x82: {  	[tilespmem:s18], [sflag:$0x1] =	stream.indirect_vreg.gather [hbm4b:s4+s29], $0x80, v4, vm0, $0xb8;
	[tilespmem:$0x10E00] =	vst v63  }
0x83: {  	s2 =	simm.s32 $0x1600  }
0x84: {  	[tilespmem:s2], [sflag:$0x1] =	stream.indirect_vreg.gather [hbm4b:s4+s29], $0x80, v3, vm0, $0xb8;
	[tilespmem:$0x10E00] =	vst v63  }
0x85: {  	v3 =	vld [tilespmem:$0x610];
	_ =	sdelay $0x4  }
0x86: {  	v4 =	vshll.u32 v3, $0x1  }
0x87: {  	v3 =	vand.u32 $0x7, v3;
	v4 =	vand.u32 $0xFFFFFFF0, v4  }
0x88: {  	v3 =	vor.u32 v3, v4  }
0x89: {  	v4 =	vperm.xlane v3, v0;
	_ =	sdelay $0x1  }
0x8a: {  	v3 =	vperm.xlane v3, v2;
	v4 =	vadd.s32 v1, v4;
	_ =	sdelay $0x1  }
0x8b: {  	v3 =	vadd.s32 v1, v3;
	_ =	sdelay $0x1  }
0x8c: {  	s2 =	simm.s32 $0x1E00  }
0x8d: {  	[tilespmem:s2], [sflag:$0x1] =	stream.indirect_vreg.gather [hbm4b:s4+s29], $0x80, v4, vm0, $0xb8;
	[tilespmem:$0x10E00] =	vst v63  }
0x8e: {  	s2 =	simm.s32 $0x2600  }
0x8f: {  	[tilespmem:s2], [sflag:$0x1] =	stream.indirect_vreg.gather [hbm4b:s4+s29], $0x80, v3, vm0, $0xb8;
	[tilespmem:$0x10E00] =	vst v63  }
0x90: {  	v3 =	vld [tilespmem:$0x620];
	_ =	sdelay $0x4  }
0x91: {  	v4 =	vshll.u32 v3, $0x1  }
0x92: {  	v3 =	vand.u32 $0x7, v3;
	v4 =	vand.u32 $0xFFFFFFF0, v4  }
0x93: {  	v3 =	vor.u32 v3, v4  }
0x94: {  	v4 =	vperm.xlane v3, v0;
	_ =	sdelay $0x1  }
0x95: {  	v3 =	vperm.xlane v3, v2;
	v4 =	vadd.s32 v1, v4;
	_ =	sdelay $0x1  }
0x96: {  	v3 =	vadd.s32 v1, v3;
	_ =	sdelay $0x1  }
0x97: {  	s2 =	simm.s32 $0x2E00  }
0x98: {  	[tilespmem:s2], [sflag:$0x1] =	stream.indirect_vreg.gather [hbm4b:s4+s29], $0x80, v4, vm0, $0xb8;
	[tilespmem:$0x10E00] =	vst v63  }
0x99: {  	s2 =	simm.s32 $0x3600  }
0x9a: {  	[tilespmem:s2], [sflag:$0x1] =	stream.indirect_vreg.gather [hbm4b:s4+s29], $0x80, v3, vm0, $0xb8;
	[tilespmem:$0x10E00] =	vst v63  }
0x9b: {  	v3 =	vld [tilespmem:$0x630];
	_ =	sdelay $0x4  }
0x9c: {  	v4 =	vshll.u32 v3, $0x1  }
0x9d: {  	v3 =	vand.u32 $0x7, v3;
	v4 =	vand.u32 $0xFFFFFFF0, v4  }
0x9e: {  	v3 =	vor.u32 v3, v4  }
0x9f: {  	v4 =	vperm.xlane v3, v0;
	_ =	sdelay $0x1  }
0xa0: {  	v3 =	vperm.xlane v3, v2;
	v4 =	vadd.s32 v1, v4;
	_ =	sdelay $0x1  }
0xa1: {  	v3 =	vadd.s32 v1, v3;
	_ =	sdelay $0x1  }
0xa2: {  	s2 =	simm.s32 $0x3E00  }
0xa3: {  	[tilespmem:s2], [sflag:$0x1] =	stream.indirect_vreg.gather [hbm4b:s4+s29], $0x80, v4, vm0, $0xb8;
	[tilespmem:$0x10E00] =	vst v63  }
0xa4: {  	s2 =	simm.s32 $0x4600  }
0xa5: {  	[tilespmem:s2], [sflag:$0x1] =	stream.indirect_vreg.gather [hbm4b:s4+s29], $0x80, v3, vm0, $0xb8;
	[tilespmem:$0x10E00] =	vst v63  }
0xa6: {  	v3 =	vld [tilespmem:$0xA00];
	_ =	sdelay $0x4  }
0xa7: {  	v4 =	vshll.u32 v3, $0x1  }
0xa8: {  	v3 =	vand.u32 $0x7, v3;
	v4 =	vand.u32 $0xFFFFFFF0, v4  }
0xa9: {  	v3 =	vor.u32 v3, v4  }
0xaa: {  	v4 =	vperm.xlane v3, v0;
	_ =	sdelay $0x1  }
0xab: {  	v3 =	vperm.xlane v3, v2;
	v4 =	vadd.s32 v1, v4;
	_ =	sdelay $0x1  }
0xac: {  	v3 =	vadd.s32 v1, v3;
	_ =	sdelay $0x1  }
0xad: {  	s2 =	simm.s32 $0x4E00  }
0xae: {  	[tilespmem:s2], [sflag:$0x2] =	stream.indirect_vreg.gather [hbm4b:s4+s29], $0x80, v4, vm0, $0xb8;
	[tilespmem:$0x10E00] =	vst v63  }
0xaf: {  	s2 =	simm.s32 $0x5600  }
0xb0: {  	[tilespmem:s2], [sflag:$0x2] =	stream.indirect_vreg.gather [hbm4b:s4+s29], $0x80, v3, vm0, $0xb8;
	[tilespmem:$0x10E00] =	vst v63  }
0xb1: {  	v3 =	vld [tilespmem:$0xA10];
	_ =	sdelay $0x4  }
0xb2: {  	v4 =	vshll.u32 v3, $0x1  }
0xb3: {  	v3 =	vand.u32 $0x7, v3;
	v4 =	vand.u32 $0xFFFFFFF0, v4  }
0xb4: {  	v3 =	vor.u32 v3, v4  }
0xb5: {  	v4 =	vperm.xlane v3, v0;
	_ =	sdelay $0x1  }
0xb6: {  	v3 =	vperm.xlane v3, v2;
	v4 =	vadd.s32 v1, v4;
	_ =	sdelay $0x1  }
0xb7: {  	v3 =	vadd.s32 v1, v3;
	_ =	sdelay $0x1  }
0xb8: {  	s2 =	simm.s32 $0x5E00  }
0xb9: {  	[tilespmem:s2], [sflag:$0x2] =	stream.indirect_vreg.gather [hbm4b:s4+s29], $0x80, v4, vm0, $0xb8;
	[tilespmem:$0x10E00] =	vst v63  }
0xba: {  	s2 =	simm.s32 $0x6600  }
0xbb: {  	[tilespmem:s2], [sflag:$0x2] =	stream.indirect_vreg.gather [hbm4b:s4+s29], $0x80, v3, vm0, $0xb8;
	[tilespmem:$0x10E00] =	vst v63  }
0xbc: {  	v3 =	vld [tilespmem:$0xA20];
	_ =	sdelay $0x4  }
0xbd: {  	v4 =	vshll.u32 v3, $0x1  }
0xbe: {  	v3 =	vand.u32 $0x7, v3;
	v4 =	vand.u32 $0xFFFFFFF0, v4  }
0xbf: {  	v3 =	vor.u32 v3, v4  }
0xc0: {  	v4 =	vperm.xlane v3, v0;
	_ =	sdelay $0x1  }
0xc1: {  	v3 =	vperm.xlane v3, v2;
	v4 =	vadd.s32 v1, v4;
	_ =	sdelay $0x1  }
0xc2: {  	v3 =	vadd.s32 v1, v3;
	_ =	sdelay $0x1  }
0xc3: {  	s2 =	simm.s32 $0x6E00  }
0xc4: {  	[tilespmem:s2], [sflag:$0x2] =	stream.indirect_vreg.gather [hbm4b:s4+s29], $0x80, v4, vm0, $0xb8;
	[tilespmem:$0x10E00] =	vst v63  }
0xc5: {  	s2 =	simm.s32 $0x7600  }
0xc6: {  	[tilespmem:s2], [sflag:$0x2] =	stream.indirect_vreg.gather [hbm4b:s4+s29], $0x80, v3, vm0, $0xb8;
	[tilespmem:$0x10E00] =	vst v63  }
0xc7: {  	v3 =	vld [tilespmem:$0xA30];
	_ =	sdelay $0x4  }
0xc8: {  	v4 =	vshll.u32 v3, $0x1  }
0xc9: {  	v3 =	vand.u32 $0x7, v3;
	v4 =	vand.u32 $0xFFFFFFF0, v4  }
0xca: {  	v3 =	vor.u32 v3, v4  }
0xcb: {  	v4 =	vperm.xlane v3, v0;
	_ =	sdelay $0x1  }
0xcc: {  	v3 =	vperm.xlane v3, v2;
	v4 =	vadd.s32 v1, v4;
	_ =	sdelay $0x1  }
0xcd: {  	v3 =	vadd.s32 v1, v3;
	_ =	sdelay $0x1  }
0xce: {  	s2 =	simm.s32 $0x7E00  }
0xcf: {  	[tilespmem:s2], [sflag:$0x2] =	stream.indirect_vreg.gather [hbm4b:s4+s29], $0x80, v4, vm0, $0xb8;
	[tilespmem:$0x10E00] =	vst v63  }
0xd0: {  	_ = 	snop  }
0xd1: {  	[tilespmem:s3], [sflag:$0x2] =	stream.indirect_vreg.gather [hbm4b:s4+s29], $0x80, v3, vm0, $0xb8;
	[tilespmem:$0x10E00] =	vst v63  }
0xd2: {  	_ =	swait.ge [sflag:s5], $0x4000  }
0xd3: {  	[sflag:s5] =	ssyncset.done $0x0  }
0xd4: {  	[sflag:s5] =	ssyncadd.s32 $0xFFFFC000  }
0xd5: {  	_ =	swait.ge [sflag:s6], $0x4000  }
0xd6: {  	[sflag:s6] =	ssyncset.done $0x0  }
0xd7: {  	[sflag:s6] =	ssyncadd.s32 $0xFFFFC000  }
0xd8: {  	v3 =	vld [tilespmem:$0x680];
	_ =	sdelay $0x4  }
0xd9: {  	v4 =	vshll.u32 v3, $0x1  }
0xda: {  	v3 =	vand.u32 $0x7, v3;
	v4 =	vand.u32 $0xFFFFFFF0, v4  }
0xdb: {  	v3 =	vor.u32 v3, v4  }
0xdc: {  	v4 =	vperm.xlane v3, v0;
	_ =	sdelay $0x1  }
0xdd: {  	v3 =	vperm.xlane v3, v2;
	v4 =	vadd.s32 v1, v4;
	_ =	sdelay $0x1  }
0xde: {  	v3 =	vadd.s32 v1, v3;
	_ =	sdelay $0x2  }
0xdf: {  	[tilespmem:s7], [sflag:$0x1] =	stream.indirect_vreg.gather [hbm4b:s4+s29], $0x80, v4, vm0, $0xb8;
	[tilespmem:$0x10E00] =	vst v63  }
0xe0: {  	_ = 	snop  }
0xe1: {  	[tilespmem:s8], [sflag:$0x1] =	stream.indirect_vreg.gather [hbm4b:s4+s29], $0x80, v3, vm0, $0xb8;
	[tilespmem:$0x10E00] =	vst v63  }
0xe2: {  	v3 =	vld [tilespmem:$0x690];
	_ =	sdelay $0x4  }
0xe3: {  	v4 =	vshll.u32 v3, $0x1  }
0xe4: {  	v3 =	vand.u32 $0x7, v3;
	v4 =	vand.u32 $0xFFFFFFF0, v4  }
0xe5: {  	v3 =	vor.u32 v3, v4  }
0xe6: {  	v4 =	vperm.xlane v3, v0;
	_ =	sdelay $0x1  }
0xe7: {  	v3 =	vperm.xlane v3, v2;
	v4 =	vadd.s32 v1, v4;
	_ =	sdelay $0x1  }
0xe8: {  	v3 =	vadd.s32 v1, v3;
	_ =	sdelay $0x2  }
0xe9: {  	[tilespmem:s9], [sflag:$0x1] =	stream.indirect_vreg.gather [hbm4b:s4+s29], $0x80, v4, vm0, $0xb8;
	[tilespmem:$0x10E00] =	vst v63  }
0xea: {  	_ = 	snop  }
0xeb: {  	[tilespmem:s10], [sflag:$0x1] =	stream.indirect_vreg.gather [hbm4b:s4+s29], $0x80, v3, vm0, $0xb8;
	[tilespmem:$0x10E00] =	vst v63  }
0xec: {  	v3 =	vld [tilespmem:$0x6A0];
	_ =	sdelay $0x4  }
0xed: {  	v4 =	vshll.u32 v3, $0x1  }
0xee: {  	v3 =	vand.u32 $0x7, v3;
	v4 =	vand.u32 $0xFFFFFFF0, v4  }
0xef: {  	v3 =	vor.u32 v3, v4  }
0xf0: {  	v4 =	vperm.xlane v3, v0;
	_ =	sdelay $0x1  }
0xf1: {  	v3 =	vperm.xlane v3, v2;
	v4 =	vadd.s32 v1, v4;
	_ =	sdelay $0x1  }
0xf2: {  	v3 =	vadd.s32 v1, v3;
	_ =	sdelay $0x2  }
0xf3: {  	[tilespmem:s11], [sflag:$0x1] =	stream.indirect_vreg.gather [hbm4b:s4+s29], $0x80, v4, vm0, $0xb8;
	[tilespmem:$0x10E00] =	vst v63  }
0xf4: {  	_ = 	snop  }
0xf5: {  	[tilespmem:s12], [sflag:$0x1] =	stream.indirect_vreg.gather [hbm4b:s4+s29], $0x80, v3, vm0, $0xb8;
	[tilespmem:$0x10E00] =	vst v63  }
0xf6: {  	v3 =	vld [tilespmem:$0x6B0];
	_ =	sdelay $0x4  }
0xf7: {  	v4 =	vshll.u32 v3, $0x1  }
0xf8: {  	v3 =	vand.u32 $0x7, v3;
	v4 =	vand.u32 $0xFFFFFFF0, v4  }
0xf9: {  	v3 =	vor.u32 v3, v4  }
0xfa: {  	v4 =	vperm.xlane v3, v0;
	_ =	sdelay $0x1  }
0xfb: {  	v3 =	vperm.xlane v3, v2;
	v4 =	vadd.s32 v1, v4;
	_ =	sdelay $0x1  }
0xfc: {  	v3 =	vadd.s32 v1, v3;
	_ =	sdelay $0x2  }
0xfd: {  	[tilespmem:s13], [sflag:$0x1] =	stream.indirect_vreg.gather [hbm4b:s4+s29], $0x80, v4, vm0, $0xb8;
	[tilespmem:$0x10E00] =	vst v63  }
0xfe: {  	_ = 	snop  }
0xff: {  	[tilespmem:s14], [sflag:$0x1] =	stream.indirect_vreg.gather [hbm4b:s4+s29], $0x80, v3, vm0, $0xb8;
	[tilespmem:$0x10E00] =	vst v63  }
0x100: {  	v3 =	vld [tilespmem:$0xA80];
	_ =	sdelay $0x4  }
0x101: {  	v4 =	vshll.u32 v3, $0x1  }
0x102: {  	v3 =	vand.u32 $0x7, v3;
	v4 =	vand.u32 $0xFFFFFFF0, v4  }
0x103: {  	v3 =	vor.u32 v3, v4  }
0x104: {  	v4 =	vperm.xlane v3, v0;
	_ =	sdelay $0x1  }
0x105: {  	v3 =	vperm.xlane v3, v2;
	v4 =	vadd.s32 v1, v4;
	_ =	sdelay $0x1  }
0x106: {  	v3 =	vadd.s32 v1, v3;
	_ =	sdelay $0x2  }
0x107: {  	[tilespmem:s19], [sflag:$0x2] =	stream.indirect_vreg.gather [hbm4b:s4+s29], $0x80, v4, vm0, $0xb8;
	[tilespmem:$0x10E00] =	vst v63  }
0x108: {  	_ = 	snop  }
0x109: {  	[tilespmem:s20], [sflag:$0x2] =	stream.indirect_vreg.gather [hbm4b:s4+s29], $0x80, v3, vm0, $0xb8;
	[tilespmem:$0x10E00] =	vst v63  }
0x10a: {  	v3 =	vld [tilespmem:$0xA90];
	_ =	sdelay $0x4  }
0x10b: {  	v4 =	vshll.u32 v3, $0x1  }
0x10c: {  	v3 =	vand.u32 $0x7, v3;
	v4 =	vand.u32 $0xFFFFFFF0, v4  }
0x10d: {  	v3 =	vor.u32 v3, v4  }
0x10e: {  	v4 =	vperm.xlane v3, v0;
	_ =	sdelay $0x1  }
0x10f: {  	v3 =	vperm.xlane v3, v2;
	v4 =	vadd.s32 v1, v4;
	_ =	sdelay $0x1  }
0x110: {  	v3 =	vadd.s32 v1, v3;
	_ =	sdelay $0x2  }
0x111: {  	[tilespmem:s21], [sflag:$0x2] =	stream.indirect_vreg.gather [hbm4b:s4+s29], $0x80, v4, vm0, $0xb8;
	[tilespmem:$0x10E00] =	vst v63  }
0x112: {  	_ = 	snop  }
0x113: {  	[tilespmem:s22], [sflag:$0x2] =	stream.indirect_vreg.gather [hbm4b:s4+s29], $0x80, v3, vm0, $0xb8;
	[tilespmem:$0x10E00] =	vst v63  }
0x114: {  	v3 =	vld [tilespmem:$0xAA0];
	_ =	sdelay $0x4  }
0x115: {  	v4 =	vshll.u32 v3, $0x1  }
0x116: {  	v3 =	vand.u32 $0x7, v3;
	v4 =	vand.u32 $0xFFFFFFF0, v4  }
0x117: {  	v3 =	vor.u32 v3, v4  }
0x118: {  	v4 =	vperm.xlane v3, v0;
	_ =	sdelay $0x1  }
0x119: {  	v3 =	vperm.xlane v3, v2;
	v4 =	vadd.s32 v1, v4;
	_ =	sdelay $0x1  }
0x11a: {  	v3 =	vadd.s32 v1, v3;
	_ =	sdelay $0x2  }
0x11b: {  	[tilespmem:s23], [sflag:$0x2] =	stream.indirect_vreg.gather [hbm4b:s4+s29], $0x80, v4, vm0, $0xb8;
	[tilespmem:$0x10E00] =	vst v63  }
0x11c: {  	_ = 	snop  }
0x11d: {  	[tilespmem:s24], [sflag:$0x2] =	stream.indirect_vreg.gather [hbm4b:s4+s29], $0x80, v3, vm0, $0xb8;
	[tilespmem:$0x10E00] =	vst v63  }
0x11e: {  	v3 =	vld [tilespmem:$0xAB0];
	_ =	sdelay $0x4  }
0x11f: {  	v4 =	vshll.u32 v3, $0x1  }
0x120: {  	v3 =	vand.u32 $0x7, v3;
	v4 =	vand.u32 $0xFFFFFFF0, v4  }
0x121: {  	v3 =	vor.u32 v3, v4  }
0x122: {  	v4 =	vperm.xlane v3, v0;
	_ =	sdelay $0x1  }
0x123: {  	v3 =	vperm.xlane v3, v2;
	v4 =	vadd.s32 v1, v4;
	_ =	sdelay $0x1  }
0x124: {  	v3 =	vadd.s32 v1, v3;
	_ =	sdelay $0x2  }
0x125: {  	[tilespmem:s25], [sflag:$0x2] =	stream.indirect_vreg.gather [hbm4b:s4+s29], $0x80, v4, vm0, $0xb8;
	[tilespmem:$0x10E00] =	vst v63  }
0x126: {  	_ = 	snop  }
0x127: {  	[tilespmem:s26], [sflag:$0x2] =	stream.indirect_vreg.gather [hbm4b:s4+s29], $0x80, v3, vm0, $0xb8;
	[tilespmem:$0x10E00] =	vst v63  }
0x128: {  	s30 =	sand.u32 $0x3800, s29;
	s29 =	sand.u32 $0x380, s29  }
0x129: {  	s29 =	sor.u32 s29, s30  }
0x12a: {  	v10 =	vld [tilespmem:s29+$0x4E00]  }
0x12b: {  	v11 =	vld [tilespmem:s29+$0x4E10]  }
0x12c: {  	v12 =	vld [tilespmem:s29+$0x4E20]  }
0x12d: {  	v13 =	vld [tilespmem:s29+$0x4E30]  }
0x12e: {  	v14 =	vld [tilespmem:s29+$0x4E40]  }
0x12f: {  	v15 =	vld [tilespmem:s29+$0x4E50]  }
0x130: {  	v16 =	vld [tilespmem:s29+$0x4E60]  }
0x131: {  	v17 =	vld [tilespmem:s29+$0x4E70]  }
0x132: {  	v18 =	vld [tilespmem:s29+$0x5200]  }
0x133: {  	v9 =	vld [tilespmem:s29+$0x5210]  }
0x134: {  	v8 =	vld [tilespmem:s29+$0x5220]  }
0x135: {  	v7 =	vld [tilespmem:s29+$0x5230]  }
0x136: {  	v6 =	vld [tilespmem:s29+$0x5240]  }
0x137: {  	v5 =	vld [tilespmem:s29+$0x5250]  }
0x138: {  	v4 =	vld [tilespmem:s29+$0x5260]  }
0x139: {  	v3 =	vld [tilespmem:s29+$0x5270]  }
0x13a: {  	v19 =	vld [tilespmem:s29+$0xE00]  }
0x13b: {  	v20 =	vld [tilespmem:s29+$0xE10]  }
0x13c: {  	v21 =	vld [tilespmem:s29+$0xE20]  }
0x13d: {  	v22 =	vld [tilespmem:s29+$0xE30]  }
0x13e: {  	v23 =	vld [tilespmem:s29+$0xE40]  }
0x13f: {  	v10 =	vmul.f32 v10, v19;
	v19 =	vld [tilespmem:s29+$0xE50]  }
0x140: {  	v61 =	vld [tilespmem:s29+$0xE60];
	v11 =	vmul.f32 v11, v20  }
0x141: {  	v62 =	vld [tilespmem:s29+$0xE70];
	[tilespmem:s29+$0xE00] =	vst v10;
	v10 =	vmul.f32 v12, v21  }
0x142: {  	v63 =	vld [tilespmem:s29+$0x1200];
	[tilespmem:s29+$0xE10] =	vst v11;
	v11 =	vmul.f32 v13, v22  }
0x143: {  	v13 =	vld [tilespmem:s29+$0x1210];
	[tilespmem:s29+$0xE20] =	vst v10;
	v10 =	vmul.f32 v14, v23  }
0x144: {  	v12 =	vld [tilespmem:s29+$0x1220];
	[tilespmem:s29+$0xE30] =	vst v11;
	v11 =	vmul.f32 v15, v19  }
0x145: {  	v14 =	vmul.f32 v16, v61;
	[tilespmem:s29+$0xE40] =	vst v10;
	v10 =	vld [tilespmem:s29+$0x1230]  }
0x146: {  	v16 =	vmul.f32 v17, v62;
	[tilespmem:s29+$0xE50] =	vst v11;
	v11 =	vld [tilespmem:s29+$0x1240]  }
0x147: {  	s31 =	simm.s32 $0x100;
	s30 =	simm.s32 $0x80;
	v15 =	vmul.f32 v18, v63;
	[tilespmem:s29+$0xE60] =	vst v14;
	v14 =	vld [tilespmem:s29+$0x1250]  }
.LBB2_4:
0x148: {  	s0 =	sand.u32 $0x3800, s31;
	s2 =	sand.u32 $0x380, s30;
	p0 =	sne.s32 s31, $0x3F00;
	[tilespmem:s29+$0xE70] =	vst v16;
	v9 =	vmul.f32 v9, v13;
	v13 =	vld [tilespmem:s29+$0x1260]  }
0x149: {  	s0 =	sor.u32 s2, s0;
	[tilespmem:s29+$0x1200] =	vst v15;
	v8 =	vmul.f32 v8, v12;
	v12 =	vld [tilespmem:s29+$0x1270]  }
0x14a: {  	v15 =	vld [tilespmem:s0+$0x4E00];
	[tilespmem:s29+$0x1210] =	vst v9;
	v7 =	vmul.f32 v7, v10  }
0x14b: {  	v10 =	vld [tilespmem:s0+$0x4E10];
	[tilespmem:s29+$0x1220] =	vst v8;
	v6 =	vmul.f32 v6, v11  }
0x14c: {  	v11 =	vld [tilespmem:s0+$0x4E20];
	[tilespmem:s29+$0x1230] =	vst v7;
	v5 =	vmul.f32 v5, v14  }
0x14d: {  	v14 =	vld [tilespmem:s0+$0x4E30];
	[tilespmem:s29+$0x1240] =	vst v6;
	v4 =	vmul.f32 v4, v13  }
0x14e: {  	v13 =	vld [tilespmem:s0+$0x4E40];
	[tilespmem:s29+$0x1250] =	vst v5;
	v3 =	vmul.f32 v3, v12  }
0x14f: {  	v12 =	vld [tilespmem:s0+$0x4E50];
	[tilespmem:s29+$0x1260] =	vst v4  }
0x150: {  	v16 =	vld [tilespmem:s0+$0x4E60];
	[tilespmem:s29+$0x1270] =	vst v3;
	s29 =	smov.u32 s0  }
0x151: {  	v17 =	vld [tilespmem:s29+$0x4E70]  }
0x152: {  	v18 =	vld [tilespmem:s29+$0x5200]  }
0x153: {  	v9 =	vld [tilespmem:s29+$0x5210]  }
0x154: {  	v8 =	vld [tilespmem:s29+$0x5220]  }
0x155: {  	v7 =	vld [tilespmem:s29+$0x5230]  }
0x156: {  	v6 =	vld [tilespmem:s29+$0x5240]  }
0x157: {  	v5 =	vld [tilespmem:s29+$0x5250]  }
0x158: {  	v4 =	vld [tilespmem:s29+$0x5260]  }
0x159: {  	v3 =	vld [tilespmem:s29+$0x5270]  }
0x15a: {  	v19 =	vld [tilespmem:s29+$0xE00]  }
0x15b: {  	v20 =	vld [tilespmem:s29+$0xE10]  }
0x15c: {  	v21 =	vld [tilespmem:s29+$0xE20]  }
0x15d: {  	v22 =	vld [tilespmem:s29+$0xE30]  }
0x15e: {  	v23 =	vld [tilespmem:s29+$0xE40]  }
0x15f: {  	v15 =	vmul.f32 v15, v19;
	v19 =	vld [tilespmem:s29+$0xE50]  }
0x160: {  	v10 =	vmul.f32 v10, v20;
	v20 =	vld [tilespmem:s29+$0xE60]  }
0x161: {  	[tilespmem:s29+$0xE00] =	vst v15;
	v11 =	vmul.f32 v11, v21;
	v15 =	vld [tilespmem:s29+$0xE70]  }
0x162: {  	[tilespmem:s29+$0xE10] =	vst v10;
	v10 =	vmul.f32 v14, v22;
	v14 =	vld [tilespmem:s29+$0x1200]  }
.Ltmp1:
0x163: {  	[tilespmem:s29+$0xE20] =	vst v11;
	v11 =	vmul.f32 v13, v23;
	v13 =	vld [tilespmem:s29+$0x1210];
	(pc) =	sbr.rel @p0 .LBB2_4-.Ltmp1, $4  }
0x164: {  	[tilespmem:s29+$0xE30] =	vst v10;
	v19 =	vmul.f32 v12, v19;
	v12 =	vld [tilespmem:s29+$0x1220]  }
0x165: {  	[tilespmem:s29+$0xE40] =	vst v11;
	v20 =	vmul.f32 v16, v20;
	v10 =	vld [tilespmem:s29+$0x1230]  }
0x166: {  	[tilespmem:s29+$0xE50] =	vst v19;
	v16 =	vmul.f32 v17, v15;
	v11 =	vld [tilespmem:s29+$0x1240]  }
0x167: {  	s30 =	sadd.s32 $0x80, s30;
	s31 =	sadd.s32 $0x100, s31;
	[tilespmem:s29+$0xE60] =	vst v20;
	v15 =	vmul.f32 v18, v14;
	v14 =	vld [tilespmem:s29+$0x1250]  }
0x168: {  	[tilespmem:s29+$0xE70] =	vst v16;
	v9 =	vmul.f32 v9, v13;
	v13 =	vld [tilespmem:s29+$0x1260]  }
0x169: {  	[tilespmem:s29+$0x1200] =	vst v15;
	v8 =	vmul.f32 v8, v12;
	v12 =	vld [tilespmem:s29+$0x1270]  }
0x16a: {  	[tilespmem:s29+$0x1210] =	vst v9;
	v7 =	vmul.f32 v7, v10  }
0x16b: {  	[tilespmem:s29+$0x1220] =	vst v8;
	v6 =	vmul.f32 v6, v11  }
0x16c: {  	[tilespmem:s29+$0x1230] =	vst v7;
	v5 =	vmul.f32 v5, v14  }
0x16d: {  	[tilespmem:s29+$0x1240] =	vst v6;
	v4 =	vmul.f32 v4, v13  }
0x16e: {  	[tilespmem:s29+$0x1250] =	vst v5;
	v3 =	vmul.f32 v3, v12  }
0x16f: {  	[tilespmem:s29+$0x1260] =	vst v4  }
0x170: {  	s0 =	rddreg [dreg:$0x5];
	[tilespmem:s29+$0x1270] =	vst v3;
	s29 =	simm.s32 $0x0  }
0x171: {  	[hbm4b:s0+s29] =	stream.linear.scatter [tilespmem:s18], [sflag:$0x4], $0x4000, $0x38;
	[tilespmem:$0x10E00] =	vst v63  }
0x172: {  	_ =	swait.ge [sflag:s15], $0x4000  }
0x173: {  	[sflag:s15] =	ssyncset.done $0x0  }
0x174: {  	[sflag:s15] =	ssyncadd.s32 $0xFFFFC000  }
0x175: {  	_ =	swait.ge [sflag:s5], $0x4000  }
0x176: {  	[sflag:s5] =	ssyncset.done $0x0  }
0x177: {  	[sflag:s5] =	ssyncadd.s32 $0xFFFFC000  }
0x178: {  	_ =	swait.ge [sflag:s6], $0x4000  }
0x179: {  	[sflag:s6] =	ssyncset.done $0x0  }
0x17a: {  	[sflag:s6] =	ssyncadd.s32 $0xFFFFC000  }
0x17b: {  	v3 =	vld [tilespmem:$0x700];
	_ =	sdelay $0x4  }
0x17c: {  	v4 =	vshll.u32 v3, $0x1  }
0x17d: {  	v3 =	vand.u32 $0x7, v3;
	v4 =	vand.u32 $0xFFFFFFF0, v4  }
0x17e: {  	v3 =	vor.u32 v3, v4  }
0x17f: {  	v4 =	vperm.xlane v3, v0;
	_ =	sdelay $0x1  }
0x180: {  	v3 =	vperm.xlane v3, v2;
	v4 =	vadd.s32 v1, v4;
	_ =	sdelay $0x1  }
0x181: {  	v3 =	vadd.s32 v1, v3;
	_ =	sdelay $0x2  }
0x182: {  	[tilespmem:s18], [sflag:$0x1] =	stream.indirect_vreg.gather [hbm4b:s4+s29], $0x80, v4, vm0, $0xb8;
	[tilespmem:$0x10E00] =	vst v63  }
0x183: {  	s2 =	simm.s32 $0x1600  }
0x184: {  	[tilespmem:s2], [sflag:$0x1] =	stream.indirect_vreg.gather [hbm4b:s4+s29], $0x80, v3, vm0, $0xb8;
	[tilespmem:$0x10E00] =	vst v63  }
0x185: {  	v3 =	vld [tilespmem:$0x710];
	_ =	sdelay $0x4  }
0x186: {  	v4 =	vshll.u32 v3, $0x1  }
0x187: {  	v3 =	vand.u32 $0x7, v3;
	v4 =	vand.u32 $0xFFFFFFF0, v4  }
0x188: {  	v3 =	vor.u32 v3, v4  }
0x189: {  	v4 =	vperm.xlane v3, v0;
	_ =	sdelay $0x1  }
0x18a: {  	v3 =	vperm.xlane v3, v2;
	v4 =	vadd.s32 v1, v4;
	_ =	sdelay $0x1  }
0x18b: {  	v3 =	vadd.s32 v1, v3;
	_ =	sdelay $0x1  }
0x18c: {  	s2 =	simm.s32 $0x1E00  }
0x18d: {  	[tilespmem:s2], [sflag:$0x1] =	stream.indirect_vreg.gather [hbm4b:s4+s29], $0x80, v4, vm0, $0xb8;
	[tilespmem:$0x10E00] =	vst v63  }
0x18e: {  	s2 =	simm.s32 $0x2600  }
0x18f: {  	[tilespmem:s2], [sflag:$0x1] =	stream.indirect_vreg.gather [hbm4b:s4+s29], $0x80, v3, vm0, $0xb8;
	[tilespmem:$0x10E00] =	vst v63  }
0x190: {  	v3 =	vld [tilespmem:$0x720];
	_ =	sdelay $0x4  }
0x191: {  	v4 =	vshll.u32 v3, $0x1  }
0x192: {  	v3 =	vand.u32 $0x7, v3;
	v4 =	vand.u32 $0xFFFFFFF0, v4  }
0x193: {  	v3 =	vor.u32 v3, v4  }
0x194: {  	v4 =	vperm.xlane v3, v0;
	_ =	sdelay $0x1  }
0x195: {  	v3 =	vperm.xlane v3, v2;
	v4 =	vadd.s32 v1, v4;
	_ =	sdelay $0x1  }
0x196: {  	v3 =	vadd.s32 v1, v3;
	_ =	sdelay $0x1  }
0x197: {  	s2 =	simm.s32 $0x2E00  }
0x198: {  	[tilespmem:s2], [sflag:$0x1] =	stream.indirect_vreg.gather [hbm4b:s4+s29], $0x80, v4, vm0, $0xb8;
	[tilespmem:$0x10E00] =	vst v63  }
0x199: {  	s2 =	simm.s32 $0x3600  }
0x19a: {  	[tilespmem:s2], [sflag:$0x1] =	stream.indirect_vreg.gather [hbm4b:s4+s29], $0x80, v3, vm0, $0xb8;
	[tilespmem:$0x10E00] =	vst v63  }
0x19b: {  	v3 =	vld [tilespmem:$0x730];
	_ =	sdelay $0x4  }
0x19c: {  	v4 =	vshll.u32 v3, $0x1  }
0x19d: {  	v3 =	vand.u32 $0x7, v3;
	v4 =	vand.u32 $0xFFFFFFF0, v4  }
0x19e: {  	v3 =	vor.u32 v3, v4  }
0x19f: {  	v4 =	vperm.xlane v3, v0;
	_ =	sdelay $0x1  }
0x1a0: {  	v3 =	vperm.xlane v3, v2;
	v4 =	vadd.s32 v1, v4;
	_ =	sdelay $0x1  }
0x1a1: {  	v3 =	vadd.s32 v1, v3;
	_ =	sdelay $0x1  }
0x1a2: {  	s2 =	simm.s32 $0x3E00  }
0x1a3: {  	[tilespmem:s2], [sflag:$0x1] =	stream.indirect_vreg.gather [hbm4b:s4+s29], $0x80, v4, vm0, $0xb8;
	[tilespmem:$0x10E00] =	vst v63  }
0x1a4: {  	s2 =	simm.s32 $0x4600  }
0x1a5: {  	[tilespmem:s2], [sflag:$0x1] =	stream.indirect_vreg.gather [hbm4b:s4+s29], $0x80, v3, vm0, $0xb8;
	[tilespmem:$0x10E00] =	vst v63  }
0x1a6: {  	v3 =	vld [tilespmem:$0xB00];
	_ =	sdelay $0x4  }
0x1a7: {  	v4 =	vshll.u32 v3, $0x1  }
0x1a8: {  	v3 =	vand.u32 $0x7, v3;
	v4 =	vand.u32 $0xFFFFFFF0, v4  }
0x1a9: {  	v3 =	vor.u32 v3, v4  }
0x1aa: {  	v4 =	vperm.xlane v3, v0;
	_ =	sdelay $0x1  }
0x1ab: {  	v3 =	vperm.xlane v3, v2;
	v4 =	vadd.s32 v1, v4;
	_ =	sdelay $0x1  }
0x1ac: {  	v3 =	vadd.s32 v1, v3;
	_ =	sdelay $0x1  }
0x1ad: {  	s2 =	simm.s32 $0x4E00  }
0x1ae: {  	[tilespmem:s2], [sflag:$0x2] =	stream.indirect_vreg.gather [hbm4b:s4+s29], $0x80, v4, vm0, $0xb8;
	[tilespmem:$0x10E00] =	vst v63  }
0x1af: {  	s2 =	simm.s32 $0x5600  }
0x1b0: {  	[tilespmem:s2], [sflag:$0x2] =	stream.indirect_vreg.gather [hbm4b:s4+s29], $0x80, v3, vm0, $0xb8;
	[tilespmem:$0x10E00] =	vst v63  }
0x1b1: {  	v3 =	vld [tilespmem:$0xB10];
	_ =	sdelay $0x4  }
0x1b2: {  	v4 =	vshll.u32 v3, $0x1  }
0x1b3: {  	v3 =	vand.u32 $0x7, v3;
	v4 =	vand.u32 $0xFFFFFFF0, v4  }
0x1b4: {  	v3 =	vor.u32 v3, v4  }
0x1b5: {  	v4 =	vperm.xlane v3, v0;
	_ =	sdelay $0x1  }
0x1b6: {  	v3 =	vperm.xlane v3, v2;
	v4 =	vadd.s32 v1, v4;
	_ =	sdelay $0x1  }
0x1b7: {  	v3 =	vadd.s32 v1, v3;
	_ =	sdelay $0x1  }
0x1b8: {  	s2 =	simm.s32 $0x5E00  }
0x1b9: {  	[tilespmem:s2], [sflag:$0x2] =	stream.indirect_vreg.gather [hbm4b:s4+s29], $0x80, v4, vm0, $0xb8;
	[tilespmem:$0x10E00] =	vst v63  }
0x1ba: {  	s2 =	simm.s32 $0x6600  }
0x1bb: {  	[tilespmem:s2], [sflag:$0x2] =	stream.indirect_vreg.gather [hbm4b:s4+s29], $0x80, v3, vm0, $0xb8;
	[tilespmem:$0x10E00] =	vst v63  }
0x1bc: {  	v3 =	vld [tilespmem:$0xB20];
	_ =	sdelay $0x4  }
0x1bd: {  	v4 =	vshll.u32 v3, $0x1  }
0x1be: {  	v3 =	vand.u32 $0x7, v3;
	v4 =	vand.u32 $0xFFFFFFF0, v4  }
0x1bf: {  	v3 =	vor.u32 v3, v4  }
0x1c0: {  	v4 =	vperm.xlane v3, v0;
	_ =	sdelay $0x1  }
0x1c1: {  	v3 =	vperm.xlane v3, v2;
	v4 =	vadd.s32 v1, v4;
	_ =	sdelay $0x1  }
0x1c2: {  	v3 =	vadd.s32 v1, v3;
	_ =	sdelay $0x1  }
0x1c3: {  	s2 =	simm.s32 $0x6E00  }
0x1c4: {  	[tilespmem:s2], [sflag:$0x2] =	stream.indirect_vreg.gather [hbm4b:s4+s29], $0x80, v4, vm0, $0xb8;
	[tilespmem:$0x10E00] =	vst v63  }
0x1c5: {  	s2 =	simm.s32 $0x7600  }
0x1c6: {  	[tilespmem:s2], [sflag:$0x2] =	stream.indirect_vreg.gather [hbm4b:s4+s29], $0x80, v3, vm0, $0xb8;
	[tilespmem:$0x10E00] =	vst v63  }
0x1c7: {  	v3 =	vld [tilespmem:$0xB30];
	_ =	sdelay $0x4  }
0x1c8: {  	v4 =	vshll.u32 v3, $0x1  }
0x1c9: {  	v3 =	vand.u32 $0x7, v3;
	v4 =	vand.u32 $0xFFFFFFF0, v4  }
0x1ca: {  	v3 =	vor.u32 v3, v4  }
0x1cb: {  	v4 =	vperm.xlane v3, v0;
	_ =	sdelay $0x1  }
0x1cc: {  	v3 =	vperm.xlane v3, v2;
	v4 =	vadd.s32 v1, v4;
	_ =	sdelay $0x1  }
0x1cd: {  	v3 =	vadd.s32 v1, v3;
	_ =	sdelay $0x1  }
0x1ce: {  	s2 =	simm.s32 $0x7E00  }
0x1cf: {  	[tilespmem:s2], [sflag:$0x2] =	stream.indirect_vreg.gather [hbm4b:s4+s29], $0x80, v4, vm0, $0xb8;
	[tilespmem:$0x10E00] =	vst v63  }
0x1d0: {  	s0 =	sand.u32 $0x3800, s29;
	s2 =	sand.u32 $0x380, s29  }
0x1d1: {  	[tilespmem:s3], [sflag:$0x2] =	stream.indirect_vreg.gather [hbm4b:s4+s29], $0x80, v3, vm0, $0xb8;
	[tilespmem:$0x10E00] =	vst v63  }
0x1d2: {  	s29 =	sor.u32 s2, s0  }
0x1d3: {  	v10 =	vld [tilespmem:s29+$0xCE00]  }
0x1d4: {  	v11 =	vld [tilespmem:s29+$0xCE10]  }
0x1d5: {  	v12 =	vld [tilespmem:s29+$0xCE20]  }
0x1d6: {  	v13 =	vld [tilespmem:s29+$0xCE30]  }
0x1d7: {  	v14 =	vld [tilespmem:s29+$0xCE40]  }
0x1d8: {  	v15 =	vld [tilespmem:s29+$0xCE50]  }
0x1d9: {  	v16 =	vld [tilespmem:s29+$0xCE60]  }
0x1da: {  	v17 =	vld [tilespmem:s29+$0xCE70]  }
0x1db: {  	v18 =	vld [tilespmem:s29+$0xD200]  }
0x1dc: {  	v9 =	vld [tilespmem:s29+$0xD210]  }
0x1dd: {  	v8 =	vld [tilespmem:s29+$0xD220]  }
0x1de: {  	v7 =	vld [tilespmem:s29+$0xD230]  }
0x1df: {  	v6 =	vld [tilespmem:s29+$0xD240]  }
0x1e0: {  	v5 =	vld [tilespmem:s29+$0xD250]  }
0x1e1: {  	v4 =	vld [tilespmem:s29+$0xD260]  }
0x1e2: {  	v3 =	vld [tilespmem:s29+$0xD270]  }
0x1e3: {  	v19 =	vld [tilespmem:s29+$0x8E00]  }
0x1e4: {  	v20 =	vld [tilespmem:s29+$0x8E10]  }
0x1e5: {  	v21 =	vld [tilespmem:s29+$0x8E20]  }
0x1e6: {  	v22 =	vld [tilespmem:s29+$0x8E30]  }
0x1e7: {  	v23 =	vld [tilespmem:s29+$0x8E40]  }
0x1e8: {  	v10 =	vmul.f32 v10, v19;
	v19 =	vld [tilespmem:s29+$0x8E50]  }
0x1e9: {  	v61 =	vld [tilespmem:s29+$0x8E60];
	v11 =	vmul.f32 v11, v20  }
0x1ea: {  	v62 =	vld [tilespmem:s29+$0x8E70];
	[tilespmem:s29+$0x8E00] =	vst v10;
	v10 =	vmul.f32 v12, v21  }
0x1eb: {  	v63 =	vld [tilespmem:s29+$0x9200];
	[tilespmem:s29+$0x8E10] =	vst v11;
	v11 =	vmul.f32 v13, v22  }
0x1ec: {  	v13 =	vld [tilespmem:s29+$0x9210];
	[tilespmem:s29+$0x8E20] =	vst v10;
	v10 =	vmul.f32 v14, v23  }
0x1ed: {  	v12 =	vld [tilespmem:s29+$0x9220];
	[tilespmem:s29+$0x8E30] =	vst v11;
	v11 =	vmul.f32 v15, v19  }
0x1ee: {  	v14 =	vmul.f32 v16, v61;
	[tilespmem:s29+$0x8E40] =	vst v10;
	v10 =	vld [tilespmem:s29+$0x9230]  }
0x1ef: {  	v16 =	vmul.f32 v17, v62;
	[tilespmem:s29+$0x8E50] =	vst v11;
	v11 =	vld [tilespmem:s29+$0x9240]  }
0x1f0: {  	s30 =	simm.s32 $0x80;
	s31 =	simm.s32 $0x100;
	v15 =	vmul.f32 v18, v63;
	[tilespmem:s29+$0x8E60] =	vst v14;
	v14 =	vld [tilespmem:s29+$0x9250]  }
.LBB2_6:
0x1f1: {  	s0 =	sand.u32 $0x3800, s31;
	s2 =	sand.u32 $0x380, s30;
	p0 =	sne.s32 s31, $0x3F00;
	[tilespmem:s29+$0x8E70] =	vst v16;
	v9 =	vmul.f32 v9, v13;
	v13 =	vld [tilespmem:s29+$0x9260]  }
0x1f2: {  	s0 =	sor.u32 s2, s0;
	[tilespmem:s29+$0x9200] =	vst v15;
	v8 =	vmul.f32 v8, v12;
	v12 =	vld [tilespmem:s29+$0x9270]  }
0x1f3: {  	v15 =	vld [tilespmem:s0+$0xCE00];
	[tilespmem:s29+$0x9210] =	vst v9;
	v7 =	vmul.f32 v7, v10  }
0x1f4: {  	v10 =	vld [tilespmem:s0+$0xCE10];
	[tilespmem:s29+$0x9220] =	vst v8;
	v6 =	vmul.f32 v6, v11  }
0x1f5: {  	v11 =	vld [tilespmem:s0+$0xCE20];
	[tilespmem:s29+$0x9230] =	vst v7;
	v5 =	vmul.f32 v5, v14  }
0x1f6: {  	v14 =	vld [tilespmem:s0+$0xCE30];
	[tilespmem:s29+$0x9240] =	vst v6;
	v4 =	vmul.f32 v4, v13  }
0x1f7: {  	v13 =	vld [tilespmem:s0+$0xCE40];
	[tilespmem:s29+$0x9250] =	vst v5;
	v3 =	vmul.f32 v3, v12  }
0x1f8: {  	v12 =	vld [tilespmem:s0+$0xCE50];
	[tilespmem:s29+$0x9260] =	vst v4  }
0x1f9: {  	v16 =	vld [tilespmem:s0+$0xCE60];
	[tilespmem:s29+$0x9270] =	vst v3;
	s29 =	smov.u32 s0  }
0x1fa: {  	v17 =	vld [tilespmem:s29+$0xCE70]  }
0x1fb: {  	v18 =	vld [tilespmem:s29+$0xD200]  }
0x1fc: {  	v9 =	vld [tilespmem:s29+$0xD210]  }
0x1fd: {  	v8 =	vld [tilespmem:s29+$0xD220]  }
0x1fe: {  	v7 =	vld [tilespmem:s29+$0xD230]  }
0x1ff: {  	v6 =	vld [tilespmem:s29+$0xD240]  }
0x200: {  	v5 =	vld [tilespmem:s29+$0xD250]  }
0x201: {  	v4 =	vld [tilespmem:s29+$0xD260]  }
0x202: {  	v3 =	vld [tilespmem:s29+$0xD270]  }
0x203: {  	v19 =	vld [tilespmem:s29+$0x8E00]  }
0x204: {  	v20 =	vld [tilespmem:s29+$0x8E10]  }
0x205: {  	v21 =	vld [tilespmem:s29+$0x8E20]  }
0x206: {  	v22 =	vld [tilespmem:s29+$0x8E30]  }
0x207: {  	v23 =	vld [tilespmem:s29+$0x8E40]  }
0x208: {  	v15 =	vmul.f32 v15, v19;
	v19 =	vld [tilespmem:s29+$0x8E50]  }
0x209: {  	v10 =	vmul.f32 v10, v20;
	v20 =	vld [tilespmem:s29+$0x8E60]  }
0x20a: {  	[tilespmem:s29+$0x8E00] =	vst v15;
	v11 =	vmul.f32 v11, v21;
	v15 =	vld [tilespmem:s29+$0x8E70]  }
0x20b: {  	[tilespmem:s29+$0x8E10] =	vst v10;
	v10 =	vmul.f32 v14, v22;
	v14 =	vld [tilespmem:s29+$0x9200]  }
.Ltmp2:
0x20c: {  	[tilespmem:s29+$0x8E20] =	vst v11;
	v11 =	vmul.f32 v13, v23;
	v13 =	vld [tilespmem:s29+$0x9210];
	(pc) =	sbr.rel @p0 .LBB2_6-.Ltmp2, $4  }
0x20d: {  	[tilespmem:s29+$0x8E30] =	vst v10;
	v19 =	vmul.f32 v12, v19;
	v12 =	vld [tilespmem:s29+$0x9220]  }
0x20e: {  	[tilespmem:s29+$0x8E40] =	vst v11;
	v20 =	vmul.f32 v16, v20;
	v10 =	vld [tilespmem:s29+$0x9230]  }
0x20f: {  	[tilespmem:s29+$0x8E50] =	vst v19;
	v16 =	vmul.f32 v17, v15;
	v11 =	vld [tilespmem:s29+$0x9240]  }
0x210: {  	s30 =	sadd.s32 $0x80, s30;
	s31 =	sadd.s32 $0x100, s31;
	[tilespmem:s29+$0x8E60] =	vst v20;
	v15 =	vmul.f32 v18, v14;
	v14 =	vld [tilespmem:s29+$0x9250]  }
0x211: {  	[tilespmem:s29+$0x8E70] =	vst v16;
	v9 =	vmul.f32 v9, v13;
	v13 =	vld [tilespmem:s29+$0x9260]  }
0x212: {  	[tilespmem:s29+$0x9200] =	vst v15;
	v8 =	vmul.f32 v8, v12;
	v12 =	vld [tilespmem:s29+$0x9270]  }
0x213: {  	[tilespmem:s29+$0x9210] =	vst v9;
	v7 =	vmul.f32 v7, v10  }
0x214: {  	[tilespmem:s29+$0x9220] =	vst v8;
	v6 =	vmul.f32 v6, v11  }
0x215: {  	[tilespmem:s29+$0x9230] =	vst v7;
	v5 =	vmul.f32 v5, v14  }
0x216: {  	[tilespmem:s29+$0x9240] =	vst v6;
	v4 =	vmul.f32 v4, v13  }
0x217: {  	[tilespmem:s29+$0x9250] =	vst v5;
	v3 =	vmul.f32 v3, v12  }
0x218: {  	[tilespmem:s29+$0x9260] =	vst v4  }
0x219: {  	s0 =	rddreg [dreg:$0x6];
	[tilespmem:s29+$0x9270] =	vst v3;
	s29 =	simm.s32 $0x0  }
0x21a: {  	[hbm4b:s0+s29] =	stream.linear.scatter [tilespmem:s7], [sflag:$0x4], $0x4000, $0x38;
	[tilespmem:$0x10E00] =	vst v63  }
0x21b: {  	_ =	swait.ge [sflag:s15], $0x4000  }
0x21c: {  	[sflag:s15] =	ssyncset.done $0x0  }
0x21d: {  	[sflag:s15] =	ssyncadd.s32 $0xFFFFC000  }
0x21e: {  	_ =	swait.ge [sflag:s5], $0x4000  }
0x21f: {  	[sflag:s5] =	ssyncset.done $0x0  }
0x220: {  	[sflag:s5] =	ssyncadd.s32 $0xFFFFC000  }
0x221: {  	_ =	swait.ge [sflag:s6], $0x4000  }
0x222: {  	[sflag:s6] =	ssyncset.done $0x0  }
0x223: {  	[sflag:s6] =	ssyncadd.s32 $0xFFFFC000  }
0x224: {  	v3 =	vld [tilespmem:$0x780];
	_ =	sdelay $0x4  }
0x225: {  	v4 =	vshll.u32 v3, $0x1  }
0x226: {  	v3 =	vand.u32 $0x7, v3;
	v4 =	vand.u32 $0xFFFFFFF0, v4  }
0x227: {  	v3 =	vor.u32 v3, v4  }
0x228: {  	v4 =	vperm.xlane v3, v0;
	_ =	sdelay $0x1  }
0x229: {  	v3 =	vperm.xlane v3, v2;
	v4 =	vadd.s32 v1, v4;
	_ =	sdelay $0x1  }
0x22a: {  	v3 =	vadd.s32 v1, v3;
	_ =	sdelay $0x2  }
0x22b: {  	[tilespmem:s7], [sflag:$0x1] =	stream.indirect_vreg.gather [hbm4b:s4+s29], $0x80, v4, vm0, $0xb8;
	[tilespmem:$0x10E00] =	vst v63  }
0x22c: {  	_ = 	snop  }
0x22d: {  	[tilespmem:s8], [sflag:$0x1] =	stream.indirect_vreg.gather [hbm4b:s4+s29], $0x80, v3, vm0, $0xb8;
	[tilespmem:$0x10E00] =	vst v63  }
0x22e: {  	v3 =	vld [tilespmem:$0x790];
	_ =	sdelay $0x4  }
0x22f: {  	v4 =	vshll.u32 v3, $0x1  }
0x230: {  	v3 =	vand.u32 $0x7, v3;
	v4 =	vand.u32 $0xFFFFFFF0, v4  }
0x231: {  	v3 =	vor.u32 v3, v4  }
0x232: {  	v4 =	vperm.xlane v3, v0;
	_ =	sdelay $0x1  }
0x233: {  	v3 =	vperm.xlane v3, v2;
	v4 =	vadd.s32 v1, v4;
	_ =	sdelay $0x1  }
0x234: {  	v3 =	vadd.s32 v1, v3;
	_ =	sdelay $0x2  }
0x235: {  	[tilespmem:s9], [sflag:$0x1] =	stream.indirect_vreg.gather [hbm4b:s4+s29], $0x80, v4, vm0, $0xb8;
	[tilespmem:$0x10E00] =	vst v63  }
0x236: {  	_ = 	snop  }
0x237: {  	[tilespmem:s10], [sflag:$0x1] =	stream.indirect_vreg.gather [hbm4b:s4+s29], $0x80, v3, vm0, $0xb8;
	[tilespmem:$0x10E00] =	vst v63  }
0x238: {  	v3 =	vld [tilespmem:$0x7A0];
	_ =	sdelay $0x4  }
0x239: {  	v4 =	vshll.u32 v3, $0x1  }
0x23a: {  	v3 =	vand.u32 $0x7, v3;
	v4 =	vand.u32 $0xFFFFFFF0, v4  }
0x23b: {  	v3 =	vor.u32 v3, v4  }
0x23c: {  	v4 =	vperm.xlane v3, v0;
	_ =	sdelay $0x1  }
0x23d: {  	v3 =	vperm.xlane v3, v2;
	v4 =	vadd.s32 v1, v4;
	_ =	sdelay $0x1  }
0x23e: {  	v3 =	vadd.s32 v1, v3;
	_ =	sdelay $0x2  }
0x23f: {  	[tilespmem:s11], [sflag:$0x1] =	stream.indirect_vreg.gather [hbm4b:s4+s29], $0x80, v4, vm0, $0xb8;
	[tilespmem:$0x10E00] =	vst v63  }
0x240: {  	_ = 	snop  }
0x241: {  	[tilespmem:s12], [sflag:$0x1] =	stream.indirect_vreg.gather [hbm4b:s4+s29], $0x80, v3, vm0, $0xb8;
	[tilespmem:$0x10E00] =	vst v63  }
0x242: {  	v3 =	vld [tilespmem:$0x7B0];
	_ =	sdelay $0x4  }
0x243: {  	v4 =	vshll.u32 v3, $0x1  }
0x244: {  	v3 =	vand.u32 $0x7, v3;
	v4 =	vand.u32 $0xFFFFFFF0, v4  }
0x245: {  	v3 =	vor.u32 v3, v4  }
0x246: {  	v4 =	vperm.xlane v3, v0;
	_ =	sdelay $0x1  }
0x247: {  	v3 =	vperm.xlane v3, v2;
	v4 =	vadd.s32 v1, v4;
	_ =	sdelay $0x1  }
0x248: {  	v3 =	vadd.s32 v1, v3;
	_ =	sdelay $0x2  }
0x249: {  	[tilespmem:s13], [sflag:$0x1] =	stream.indirect_vreg.gather [hbm4b:s4+s29], $0x80, v4, vm0, $0xb8;
	[tilespmem:$0x10E00] =	vst v63  }
0x24a: {  	_ = 	snop  }
0x24b: {  	[tilespmem:s14], [sflag:$0x1] =	stream.indirect_vreg.gather [hbm4b:s4+s29], $0x80, v3, vm0, $0xb8;
	[tilespmem:$0x10E00] =	vst v63  }
0x24c: {  	v3 =	vld [tilespmem:$0xB80];
	_ =	sdelay $0x4  }
0x24d: {  	v4 =	vshll.u32 v3, $0x1  }
0x24e: {  	v3 =	vand.u32 $0x7, v3;
	v4 =	vand.u32 $0xFFFFFFF0, v4  }
0x24f: {  	v3 =	vor.u32 v3, v4  }
0x250: {  	v4 =	vperm.xlane v3, v0;
	_ =	sdelay $0x1  }
0x251: {  	v3 =	vperm.xlane v3, v2;
	v4 =	vadd.s32 v1, v4;
	_ =	sdelay $0x1  }
0x252: {  	v3 =	vadd.s32 v1, v3;
	_ =	sdelay $0x2  }
0x253: {  	[tilespmem:s19], [sflag:$0x2] =	stream.indirect_vreg.gather [hbm4b:s4+s29], $0x80, v4, vm0, $0xb8;
	[tilespmem:$0x10E00] =	vst v63  }
0x254: {  	_ = 	snop  }
0x255: {  	[tilespmem:s20], [sflag:$0x2] =	stream.indirect_vreg.gather [hbm4b:s4+s29], $0x80, v3, vm0, $0xb8;
	[tilespmem:$0x10E00] =	vst v63  }
0x256: {  	v3 =	vld [tilespmem:$0xB90];
	_ =	sdelay $0x4  }
0x257: {  	v4 =	vshll.u32 v3, $0x1  }
0x258: {  	v3 =	vand.u32 $0x7, v3;
	v4 =	vand.u32 $0xFFFFFFF0, v4  }
0x259: {  	v3 =	vor.u32 v3, v4  }
0x25a: {  	v4 =	vperm.xlane v3, v0;
	_ =	sdelay $0x1  }
0x25b: {  	v3 =	vperm.xlane v3, v2;
	v4 =	vadd.s32 v1, v4;
	_ =	sdelay $0x1  }
0x25c: {  	v3 =	vadd.s32 v1, v3;
	_ =	sdelay $0x2  }
0x25d: {  	[tilespmem:s21], [sflag:$0x2] =	stream.indirect_vreg.gather [hbm4b:s4+s29], $0x80, v4, vm0, $0xb8;
	[tilespmem:$0x10E00] =	vst v63  }
0x25e: {  	_ = 	snop  }
0x25f: {  	[tilespmem:s22], [sflag:$0x2] =	stream.indirect_vreg.gather [hbm4b:s4+s29], $0x80, v3, vm0, $0xb8;
	[tilespmem:$0x10E00] =	vst v63  }
0x260: {  	v3 =	vld [tilespmem:$0xBA0];
	_ =	sdelay $0x4  }
0x261: {  	v4 =	vshll.u32 v3, $0x1  }
0x262: {  	v3 =	vand.u32 $0x7, v3;
	v4 =	vand.u32 $0xFFFFFFF0, v4  }
0x263: {  	v3 =	vor.u32 v3, v4  }
0x264: {  	v4 =	vperm.xlane v3, v0;
	_ =	sdelay $0x1  }
0x265: {  	v3 =	vperm.xlane v3, v2;
	v4 =	vadd.s32 v1, v4;
	_ =	sdelay $0x1  }
0x266: {  	v3 =	vadd.s32 v1, v3;
	_ =	sdelay $0x2  }
0x267: {  	[tilespmem:s23], [sflag:$0x2] =	stream.indirect_vreg.gather [hbm4b:s4+s29], $0x80, v4, vm0, $0xb8;
	[tilespmem:$0x10E00] =	vst v63  }
0x268: {  	_ = 	snop  }
0x269: {  	[tilespmem:s24], [sflag:$0x2] =	stream.indirect_vreg.gather [hbm4b:s4+s29], $0x80, v3, vm0, $0xb8;
	[tilespmem:$0x10E00] =	vst v63  }
0x26a: {  	v3 =	vld [tilespmem:$0xBB0];
	_ =	sdelay $0x4  }
0x26b: {  	v4 =	vshll.u32 v3, $0x1  }
0x26c: {  	v3 =	vand.u32 $0x7, v3;
	v4 =	vand.u32 $0xFFFFFFF0, v4  }
0x26d: {  	v3 =	vor.u32 v3, v4  }
0x26e: {  	v4 =	vperm.xlane v3, v0;
	_ =	sdelay $0x1  }
0x26f: {  	v3 =	vperm.xlane v3, v2;
	v4 =	vadd.s32 v1, v4;
	_ =	sdelay $0x1  }
0x270: {  	v3 =	vadd.s32 v1, v3;
	_ =	sdelay $0x2  }
0x271: {  	[tilespmem:s25], [sflag:$0x2] =	stream.indirect_vreg.gather [hbm4b:s4+s29], $0x80, v4, vm0, $0xb8;
	[tilespmem:$0x10E00] =	vst v63  }
0x272: {  	s0 =	sand.u32 $0x3800, s29;
	s2 =	sand.u32 $0x380, s29  }
0x273: {  	[tilespmem:s26], [sflag:$0x2] =	stream.indirect_vreg.gather [hbm4b:s4+s29], $0x80, v3, vm0, $0xb8;
	[tilespmem:$0x10E00] =	vst v63  }
0x274: {  	s29 =	sor.u32 s2, s0  }
0x275: {  	v10 =	vld [tilespmem:s29+$0x4E00]  }
0x276: {  	v11 =	vld [tilespmem:s29+$0x4E10]  }
0x277: {  	v12 =	vld [tilespmem:s29+$0x4E20]  }
0x278: {  	v13 =	vld [tilespmem:s29+$0x4E30]  }
0x279: {  	v14 =	vld [tilespmem:s29+$0x4E40]  }
0x27a: {  	v15 =	vld [tilespmem:s29+$0x4E50]  }
0x27b: {  	v16 =	vld [tilespmem:s29+$0x4E60]  }
0x27c: {  	v17 =	vld [tilespmem:s29+$0x4E70]  }
0x27d: {  	v18 =	vld [tilespmem:s29+$0x5200]  }
0x27e: {  	v9 =	vld [tilespmem:s29+$0x5210]  }
0x27f: {  	v8 =	vld [tilespmem:s29+$0x5220]  }
0x280: {  	v7 =	vld [tilespmem:s29+$0x5230]  }
0x281: {  	v6 =	vld [tilespmem:s29+$0x5240]  }
0x282: {  	v5 =	vld [tilespmem:s29+$0x5250]  }
0x283: {  	v4 =	vld [tilespmem:s29+$0x5260]  }
0x284: {  	v3 =	vld [tilespmem:s29+$0x5270]  }
0x285: {  	v19 =	vld [tilespmem:s29+$0xE00]  }
0x286: {  	v20 =	vld [tilespmem:s29+$0xE10]  }
0x287: {  	v21 =	vld [tilespmem:s29+$0xE20]  }
0x288: {  	v22 =	vld [tilespmem:s29+$0xE30]  }
0x289: {  	v23 =	vld [tilespmem:s29+$0xE40]  }
0x28a: {  	v10 =	vmul.f32 v10, v19;
	v19 =	vld [tilespmem:s29+$0xE50]  }
0x28b: {  	v61 =	vld [tilespmem:s29+$0xE60];
	v11 =	vmul.f32 v11, v20  }
0x28c: {  	v62 =	vld [tilespmem:s29+$0xE70];
	[tilespmem:s29+$0xE00] =	vst v10;
	v10 =	vmul.f32 v12, v21  }
0x28d: {  	v63 =	vld [tilespmem:s29+$0x1200];
	[tilespmem:s29+$0xE10] =	vst v11;
	v11 =	vmul.f32 v13, v22  }
0x28e: {  	v13 =	vld [tilespmem:s29+$0x1210];
	[tilespmem:s29+$0xE20] =	vst v10;
	v10 =	vmul.f32 v14, v23  }
0x28f: {  	v12 =	vld [tilespmem:s29+$0x1220];
	[tilespmem:s29+$0xE30] =	vst v11;
	v11 =	vmul.f32 v15, v19  }
0x290: {  	v14 =	vmul.f32 v16, v61;
	[tilespmem:s29+$0xE40] =	vst v10;
	v10 =	vld [tilespmem:s29+$0x1230]  }
0x291: {  	v16 =	vmul.f32 v17, v62;
	[tilespmem:s29+$0xE50] =	vst v11;
	v11 =	vld [tilespmem:s29+$0x1240]  }
0x292: {  	s30 =	simm.s32 $0x80;
	s31 =	simm.s32 $0x100;
	v15 =	vmul.f32 v18, v63;
	[tilespmem:s29+$0xE60] =	vst v14;
	v14 =	vld [tilespmem:s29+$0x1250]  }
.LBB2_8:
0x293: {  	s0 =	sand.u32 $0x3800, s31;
	s2 =	sand.u32 $0x380, s30;
	p0 =	sne.s32 s31, $0x3F00;
	[tilespmem:s29+$0xE70] =	vst v16;
	v9 =	vmul.f32 v9, v13;
	v13 =	vld [tilespmem:s29+$0x1260]  }
0x294: {  	s0 =	sor.u32 s2, s0;
	[tilespmem:s29+$0x1200] =	vst v15;
	v8 =	vmul.f32 v8, v12;
	v12 =	vld [tilespmem:s29+$0x1270]  }
0x295: {  	v15 =	vld [tilespmem:s0+$0x4E00];
	[tilespmem:s29+$0x1210] =	vst v9;
	v7 =	vmul.f32 v7, v10  }
0x296: {  	v10 =	vld [tilespmem:s0+$0x4E10];
	[tilespmem:s29+$0x1220] =	vst v8;
	v6 =	vmul.f32 v6, v11  }
0x297: {  	v11 =	vld [tilespmem:s0+$0x4E20];
	[tilespmem:s29+$0x1230] =	vst v7;
	v5 =	vmul.f32 v5, v14  }
0x298: {  	v14 =	vld [tilespmem:s0+$0x4E30];
	[tilespmem:s29+$0x1240] =	vst v6;
	v4 =	vmul.f32 v4, v13  }
0x299: {  	v13 =	vld [tilespmem:s0+$0x4E40];
	[tilespmem:s29+$0x1250] =	vst v5;
	v3 =	vmul.f32 v3, v12  }
0x29a: {  	v12 =	vld [tilespmem:s0+$0x4E50];
	[tilespmem:s29+$0x1260] =	vst v4  }
0x29b: {  	v16 =	vld [tilespmem:s0+$0x4E60];
	[tilespmem:s29+$0x1270] =	vst v3;
	s29 =	smov.u32 s0  }
0x29c: {  	v17 =	vld [tilespmem:s29+$0x4E70]  }
0x29d: {  	v18 =	vld [tilespmem:s29+$0x5200]  }
0x29e: {  	v9 =	vld [tilespmem:s29+$0x5210]  }
0x29f: {  	v8 =	vld [tilespmem:s29+$0x5220]  }
0x2a0: {  	v7 =	vld [tilespmem:s29+$0x5230]  }
0x2a1: {  	v6 =	vld [tilespmem:s29+$0x5240]  }
0x2a2: {  	v5 =	vld [tilespmem:s29+$0x5250]  }
0x2a3: {  	v4 =	vld [tilespmem:s29+$0x5260]  }
0x2a4: {  	v3 =	vld [tilespmem:s29+$0x5270]  }
0x2a5: {  	v19 =	vld [tilespmem:s29+$0xE00]  }
0x2a6: {  	v20 =	vld [tilespmem:s29+$0xE10]  }
0x2a7: {  	v21 =	vld [tilespmem:s29+$0xE20]  }
0x2a8: {  	v22 =	vld [tilespmem:s29+$0xE30]  }
0x2a9: {  	v23 =	vld [tilespmem:s29+$0xE40]  }
0x2aa: {  	v15 =	vmul.f32 v15, v19;
	v19 =	vld [tilespmem:s29+$0xE50]  }
0x2ab: {  	v10 =	vmul.f32 v10, v20;
	v20 =	vld [tilespmem:s29+$0xE60]  }
0x2ac: {  	[tilespmem:s29+$0xE00] =	vst v15;
	v11 =	vmul.f32 v11, v21;
	v15 =	vld [tilespmem:s29+$0xE70]  }
0x2ad: {  	[tilespmem:s29+$0xE10] =	vst v10;
	v10 =	vmul.f32 v14, v22;
	v14 =	vld [tilespmem:s29+$0x1200]  }
.Ltmp3:
0x2ae: {  	[tilespmem:s29+$0xE20] =	vst v11;
	v11 =	vmul.f32 v13, v23;
	v13 =	vld [tilespmem:s29+$0x1210];
	(pc) =	sbr.rel @p0 .LBB2_8-.Ltmp3, $4  }
0x2af: {  	[tilespmem:s29+$0xE30] =	vst v10;
	v19 =	vmul.f32 v12, v19;
	v12 =	vld [tilespmem:s29+$0x1220]  }
0x2b0: {  	[tilespmem:s29+$0xE40] =	vst v11;
	v20 =	vmul.f32 v16, v20;
	v10 =	vld [tilespmem:s29+$0x1230]  }
0x2b1: {  	[tilespmem:s29+$0xE50] =	vst v19;
	v16 =	vmul.f32 v17, v15;
	v11 =	vld [tilespmem:s29+$0x1240]  }
0x2b2: {  	s30 =	sadd.s32 $0x80, s30;
	s31 =	sadd.s32 $0x100, s31;
	[tilespmem:s29+$0xE60] =	vst v20;
	v15 =	vmul.f32 v18, v14;
	v14 =	vld [tilespmem:s29+$0x1250]  }
0x2b3: {  	[tilespmem:s29+$0xE70] =	vst v16;
	v9 =	vmul.f32 v9, v13;
	v13 =	vld [tilespmem:s29+$0x1260]  }
0x2b4: {  	[tilespmem:s29+$0x1200] =	vst v15;
	v8 =	vmul.f32 v8, v12;
	v12 =	vld [tilespmem:s29+$0x1270]  }
0x2b5: {  	[tilespmem:s29+$0x1210] =	vst v9;
	v7 =	vmul.f32 v7, v10  }
0x2b6: {  	[tilespmem:s29+$0x1220] =	vst v8;
	v6 =	vmul.f32 v6, v11  }
0x2b7: {  	[tilespmem:s29+$0x1230] =	vst v7;
	v5 =	vmul.f32 v5, v14  }
0x2b8: {  	[tilespmem:s29+$0x1240] =	vst v6;
	v4 =	vmul.f32 v4, v13  }
0x2b9: {  	[tilespmem:s29+$0x1250] =	vst v5;
	v3 =	vmul.f32 v3, v12  }
0x2ba: {  	[tilespmem:s29+$0x1260] =	vst v4  }
0x2bb: {  	s0 =	rddreg [dreg:$0x7];
	[tilespmem:s29+$0x1270] =	vst v3;
	s29 =	simm.s32 $0x0  }
0x2bc: {  	[hbm4b:s0+s29] =	stream.linear.scatter [tilespmem:s18], [sflag:$0x4], $0x4000, $0x38;
	[tilespmem:$0x10E00] =	vst v63  }
0x2bd: {  	_ =	swait.ge [sflag:s15], $0x4000  }
0x2be: {  	[sflag:s15] =	ssyncset.done $0x0  }
0x2bf: {  	[sflag:s15] =	ssyncadd.s32 $0xFFFFC000  }
0x2c0: {  	_ =	swait.ge [sflag:s5], $0x4000  }
0x2c1: {  	[sflag:s5] =	ssyncset.done $0x0  }
0x2c2: {  	[sflag:s5] =	ssyncadd.s32 $0xFFFFC000  }
0x2c3: {  	_ =	swait.ge [sflag:s6], $0x4000  }
0x2c4: {  	[sflag:s6] =	ssyncset.done $0x0  }
0x2c5: {  	[sflag:s6] =	ssyncadd.s32 $0xFFFFC000  }
0x2c6: {  	v3 =	vld [tilespmem:$0x800];
	_ =	sdelay $0x4  }
0x2c7: {  	v4 =	vshll.u32 v3, $0x1  }
0x2c8: {  	v3 =	vand.u32 $0x7, v3;
	v4 =	vand.u32 $0xFFFFFFF0, v4  }
0x2c9: {  	v3 =	vor.u32 v3, v4  }
0x2ca: {  	v4 =	vperm.xlane v3, v0;
	_ =	sdelay $0x1  }
0x2cb: {  	v3 =	vperm.xlane v3, v2;
	v4 =	vadd.s32 v1, v4;
	_ =	sdelay $0x1  }
0x2cc: {  	v3 =	vadd.s32 v1, v3;
	_ =	sdelay $0x2  }
0x2cd: {  	[tilespmem:s18], [sflag:$0x1] =	stream.indirect_vreg.gather [hbm4b:s4+s29], $0x80, v4, vm0, $0xb8;
	[tilespmem:$0x10E00] =	vst v63  }
0x2ce: {  	s2 =	simm.s32 $0x1600  }
0x2cf: {  	[tilespmem:s2], [sflag:$0x1] =	stream.indirect_vreg.gather [hbm4b:s4+s29], $0x80, v3, vm0, $0xb8;
	[tilespmem:$0x10E00] =	vst v63  }
0x2d0: {  	v3 =	vld [tilespmem:$0x810];
	_ =	sdelay $0x4  }
0x2d1: {  	v4 =	vshll.u32 v3, $0x1  }
0x2d2: {  	v3 =	vand.u32 $0x7, v3;
	v4 =	vand.u32 $0xFFFFFFF0, v4  }
0x2d3: {  	v3 =	vor.u32 v3, v4  }
0x2d4: {  	v4 =	vperm.xlane v3, v0;
	_ =	sdelay $0x1  }
0x2d5: {  	v3 =	vperm.xlane v3, v2;
	v4 =	vadd.s32 v1, v4;
	_ =	sdelay $0x1  }
0x2d6: {  	v3 =	vadd.s32 v1, v3;
	_ =	sdelay $0x1  }
0x2d7: {  	s2 =	simm.s32 $0x1E00  }
0x2d8: {  	[tilespmem:s2], [sflag:$0x1] =	stream.indirect_vreg.gather [hbm4b:s4+s29], $0x80, v4, vm0, $0xb8;
	[tilespmem:$0x10E00] =	vst v63  }
0x2d9: {  	s2 =	simm.s32 $0x2600  }
0x2da: {  	[tilespmem:s2], [sflag:$0x1] =	stream.indirect_vreg.gather [hbm4b:s4+s29], $0x80, v3, vm0, $0xb8;
	[tilespmem:$0x10E00] =	vst v63  }
0x2db: {  	v3 =	vld [tilespmem:$0x820];
	_ =	sdelay $0x4  }
0x2dc: {  	v4 =	vshll.u32 v3, $0x1  }
0x2dd: {  	v3 =	vand.u32 $0x7, v3;
	v4 =	vand.u32 $0xFFFFFFF0, v4  }
0x2de: {  	v3 =	vor.u32 v3, v4  }
0x2df: {  	v4 =	vperm.xlane v3, v0;
	_ =	sdelay $0x1  }
0x2e0: {  	v3 =	vperm.xlane v3, v2;
	v4 =	vadd.s32 v1, v4;
	_ =	sdelay $0x1  }
0x2e1: {  	v3 =	vadd.s32 v1, v3;
	_ =	sdelay $0x1  }
0x2e2: {  	s2 =	simm.s32 $0x2E00  }
0x2e3: {  	[tilespmem:s2], [sflag:$0x1] =	stream.indirect_vreg.gather [hbm4b:s4+s29], $0x80, v4, vm0, $0xb8;
	[tilespmem:$0x10E00] =	vst v63  }
0x2e4: {  	s2 =	simm.s32 $0x3600  }
0x2e5: {  	[tilespmem:s2], [sflag:$0x1] =	stream.indirect_vreg.gather [hbm4b:s4+s29], $0x80, v3, vm0, $0xb8;
	[tilespmem:$0x10E00] =	vst v63  }
0x2e6: {  	v3 =	vld [tilespmem:$0x830];
	_ =	sdelay $0x4  }
0x2e7: {  	v4 =	vshll.u32 v3, $0x1  }
0x2e8: {  	v3 =	vand.u32 $0x7, v3;
	v4 =	vand.u32 $0xFFFFFFF0, v4  }
0x2e9: {  	v3 =	vor.u32 v3, v4  }
0x2ea: {  	v4 =	vperm.xlane v3, v0;
	_ =	sdelay $0x1  }
0x2eb: {  	v3 =	vperm.xlane v3, v2;
	v4 =	vadd.s32 v1, v4;
	_ =	sdelay $0x1  }
0x2ec: {  	v3 =	vadd.s32 v1, v3;
	_ =	sdelay $0x1  }
0x2ed: {  	s2 =	simm.s32 $0x3E00  }
0x2ee: {  	[tilespmem:s2], [sflag:$0x1] =	stream.indirect_vreg.gather [hbm4b:s4+s29], $0x80, v4, vm0, $0xb8;
	[tilespmem:$0x10E00] =	vst v63  }
0x2ef: {  	s2 =	simm.s32 $0x4600  }
0x2f0: {  	[tilespmem:s2], [sflag:$0x1] =	stream.indirect_vreg.gather [hbm4b:s4+s29], $0x80, v3, vm0, $0xb8;
	[tilespmem:$0x10E00] =	vst v63  }
0x2f1: {  	v3 =	vld [tilespmem:$0xC00];
	_ =	sdelay $0x4  }
0x2f2: {  	v4 =	vshll.u32 v3, $0x1  }
0x2f3: {  	v3 =	vand.u32 $0x7, v3;
	v4 =	vand.u32 $0xFFFFFFF0, v4  }
0x2f4: {  	v3 =	vor.u32 v3, v4  }
0x2f5: {  	v4 =	vperm.xlane v3, v0;
	_ =	sdelay $0x1  }
0x2f6: {  	v3 =	vperm.xlane v3, v2;
	v4 =	vadd.s32 v1, v4;
	_ =	sdelay $0x1  }
0x2f7: {  	v3 =	vadd.s32 v1, v3;
	_ =	sdelay $0x1  }
0x2f8: {  	s2 =	simm.s32 $0x4E00  }
0x2f9: {  	[tilespmem:s2], [sflag:$0x2] =	stream.indirect_vreg.gather [hbm4b:s4+s29], $0x80, v4, vm0, $0xb8;
	[tilespmem:$0x10E00] =	vst v63  }
0x2fa: {  	s2 =	simm.s32 $0x5600  }
0x2fb: {  	[tilespmem:s2], [sflag:$0x2] =	stream.indirect_vreg.gather [hbm4b:s4+s29], $0x80, v3, vm0, $0xb8;
	[tilespmem:$0x10E00] =	vst v63  }
0x2fc: {  	v3 =	vld [tilespmem:$0xC10];
	_ =	sdelay $0x4  }
0x2fd: {  	v4 =	vshll.u32 v3, $0x1  }
0x2fe: {  	v3 =	vand.u32 $0x7, v3;
	v4 =	vand.u32 $0xFFFFFFF0, v4  }
0x2ff: {  	v3 =	vor.u32 v3, v4  }
0x300: {  	v4 =	vperm.xlane v3, v0;
	_ =	sdelay $0x1  }
0x301: {  	v3 =	vperm.xlane v3, v2;
	v4 =	vadd.s32 v1, v4;
	_ =	sdelay $0x1  }
0x302: {  	v3 =	vadd.s32 v1, v3;
	_ =	sdelay $0x1  }
0x303: {  	s2 =	simm.s32 $0x5E00  }
0x304: {  	[tilespmem:s2], [sflag:$0x2] =	stream.indirect_vreg.gather [hbm4b:s4+s29], $0x80, v4, vm0, $0xb8;
	[tilespmem:$0x10E00] =	vst v63  }
0x305: {  	s2 =	simm.s32 $0x6600  }
0x306: {  	[tilespmem:s2], [sflag:$0x2] =	stream.indirect_vreg.gather [hbm4b:s4+s29], $0x80, v3, vm0, $0xb8;
	[tilespmem:$0x10E00] =	vst v63  }
0x307: {  	v3 =	vld [tilespmem:$0xC20];
	_ =	sdelay $0x4  }
0x308: {  	v4 =	vshll.u32 v3, $0x1  }
0x309: {  	v3 =	vand.u32 $0x7, v3;
	v4 =	vand.u32 $0xFFFFFFF0, v4  }
0x30a: {  	v3 =	vor.u32 v3, v4  }
0x30b: {  	v4 =	vperm.xlane v3, v0;
	_ =	sdelay $0x1  }
0x30c: {  	v3 =	vperm.xlane v3, v2;
	v4 =	vadd.s32 v1, v4;
	_ =	sdelay $0x1  }
0x30d: {  	v3 =	vadd.s32 v1, v3;
	_ =	sdelay $0x1  }
0x30e: {  	s2 =	simm.s32 $0x6E00  }
0x30f: {  	[tilespmem:s2], [sflag:$0x2] =	stream.indirect_vreg.gather [hbm4b:s4+s29], $0x80, v4, vm0, $0xb8;
	[tilespmem:$0x10E00] =	vst v63  }
0x310: {  	s2 =	simm.s32 $0x7600  }
0x311: {  	[tilespmem:s2], [sflag:$0x2] =	stream.indirect_vreg.gather [hbm4b:s4+s29], $0x80, v3, vm0, $0xb8;
	[tilespmem:$0x10E00] =	vst v63  }
0x312: {  	v3 =	vld [tilespmem:$0xC30];
	_ =	sdelay $0x4  }
0x313: {  	v4 =	vshll.u32 v3, $0x1  }
0x314: {  	v3 =	vand.u32 $0x7, v3;
	v4 =	vand.u32 $0xFFFFFFF0, v4  }
0x315: {  	v3 =	vor.u32 v3, v4  }
0x316: {  	v4 =	vperm.xlane v3, v0;
	_ =	sdelay $0x1  }
0x317: {  	v3 =	vperm.xlane v3, v2;
	v4 =	vadd.s32 v1, v4;
	_ =	sdelay $0x1  }
0x318: {  	v3 =	vadd.s32 v1, v3;
	_ =	sdelay $0x1  }
0x319: {  	s2 =	simm.s32 $0x7E00  }
0x31a: {  	[tilespmem:s2], [sflag:$0x2] =	stream.indirect_vreg.gather [hbm4b:s4+s29], $0x80, v4, vm0, $0xb8;
	[tilespmem:$0x10E00] =	vst v63  }
0x31b: {  	s0 =	sand.u32 $0x3800, s29;
	s2 =	sand.u32 $0x380, s29  }
0x31c: {  	[tilespmem:s3], [sflag:$0x2] =	stream.indirect_vreg.gather [hbm4b:s4+s29], $0x80, v3, vm0, $0xb8;
	[tilespmem:$0x10E00] =	vst v63  }
0x31d: {  	s29 =	sor.u32 s2, s0  }
0x31e: {  	v10 =	vld [tilespmem:s29+$0xCE00]  }
0x31f: {  	v11 =	vld [tilespmem:s29+$0xCE10]  }
0x320: {  	v12 =	vld [tilespmem:s29+$0xCE20]  }
0x321: {  	v13 =	vld [tilespmem:s29+$0xCE30]  }
0x322: {  	v14 =	vld [tilespmem:s29+$0xCE40]  }
0x323: {  	v15 =	vld [tilespmem:s29+$0xCE50]  }
0x324: {  	v16 =	vld [tilespmem:s29+$0xCE60]  }
0x325: {  	v17 =	vld [tilespmem:s29+$0xCE70]  }
0x326: {  	v18 =	vld [tilespmem:s29+$0xD200]  }
0x327: {  	v9 =	vld [tilespmem:s29+$0xD210]  }
0x328: {  	v8 =	vld [tilespmem:s29+$0xD220]  }
0x329: {  	v7 =	vld [tilespmem:s29+$0xD230]  }
0x32a: {  	v6 =	vld [tilespmem:s29+$0xD240]  }
0x32b: {  	v5 =	vld [tilespmem:s29+$0xD250]  }
0x32c: {  	v4 =	vld [tilespmem:s29+$0xD260]  }
0x32d: {  	v3 =	vld [tilespmem:s29+$0xD270]  }
0x32e: {  	v19 =	vld [tilespmem:s29+$0x8E00]  }
0x32f: {  	v20 =	vld [tilespmem:s29+$0x8E10]  }
0x330: {  	v21 =	vld [tilespmem:s29+$0x8E20]  }
0x331: {  	v22 =	vld [tilespmem:s29+$0x8E30]  }
0x332: {  	v23 =	vld [tilespmem:s29+$0x8E40]  }
0x333: {  	v10 =	vmul.f32 v10, v19;
	v19 =	vld [tilespmem:s29+$0x8E50]  }
0x334: {  	v61 =	vld [tilespmem:s29+$0x8E60];
	v11 =	vmul.f32 v11, v20  }
0x335: {  	v62 =	vld [tilespmem:s29+$0x8E70];
	[tilespmem:s29+$0x8E00] =	vst v10;
	v10 =	vmul.f32 v12, v21  }
0x336: {  	v63 =	vld [tilespmem:s29+$0x9200];
	[tilespmem:s29+$0x8E10] =	vst v11;
	v11 =	vmul.f32 v13, v22  }
0x337: {  	v13 =	vld [tilespmem:s29+$0x9210];
	[tilespmem:s29+$0x8E20] =	vst v10;
	v10 =	vmul.f32 v14, v23  }
0x338: {  	v12 =	vld [tilespmem:s29+$0x9220];
	[tilespmem:s29+$0x8E30] =	vst v11;
	v11 =	vmul.f32 v15, v19  }
0x339: {  	v14 =	vmul.f32 v16, v61;
	[tilespmem:s29+$0x8E40] =	vst v10;
	v10 =	vld [tilespmem:s29+$0x9230]  }
0x33a: {  	v16 =	vmul.f32 v17, v62;
	[tilespmem:s29+$0x8E50] =	vst v11;
	v11 =	vld [tilespmem:s29+$0x9240]  }
0x33b: {  	s30 =	simm.s32 $0x80;
	s31 =	simm.s32 $0x100;
	v15 =	vmul.f32 v18, v63;
	[tilespmem:s29+$0x8E60] =	vst v14;
	v14 =	vld [tilespmem:s29+$0x9250]  }
.LBB2_10:
0x33c: {  	s0 =	sand.u32 $0x3800, s31;
	s2 =	sand.u32 $0x380, s30;
	p0 =	sne.s32 s31, $0x3F00;
	[tilespmem:s29+$0x8E70] =	vst v16;
	v9 =	vmul.f32 v9, v13;
	v13 =	vld [tilespmem:s29+$0x9260]  }
0x33d: {  	s0 =	sor.u32 s2, s0;
	[tilespmem:s29+$0x9200] =	vst v15;
	v8 =	vmul.f32 v8, v12;
	v12 =	vld [tilespmem:s29+$0x9270]  }
0x33e: {  	v15 =	vld [tilespmem:s0+$0xCE00];
	[tilespmem:s29+$0x9210] =	vst v9;
	v7 =	vmul.f32 v7, v10  }
0x33f: {  	v10 =	vld [tilespmem:s0+$0xCE10];
	[tilespmem:s29+$0x9220] =	vst v8;
	v6 =	vmul.f32 v6, v11  }
0x340: {  	v11 =	vld [tilespmem:s0+$0xCE20];
	[tilespmem:s29+$0x9230] =	vst v7;
	v5 =	vmul.f32 v5, v14  }
0x341: {  	v14 =	vld [tilespmem:s0+$0xCE30];
	[tilespmem:s29+$0x9240] =	vst v6;
	v4 =	vmul.f32 v4, v13  }
0x342: {  	v13 =	vld [tilespmem:s0+$0xCE40];
	[tilespmem:s29+$0x9250] =	vst v5;
	v3 =	vmul.f32 v3, v12  }
0x343: {  	v12 =	vld [tilespmem:s0+$0xCE50];
	[tilespmem:s29+$0x9260] =	vst v4  }
0x344: {  	v16 =	vld [tilespmem:s0+$0xCE60];
	[tilespmem:s29+$0x9270] =	vst v3;
	s29 =	smov.u32 s0  }
0x345: {  	v17 =	vld [tilespmem:s29+$0xCE70]  }
0x346: {  	v18 =	vld [tilespmem:s29+$0xD200]  }
0x347: {  	v9 =	vld [tilespmem:s29+$0xD210]  }
0x348: {  	v8 =	vld [tilespmem:s29+$0xD220]  }
0x349: {  	v7 =	vld [tilespmem:s29+$0xD230]  }
0x34a: {  	v6 =	vld [tilespmem:s29+$0xD240]  }
0x34b: {  	v5 =	vld [tilespmem:s29+$0xD250]  }
0x34c: {  	v4 =	vld [tilespmem:s29+$0xD260]  }
0x34d: {  	v3 =	vld [tilespmem:s29+$0xD270]  }
0x34e: {  	v19 =	vld [tilespmem:s29+$0x8E00]  }
0x34f: {  	v20 =	vld [tilespmem:s29+$0x8E10]  }
0x350: {  	v21 =	vld [tilespmem:s29+$0x8E20]  }
0x351: {  	v22 =	vld [tilespmem:s29+$0x8E30]  }
0x352: {  	v23 =	vld [tilespmem:s29+$0x8E40]  }
0x353: {  	v15 =	vmul.f32 v15, v19;
	v19 =	vld [tilespmem:s29+$0x8E50]  }
0x354: {  	v10 =	vmul.f32 v10, v20;
	v20 =	vld [tilespmem:s29+$0x8E60]  }
0x355: {  	[tilespmem:s29+$0x8E00] =	vst v15;
	v11 =	vmul.f32 v11, v21;
	v15 =	vld [tilespmem:s29+$0x8E70]  }
0x356: {  	[tilespmem:s29+$0x8E10] =	vst v10;
	v10 =	vmul.f32 v14, v22;
	v14 =	vld [tilespmem:s29+$0x9200]  }
.Ltmp4:
0x357: {  	[tilespmem:s29+$0x8E20] =	vst v11;
	v11 =	vmul.f32 v13, v23;
	v13 =	vld [tilespmem:s29+$0x9210];
	(pc) =	sbr.rel @p0 .LBB2_10-.Ltmp4, $4  }
0x358: {  	[tilespmem:s29+$0x8E30] =	vst v10;
	v19 =	vmul.f32 v12, v19;
	v12 =	vld [tilespmem:s29+$0x9220]  }
0x359: {  	[tilespmem:s29+$0x8E40] =	vst v11;
	v20 =	vmul.f32 v16, v20;
	v10 =	vld [tilespmem:s29+$0x9230]  }
0x35a: {  	[tilespmem:s29+$0x8E50] =	vst v19;
	v16 =	vmul.f32 v17, v15;
	v11 =	vld [tilespmem:s29+$0x9240]  }
0x35b: {  	s30 =	sadd.s32 $0x80, s30;
	s31 =	sadd.s32 $0x100, s31;
	[tilespmem:s29+$0x8E60] =	vst v20;
	v15 =	vmul.f32 v18, v14;
	v14 =	vld [tilespmem:s29+$0x9250]  }
0x35c: {  	[tilespmem:s29+$0x8E70] =	vst v16;
	v9 =	vmul.f32 v9, v13;
	v13 =	vld [tilespmem:s29+$0x9260]  }
0x35d: {  	[tilespmem:s29+$0x9200] =	vst v15;
	v8 =	vmul.f32 v8, v12;
	v12 =	vld [tilespmem:s29+$0x9270]  }
0x35e: {  	[tilespmem:s29+$0x9210] =	vst v9;
	v7 =	vmul.f32 v7, v10  }
0x35f: {  	[tilespmem:s29+$0x9220] =	vst v8;
	v6 =	vmul.f32 v6, v11  }
0x360: {  	[tilespmem:s29+$0x9230] =	vst v7;
	v5 =	vmul.f32 v5, v14  }
0x361: {  	[tilespmem:s29+$0x9240] =	vst v6;
	v4 =	vmul.f32 v4, v13  }
0x362: {  	[tilespmem:s29+$0x9250] =	vst v5;
	v3 =	vmul.f32 v3, v12  }
0x363: {  	[tilespmem:s29+$0x9260] =	vst v4  }
0x364: {  	s0 =	rddreg [dreg:$0x8];
	[tilespmem:s29+$0x9270] =	vst v3;
	s29 =	simm.s32 $0x0  }
0x365: {  	[hbm4b:s0+s29] =	stream.linear.scatter [tilespmem:s7], [sflag:$0x4], $0x4000, $0x38;
	[tilespmem:$0x10E00] =	vst v63  }
0x366: {  	_ =	swait.ge [sflag:s15], $0x4000  }
0x367: {  	[sflag:s15] =	ssyncset.done $0x0  }
0x368: {  	[sflag:s15] =	ssyncadd.s32 $0xFFFFC000  }
0x369: {  	_ =	swait.ge [sflag:s5], $0x4000  }
0x36a: {  	[sflag:s5] =	ssyncset.done $0x0  }
0x36b: {  	[sflag:s5] =	ssyncadd.s32 $0xFFFFC000  }
0x36c: {  	_ =	swait.ge [sflag:s6], $0x4000  }
0x36d: {  	[sflag:s6] =	ssyncset.done $0x0  }
0x36e: {  	[sflag:s6] =	ssyncadd.s32 $0xFFFFC000  }
0x36f: {  	v3 =	vld [tilespmem:$0x880];
	_ =	sdelay $0x4  }
0x370: {  	v4 =	vshll.u32 v3, $0x1  }
0x371: {  	v3 =	vand.u32 $0x7, v3;
	v4 =	vand.u32 $0xFFFFFFF0, v4  }
0x372: {  	v3 =	vor.u32 v3, v4  }
0x373: {  	v4 =	vperm.xlane v3, v0;
	_ =	sdelay $0x1  }
0x374: {  	v3 =	vperm.xlane v3, v2;
	v4 =	vadd.s32 v1, v4;
	_ =	sdelay $0x1  }
0x375: {  	v3 =	vadd.s32 v1, v3;
	_ =	sdelay $0x2  }
0x376: {  	[tilespmem:s7], [sflag:$0x1] =	stream.indirect_vreg.gather [hbm4b:s4+s29], $0x80, v4, vm0, $0xb8;
	[tilespmem:$0x10E00] =	vst v63  }
0x377: {  	_ = 	snop  }
0x378: {  	[tilespmem:s8], [sflag:$0x1] =	stream.indirect_vreg.gather [hbm4b:s4+s29], $0x80, v3, vm0, $0xb8;
	[tilespmem:$0x10E00] =	vst v63  }
0x379: {  	v3 =	vld [tilespmem:$0x890];
	_ =	sdelay $0x4  }
0x37a: {  	v4 =	vshll.u32 v3, $0x1  }
0x37b: {  	v3 =	vand.u32 $0x7, v3;
	v4 =	vand.u32 $0xFFFFFFF0, v4  }
0x37c: {  	v3 =	vor.u32 v3, v4  }
0x37d: {  	v4 =	vperm.xlane v3, v0;
	_ =	sdelay $0x1  }
0x37e: {  	v3 =	vperm.xlane v3, v2;
	v4 =	vadd.s32 v1, v4;
	_ =	sdelay $0x1  }
0x37f: {  	v3 =	vadd.s32 v1, v3;
	_ =	sdelay $0x2  }
0x380: {  	[tilespmem:s9], [sflag:$0x1] =	stream.indirect_vreg.gather [hbm4b:s4+s29], $0x80, v4, vm0, $0xb8;
	[tilespmem:$0x10E00] =	vst v63  }
0x381: {  	_ = 	snop  }
0x382: {  	[tilespmem:s10], [sflag:$0x1] =	stream.indirect_vreg.gather [hbm4b:s4+s29], $0x80, v3, vm0, $0xb8;
	[tilespmem:$0x10E00] =	vst v63  }
0x383: {  	v3 =	vld [tilespmem:$0x8A0];
	_ =	sdelay $0x4  }
0x384: {  	v4 =	vshll.u32 v3, $0x1  }
0x385: {  	v3 =	vand.u32 $0x7, v3;
	v4 =	vand.u32 $0xFFFFFFF0, v4  }
0x386: {  	v3 =	vor.u32 v3, v4  }
0x387: {  	v4 =	vperm.xlane v3, v0;
	_ =	sdelay $0x1  }
0x388: {  	v3 =	vperm.xlane v3, v2;
	v4 =	vadd.s32 v1, v4;
	_ =	sdelay $0x1  }
0x389: {  	v3 =	vadd.s32 v1, v3;
	_ =	sdelay $0x2  }
0x38a: {  	[tilespmem:s11], [sflag:$0x1] =	stream.indirect_vreg.gather [hbm4b:s4+s29], $0x80, v4, vm0, $0xb8;
	[tilespmem:$0x10E00] =	vst v63  }
0x38b: {  	_ = 	snop  }
0x38c: {  	[tilespmem:s12], [sflag:$0x1] =	stream.indirect_vreg.gather [hbm4b:s4+s29], $0x80, v3, vm0, $0xb8;
	[tilespmem:$0x10E00] =	vst v63  }
0x38d: {  	v3 =	vld [tilespmem:$0x8B0];
	_ =	sdelay $0x4  }
0x38e: {  	v4 =	vshll.u32 v3, $0x1  }
0x38f: {  	v3 =	vand.u32 $0x7, v3;
	v4 =	vand.u32 $0xFFFFFFF0, v4  }
0x390: {  	v3 =	vor.u32 v3, v4  }
0x391: {  	v4 =	vperm.xlane v3, v0;
	_ =	sdelay $0x1  }
0x392: {  	v3 =	vperm.xlane v3, v2;
	v4 =	vadd.s32 v1, v4;
	_ =	sdelay $0x1  }
0x393: {  	v3 =	vadd.s32 v1, v3;
	_ =	sdelay $0x2  }
0x394: {  	[tilespmem:s13], [sflag:$0x1] =	stream.indirect_vreg.gather [hbm4b:s4+s29], $0x80, v4, vm0, $0xb8;
	[tilespmem:$0x10E00] =	vst v63  }
0x395: {  	_ = 	snop  }
0x396: {  	[tilespmem:s14], [sflag:$0x1] =	stream.indirect_vreg.gather [hbm4b:s4+s29], $0x80, v3, vm0, $0xb8;
	[tilespmem:$0x10E00] =	vst v63  }
0x397: {  	v3 =	vld [tilespmem:$0xC80];
	_ =	sdelay $0x4  }
0x398: {  	v4 =	vshll.u32 v3, $0x1  }
0x399: {  	v3 =	vand.u32 $0x7, v3;
	v4 =	vand.u32 $0xFFFFFFF0, v4  }
0x39a: {  	v3 =	vor.u32 v3, v4  }
0x39b: {  	v4 =	vperm.xlane v3, v0;
	_ =	sdelay $0x1  }
0x39c: {  	v3 =	vperm.xlane v3, v2;
	v4 =	vadd.s32 v1, v4;
	_ =	sdelay $0x1  }
0x39d: {  	v3 =	vadd.s32 v1, v3;
	_ =	sdelay $0x2  }
0x39e: {  	[tilespmem:s19], [sflag:$0x2] =	stream.indirect_vreg.gather [hbm4b:s4+s29], $0x80, v4, vm0, $0xb8;
	[tilespmem:$0x10E00] =	vst v63  }
0x39f: {  	_ = 	snop  }
0x3a0: {  	[tilespmem:s20], [sflag:$0x2] =	stream.indirect_vreg.gather [hbm4b:s4+s29], $0x80, v3, vm0, $0xb8;
	[tilespmem:$0x10E00] =	vst v63  }
0x3a1: {  	v3 =	vld [tilespmem:$0xC90];
	_ =	sdelay $0x4  }
0x3a2: {  	v4 =	vshll.u32 v3, $0x1  }
0x3a3: {  	v3 =	vand.u32 $0x7, v3;
	v4 =	vand.u32 $0xFFFFFFF0, v4  }
0x3a4: {  	v3 =	vor.u32 v3, v4  }
0x3a5: {  	v4 =	vperm.xlane v3, v0;
	_ =	sdelay $0x1  }
0x3a6: {  	v3 =	vperm.xlane v3, v2;
	v4 =	vadd.s32 v1, v4;
	_ =	sdelay $0x1  }
0x3a7: {  	v3 =	vadd.s32 v1, v3;
	_ =	sdelay $0x2  }
0x3a8: {  	[tilespmem:s21], [sflag:$0x2] =	stream.indirect_vreg.gather [hbm4b:s4+s29], $0x80, v4, vm0, $0xb8;
	[tilespmem:$0x10E00] =	vst v63  }
0x3a9: {  	_ = 	snop  }
0x3aa: {  	[tilespmem:s22], [sflag:$0x2] =	stream.indirect_vreg.gather [hbm4b:s4+s29], $0x80, v3, vm0, $0xb8;
	[tilespmem:$0x10E00] =	vst v63  }
0x3ab: {  	v3 =	vld [tilespmem:$0xCA0];
	_ =	sdelay $0x4  }
0x3ac: {  	v4 =	vshll.u32 v3, $0x1  }
0x3ad: {  	v3 =	vand.u32 $0x7, v3;
	v4 =	vand.u32 $0xFFFFFFF0, v4  }
0x3ae: {  	v3 =	vor.u32 v3, v4  }
0x3af: {  	v4 =	vperm.xlane v3, v0;
	_ =	sdelay $0x1  }
0x3b0: {  	v3 =	vperm.xlane v3, v2;
	v4 =	vadd.s32 v1, v4;
	_ =	sdelay $0x1  }
0x3b1: {  	v3 =	vadd.s32 v1, v3;
	_ =	sdelay $0x2  }
0x3b2: {  	[tilespmem:s23], [sflag:$0x2] =	stream.indirect_vreg.gather [hbm4b:s4+s29], $0x80, v4, vm0, $0xb8;
	[tilespmem:$0x10E00] =	vst v63  }
0x3b3: {  	_ = 	snop  }
0x3b4: {  	[tilespmem:s24], [sflag:$0x2] =	stream.indirect_vreg.gather [hbm4b:s4+s29], $0x80, v3, vm0, $0xb8;
	[tilespmem:$0x10E00] =	vst v63  }
0x3b5: {  	v3 =	vld [tilespmem:$0xCB0];
	_ =	sdelay $0x4  }
0x3b6: {  	v4 =	vshll.u32 v3, $0x1  }
0x3b7: {  	v3 =	vand.u32 $0x7, v3;
	v4 =	vand.u32 $0xFFFFFFF0, v4  }
0x3b8: {  	v3 =	vor.u32 v3, v4  }
0x3b9: {  	v4 =	vperm.xlane v3, v0;
	_ =	sdelay $0x1  }
0x3ba: {  	v3 =	vperm.xlane v3, v2;
	v4 =	vadd.s32 v1, v4;
	_ =	sdelay $0x1  }
0x3bb: {  	v3 =	vadd.s32 v1, v3;
	_ =	sdelay $0x2  }
0x3bc: {  	[tilespmem:s25], [sflag:$0x2] =	stream.indirect_vreg.gather [hbm4b:s4+s29], $0x80, v4, vm0, $0xb8;
	[tilespmem:$0x10E00] =	vst v63  }
0x3bd: {  	s0 =	sand.u32 $0x3800, s29;
	s2 =	sand.u32 $0x380, s29  }
0x3be: {  	[tilespmem:s26], [sflag:$0x2] =	stream.indirect_vreg.gather [hbm4b:s4+s29], $0x80, v3, vm0, $0xb8;
	[tilespmem:$0x10E00] =	vst v63  }
0x3bf: {  	s29 =	sor.u32 s2, s0  }
0x3c0: {  	v10 =	vld [tilespmem:s29+$0x4E00]  }
0x3c1: {  	v11 =	vld [tilespmem:s29+$0x4E10]  }
0x3c2: {  	v12 =	vld [tilespmem:s29+$0x4E20]  }
0x3c3: {  	v13 =	vld [tilespmem:s29+$0x4E30]  }
0x3c4: {  	v14 =	vld [tilespmem:s29+$0x4E40]  }
0x3c5: {  	v15 =	vld [tilespmem:s29+$0x4E50]  }
0x3c6: {  	v16 =	vld [tilespmem:s29+$0x4E60]  }
0x3c7: {  	v17 =	vld [tilespmem:s29+$0x4E70]  }
0x3c8: {  	v18 =	vld [tilespmem:s29+$0x5200]  }
0x3c9: {  	v9 =	vld [tilespmem:s29+$0x5210]  }
0x3ca: {  	v8 =	vld [tilespmem:s29+$0x5220]  }
0x3cb: {  	v7 =	vld [tilespmem:s29+$0x5230]  }
0x3cc: {  	v6 =	vld [tilespmem:s29+$0x5240]  }
0x3cd: {  	v5 =	vld [tilespmem:s29+$0x5250]  }
0x3ce: {  	v4 =	vld [tilespmem:s29+$0x5260]  }
0x3cf: {  	v3 =	vld [tilespmem:s29+$0x5270]  }
0x3d0: {  	v19 =	vld [tilespmem:s29+$0xE00]  }
0x3d1: {  	v20 =	vld [tilespmem:s29+$0xE10]  }
0x3d2: {  	v21 =	vld [tilespmem:s29+$0xE20]  }
0x3d3: {  	v22 =	vld [tilespmem:s29+$0xE30]  }
0x3d4: {  	v23 =	vld [tilespmem:s29+$0xE40]  }
0x3d5: {  	v10 =	vmul.f32 v10, v19;
	v19 =	vld [tilespmem:s29+$0xE50]  }
0x3d6: {  	v61 =	vld [tilespmem:s29+$0xE60];
	v11 =	vmul.f32 v11, v20  }
0x3d7: {  	v62 =	vld [tilespmem:s29+$0xE70];
	[tilespmem:s29+$0xE00] =	vst v10;
	v10 =	vmul.f32 v12, v21  }
0x3d8: {  	v63 =	vld [tilespmem:s29+$0x1200];
	[tilespmem:s29+$0xE10] =	vst v11;
	v11 =	vmul.f32 v13, v22  }
0x3d9: {  	v13 =	vld [tilespmem:s29+$0x1210];
	[tilespmem:s29+$0xE20] =	vst v10;
	v10 =	vmul.f32 v14, v23  }
0x3da: {  	v12 =	vld [tilespmem:s29+$0x1220];
	[tilespmem:s29+$0xE30] =	vst v11;
	v11 =	vmul.f32 v15, v19  }
0x3db: {  	v14 =	vmul.f32 v16, v61;
	[tilespmem:s29+$0xE40] =	vst v10;
	v10 =	vld [tilespmem:s29+$0x1230]  }
0x3dc: {  	v16 =	vmul.f32 v17, v62;
	[tilespmem:s29+$0xE50] =	vst v11;
	v11 =	vld [tilespmem:s29+$0x1240]  }
0x3dd: {  	s30 =	simm.s32 $0x80;
	s31 =	simm.s32 $0x100;
	v15 =	vmul.f32 v18, v63;
	[tilespmem:s29+$0xE60] =	vst v14;
	v14 =	vld [tilespmem:s29+$0x1250]  }
.LBB2_12:
0x3de: {  	s0 =	sand.u32 $0x3800, s31;
	s2 =	sand.u32 $0x380, s30;
	p0 =	sne.s32 s31, $0x3F00;
	[tilespmem:s29+$0xE70] =	vst v16;
	v9 =	vmul.f32 v9, v13;
	v13 =	vld [tilespmem:s29+$0x1260]  }
0x3df: {  	s0 =	sor.u32 s2, s0;
	[tilespmem:s29+$0x1200] =	vst v15;
	v8 =	vmul.f32 v8, v12;
	v12 =	vld [tilespmem:s29+$0x1270]  }
0x3e0: {  	v15 =	vld [tilespmem:s0+$0x4E00];
	[tilespmem:s29+$0x1210] =	vst v9;
	v7 =	vmul.f32 v7, v10  }
0x3e1: {  	v10 =	vld [tilespmem:s0+$0x4E10];
	[tilespmem:s29+$0x1220] =	vst v8;
	v6 =	vmul.f32 v6, v11  }
0x3e2: {  	v11 =	vld [tilespmem:s0+$0x4E20];
	[tilespmem:s29+$0x1230] =	vst v7;
	v5 =	vmul.f32 v5, v14  }
0x3e3: {  	v14 =	vld [tilespmem:s0+$0x4E30];
	[tilespmem:s29+$0x1240] =	vst v6;
	v4 =	vmul.f32 v4, v13  }
0x3e4: {  	v13 =	vld [tilespmem:s0+$0x4E40];
	[tilespmem:s29+$0x1250] =	vst v5;
	v3 =	vmul.f32 v3, v12  }
0x3e5: {  	v12 =	vld [tilespmem:s0+$0x4E50];
	[tilespmem:s29+$0x1260] =	vst v4  }
0x3e6: {  	v16 =	vld [tilespmem:s0+$0x4E60];
	[tilespmem:s29+$0x1270] =	vst v3;
	s29 =	smov.u32 s0  }
0x3e7: {  	v17 =	vld [tilespmem:s29+$0x4E70]  }
0x3e8: {  	v18 =	vld [tilespmem:s29+$0x5200]  }
0x3e9: {  	v9 =	vld [tilespmem:s29+$0x5210]  }
0x3ea: {  	v8 =	vld [tilespmem:s29+$0x5220]  }
0x3eb: {  	v7 =	vld [tilespmem:s29+$0x5230]  }
0x3ec: {  	v6 =	vld [tilespmem:s29+$0x5240]  }
0x3ed: {  	v5 =	vld [tilespmem:s29+$0x5250]  }
0x3ee: {  	v4 =	vld [tilespmem:s29+$0x5260]  }
0x3ef: {  	v3 =	vld [tilespmem:s29+$0x5270]  }
0x3f0: {  	v19 =	vld [tilespmem:s29+$0xE00]  }
0x3f1: {  	v20 =	vld [tilespmem:s29+$0xE10]  }
0x3f2: {  	v21 =	vld [tilespmem:s29+$0xE20]  }
0x3f3: {  	v22 =	vld [tilespmem:s29+$0xE30]  }
0x3f4: {  	v23 =	vld [tilespmem:s29+$0xE40]  }
0x3f5: {  	v15 =	vmul.f32 v15, v19;
	v19 =	vld [tilespmem:s29+$0xE50]  }
0x3f6: {  	v10 =	vmul.f32 v10, v20;
	v20 =	vld [tilespmem:s29+$0xE60]  }
0x3f7: {  	[tilespmem:s29+$0xE00] =	vst v15;
	v11 =	vmul.f32 v11, v21;
	v15 =	vld [tilespmem:s29+$0xE70]  }
0x3f8: {  	[tilespmem:s29+$0xE10] =	vst v10;
	v10 =	vmul.f32 v14, v22;
	v14 =	vld [tilespmem:s29+$0x1200]  }
.Ltmp5:
0x3f9: {  	[tilespmem:s29+$0xE20] =	vst v11;
	v11 =	vmul.f32 v13, v23;
	v13 =	vld [tilespmem:s29+$0x1210];
	(pc) =	sbr.rel @p0 .LBB2_12-.Ltmp5, $4  }
0x3fa: {  	[tilespmem:s29+$0xE30] =	vst v10;
	v19 =	vmul.f32 v12, v19;
	v12 =	vld [tilespmem:s29+$0x1220]  }
0x3fb: {  	[tilespmem:s29+$0xE40] =	vst v11;
	v20 =	vmul.f32 v16, v20;
	v10 =	vld [tilespmem:s29+$0x1230]  }
0x3fc: {  	[tilespmem:s29+$0xE50] =	vst v19;
	v16 =	vmul.f32 v17, v15;
	v11 =	vld [tilespmem:s29+$0x1240]  }
0x3fd: {  	s30 =	sadd.s32 $0x80, s30;
	s31 =	sadd.s32 $0x100, s31;
	[tilespmem:s29+$0xE60] =	vst v20;
	v15 =	vmul.f32 v18, v14;
	v14 =	vld [tilespmem:s29+$0x1250]  }
0x3fe: {  	[tilespmem:s29+$0xE70] =	vst v16;
	v9 =	vmul.f32 v9, v13;
	v13 =	vld [tilespmem:s29+$0x1260]  }
0x3ff: {  	[tilespmem:s29+$0x1200] =	vst v15;
	v8 =	vmul.f32 v8, v12;
	v12 =	vld [tilespmem:s29+$0x1270]  }
0x400: {  	[tilespmem:s29+$0x1210] =	vst v9;
	v7 =	vmul.f32 v7, v10  }
0x401: {  	[tilespmem:s29+$0x1220] =	vst v8;
	v6 =	vmul.f32 v6, v11  }
0x402: {  	[tilespmem:s29+$0x1230] =	vst v7;
	v5 =	vmul.f32 v5, v14  }
0x403: {  	[tilespmem:s29+$0x1240] =	vst v6;
	v4 =	vmul.f32 v4, v13  }
0x404: {  	[tilespmem:s29+$0x1250] =	vst v5;
	v3 =	vmul.f32 v3, v12  }
0x405: {  	[tilespmem:s29+$0x1260] =	vst v4  }
0x406: {  	s0 =	rddreg [dreg:$0x9];
	[tilespmem:s29+$0x1270] =	vst v3;
	s29 =	simm.s32 $0x0  }
0x407: {  	[hbm4b:s0+s29] =	stream.linear.scatter [tilespmem:s18], [sflag:$0x4], $0x4000, $0x38;
	[tilespmem:$0x10E00] =	vst v63  }
0x408: {  	_ =	swait.ge [sflag:s15], $0x4000  }
0x409: {  	[sflag:s15] =	ssyncset.done $0x0  }
0x40a: {  	[sflag:s15] =	ssyncadd.s32 $0xFFFFC000  }
0x40b: {  	_ =	swait.ge [sflag:s5], $0x4000  }
0x40c: {  	[sflag:s5] =	ssyncset.done $0x0  }
0x40d: {  	[sflag:s5] =	ssyncadd.s32 $0xFFFFC000  }
0x40e: {  	_ =	swait.ge [sflag:s6], $0x4000  }
0x40f: {  	[sflag:s6] =	ssyncset.done $0x0  }
0x410: {  	[sflag:s6] =	ssyncadd.s32 $0xFFFFC000  }
0x411: {  	v3 =	vld [tilespmem:$0x900];
	_ =	sdelay $0x4  }
0x412: {  	v4 =	vshll.u32 v3, $0x1  }
0x413: {  	v3 =	vand.u32 $0x7, v3;
	v4 =	vand.u32 $0xFFFFFFF0, v4  }
0x414: {  	v3 =	vor.u32 v3, v4  }
0x415: {  	v4 =	vperm.xlane v3, v0;
	_ =	sdelay $0x1  }
0x416: {  	v3 =	vperm.xlane v3, v2;
	v4 =	vadd.s32 v1, v4;
	_ =	sdelay $0x1  }
0x417: {  	v3 =	vadd.s32 v1, v3;
	_ =	sdelay $0x2  }
0x418: {  	[tilespmem:s18], [sflag:$0x1] =	stream.indirect_vreg.gather [hbm4b:s4+s29], $0x80, v4, vm0, $0xb8;
	[tilespmem:$0x10E00] =	vst v63  }
0x419: {  	s2 =	simm.s32 $0x1600  }
0x41a: {  	[tilespmem:s2], [sflag:$0x1] =	stream.indirect_vreg.gather [hbm4b:s4+s29], $0x80, v3, vm0, $0xb8;
	[tilespmem:$0x10E00] =	vst v63  }
0x41b: {  	v3 =	vld [tilespmem:$0x910];
	_ =	sdelay $0x4  }
0x41c: {  	v4 =	vshll.u32 v3, $0x1  }
0x41d: {  	v3 =	vand.u32 $0x7, v3;
	v4 =	vand.u32 $0xFFFFFFF0, v4  }
0x41e: {  	v3 =	vor.u32 v3, v4  }
0x41f: {  	v4 =	vperm.xlane v3, v0;
	_ =	sdelay $0x1  }
0x420: {  	v3 =	vperm.xlane v3, v2;
	v4 =	vadd.s32 v1, v4;
	_ =	sdelay $0x1  }
0x421: {  	v3 =	vadd.s32 v1, v3;
	_ =	sdelay $0x1  }
0x422: {  	s2 =	simm.s32 $0x1E00  }
0x423: {  	[tilespmem:s2], [sflag:$0x1] =	stream.indirect_vreg.gather [hbm4b:s4+s29], $0x80, v4, vm0, $0xb8;
	[tilespmem:$0x10E00] =	vst v63  }
0x424: {  	s2 =	simm.s32 $0x2600  }
0x425: {  	[tilespmem:s2], [sflag:$0x1] =	stream.indirect_vreg.gather [hbm4b:s4+s29], $0x80, v3, vm0, $0xb8;
	[tilespmem:$0x10E00] =	vst v63  }
0x426: {  	v3 =	vld [tilespmem:$0x920];
	_ =	sdelay $0x4  }
0x427: {  	v4 =	vshll.u32 v3, $0x1  }
0x428: {  	v3 =	vand.u32 $0x7, v3;
	v4 =	vand.u32 $0xFFFFFFF0, v4  }
0x429: {  	v3 =	vor.u32 v3, v4  }
0x42a: {  	v4 =	vperm.xlane v3, v0;
	_ =	sdelay $0x1  }
0x42b: {  	v3 =	vperm.xlane v3, v2;
	v4 =	vadd.s32 v1, v4;
	_ =	sdelay $0x1  }
0x42c: {  	v3 =	vadd.s32 v1, v3;
	_ =	sdelay $0x1  }
0x42d: {  	s2 =	simm.s32 $0x2E00  }
0x42e: {  	[tilespmem:s2], [sflag:$0x1] =	stream.indirect_vreg.gather [hbm4b:s4+s29], $0x80, v4, vm0, $0xb8;
	[tilespmem:$0x10E00] =	vst v63  }
0x42f: {  	s2 =	simm.s32 $0x3600  }
0x430: {  	[tilespmem:s2], [sflag:$0x1] =	stream.indirect_vreg.gather [hbm4b:s4+s29], $0x80, v3, vm0, $0xb8;
	[tilespmem:$0x10E00] =	vst v63  }
0x431: {  	v3 =	vld [tilespmem:$0x930];
	_ =	sdelay $0x4  }
0x432: {  	v4 =	vshll.u32 v3, $0x1  }
0x433: {  	v3 =	vand.u32 $0x7, v3;
	v4 =	vand.u32 $0xFFFFFFF0, v4  }
0x434: {  	v3 =	vor.u32 v3, v4  }
0x435: {  	v4 =	vperm.xlane v3, v0;
	_ =	sdelay $0x1  }
0x436: {  	v3 =	vperm.xlane v3, v2;
	v4 =	vadd.s32 v1, v4;
	_ =	sdelay $0x1  }
0x437: {  	v3 =	vadd.s32 v1, v3;
	_ =	sdelay $0x1  }
0x438: {  	s2 =	simm.s32 $0x3E00  }
0x439: {  	[tilespmem:s2], [sflag:$0x1] =	stream.indirect_vreg.gather [hbm4b:s4+s29], $0x80, v4, vm0, $0xb8;
	[tilespmem:$0x10E00] =	vst v63  }
0x43a: {  	s2 =	simm.s32 $0x4600  }
0x43b: {  	[tilespmem:s2], [sflag:$0x1] =	stream.indirect_vreg.gather [hbm4b:s4+s29], $0x80, v3, vm0, $0xb8;
	[tilespmem:$0x10E00] =	vst v63  }
0x43c: {  	v3 =	vld [tilespmem:$0xD00];
	_ =	sdelay $0x4  }
0x43d: {  	v4 =	vshll.u32 v3, $0x1  }
0x43e: {  	v3 =	vand.u32 $0x7, v3;
	v4 =	vand.u32 $0xFFFFFFF0, v4  }
0x43f: {  	v3 =	vor.u32 v3, v4  }
0x440: {  	v4 =	vperm.xlane v3, v0;
	_ =	sdelay $0x1  }
0x441: {  	v3 =	vperm.xlane v3, v2;
	v4 =	vadd.s32 v1, v4;
	_ =	sdelay $0x1  }
0x442: {  	v3 =	vadd.s32 v1, v3;
	_ =	sdelay $0x1  }
0x443: {  	s2 =	simm.s32 $0x4E00  }
0x444: {  	[tilespmem:s2], [sflag:$0x2] =	stream.indirect_vreg.gather [hbm4b:s4+s29], $0x80, v4, vm0, $0xb8;
	[tilespmem:$0x10E00] =	vst v63  }
0x445: {  	s2 =	simm.s32 $0x5600  }
0x446: {  	[tilespmem:s2], [sflag:$0x2] =	stream.indirect_vreg.gather [hbm4b:s4+s29], $0x80, v3, vm0, $0xb8;
	[tilespmem:$0x10E00] =	vst v63  }
0x447: {  	v3 =	vld [tilespmem:$0xD10];
	_ =	sdelay $0x4  }
0x448: {  	v4 =	vshll.u32 v3, $0x1  }
0x449: {  	v3 =	vand.u32 $0x7, v3;
	v4 =	vand.u32 $0xFFFFFFF0, v4  }
0x44a: {  	v3 =	vor.u32 v3, v4  }
0x44b: {  	v4 =	vperm.xlane v3, v0;
	_ =	sdelay $0x1  }
0x44c: {  	v3 =	vperm.xlane v3, v2;
	v4 =	vadd.s32 v1, v4;
	_ =	sdelay $0x1  }
0x44d: {  	v3 =	vadd.s32 v1, v3;
	_ =	sdelay $0x1  }
0x44e: {  	s2 =	simm.s32 $0x5E00  }
0x44f: {  	[tilespmem:s2], [sflag:$0x2] =	stream.indirect_vreg.gather [hbm4b:s4+s29], $0x80, v4, vm0, $0xb8;
	[tilespmem:$0x10E00] =	vst v63  }
0x450: {  	s2 =	simm.s32 $0x6600  }
0x451: {  	[tilespmem:s2], [sflag:$0x2] =	stream.indirect_vreg.gather [hbm4b:s4+s29], $0x80, v3, vm0, $0xb8;
	[tilespmem:$0x10E00] =	vst v63  }
0x452: {  	v3 =	vld [tilespmem:$0xD20];
	_ =	sdelay $0x4  }
0x453: {  	v4 =	vshll.u32 v3, $0x1  }
0x454: {  	v3 =	vand.u32 $0x7, v3;
	v4 =	vand.u32 $0xFFFFFFF0, v4  }
0x455: {  	v3 =	vor.u32 v3, v4  }
0x456: {  	v4 =	vperm.xlane v3, v0;
	_ =	sdelay $0x1  }
0x457: {  	v3 =	vperm.xlane v3, v2;
	v4 =	vadd.s32 v1, v4;
	_ =	sdelay $0x1  }
0x458: {  	v3 =	vadd.s32 v1, v3;
	_ =	sdelay $0x1  }
0x459: {  	s2 =	simm.s32 $0x6E00  }
0x45a: {  	[tilespmem:s2], [sflag:$0x2] =	stream.indirect_vreg.gather [hbm4b:s4+s29], $0x80, v4, vm0, $0xb8;
	[tilespmem:$0x10E00] =	vst v63  }
0x45b: {  	s2 =	simm.s32 $0x7600  }
0x45c: {  	[tilespmem:s2], [sflag:$0x2] =	stream.indirect_vreg.gather [hbm4b:s4+s29], $0x80, v3, vm0, $0xb8;
	[tilespmem:$0x10E00] =	vst v63  }
0x45d: {  	v3 =	vld [tilespmem:$0xD30];
	_ =	sdelay $0x4  }
0x45e: {  	v4 =	vshll.u32 v3, $0x1  }
0x45f: {  	v3 =	vand.u32 $0x7, v3;
	v4 =	vand.u32 $0xFFFFFFF0, v4  }
0x460: {  	v3 =	vor.u32 v3, v4  }
0x461: {  	v4 =	vperm.xlane v3, v0;
	_ =	sdelay $0x1  }
0x462: {  	v3 =	vperm.xlane v3, v2;
	v4 =	vadd.s32 v1, v4;
	_ =	sdelay $0x1  }
0x463: {  	v3 =	vadd.s32 v1, v3;
	_ =	sdelay $0x1  }
0x464: {  	s2 =	simm.s32 $0x7E00  }
0x465: {  	[tilespmem:s2], [sflag:$0x2] =	stream.indirect_vreg.gather [hbm4b:s4+s29], $0x80, v4, vm0, $0xb8;
	[tilespmem:$0x10E00] =	vst v63  }
0x466: {  	s0 =	sand.u32 $0x3800, s29;
	s2 =	sand.u32 $0x380, s29  }
0x467: {  	[tilespmem:s3], [sflag:$0x2] =	stream.indirect_vreg.gather [hbm4b:s4+s29], $0x80, v3, vm0, $0xb8;
	[tilespmem:$0x10E00] =	vst v63  }
0x468: {  	s29 =	sor.u32 s2, s0  }
0x469: {  	v10 =	vld [tilespmem:s29+$0xCE00]  }
0x46a: {  	v11 =	vld [tilespmem:s29+$0xCE10]  }
0x46b: {  	v12 =	vld [tilespmem:s29+$0xCE20]  }
0x46c: {  	v13 =	vld [tilespmem:s29+$0xCE30]  }
0x46d: {  	v14 =	vld [tilespmem:s29+$0xCE40]  }
0x46e: {  	v15 =	vld [tilespmem:s29+$0xCE50]  }
0x46f: {  	v16 =	vld [tilespmem:s29+$0xCE60]  }
0x470: {  	v17 =	vld [tilespmem:s29+$0xCE70]  }
0x471: {  	v18 =	vld [tilespmem:s29+$0xD200]  }
0x472: {  	v9 =	vld [tilespmem:s29+$0xD210]  }
0x473: {  	v8 =	vld [tilespmem:s29+$0xD220]  }
0x474: {  	v7 =	vld [tilespmem:s29+$0xD230]  }
0x475: {  	v6 =	vld [tilespmem:s29+$0xD240]  }
0x476: {  	v5 =	vld [tilespmem:s29+$0xD250]  }
0x477: {  	v4 =	vld [tilespmem:s29+$0xD260]  }
0x478: {  	v3 =	vld [tilespmem:s29+$0xD270]  }
0x479: {  	v19 =	vld [tilespmem:s29+$0x8E00]  }
0x47a: {  	v20 =	vld [tilespmem:s29+$0x8E10]  }
0x47b: {  	v21 =	vld [tilespmem:s29+$0x8E20]  }
0x47c: {  	v22 =	vld [tilespmem:s29+$0x8E30]  }
0x47d: {  	v23 =	vld [tilespmem:s29+$0x8E40]  }
0x47e: {  	v10 =	vmul.f32 v10, v19;
	v19 =	vld [tilespmem:s29+$0x8E50]  }
0x47f: {  	v61 =	vld [tilespmem:s29+$0x8E60];
	v11 =	vmul.f32 v11, v20  }
0x480: {  	v62 =	vld [tilespmem:s29+$0x8E70];
	[tilespmem:s29+$0x8E00] =	vst v10;
	v10 =	vmul.f32 v12, v21  }
0x481: {  	v63 =	vld [tilespmem:s29+$0x9200];
	[tilespmem:s29+$0x8E10] =	vst v11;
	v11 =	vmul.f32 v13, v22  }
0x482: {  	v13 =	vld [tilespmem:s29+$0x9210];
	[tilespmem:s29+$0x8E20] =	vst v10;
	v10 =	vmul.f32 v14, v23  }
0x483: {  	v12 =	vld [tilespmem:s29+$0x9220];
	[tilespmem:s29+$0x8E30] =	vst v11;
	v11 =	vmul.f32 v15, v19  }
0x484: {  	v14 =	vmul.f32 v16, v61;
	[tilespmem:s29+$0x8E40] =	vst v10;
	v10 =	vld [tilespmem:s29+$0x9230]  }
0x485: {  	v16 =	vmul.f32 v17, v62;
	[tilespmem:s29+$0x8E50] =	vst v11;
	v11 =	vld [tilespmem:s29+$0x9240]  }
0x486: {  	s30 =	simm.s32 $0x80;
	s31 =	simm.s32 $0x100;
	v15 =	vmul.f32 v18, v63;
	[tilespmem:s29+$0x8E60] =	vst v14;
	v14 =	vld [tilespmem:s29+$0x9250]  }
.LBB2_14:
0x487: {  	s0 =	sand.u32 $0x3800, s31;
	s2 =	sand.u32 $0x380, s30;
	p0 =	sne.s32 s31, $0x3F00;
	[tilespmem:s29+$0x8E70] =	vst v16;
	v9 =	vmul.f32 v9, v13;
	v13 =	vld [tilespmem:s29+$0x9260]  }
0x488: {  	s0 =	sor.u32 s2, s0;
	[tilespmem:s29+$0x9200] =	vst v15;
	v8 =	vmul.f32 v8, v12;
	v12 =	vld [tilespmem:s29+$0x9270]  }
0x489: {  	v15 =	vld [tilespmem:s0+$0xCE00];
	[tilespmem:s29+$0x9210] =	vst v9;
	v7 =	vmul.f32 v7, v10  }
0x48a: {  	v10 =	vld [tilespmem:s0+$0xCE10];
	[tilespmem:s29+$0x9220] =	vst v8;
	v6 =	vmul.f32 v6, v11  }
0x48b: {  	v11 =	vld [tilespmem:s0+$0xCE20];
	[tilespmem:s29+$0x9230] =	vst v7;
	v5 =	vmul.f32 v5, v14  }
0x48c: {  	v14 =	vld [tilespmem:s0+$0xCE30];
	[tilespmem:s29+$0x9240] =	vst v6;
	v4 =	vmul.f32 v4, v13  }
0x48d: {  	v13 =	vld [tilespmem:s0+$0xCE40];
	[tilespmem:s29+$0x9250] =	vst v5;
	v3 =	vmul.f32 v3, v12  }
0x48e: {  	v12 =	vld [tilespmem:s0+$0xCE50];
	[tilespmem:s29+$0x9260] =	vst v4  }
0x48f: {  	v16 =	vld [tilespmem:s0+$0xCE60];
	[tilespmem:s29+$0x9270] =	vst v3;
	s29 =	smov.u32 s0  }
0x490: {  	v17 =	vld [tilespmem:s29+$0xCE70]  }
0x491: {  	v18 =	vld [tilespmem:s29+$0xD200]  }
0x492: {  	v9 =	vld [tilespmem:s29+$0xD210]  }
0x493: {  	v8 =	vld [tilespmem:s29+$0xD220]  }
0x494: {  	v7 =	vld [tilespmem:s29+$0xD230]  }
0x495: {  	v6 =	vld [tilespmem:s29+$0xD240]  }
0x496: {  	v5 =	vld [tilespmem:s29+$0xD250]  }
0x497: {  	v4 =	vld [tilespmem:s29+$0xD260]  }
0x498: {  	v3 =	vld [tilespmem:s29+$0xD270]  }
0x499: {  	v19 =	vld [tilespmem:s29+$0x8E00]  }
0x49a: {  	v20 =	vld [tilespmem:s29+$0x8E10]  }
0x49b: {  	v21 =	vld [tilespmem:s29+$0x8E20]  }
0x49c: {  	v22 =	vld [tilespmem:s29+$0x8E30]  }
0x49d: {  	v23 =	vld [tilespmem:s29+$0x8E40]  }
0x49e: {  	v15 =	vmul.f32 v15, v19;
	v19 =	vld [tilespmem:s29+$0x8E50]  }
0x49f: {  	v10 =	vmul.f32 v10, v20;
	v20 =	vld [tilespmem:s29+$0x8E60]  }
0x4a0: {  	[tilespmem:s29+$0x8E00] =	vst v15;
	v11 =	vmul.f32 v11, v21;
	v15 =	vld [tilespmem:s29+$0x8E70]  }
0x4a1: {  	[tilespmem:s29+$0x8E10] =	vst v10;
	v10 =	vmul.f32 v14, v22;
	v14 =	vld [tilespmem:s29+$0x9200]  }
.Ltmp6:
0x4a2: {  	[tilespmem:s29+$0x8E20] =	vst v11;
	v11 =	vmul.f32 v13, v23;
	v13 =	vld [tilespmem:s29+$0x9210];
	(pc) =	sbr.rel @p0 .LBB2_14-.Ltmp6, $4  }
0x4a3: {  	[tilespmem:s29+$0x8E30] =	vst v10;
	v19 =	vmul.f32 v12, v19;
	v12 =	vld [tilespmem:s29+$0x9220]  }
0x4a4: {  	[tilespmem:s29+$0x8E40] =	vst v11;
	v20 =	vmul.f32 v16, v20;
	v10 =	vld [tilespmem:s29+$0x9230]  }
0x4a5: {  	[tilespmem:s29+$0x8E50] =	vst v19;
	v16 =	vmul.f32 v17, v15;
	v11 =	vld [tilespmem:s29+$0x9240]  }
0x4a6: {  	s30 =	sadd.s32 $0x80, s30;
	s31 =	sadd.s32 $0x100, s31;
	[tilespmem:s29+$0x8E60] =	vst v20;
	v15 =	vmul.f32 v18, v14;
	v14 =	vld [tilespmem:s29+$0x9250]  }
0x4a7: {  	[tilespmem:s29+$0x8E70] =	vst v16;
	v9 =	vmul.f32 v9, v13;
	v13 =	vld [tilespmem:s29+$0x9260]  }
0x4a8: {  	[tilespmem:s29+$0x9200] =	vst v15;
	v8 =	vmul.f32 v8, v12;
	v12 =	vld [tilespmem:s29+$0x9270]  }
0x4a9: {  	[tilespmem:s29+$0x9210] =	vst v9;
	v7 =	vmul.f32 v7, v10  }
0x4aa: {  	[tilespmem:s29+$0x9220] =	vst v8;
	v6 =	vmul.f32 v6, v11  }
0x4ab: {  	[tilespmem:s29+$0x9230] =	vst v7;
	v5 =	vmul.f32 v5, v14  }
0x4ac: {  	[tilespmem:s29+$0x9240] =	vst v6;
	v4 =	vmul.f32 v4, v13  }
0x4ad: {  	[tilespmem:s29+$0x9250] =	vst v5;
	v3 =	vmul.f32 v3, v12  }
0x4ae: {  	[tilespmem:s29+$0x9260] =	vst v4  }
0x4af: {  	s0 =	rddreg [dreg:$0xa];
	[tilespmem:s29+$0x9270] =	vst v3;
	s29 =	simm.s32 $0x0  }
0x4b0: {  	[hbm4b:s0+s29] =	stream.linear.scatter [tilespmem:s7], [sflag:$0x4], $0x4000, $0x38;
	[tilespmem:$0x10E00] =	vst v63  }
0x4b1: {  	_ =	swait.ge [sflag:s15], $0x4000  }
0x4b2: {  	[sflag:s15] =	ssyncset.done $0x0  }
0x4b3: {  	[sflag:s15] =	ssyncadd.s32 $0xFFFFC000  }
0x4b4: {  	_ =	swait.ge [sflag:s5], $0x4000  }
0x4b5: {  	[sflag:s5] =	ssyncset.done $0x0  }
0x4b6: {  	[sflag:s5] =	ssyncadd.s32 $0xFFFFC000  }
0x4b7: {  	_ =	swait.ge [sflag:s6], $0x4000  }
0x4b8: {  	[sflag:s6] =	ssyncset.done $0x0  }
0x4b9: {  	[sflag:s6] =	ssyncadd.s32 $0xFFFFC000  }
0x4ba: {  	v3 =	vld [tilespmem:$0x980];
	_ =	sdelay $0x4  }
0x4bb: {  	v4 =	vshll.u32 v3, $0x1  }
0x4bc: {  	v3 =	vand.u32 $0x7, v3;
	v4 =	vand.u32 $0xFFFFFFF0, v4  }
0x4bd: {  	v3 =	vor.u32 v3, v4  }
0x4be: {  	v4 =	vperm.xlane v3, v0;
	_ =	sdelay $0x1  }
0x4bf: {  	v3 =	vperm.xlane v3, v2;
	v4 =	vadd.s32 v1, v4;
	_ =	sdelay $0x1  }
0x4c0: {  	v3 =	vadd.s32 v1, v3;
	_ =	sdelay $0x2  }
0x4c1: {  	[tilespmem:s7], [sflag:$0x1] =	stream.indirect_vreg.gather [hbm4b:s4+s29], $0x80, v4, vm0, $0xb8;
	[tilespmem:$0x10E00] =	vst v63  }
0x4c2: {  	_ = 	snop  }
0x4c3: {  	[tilespmem:s8], [sflag:$0x1] =	stream.indirect_vreg.gather [hbm4b:s4+s29], $0x80, v3, vm0, $0xb8;
	[tilespmem:$0x10E00] =	vst v63  }
0x4c4: {  	v3 =	vld [tilespmem:$0x990];
	_ =	sdelay $0x4  }
0x4c5: {  	v4 =	vshll.u32 v3, $0x1  }
0x4c6: {  	v3 =	vand.u32 $0x7, v3;
	v4 =	vand.u32 $0xFFFFFFF0, v4  }
0x4c7: {  	v3 =	vor.u32 v3, v4  }
0x4c8: {  	v4 =	vperm.xlane v3, v0;
	_ =	sdelay $0x1  }
0x4c9: {  	v3 =	vperm.xlane v3, v2;
	v4 =	vadd.s32 v1, v4;
	_ =	sdelay $0x1  }
0x4ca: {  	v3 =	vadd.s32 v1, v3;
	_ =	sdelay $0x2  }
0x4cb: {  	[tilespmem:s9], [sflag:$0x1] =	stream.indirect_vreg.gather [hbm4b:s4+s29], $0x80, v4, vm0, $0xb8;
	[tilespmem:$0x10E00] =	vst v63  }
0x4cc: {  	_ = 	snop  }
0x4cd: {  	[tilespmem:s10], [sflag:$0x1] =	stream.indirect_vreg.gather [hbm4b:s4+s29], $0x80, v3, vm0, $0xb8;
	[tilespmem:$0x10E00] =	vst v63  }
0x4ce: {  	v3 =	vld [tilespmem:$0x9A0];
	_ =	sdelay $0x4  }
0x4cf: {  	v4 =	vshll.u32 v3, $0x1  }
0x4d0: {  	v3 =	vand.u32 $0x7, v3;
	v4 =	vand.u32 $0xFFFFFFF0, v4  }
0x4d1: {  	v3 =	vor.u32 v3, v4  }
0x4d2: {  	v4 =	vperm.xlane v3, v0;
	_ =	sdelay $0x1  }
0x4d3: {  	v3 =	vperm.xlane v3, v2;
	v4 =	vadd.s32 v1, v4;
	_ =	sdelay $0x1  }
0x4d4: {  	v3 =	vadd.s32 v1, v3;
	_ =	sdelay $0x2  }
0x4d5: {  	[tilespmem:s11], [sflag:$0x1] =	stream.indirect_vreg.gather [hbm4b:s4+s29], $0x80, v4, vm0, $0xb8;
	[tilespmem:$0x10E00] =	vst v63  }
0x4d6: {  	_ = 	snop  }
0x4d7: {  	[tilespmem:s12], [sflag:$0x1] =	stream.indirect_vreg.gather [hbm4b:s4+s29], $0x80, v3, vm0, $0xb8;
	[tilespmem:$0x10E00] =	vst v63  }
0x4d8: {  	v3 =	vld [tilespmem:$0x9B0];
	_ =	sdelay $0x4  }
0x4d9: {  	v4 =	vshll.u32 v3, $0x1  }
0x4da: {  	v3 =	vand.u32 $0x7, v3;
	v4 =	vand.u32 $0xFFFFFFF0, v4  }
0x4db: {  	v3 =	vor.u32 v3, v4  }
0x4dc: {  	v4 =	vperm.xlane v3, v0;
	_ =	sdelay $0x1  }
0x4dd: {  	v3 =	vperm.xlane v3, v2;
	v4 =	vadd.s32 v1, v4;
	_ =	sdelay $0x1  }
0x4de: {  	v3 =	vadd.s32 v1, v3;
	_ =	sdelay $0x2  }
0x4df: {  	[tilespmem:s13], [sflag:$0x1] =	stream.indirect_vreg.gather [hbm4b:s4+s29], $0x80, v4, vm0, $0xb8;
	[tilespmem:$0x10E00] =	vst v63  }
0x4e0: {  	_ = 	snop  }
0x4e1: {  	[tilespmem:s14], [sflag:$0x1] =	stream.indirect_vreg.gather [hbm4b:s4+s29], $0x80, v3, vm0, $0xb8;
	[tilespmem:$0x10E00] =	vst v63  }
0x4e2: {  	v3 =	vld [tilespmem:$0xD80];
	_ =	sdelay $0x4  }
0x4e3: {  	v4 =	vshll.u32 v3, $0x1  }
0x4e4: {  	v3 =	vand.u32 $0x7, v3;
	v4 =	vand.u32 $0xFFFFFFF0, v4  }
0x4e5: {  	v3 =	vor.u32 v3, v4  }
0x4e6: {  	v4 =	vperm.xlane v3, v0;
	_ =	sdelay $0x1  }
0x4e7: {  	v3 =	vperm.xlane v3, v2;
	v4 =	vadd.s32 v1, v4;
	_ =	sdelay $0x1  }
0x4e8: {  	v3 =	vadd.s32 v1, v3;
	_ =	sdelay $0x2  }
0x4e9: {  	[tilespmem:s19], [sflag:$0x2] =	stream.indirect_vreg.gather [hbm4b:s4+s29], $0x80, v4, vm0, $0xb8;
	[tilespmem:$0x10E00] =	vst v63  }
0x4ea: {  	_ = 	snop  }
0x4eb: {  	[tilespmem:s20], [sflag:$0x2] =	stream.indirect_vreg.gather [hbm4b:s4+s29], $0x80, v3, vm0, $0xb8;
	[tilespmem:$0x10E00] =	vst v63  }
0x4ec: {  	v3 =	vld [tilespmem:$0xD90];
	_ =	sdelay $0x4  }
0x4ed: {  	v4 =	vshll.u32 v3, $0x1  }
0x4ee: {  	v3 =	vand.u32 $0x7, v3;
	v4 =	vand.u32 $0xFFFFFFF0, v4  }
0x4ef: {  	v3 =	vor.u32 v3, v4  }
0x4f0: {  	v4 =	vperm.xlane v3, v0;
	_ =	sdelay $0x1  }
0x4f1: {  	v3 =	vperm.xlane v3, v2;
	v4 =	vadd.s32 v1, v4;
	_ =	sdelay $0x1  }
0x4f2: {  	v3 =	vadd.s32 v1, v3;
	_ =	sdelay $0x2  }
0x4f3: {  	[tilespmem:s21], [sflag:$0x2] =	stream.indirect_vreg.gather [hbm4b:s4+s29], $0x80, v4, vm0, $0xb8;
	[tilespmem:$0x10E00] =	vst v63  }
0x4f4: {  	_ = 	snop  }
0x4f5: {  	[tilespmem:s22], [sflag:$0x2] =	stream.indirect_vreg.gather [hbm4b:s4+s29], $0x80, v3, vm0, $0xb8;
	[tilespmem:$0x10E00] =	vst v63  }
0x4f6: {  	v3 =	vld [tilespmem:$0xDA0];
	_ =	sdelay $0x4  }
0x4f7: {  	v4 =	vshll.u32 v3, $0x1  }
0x4f8: {  	v3 =	vand.u32 $0x7, v3;
	v4 =	vand.u32 $0xFFFFFFF0, v4  }
0x4f9: {  	v3 =	vor.u32 v3, v4  }
0x4fa: {  	v4 =	vperm.xlane v3, v0;
	_ =	sdelay $0x1  }
0x4fb: {  	v3 =	vperm.xlane v3, v2;
	v4 =	vadd.s32 v1, v4;
	_ =	sdelay $0x1  }
0x4fc: {  	v3 =	vadd.s32 v1, v3;
	_ =	sdelay $0x2  }
0x4fd: {  	[tilespmem:s23], [sflag:$0x2] =	stream.indirect_vreg.gather [hbm4b:s4+s29], $0x80, v4, vm0, $0xb8;
	[tilespmem:$0x10E00] =	vst v63  }
0x4fe: {  	_ = 	snop  }
0x4ff: {  	[tilespmem:s24], [sflag:$0x2] =	stream.indirect_vreg.gather [hbm4b:s4+s29], $0x80, v3, vm0, $0xb8;
	[tilespmem:$0x10E00] =	vst v63  }
0x500: {  	v3 =	vld [tilespmem:$0xDB0];
	_ =	sdelay $0x4  }
0x501: {  	v4 =	vshll.u32 v3, $0x1  }
0x502: {  	v3 =	vand.u32 $0x7, v3;
	v4 =	vand.u32 $0xFFFFFFF0, v4  }
0x503: {  	v3 =	vor.u32 v3, v4  }
0x504: {  	v4 =	vperm.xlane v3, v0;
	_ =	sdelay $0x1  }
0x505: {  	v3 =	vperm.xlane v3, v2;
	v4 =	vadd.s32 v1, v4;
	_ =	sdelay $0x1  }
0x506: {  	v3 =	vadd.s32 v1, v3;
	_ =	sdelay $0x2  }
0x507: {  	[tilespmem:s25], [sflag:$0x2] =	stream.indirect_vreg.gather [hbm4b:s4+s29], $0x80, v4, vm0, $0xb8;
	[tilespmem:$0x10E00] =	vst v63  }
0x508: {  	s0 =	sand.u32 $0x3800, s29;
	s2 =	sand.u32 $0x380, s29  }
0x509: {  	[tilespmem:s26], [sflag:$0x2] =	stream.indirect_vreg.gather [hbm4b:s4+s29], $0x80, v3, vm0, $0xb8;
	[tilespmem:$0x10E00] =	vst v63  }
0x50a: {  	s29 =	sor.u32 s2, s0  }
0x50b: {  	v10 =	vld [tilespmem:s29+$0x4E00]  }
0x50c: {  	v11 =	vld [tilespmem:s29+$0x4E10]  }
0x50d: {  	v12 =	vld [tilespmem:s29+$0x4E20]  }
0x50e: {  	v13 =	vld [tilespmem:s29+$0x4E30]  }
0x50f: {  	v14 =	vld [tilespmem:s29+$0x4E40]  }
0x510: {  	v15 =	vld [tilespmem:s29+$0x4E50]  }
0x511: {  	v16 =	vld [tilespmem:s29+$0x4E60]  }
0x512: {  	v17 =	vld [tilespmem:s29+$0x4E70]  }
0x513: {  	v18 =	vld [tilespmem:s29+$0x5200]  }
0x514: {  	v9 =	vld [tilespmem:s29+$0x5210]  }
0x515: {  	v8 =	vld [tilespmem:s29+$0x5220]  }
0x516: {  	v7 =	vld [tilespmem:s29+$0x5230]  }
0x517: {  	v6 =	vld [tilespmem:s29+$0x5240]  }
0x518: {  	v5 =	vld [tilespmem:s29+$0x5250]  }
0x519: {  	v4 =	vld [tilespmem:s29+$0x5260]  }
0x51a: {  	v3 =	vld [tilespmem:s29+$0x5270]  }
0x51b: {  	v19 =	vld [tilespmem:s29+$0xE00]  }
0x51c: {  	v20 =	vld [tilespmem:s29+$0xE10]  }
0x51d: {  	v21 =	vld [tilespmem:s29+$0xE20]  }
0x51e: {  	v22 =	vld [tilespmem:s29+$0xE30]  }
0x51f: {  	v23 =	vld [tilespmem:s29+$0xE40]  }
0x520: {  	v10 =	vmul.f32 v10, v19;
	v19 =	vld [tilespmem:s29+$0xE50]  }
0x521: {  	v61 =	vld [tilespmem:s29+$0xE60];
	v11 =	vmul.f32 v11, v20  }
0x522: {  	v62 =	vld [tilespmem:s29+$0xE70];
	[tilespmem:s29+$0xE00] =	vst v10;
	v10 =	vmul.f32 v12, v21  }
0x523: {  	v63 =	vld [tilespmem:s29+$0x1200];
	[tilespmem:s29+$0xE10] =	vst v11;
	v11 =	vmul.f32 v13, v22  }
0x524: {  	v13 =	vld [tilespmem:s29+$0x1210];
	[tilespmem:s29+$0xE20] =	vst v10;
	v10 =	vmul.f32 v14, v23  }
0x525: {  	v12 =	vld [tilespmem:s29+$0x1220];
	[tilespmem:s29+$0xE30] =	vst v11;
	v11 =	vmul.f32 v15, v19  }
0x526: {  	v14 =	vmul.f32 v16, v61;
	[tilespmem:s29+$0xE40] =	vst v10;
	v10 =	vld [tilespmem:s29+$0x1230]  }
0x527: {  	v16 =	vmul.f32 v17, v62;
	[tilespmem:s29+$0xE50] =	vst v11;
	v11 =	vld [tilespmem:s29+$0x1240]  }
0x528: {  	s30 =	simm.s32 $0x80;
	s31 =	simm.s32 $0x100;
	v15 =	vmul.f32 v18, v63;
	[tilespmem:s29+$0xE60] =	vst v14;
	v14 =	vld [tilespmem:s29+$0x1250]  }
.LBB2_16:
0x529: {  	s0 =	sand.u32 $0x3800, s31;
	s2 =	sand.u32 $0x380, s30;
	p0 =	sne.s32 s31, $0x3F00;
	[tilespmem:s29+$0xE70] =	vst v16;
	v9 =	vmul.f32 v9, v13;
	v13 =	vld [tilespmem:s29+$0x1260]  }
0x52a: {  	s0 =	sor.u32 s2, s0;
	[tilespmem:s29+$0x1200] =	vst v15;
	v8 =	vmul.f32 v8, v12;
	v12 =	vld [tilespmem:s29+$0x1270]  }
0x52b: {  	v15 =	vld [tilespmem:s0+$0x4E00];
	[tilespmem:s29+$0x1210] =	vst v9;
	v7 =	vmul.f32 v7, v10  }
0x52c: {  	v10 =	vld [tilespmem:s0+$0x4E10];
	[tilespmem:s29+$0x1220] =	vst v8;
	v6 =	vmul.f32 v6, v11  }
0x52d: {  	v11 =	vld [tilespmem:s0+$0x4E20];
	[tilespmem:s29+$0x1230] =	vst v7;
	v5 =	vmul.f32 v5, v14  }
0x52e: {  	v14 =	vld [tilespmem:s0+$0x4E30];
	[tilespmem:s29+$0x1240] =	vst v6;
	v4 =	vmul.f32 v4, v13  }
0x52f: {  	v13 =	vld [tilespmem:s0+$0x4E40];
	[tilespmem:s29+$0x1250] =	vst v5;
	v3 =	vmul.f32 v3, v12  }
0x530: {  	v12 =	vld [tilespmem:s0+$0x4E50];
	[tilespmem:s29+$0x1260] =	vst v4  }
0x531: {  	v16 =	vld [tilespmem:s0+$0x4E60];
	[tilespmem:s29+$0x1270] =	vst v3;
	s29 =	smov.u32 s0  }
0x532: {  	v17 =	vld [tilespmem:s29+$0x4E70]  }
0x533: {  	v18 =	vld [tilespmem:s29+$0x5200]  }
0x534: {  	v9 =	vld [tilespmem:s29+$0x5210]  }
0x535: {  	v8 =	vld [tilespmem:s29+$0x5220]  }
0x536: {  	v7 =	vld [tilespmem:s29+$0x5230]  }
0x537: {  	v6 =	vld [tilespmem:s29+$0x5240]  }
0x538: {  	v5 =	vld [tilespmem:s29+$0x5250]  }
0x539: {  	v4 =	vld [tilespmem:s29+$0x5260]  }
0x53a: {  	v3 =	vld [tilespmem:s29+$0x5270]  }
0x53b: {  	v19 =	vld [tilespmem:s29+$0xE00]  }
0x53c: {  	v20 =	vld [tilespmem:s29+$0xE10]  }
0x53d: {  	v21 =	vld [tilespmem:s29+$0xE20]  }
0x53e: {  	v22 =	vld [tilespmem:s29+$0xE30]  }
0x53f: {  	v23 =	vld [tilespmem:s29+$0xE40]  }
0x540: {  	v15 =	vmul.f32 v15, v19;
	v19 =	vld [tilespmem:s29+$0xE50]  }
0x541: {  	v10 =	vmul.f32 v10, v20;
	v20 =	vld [tilespmem:s29+$0xE60]  }
0x542: {  	[tilespmem:s29+$0xE00] =	vst v15;
	v11 =	vmul.f32 v11, v21;
	v15 =	vld [tilespmem:s29+$0xE70]  }
0x543: {  	[tilespmem:s29+$0xE10] =	vst v10;
	v10 =	vmul.f32 v14, v22;
	v14 =	vld [tilespmem:s29+$0x1200]  }
.Ltmp7:
0x544: {  	[tilespmem:s29+$0xE20] =	vst v11;
	v11 =	vmul.f32 v13, v23;
	v13 =	vld [tilespmem:s29+$0x1210];
	(pc) =	sbr.rel @p0 .LBB2_16-.Ltmp7, $4  }
0x545: {  	[tilespmem:s29+$0xE30] =	vst v10;
	v19 =	vmul.f32 v12, v19;
	v12 =	vld [tilespmem:s29+$0x1220]  }
0x546: {  	[tilespmem:s29+$0xE40] =	vst v11;
	v20 =	vmul.f32 v16, v20;
	v10 =	vld [tilespmem:s29+$0x1230]  }
0x547: {  	[tilespmem:s29+$0xE50] =	vst v19;
	v16 =	vmul.f32 v17, v15;
	v11 =	vld [tilespmem:s29+$0x1240]  }
0x548: {  	s30 =	sadd.s32 $0x80, s30;
	s31 =	sadd.s32 $0x100, s31;
	[tilespmem:s29+$0xE60] =	vst v20;
	v15 =	vmul.f32 v18, v14;
	v14 =	vld [tilespmem:s29+$0x1250]  }
0x549: {  	[tilespmem:s29+$0xE70] =	vst v16;
	v9 =	vmul.f32 v9, v13;
	v13 =	vld [tilespmem:s29+$0x1260]  }
0x54a: {  	[tilespmem:s29+$0x1200] =	vst v15;
	v8 =	vmul.f32 v8, v12;
	v12 =	vld [tilespmem:s29+$0x1270]  }
0x54b: {  	[tilespmem:s29+$0x1210] =	vst v9;
	v7 =	vmul.f32 v7, v10  }
0x54c: {  	[tilespmem:s29+$0x1220] =	vst v8;
	v6 =	vmul.f32 v6, v11  }
0x54d: {  	[tilespmem:s29+$0x1230] =	vst v7;
	v5 =	vmul.f32 v5, v14  }
0x54e: {  	[tilespmem:s29+$0x1240] =	vst v6;
	v4 =	vmul.f32 v4, v13  }
0x54f: {  	[tilespmem:s29+$0x1250] =	vst v5;
	v3 =	vmul.f32 v3, v12  }
0x550: {  	[tilespmem:s29+$0x1260] =	vst v4  }
0x551: {  	s0 =	simm.s32 $0x0;
	s2 =	rddreg [dreg:$0xb];
	[tilespmem:s29+$0x1270] =	vst v3  }
0x552: {  	[hbm4b:s2+s0] =	stream.linear.scatter [tilespmem:s18], [sflag:$0x4], $0x4000, $0x38;
	[tilespmem:$0x10E00] =	vst v63  }
0x553: {  	_ =	swait.ge [sflag:s15], $0x4000  }
0x554: {  	[sflag:s15] =	ssyncset.done $0x0  }
0x555: {  	[sflag:s15] =	ssyncadd.s32 $0xFFFFC000  }
0x556: {  	_ =	swait.ge [sflag:s5], $0x4000  }
0x557: {  	[sflag:s5] =	ssyncset.done $0x0  }
0x558: {  	[sflag:s5] =	ssyncadd.s32 $0xFFFFC000  }
0x559: {  	_ =	swait.ge [sflag:s6], $0x4000  }
0x55a: {  	s2 =	sand.u32 $0x3800, s0;
	s0 =	sand.u32 $0x380, s0;
	[sflag:s6] =	ssyncset.done $0x0  }
0x55b: {  	s29 =	sor.u32 s0, s2;
	[sflag:s6] =	ssyncadd.s32 $0xFFFFC000  }
0x55c: {  	v10 =	vld [tilespmem:s29+$0xCE00]  }
0x55d: {  	v11 =	vld [tilespmem:s29+$0xCE10]  }
0x55e: {  	v12 =	vld [tilespmem:s29+$0xCE20]  }
0x55f: {  	v13 =	vld [tilespmem:s29+$0xCE30]  }
0x560: {  	v14 =	vld [tilespmem:s29+$0xCE40]  }
0x561: {  	v15 =	vld [tilespmem:s29+$0xCE50]  }
0x562: {  	v16 =	vld [tilespmem:s29+$0xCE60]  }
0x563: {  	v17 =	vld [tilespmem:s29+$0xCE70]  }
0x564: {  	v18 =	vld [tilespmem:s29+$0xD200]  }
0x565: {  	v9 =	vld [tilespmem:s29+$0xD210]  }
0x566: {  	v8 =	vld [tilespmem:s29+$0xD220]  }
0x567: {  	v7 =	vld [tilespmem:s29+$0xD230]  }
0x568: {  	v6 =	vld [tilespmem:s29+$0xD240]  }
0x569: {  	v5 =	vld [tilespmem:s29+$0xD250]  }
0x56a: {  	v4 =	vld [tilespmem:s29+$0xD260]  }
0x56b: {  	v3 =	vld [tilespmem:s29+$0xD270]  }
0x56c: {  	v19 =	vld [tilespmem:s29+$0x8E00]  }
0x56d: {  	v20 =	vld [tilespmem:s29+$0x8E10]  }
0x56e: {  	v21 =	vld [tilespmem:s29+$0x8E20]  }
0x56f: {  	v22 =	vld [tilespmem:s29+$0x8E30]  }
0x570: {  	v23 =	vld [tilespmem:s29+$0x8E40]  }
0x571: {  	v10 =	vmul.f32 v10, v19;
	v19 =	vld [tilespmem:s29+$0x8E50]  }
0x572: {  	v61 =	vld [tilespmem:s29+$0x8E60];
	v11 =	vmul.f32 v11, v20  }
0x573: {  	v62 =	vld [tilespmem:s29+$0x8E70];
	[tilespmem:s29+$0x8E00] =	vst v10;
	v10 =	vmul.f32 v12, v21  }
0x574: {  	v63 =	vld [tilespmem:s29+$0x9200];
	[tilespmem:s29+$0x8E10] =	vst v11;
	v11 =	vmul.f32 v13, v22  }
0x575: {  	v13 =	vld [tilespmem:s29+$0x9210];
	[tilespmem:s29+$0x8E20] =	vst v10;
	v10 =	vmul.f32 v14, v23  }
0x576: {  	v12 =	vld [tilespmem:s29+$0x9220];
	[tilespmem:s29+$0x8E30] =	vst v11;
	v11 =	vmul.f32 v15, v19  }
0x577: {  	v14 =	vmul.f32 v16, v61;
	[tilespmem:s29+$0x8E40] =	vst v10;
	v10 =	vld [tilespmem:s29+$0x9230]  }
0x578: {  	v16 =	vmul.f32 v17, v62;
	[tilespmem:s29+$0x8E50] =	vst v11;
	v11 =	vld [tilespmem:s29+$0x9240]  }
0x579: {  	s30 =	simm.s32 $0x80;
	s31 =	simm.s32 $0x100;
	v15 =	vmul.f32 v18, v63;
	[tilespmem:s29+$0x8E60] =	vst v14;
	v14 =	vld [tilespmem:s29+$0x9250]  }
.LBB2_18:
0x57a: {  	s0 =	sand.u32 $0x3800, s31;
	s2 =	sand.u32 $0x380, s30;
	p0 =	sne.s32 s31, $0x3F00;
	[tilespmem:s29+$0x8E70] =	vst v16;
	v9 =	vmul.f32 v9, v13;
	v13 =	vld [tilespmem:s29+$0x9260]  }
0x57b: {  	s0 =	sor.u32 s2, s0;
	[tilespmem:s29+$0x9200] =	vst v15;
	v8 =	vmul.f32 v8, v12;
	v12 =	vld [tilespmem:s29+$0x9270]  }
0x57c: {  	v15 =	vld [tilespmem:s0+$0xCE00];
	[tilespmem:s29+$0x9210] =	vst v9;
	v7 =	vmul.f32 v7, v10  }
0x57d: {  	v10 =	vld [tilespmem:s0+$0xCE10];
	[tilespmem:s29+$0x9220] =	vst v8;
	v6 =	vmul.f32 v6, v11  }
0x57e: {  	v11 =	vld [tilespmem:s0+$0xCE20];
	[tilespmem:s29+$0x9230] =	vst v7;
	v5 =	vmul.f32 v5, v14  }
0x57f: {  	v14 =	vld [tilespmem:s0+$0xCE30];
	[tilespmem:s29+$0x9240] =	vst v6;
	v4 =	vmul.f32 v4, v13  }
0x580: {  	v13 =	vld [tilespmem:s0+$0xCE40];
	[tilespmem:s29+$0x9250] =	vst v5;
	v3 =	vmul.f32 v3, v12  }
0x581: {  	v12 =	vld [tilespmem:s0+$0xCE50];
	[tilespmem:s29+$0x9260] =	vst v4  }
0x582: {  	v16 =	vld [tilespmem:s0+$0xCE60];
	[tilespmem:s29+$0x9270] =	vst v3;
	s29 =	smov.u32 s0  }
0x583: {  	v17 =	vld [tilespmem:s29+$0xCE70]  }
0x584: {  	v18 =	vld [tilespmem:s29+$0xD200]  }
0x585: {  	v9 =	vld [tilespmem:s29+$0xD210]  }
0x586: {  	v8 =	vld [tilespmem:s29+$0xD220]  }
0x587: {  	v7 =	vld [tilespmem:s29+$0xD230]  }
0x588: {  	v6 =	vld [tilespmem:s29+$0xD240]  }
0x589: {  	v5 =	vld [tilespmem:s29+$0xD250]  }
0x58a: {  	v4 =	vld [tilespmem:s29+$0xD260]  }
0x58b: {  	v3 =	vld [tilespmem:s29+$0xD270]  }
0x58c: {  	v19 =	vld [tilespmem:s29+$0x8E00]  }
0x58d: {  	v20 =	vld [tilespmem:s29+$0x8E10]  }
0x58e: {  	v21 =	vld [tilespmem:s29+$0x8E20]  }
0x58f: {  	v22 =	vld [tilespmem:s29+$0x8E30]  }
0x590: {  	v23 =	vld [tilespmem:s29+$0x8E40]  }
0x591: {  	v15 =	vmul.f32 v15, v19;
	v19 =	vld [tilespmem:s29+$0x8E50]  }
0x592: {  	v10 =	vmul.f32 v10, v20;
	v20 =	vld [tilespmem:s29+$0x8E60]  }
0x593: {  	[tilespmem:s29+$0x8E00] =	vst v15;
	v11 =	vmul.f32 v11, v21;
	v15 =	vld [tilespmem:s29+$0x8E70]  }
0x594: {  	[tilespmem:s29+$0x8E10] =	vst v10;
	v10 =	vmul.f32 v14, v22;
	v14 =	vld [tilespmem:s29+$0x9200]  }
.Ltmp8:
0x595: {  	[tilespmem:s29+$0x8E20] =	vst v11;
	v11 =	vmul.f32 v13, v23;
	v13 =	vld [tilespmem:s29+$0x9210];
	(pc) =	sbr.rel @p0 .LBB2_18-.Ltmp8, $4  }
0x596: {  	[tilespmem:s29+$0x8E30] =	vst v10;
	v19 =	vmul.f32 v12, v19;
	v12 =	vld [tilespmem:s29+$0x9220]  }
0x597: {  	[tilespmem:s29+$0x8E40] =	vst v11;
	v20 =	vmul.f32 v16, v20;
	v10 =	vld [tilespmem:s29+$0x9230]  }
0x598: {  	[tilespmem:s29+$0x8E50] =	vst v19;
	v16 =	vmul.f32 v17, v15;
	v11 =	vld [tilespmem:s29+$0x9240]  }
0x599: {  	s30 =	sadd.s32 $0x80, s30;
	s31 =	sadd.s32 $0x100, s31;
	[tilespmem:s29+$0x8E60] =	vst v20;
	v15 =	vmul.f32 v18, v14;
	v14 =	vld [tilespmem:s29+$0x9250]  }
0x59a: {  	[tilespmem:s29+$0x8E70] =	vst v16;
	v9 =	vmul.f32 v9, v13;
	v62 =	vld [tilespmem:s29+$0x9260]  }
0x59b: {  	v63 =	vld [tilespmem:s29+$0x9270];
	[tilespmem:s29+$0x9200] =	vst v15;
	v8 =	vmul.f32 v8, v12  }
0x59c: {  	[tilespmem:s29+$0x9210] =	vst v9;
	v7 =	vmul.f32 v7, v10  }
0x59d: {  	[tilespmem:s29+$0x9220] =	vst v8;
	v6 =	vmul.f32 v6, v11  }
0x59e: {  	[tilespmem:s29+$0x9230] =	vst v7;
	v5 =	vmul.f32 v5, v14  }
0x59f: {  	[tilespmem:s29+$0x9240] =	vst v6;
	v4 =	vmul.f32 v4, v62  }
0x5a0: {  	v3 =	vmul.f32 v3, v63;
	[tilespmem:s29+$0x9250] =	vst v5  }
0x5a1: {  	[tilespmem:s29+$0x9260] =	vst v4  }
0x5a2: {  	s0 =	rddreg [dreg:$0xc];
	[tilespmem:s29+$0x9270] =	vst v3;
	s29 =	simm.s32 $0x0  }
0x5a3: {  	[hbm4b:s0+s29] =	stream.linear.scatter [tilespmem:s7], [sflag:$0x4], $0x4000, $0x38;
	[tilespmem:$0x10E00] =	vst v63  }
0x5a4: {  	_ =	swait.ge [sflag:s15], $0x4000  }
0x5a5: {  	s28 =	sadd.s32 $0x1, s28;
	s31 =	rddreg [dreg:$0xd]  }
0x5a6: {  	p0 =	sne.s32 s28, s31  }
.Ltmp9:
0x5a7: {  	_ = 	snop;
	(pc) =	sbr.rel @p0 .LBB2_1-.Ltmp9, $3  }
0x5a8: {  	_ =	sdelay $0x1  }
0x5a9: {  	[sflag:s15] =	ssyncset.done $0x0  }
0x5aa: {  	[sflag:s15] =	ssyncadd.s32 $0xFFFFC000  }
0x5ab: {  	_ =	sfence.sel $0x180000  }
0x5ac: {  	[bflag:$0x0] =	sbarrier.arrive $0xFFFF  }
0x5ad: {  	_ =	strace $0x9000004A  }
0x5ae: {  	s0 =	stileid.u32;
	[bflag:$0x2] =	sbarrier.arrive $0xFFFF  }
0x5af: {  	p0 =	sne.s32 s0, $0x0;
	s0 =	rddreg [dreg:$0x3]  }
0x5b0: {  	s0 =	sadd.s32 @!p0 $0x100000, s0  }
0x5b1: {  	[sflag:s0] =	ssyncadd.tile.s32 @!p0 $0x1;
	_ =	shalt  }
.Lfunc_end2:
_tile_overlayer_lowered:
.L_overlay_start_2:
0x5b2: {  	(tag) =	ssettag $0x2  }
0x5b3: {  	s0 =	rddreg [dreg:$0x0];
	s2 =	stileid.u32  }
0x5b4: {  	s1 =	rddreg [dreg:$0x1];
	p0 =	sne.s32 s2, $0x0  }
0x5b5: {  	s3 =	rddreg [dreg:$0x2];
	[bflag:$0x3] =	sbarrier.arrive $0xFFFF;
	s2 =	simm.s32 @!p0 $0x1C04  }
0x5b6: {  	[timem:s3], [sflag:s2] =	dma.local @!p0 [hbm:s0], s1  }
0x5b7: {  	s0 =	simm.s32 @!p0 $0x4  }
0x5b8: {  	_ =	swait.ge @!p0 [sflag:s0], s1  }
0x5b9: {  	s1 =	ssub.s32 @!p0 $0x0, s1;
	[sflag:s0] =	ssyncset.done @!p0 $0x0  }
0x5ba: {  	[sflag:s0] =	ssyncadd.s32 @!p0 s1  }
0x5bb: {  	[bflag:$0x3] =	sbarrier.arrive $0xFFFF  }
0x5bc: {  	_ =	shalt  }

// kernel: kernel.7.cloned.1.call-start
scs
__scs_entry_jumppad:
0x0: {  	(pc) =	sbr.rel $0x88, $3  }
0x1: {  	(tag) =	ssettag $0x0;
	lr =	simm.s32 $0x1  }
0x2: {  	[smem:$0x3F8F] =	sst lr;
	_ =	strace $0xD0000000  }
0x3: {  	_ = 	snop  }
0x4: {  	_ = 	snop  }
0x5: {  	_ = 	snop  }
0x6: {  	_ = 	snop  }
0x7: {  	_ = 	snop  }
__scs_overlays_trampoline_lowered:
0x8: {  	[smem:$0x3F9E] =	sst s0  }
0x9: {  	[smem:$0x3F9F] =	sst s1  }
0xa: {  	[smem:$0x3FA0] =	sst s2  }
0xb: {  	[smem:$0x3FA1] =	sst s3  }
0xc: {  	[smem:$0x3FA2] =	sst s4  }
0xd: {  	[smem:$0x3FA3] =	sst s5  }
0xe: {  	[smem:$0x3FA4] =	sst s6  }
0xf: {  	[smem:$0x3FA5] =	sst s7  }
0x10: {  	[smem:$0x3FA6] =	sst s8  }
0x11: {  	[smem:$0x3FA7] =	sst s9;
	s0 =	simm.s32 @!p0 $0x0  }
0x12: {  	s1 =	sld [smem:$0x3F8D];
	s0 =	simm.s32 @p0 $0x1  }
0x13: {  	[smem:$0x3FA8] =	sst s0;
	s0 =	simm.s32 @!p1 $0x0  }
0x14: {  	s2 =	sld [smem:$0x3F8C];
	s0 =	simm.s32 @p1 $0x1  }
0x15: {  	[smem:$0x3FA9] =	sst s0;
	s0 =	simm.s32 @!p2 $0x0  }
0x16: {  	s3 =	sld [smem:$0x3FDB];
	s0 =	simm.s32 @p2 $0x1  }
0x17: {  	s4 =	simm.s32 $0x1BF5;
	[smem:$0x3FAB] =	sst s0  }
0x18: {  	s0 =	sld [smem:$0x3F8E];
	_ =	swait.ge [sflag:s4], $0x0  }
0x19: {  	s7 =	sld [smem:$0x3F8F]  }
0x1a: {  	s8 =	sadd.s32 $0xFFFFE003, lr  }
0x1b: {  	s9 =	sadd.s32 $0xFFFFFEF7, lr;
	s5 =	simm.s32 $0xFFFFFFFF;
	p2 =	slt.u32 s8, $0xFFFFF086  }
0x1c: {  	p1 =	slt.u32 s9, $0xF7A;
	s5 =	simm.s32 @!p2 $0x0  }
0x1d: {  	s5 =	simm.s32 @p1 $0x1;
	p0 =	seq.s32 s7, s2  }
0x1e: {  	s7 =	smul.u32 @!p0 $0xF7A, s2;
	p2 =	seq.s32 @!p0 s5, $0x0  }
0x1f: {  	s9 =	smul.u32 $0xF7A, s1;
	s8 =	simm.s32 @!p0 $0x1BF5;
	p2 =	por !p2, p0  }
0x20: {  	[sflag:s8] =	ssyncset.s32 @!p0 $0xFFFFF086;
	s6 =	sadd.s32 @!p0 s3, s7;
	s7 =	simm.s32 @!p0 $0x108  }
0x21: {  	s3 =	sadd.s32 s3, s9;
	s6 =	sadd.s32 @!p0 $0x88, s6;
	s7 =	simm.s32 @p2 $0x1082  }
0x22: {  	[simem:s7], [sflag:s8] =	dma.local @!p0 [hbm:s6], $0xF7A  }
0x23: {  	s9 =	sor.u32 $0xD0000000, s2;
	s6 =	simm.s32 $0x108;
	_ =	swait.ge @!p0 [sflag:s8], $0x0  }
0x24: {  	s3 =	sadd.s32 $0x88, s3;
	s6 =	simm.s32 @!p1 $0x1082;
	[sflag:s4] =	ssyncset.s32 $0xFFFFF086  }
0x25: {  	[simem:s6], [sflag:s4] =	dma.local [hbm:s3], $0xF7A  }
0x26: {  	[smem:$0x3F8F] =	sst s1;
	(tag) =	ssettag s2;
	_ =	strace s9  }
0x27: {  	s1 =	sld [smem:$0x3F9F]  }
0x28: {  	s2 =	sld [smem:$0x3FA0]  }
0x29: {  	s4 =	sld [smem:$0x3FA2]  }
0x2a: {  	p0 =	seq.s32 s5, $0x0;
	s5 =	sld [smem:$0x3FA3]  }
0x2b: {  	s6 =	sld [smem:$0x3FA4]  }
0x2c: {  	s7 =	sld [smem:$0x3FA5]  }
0x2d: {  	s3 =	simm.s32 $0x108;
	s8 =	sld [smem:$0x3FA6]  }
0x2e: {  	s3 =	simm.s32 @!p0 $0x1082;
	s9 =	sld [smem:$0x3FA7]  }
0x2f: {  	lr =	sadd.s32 s0, s3;
	s0 =	sld [smem:$0x3F9E]  }
0x30: {  	s3 =	sld [smem:$0x3FA1]  }
0x31: {  	[smem:$0x3FAA] =	sst s10  }
0x32: {  	s10 =	sld [smem:$0x3FA8];
	_ =	sdelay $0x3  }
0x33: {  	p0 =	seq.s32 s10, $0x1;
	s10 =	sld [smem:$0x3FAA];
	_ =	sdelay $0x3  }
0x34: {  	[smem:$0x3FAA] =	sst s10  }
0x35: {  	s10 =	sld [smem:$0x3FA9];
	_ =	sdelay $0x3  }
0x36: {  	p1 =	seq.s32 s10, $0x1;
	s10 =	sld [smem:$0x3FAA];
	_ =	sdelay $0x3  }
0x37: {  	[smem:$0x3FAA] =	sst s10  }
0x38: {  	s10 =	sld [smem:$0x3FAB]  }
0x39: {  	_ = 	snop;
	(pc) =	sbr.ind lr, $3  }
0x3a: {  	_ = 	snop  }
0x3b: {  	_ = 	snop  }
0x3c: {  	p2 =	seq.s32 s10, $0x1;
	s10 =	sld [smem:$0x3FAA]  }
0x3d: {  	_ =	shalt  }
0x3e: {  	_ =	shalt  }
0x3f: {  	_ =	shalt  }
0x40: {  	_ =	shalt  }
0x41: {  	_ =	shalt  }
0x42: {  	_ =	shalt  }
0x43: {  	_ =	shalt  }
0x44: {  	_ =	shalt  }
0x45: {  	_ =	shalt  }
0x46: {  	_ =	shalt  }
0x47: {  	_ =	shalt  }
0x48: {  	_ =	shalt  }
0x49: {  	_ =	shalt  }
0x4a: {  	_ =	shalt  }
0x4b: {  	_ =	shalt  }
0x4c: {  	_ =	shalt  }
0x4d: {  	_ =	shalt  }
0x4e: {  	_ =	shalt  }
0x4f: {  	_ =	shalt  }
0x50: {  	_ =	shalt  }
0x51: {  	_ =	shalt  }
0x52: {  	_ =	shalt  }
0x53: {  	_ =	shalt  }
0x54: {  	_ =	shalt  }
0x55: {  	_ =	shalt  }
0x56: {  	_ =	shalt  }
0x57: {  	_ =	shalt  }
0x58: {  	_ =	shalt  }
0x59: {  	_ =	shalt  }
0x5a: {  	_ =	shalt  }
0x5b: {  	_ =	shalt  }
0x5c: {  	_ =	shalt  }
0x5d: {  	_ =	shalt  }
0x5e: {  	_ =	shalt  }
0x5f: {  	_ =	shalt  }
0x60: {  	_ =	shalt  }
0x61: {  	_ =	shalt  }
0x62: {  	_ =	shalt  }
0x63: {  	_ =	shalt  }
0x64: {  	_ =	shalt  }
0x65: {  	_ =	shalt  }
0x66: {  	_ =	shalt  }
0x67: {  	_ =	shalt  }
0x68: {  	_ =	shalt  }
0x69: {  	_ =	shalt  }
0x6a: {  	_ =	shalt  }
0x6b: {  	_ =	shalt  }
0x6c: {  	_ =	shalt  }
0x6d: {  	_ =	shalt  }
0x6e: {  	_ =	shalt  }
0x6f: {  	_ =	shalt  }
0x70: {  	_ =	shalt  }
0x71: {  	_ =	shalt  }
0x72: {  	_ =	shalt  }
0x73: {  	_ =	shalt  }
0x74: {  	_ =	shalt  }
0x75: {  	_ =	shalt  }
0x76: {  	_ =	shalt  }
0x77: {  	_ =	shalt  }
0x78: {  	_ =	shalt  }
0x79: {  	_ =	shalt  }
0x7a: {  	_ =	shalt  }
0x7b: {  	_ =	shalt  }
0x7c: {  	_ =	shalt  }
0x7d: {  	_ =	shalt  }
0x7e: {  	_ =	shalt  }
0x7f: {  	_ =	shalt  }
0x80: {  	_ =	shalt  }
0x81: {  	_ =	shalt  }
0x82: {  	_ =	shalt  }
0x83: {  	_ =	shalt  }
0x84: {  	_ =	shalt  }
0x85: {  	_ =	shalt  }
0x86: {  	_ =	shalt  }
0x87: {  	_ =	shalt  }
.Lfunc_end0:
.L_simem_size_0:
called_computation_lowered:
.L_overlay_start_0:
0x88: {  	s2 =	sld [smem:$0x3FD9]  }
0x89: {  	s3 =	sld [smem:$0x3FFE];
	_ =	sdelay $0x1  }
0x8a: {  	s1 =	srdreg.scid  }
0x8b: {  	s0 =	sand.u32 $0x1, s1  }
0x8c: {  	s17 =	sshll.u32 s0, $0xA;
	s2 =	sadd.s32 s3, s2  }
0x8d: {  	s2 =	sadd.s32 s2, s17  }
0x8e: {  	[smem:$0x3FB6] =	sst s2  }
0x8f: {  	_ = 	snop  }
0x90: {  	s2 =	sld [smem:$0x3FC8];
	(tm) =	ssettm $0x1  }
0x91: {  	s18 =	sld [smem:$0x3FFB];
	_ =	sdelay $0x3  }
0x92: {  	_ =	strace s18  }
0x93: {  	s3 =	sld [smem:$0x3FFC];
	_ =	sdelay $0x3  }
0x94: {  	_ =	strace s3  }
0x95: {  	s3 =	sld [smem:$0x3FFD];
	_ =	sdelay $0x3  }
0x96: {  	_ =	strace s3  }
0x97: {  	_ =	strace $0x8FFFFFFF  }
0x98: {  	s19 =	sld [smem:$0x3FDB];
	_ =	sdelay $0x1  }
0x99: {  	s4 =	simm.s32 $_scs_section_size  }
0x9a: {  	s5 =	simm.s32 $_size__tile_overlayer_lowered;
	s6 =	simm.s32 $_tile_overlayer_lowered  }
0x9b: {  	s22 =	simm.s32 $0x1BFF;
	s21 =	sshll.u32 s6, $0x1;
	s3 =	sadd.s32 s4, s19  }
0x9c: {  	s7 =	simm.s32 $0x0;
	s20 =	sshll.u32 s5, $0x1;
	s5 =	sadd.s32 s21, s3  }
0x9d: {  	[timem:s7], [sflag:s22] =	dma.local [hbm:s5], s20  }
0x9e: {  	_ =	swait.ge [sflag:s22], s20  }
0x9f: {  	s4 =	ssub.s32 $0x0, s20;
	[sflag:s22] =	ssyncset.done $0x0  }
0xa0: {  	[sflag:s22] =	ssyncadd.s32 s4;
	_ =	sdelay $0x1  }
0xa1: {  	s23 =	simm.s32 $0x1B8B  }
0xa2: {  	_ =	swait.ge [sflag:s23], $0x1  }
0xa3: {  	[sflag:s23] =	ssyncset.done $0x0  }
0xa4: {  	s25 =	simm.s32 $0x1B8E;
	s24 =	sld [smem:$0x3FFE];
	[sflag:s23] =	ssyncadd.s32 $0xFFFFFFFF  }
0xa5: {  	s26 =	simm.s32 $execute0_lowered;
	[smem:$0x3FD2] =	sst s25  }
0xa6: {  	s5 =	sshll.u32 s26, $0x1;
	_ =	strace $0x80000046;
	[dreg:$0x1] =	wrdreg $0xFFFFFFFF  }
0xa7: {  	s28 =	simm.s32 $_size_execute0_lowered;
	s3 =	sadd.s32 s3, s5;
	[dreg:$0x0] =	wrdreg $0x0  }
0xa8: {  	s5 =	sshll.u32 s28, $0x1;
	[dreg:$0x2] =	wrdreg s3  }
0xa9: {  	[dreg:$0x3] =	wrdreg s5  }
0xaa: {  	[dreg:$0x4] =	wrdreg $0xC0  }
0xab: {  	_ =	task [dreg:s7], $0x5FFFF  }
0xac: {  	[dreg:$0x1] =	wrdreg $0xFFFFFFFF  }
0xad: {  	[dreg:$0x0] =	wrdreg $0x60  }
0xae: {  	[dreg:$0x2] =	wrdreg s24  }
0xaf: {  	[dreg:$0x3] =	wrdreg s2  }
0xb0: {  	[dreg:$0x4] =	wrdreg $0xC3000  }
0xb1: {  	[dreg:$0x5] =	wrdreg $0x9  }
0xb2: {  	_ =	task.clear_ibuf [dreg:s7], $0x6FFFF;
	_ =	strace $0x90000046  }
0xb3: {  	s29 =	simm.s32 $0x9;
	_ =	strace $0x80000048  }
0xb4: {  	_ =	swait.ge [sflag:s29], $0x1  }
0xb5: {  	[sflag:s29] =	ssyncadd.s32 $0xFFFFFFFF  }
0xb6: {  	_ =	strace $0x90000048  }
0xb7: {  	_ =	sfence  }
0xb8: {  	s30 =	sld [smem:$0x0];
	_ =	sdelay $0x2  }
0xb9: {  	s31 =	sshll.u32 s1, $0xD;
	s1 =	sshrl.u32 s1, $0x2  }
0xba: {  	s3 =	sand.u32 $0x4000, s31;
	s1 =	sadd.s32 s1, s30  }
0xbb: {  	s0 =	sor.u32 s3, s0;
	s1 =	sshll.u32 s1, $0x11  }
0xbc: {  	s0 =	sor.u32 s1, s0  }
0xbd: {  	s0 =	sadd.s32 $0x8F2B, s0  }
0xbe: {  	[sflag:s0] =	ssyncadd.remote.s32 $0x1  }
0xbf: {  	_ =	sfence.sel $0xFFFF  }
0xc0: {  	[dreg:$0x0] =	wrdreg $0xFFFFFFFF;
	(pc) =	sbr.abs _section_cstart, $3  }
0xc1: {  	[dreg:$0x1] =	wrdreg $0xFFFFFFFF  }
0xc2: {  	_ =	task.clear_ibuf [dreg:s7], $0x2FFFF;
	_ =	strace $0x9FFFFFFF  }
0xc3: {  	(tm) =	ssettm $0x7FFFFFFF  }
tec
execute0_lowered:
.L_overlay_start_1:
0x0: {  	(tag) =	ssettag $0x1  }
0x1: {  	s0 =	rddreg [dreg:$0x0]  }
0x2: {  	s2 =	rddreg [dreg:$0x1]  }
0x3: {  	s1 =	rddreg [dreg:$0x2];
	s3 =	simm.s32 $0x0;
	s5 =	srdreg.scid  }
0x4: {  	s13 =	stileid.u32;
	s28 =	simm.s32 $0x4300;
	s29 =	simm.s32 $0x1  }
0x5: {  	s30 =	simm.s32 $0x6;
	s31 =	simm.s32 $0x8300;
	s18 =	smul.u32 $0x4E000, s13  }
0x6: {  	[smem:$0x7FF] =	sst s3;
	s4 =	sadd.s32 $0x2E00, s0;
	s23 =	smul.u32 $0x13800, s13  }
0x7: {  	s6 =	sand.u32 $0x1, s5;
	s0 =	sadd.s32 $0x2A000, s0;
	s16 =	smul.u32 $0x9C, s13  }
0x8: {  	s8 =	sshll.u32 s13, $0x1;
	p0 =	sne.s32 s13, $0xF;
	s15 =	smul.u32 $0x138800, s6  }
0x9: {  	s7 =	ssub.s32 $0x2, s6;
	s8 =	sor.u32 s6, s8;
	s6 =	smul.u32 $0x4E, s6  }
0xa: {  	p1 =	sgt.u32 s13, $0x1;
	_ =	strace $0x80000047;
	s19 =	smul.u32 $0x9C0, s8  }
0xb: {  	s9 =	sshrl.u32 s7, $0x1;
	s5 =	sshrl.u32 s18, $0x2;
	s12 =	smul.u32 $0x4E00, s8  }
0xc: {  	s8 =	sshll.u32 s8, $0x5;
	s7 =	ssub.s32 s7, s9;
	s5 =	sadd.s32 s5, s1  }
0xd: {  	s8 =	sadd.s32 s8, s2;
	s24 =	sadd.s32 s23, s15;
	s25 =	sshrl.u32 s15, $0x3  }
0xe: {  	s6 =	sadd.s32 s6, s16;
	s23 =	simm.s32 $0x200;
	s10 =	sadd.s32 $0x4000, s5  }
0xf: {  	s20 =	sadd.s32 $0x8000, s5;
	s21 =	sadd.s32 $0xC000, s5;
	s22 =	sadd.s32 $0x10000, s5  }
0x10: {  	s11 =	sadd.s32 s2, s19;
	s12 =	sshrl.u32 s12, $0x3;
	[dreg:$0x4] =	wrdreg s10  }
0x11: {  	s9 =	sadd.s32 s0, s25;
	s6 =	sshll.u32 s6, $0x5;
	[dreg:$0x5] =	wrdreg s20  }
0x12: {  	s17 =	smax.u32 s7, $0x1;
	s25 =	simm.s32 $0x80;
	[dreg:$0x6] =	wrdreg s21  }
0x13: {  	s7 =	simm.s32 $0x280;
	[dreg:$0x7] =	wrdreg s22;
	s10 =	sadd.s32 $0x138000, s1  }
0x14: {  	s12 =	sadd.s32 s2, s12;
	s14 =	sadd.s32 $0x20, s11;
	s16 =	sadd.s32 $0x27000, s9  }
0x15: {  	s26 =	sadd.s32 s6, s2;
	s20 =	simm.s32 $0x300;
	s21 =	simm.s32 $0x7  }
0x16: {  	s22 =	simm.s32 $0x100;
	s2 =	simm.s32 $0x180;
	s6 =	simm.s32 $0x3  }
0x17: {  	[dreg:$0x8] =	wrdreg s14;
	s12 =	sadd.s32 $0x40, s12;
	s14 =	sadd.s32 $0x13800, s8  }
0x18: {  	s8 =	sshrl.u32 s24, $0x3;
	s18 =	sadd.s32 $0x80, s26;
	s19 =	sadd.s32 $0x60, s26  }
0x19: {  	s24 =	simm.s32 $0x4;
	s26 =	simm.s32 $0x5;
	[dreg:$0x9] =	wrdreg s12  }
0x1a: {  	v0 =	vimm.f32 $0.0e+00;
	s15 =	sadd.s32 s0, s8;
	s0 =	simm.s32 $0x2;
	s8 =	simm.s32 $0x0  }
.LBB2_1:
0x1b: {  	s9 =	simm.s32 $0x0;
	s12 =	simm.s32 $0x200  }
.LBB2_2:
0x1c: {  	p2 =	sne.s32 s12, $0xFE00;
	[tilespmem:s9+$0x370] =	vst v0  }
0x1d: {  	[tilespmem:s9+$0x300] =	vst v0  }
0x1e: {  	[tilespmem:s9+$0x310] =	vst v0  }
.Ltmp0:
0x1f: {  	[tilespmem:s9+$0x320] =	vst v0;
	(pc) =	sbr.rel @p2 .LBB2_2-.Ltmp0, $4  }
0x20: {  	[tilespmem:s9+$0x330] =	vst v0  }
0x21: {  	[tilespmem:s9+$0x340] =	vst v0  }
0x22: {  	[tilespmem:s9+$0x350] =	vst v0  }
0x23: {  	[tilespmem:s9+$0x360] =	vst v0;
	s9 =	sshra.s32 s12, $0x2;
	s12 =	sadd.s32 $0x200, s12  }
0x24: {  	[tilespmem:s9+$0x370] =	vst v0  }
0x25: {  	[tilespmem:s9+$0x300] =	vst v0  }
0x26: {  	[tilespmem:s9+$0x310] =	vst v0  }
0x27: {  	[tilespmem:s9+$0x320] =	vst v0  }
0x28: {  	[tilespmem:s9+$0x330] =	vst v0  }
0x29: {  	[tilespmem:s9+$0x340] =	vst v0  }
0x2a: {  	[tilespmem:s9+$0x350] =	vst v0  }
0x2b: {  	[tilespmem:s9+$0x360] =	vst v0  }
0x2c: {  	[spmem:s5] =	stream.linear.scatter [tilespmem:s20], [sflag:$0x7], $0x4000, $0x38;
	[tilespmem:$0x1FB80] =	vst v63  }
0x2d: {  	_ =	swait.ge [sflag:s21], $0x4000  }
0x2e: {  	[sflag:s21] =	ssyncset.done $0x0  }
0x2f: {  	s13 =	rddreg [dreg:$0x4];
	[sflag:s21] =	ssyncadd.s32 $0xFFFFC000  }
0x30: {  	[spmem:s13] =	stream.linear.scatter [tilespmem:s20], [sflag:$0x7], $0x4000, $0x38;
	[tilespmem:$0x1FB80] =	vst v63  }
0x31: {  	_ =	swait.ge [sflag:s21], $0x4000  }
0x32: {  	[sflag:s21] =	ssyncset.done $0x0  }
0x33: {  	s12 =	rddreg [dreg:$0x5];
	[sflag:s21] =	ssyncadd.s32 $0xFFFFC000  }
0x34: {  	[spmem:s12] =	stream.linear.scatter [tilespmem:s20], [sflag:$0x7], $0x4000, $0x38;
	[tilespmem:$0x1FB80] =	vst v63  }
0x35: {  	_ =	swait.ge [sflag:s21], $0x4000  }
0x36: {  	[sflag:s21] =	ssyncset.done $0x0  }
0x37: {  	s13 =	rddreg [dreg:$0x6];
	[sflag:s21] =	ssyncadd.s32 $0xFFFFC000  }
0x38: {  	[spmem:s13] =	stream.linear.scatter [tilespmem:s20], [sflag:$0x7], $0x4000, $0x38;
	[tilespmem:$0x1FB80] =	vst v63  }
0x39: {  	_ =	swait.ge [sflag:s21], $0x4000  }
0x3a: {  	[sflag:s21] =	ssyncset.done $0x0  }
0x3b: {  	s12 =	rddreg [dreg:$0x7];
	[sflag:s21] =	ssyncadd.s32 $0xFFFFC000  }
0x3c: {  	[spmem:s12] =	stream.linear.scatter [tilespmem:s20], [sflag:$0x7], $0x3800, $0x38;
	[tilespmem:$0x1FB80] =	vst v63  }
0x3d: {  	_ =	swait.ge [sflag:s21], $0x3800  }
0x3e: {  	[sflag:s21] =	ssyncset.done $0x0  }
0x3f: {  	s9 =	simm.s32 @!p0 $0x300;
	[sflag:s21] =	ssyncadd.s32 $0xFFFFC800  }
0x40: {  	[spmem:s10] =	stream.linear.scatter @!p0 [tilespmem:s9], [sflag:$0x7], $0x800, $0x38;
	[tilespmem:$0x1FB80] =	vst v63  }
0x41: {  	s9 =	simm.s32 @!p0 $0x7  }
0x42: {  	_ =	swait.ge @!p0 [sflag:s9], $0x800  }
0x43: {  	[sflag:s9] =	ssyncset.done @!p0 $0x0  }
0x44: {  	[sflag:s9] =	ssyncadd.s32 @!p0 $0xFFFFF800  }
0x45: {  	s9 =	simm.s32 $0x0;
	[bflag:$0x0] =	sbarrier.arrive $0xFFFF  }
0x46: {  	[tilespmem:s9], [sflag:$0x4] =	stream.linear.gather [hbm4b:s11+s9], $0x100, $0x38;
	[tilespmem:$0x1FB80] =	vst v63  }
0x47: {  	s12 =	rddreg [dreg:$0x8]  }
0x48: {  	[tilespmem:s22], [sflag:$0x5] =	stream.linear.gather [hbm4b:s12+s9], $0x100, $0x38;
	[tilespmem:$0x1FB80] =	vst v63  }
0x49: {  	s13 =	rddreg [dreg:$0x9]  }
0x4a: {  	[tilespmem:s23], [sflag:$0x6] =	stream.linear.gather [hbm4b:s13+s9], $0x100, $0x38;
	[tilespmem:$0x1FB80] =	vst v63  }
0x4b: {  	_ =	swait.ge [sflag:s24], $0x100  }
0x4c: {  	[sflag:s24] =	ssyncset.done $0x0  }
0x4d: {  	[sflag:s24] =	ssyncadd.s32 $0xFFFFFF00  }
0x4e: {  	[tilespmem:s20], [sflag:$0x1] =	stream.indirect.gather [hbm4b:s4+s25], $0x80, s9, s25, $0xb8;
	[tilespmem:$0x1FB80] =	vst v63  }
0x4f: {  	_ =	swait.ge [sflag:s26], $0x100  }
0x50: {  	[sflag:s26] =	ssyncset.done $0x0  }
0x51: {  	[sflag:s26] =	ssyncadd.s32 $0xFFFFFF00  }
0x52: {  	[tilespmem:s28], [sflag:$0x2] =	stream.indirect.gather [hbm4b:s4+s25], $0x80, s22, s25, $0xb8;
	[tilespmem:$0x1FB80] =	vst v63  }
0x53: {  	_ =	swait.ge [sflag:s29], $0x4000  }
0x54: {  	[sflag:s29] =	ssyncset.done $0x0  }
0x55: {  	[sflag:s29] =	ssyncadd.s32 $0xFFFFC000  }
0x56: {  	[spmem:s1] =	stream.indirect.scatter.add.f32 [tilespmem:s20], [sflag:$0x7], $0x80, s25, s25, $0xb8;
	[tilespmem:$0x1FB80] =	vst v63  }
0x57: {  	_ =	swait.ge [sflag:s21], $0x4000  }
0x58: {  	[sflag:s21] =	ssyncset.done $0x0  }
0x59: {  	s12 =	sadd.s32 $0x0, s19;
	[sflag:s21] =	ssyncadd.s32 $0xFFFFC000  }
0x5a: {  	[tilespmem:s3], [sflag:$0x4] =	stream.linear.gather [hbm4b:s12+s3], $0x100, $0x38;
	[tilespmem:$0x1FB80] =	vst v63  }
0x5b: {  	_ =	swait.ge [sflag:s30], $0x100  }
0x5c: {  	[sflag:s30] =	ssyncset.done $0x0  }
0x5d: {  	[sflag:s30] =	ssyncadd.s32 $0xFFFFFF00  }
0x5e: {  	[tilespmem:s31], [sflag:$0x3] =	stream.indirect.gather [hbm4b:s4+s25], $0x80, s23, s25, $0xb8;
	[tilespmem:$0x1FB80] =	vst v63  }
0x5f: {  	_ =	swait.ge [sflag:s0], $0x4000  }
0x60: {  	[sflag:s0] =	ssyncset.done $0x0  }
0x61: {  	[sflag:s0] =	ssyncadd.s32 $0xFFFFC000  }
0x62: {  	[spmem:s1] =	stream.indirect.scatter.add.f32 [tilespmem:s28], [sflag:$0x7], $0x80, s2, s25, $0xb8;
	[tilespmem:$0x1FB80] =	vst v63  }
0x63: {  	_ =	swait.ge [sflag:s21], $0x4000  }
0x64: {  	[sflag:s21] =	ssyncset.done $0x0  }
0x65: {  	s13 =	sadd.s32 $0x0, s18;
	[sflag:s21] =	ssyncadd.s32 $0xFFFFC000  }
0x66: {  	[tilespmem:s22], [sflag:$0x5] =	stream.linear.gather [hbm4b:s13+s3], $0x100, $0x38;
	[tilespmem:$0x1FB80] =	vst v63  }
0x67: {  	_ =	swait.ge [sflag:s24], $0x100  }
0x68: {  	[sflag:s24] =	ssyncset.done $0x0  }
0x69: {  	[sflag:s24] =	ssyncadd.s32 $0xFFFFFF00  }
0x6a: {  	[tilespmem:s20], [sflag:$0x1] =	stream.indirect.gather [hbm4b:s4+s25], $0x80, s3, s25, $0xb8;
	[tilespmem:$0x1FB80] =	vst v63  }
0x6b: {  	_ =	swait.ge [sflag:s6], $0x4000  }
0x6c: {  	[sflag:s6] =	ssyncset.done $0x0  }
0x6d: {  	[sflag:s6] =	ssyncadd.s32 $0xFFFFC000  }
0x6e: {  	[spmem:s1] =	stream.indirect.scatter.add.f32 [tilespmem:s31], [sflag:$0x7], $0x80, s7, s25, $0xb8;
	[tilespmem:$0x1FB80] =	vst v63  }
0x6f: {  	_ =	swait.ge [sflag:s21], $0x4000  }
0x70: {  	[sflag:s21] =	ssyncset.done $0x0  }
0x71: {  	s9 =	sadd.s32 $0x20, s13;
	[sflag:s21] =	ssyncadd.s32 $0xFFFFC000  }
0x72: {  	[tilespmem:s23], [sflag:$0x6] =	stream.linear.gather [hbm4b:s9+s3], $0x100, $0x38;
	[tilespmem:$0x1FB80] =	vst v63  }
0x73: {  	_ =	swait.ge [sflag:s26], $0x100  }
0x74: {  	[sflag:s26] =	ssyncset.done $0x0  }
0x75: {  	s9 =	simm.s32 $0x60;
	[sflag:s26] =	ssyncadd.s32 $0xFFFFFF00  }
.LBB2_4:
0x76: {  	[tilespmem:s28], [sflag:$0x2] =	stream.indirect.gather [hbm4b:s4+s25], $0x80, s22, s25, $0xb8;
	[tilespmem:$0x1FB80] =	vst v63  }
0x77: {  	s12 =	smov.u32 s9  }
0x78: {  	p2 =	sne.s32 s9, $0x900;
	s9 =	sadd.s32 $0x60, s9;
	_ =	swait.ge [sflag:s29], $0x4000  }
0x79: {  	[sflag:s29] =	ssyncset.done $0x0  }
0x7a: {  	[sflag:s29] =	ssyncadd.s32 $0xFFFFC000  }
0x7b: {  	[spmem:s1] =	stream.indirect.scatter.add.f32 [tilespmem:s20], [sflag:$0x7], $0x80, s25, s25, $0xb8;
	[tilespmem:$0x1FB80] =	vst v63  }
0x7c: {  	_ =	swait.ge [sflag:s21], $0x4000  }
0x7d: {  	[sflag:s21] =	ssyncset.done $0x0  }
0x7e: {  	s13 =	sadd.s32 s12, s19;
	[sflag:s21] =	ssyncadd.s32 $0xFFFFC000  }
0x7f: {  	[tilespmem:s3], [sflag:$0x4] =	stream.linear.gather [hbm4b:s13+s3], $0x100, $0x38;
	[tilespmem:$0x1FB80] =	vst v63  }
0x80: {  	_ =	swait.ge [sflag:s30], $0x100  }
0x81: {  	[sflag:s30] =	ssyncset.done $0x0  }
0x82: {  	[sflag:s30] =	ssyncadd.s32 $0xFFFFFF00  }
0x83: {  	[tilespmem:s31], [sflag:$0x3] =	stream.indirect.gather [hbm4b:s4+s25], $0x80, s23, s25, $0xb8;
	[tilespmem:$0x1FB80] =	vst v63  }
0x84: {  	_ =	swait.ge [sflag:s0], $0x4000  }
0x85: {  	[sflag:s0] =	ssyncset.done $0x0  }
0x86: {  	[sflag:s0] =	ssyncadd.s32 $0xFFFFC000  }
0x87: {  	[spmem:s1] =	stream.indirect.scatter.add.f32 [tilespmem:s28], [sflag:$0x7], $0x80, s2, s25, $0xb8;
	[tilespmem:$0x1FB80] =	vst v63  }
0x88: {  	_ =	swait.ge [sflag:s21], $0x4000  }
0x89: {  	[sflag:s21] =	ssyncset.done $0x0  }
0x8a: {  	s12 =	sadd.s32 s12, s18;
	[sflag:s21] =	ssyncadd.s32 $0xFFFFC000  }
0x8b: {  	[tilespmem:s22], [sflag:$0x5] =	stream.linear.gather [hbm4b:s12+s3], $0x100, $0x38;
	[tilespmem:$0x1FB80] =	vst v63  }
0x8c: {  	_ =	swait.ge [sflag:s24], $0x100  }
0x8d: {  	[sflag:s24] =	ssyncset.done $0x0  }
0x8e: {  	[sflag:s24] =	ssyncadd.s32 $0xFFFFFF00  }
0x8f: {  	[tilespmem:s20], [sflag:$0x1] =	stream.indirect.gather [hbm4b:s4+s25], $0x80, s3, s25, $0xb8;
	[tilespmem:$0x1FB80] =	vst v63  }
0x90: {  	_ =	swait.ge [sflag:s6], $0x4000  }
0x91: {  	[sflag:s6] =	ssyncset.done $0x0  }
0x92: {  	[sflag:s6] =	ssyncadd.s32 $0xFFFFC000  }
0x93: {  	[spmem:s1] =	stream.indirect.scatter.add.f32 [tilespmem:s31], [sflag:$0x7], $0x80, s7, s25, $0xb8;
	[tilespmem:$0x1FB80] =	vst v63  }
0x94: {  	_ =	swait.ge [sflag:s21], $0x4000  }
0x95: {  	[sflag:s21] =	ssyncset.done $0x0  }
.Ltmp1:
0x96: {  	s12 =	sadd.s32 $0x20, s12;
	[sflag:s21] =	ssyncadd.s32 $0xFFFFC000;
	(pc) =	sbr.rel @p2 .LBB2_4-.Ltmp1, $4  }
0x97: {  	[tilespmem:s23], [sflag:$0x6] =	stream.linear.gather [hbm4b:s12+s3], $0x100, $0x38;
	[tilespmem:$0x1FB80] =	vst v63  }
0x98: {  	_ =	swait.ge [sflag:s26], $0x100  }
0x99: {  	[sflag:s26] =	ssyncset.done $0x0  }
0x9a: {  	[sflag:s26] =	ssyncadd.s32 $0xFFFFFF00  }
0x9b: {  	[tilespmem:s28], [sflag:$0x2] =	stream.indirect.gather [hbm4b:s4+s25], $0x80, s22, s25, $0xb8;
	[tilespmem:$0x1FB80] =	vst v63  }
0x9c: {  	_ =	swait.ge [sflag:s29], $0x4000  }
0x9d: {  	[sflag:s29] =	ssyncset.done $0x0  }
0x9e: {  	[sflag:s29] =	ssyncadd.s32 $0xFFFFC000  }
0x9f: {  	[spmem:s1] =	stream.indirect.scatter.add.f32 [tilespmem:s20], [sflag:$0x7], $0x80, s25, s25, $0xb8;
	[tilespmem:$0x1FB80] =	vst v63  }
0xa0: {  	_ =	swait.ge [sflag:s21], $0x4000  }
0xa1: {  	[sflag:s21] =	ssyncset.done $0x0  }
0xa2: {  	[sflag:s21] =	ssyncadd.s32 $0xFFFFC000  }
0xa3: {  	_ =	swait.ge [sflag:s30], $0x100  }
0xa4: {  	[sflag:s30] =	ssyncset.done $0x0  }
0xa5: {  	[sflag:s30] =	ssyncadd.s32 $0xFFFFFF00  }
0xa6: {  	[tilespmem:s31], [sflag:$0x3] =	stream.indirect.gather [hbm4b:s4+s25], $0x80, s23, s25, $0xb8;
	[tilespmem:$0x1FB80] =	vst v63  }
0xa7: {  	_ =	swait.ge [sflag:s0], $0x4000  }
0xa8: {  	[sflag:s0] =	ssyncset.done $0x0  }
0xa9: {  	[sflag:s0] =	ssyncadd.s32 $0xFFFFC000  }
0xaa: {  	[spmem:s1] =	stream.indirect.scatter.add.f32 [tilespmem:s28], [sflag:$0x7], $0x80, s2, s25, $0xb8;
	[tilespmem:$0x1FB80] =	vst v63  }
0xab: {  	_ =	swait.ge [sflag:s21], $0x4000  }
0xac: {  	[sflag:s21] =	ssyncset.done $0x0  }
0xad: {  	[sflag:s21] =	ssyncadd.s32 $0xFFFFC000  }
0xae: {  	_ =	swait.ge [sflag:s6], $0x4000  }
0xaf: {  	[sflag:s6] =	ssyncset.done $0x0  }
0xb0: {  	[sflag:s6] =	ssyncadd.s32 $0xFFFFC000  }
0xb1: {  	[spmem:s1] =	stream.indirect.scatter.add.f32 [tilespmem:s31], [sflag:$0x7], $0x80, s7, s25, $0xb8;
	[tilespmem:$0x1FB80] =	vst v63  }
0xb2: {  	_ =	swait.ge [sflag:s21], $0x4000  }
0xb3: {  	[sflag:s21] =	ssyncset.done $0x0  }
0xb4: {  	s9 =	simm.s32 @!p1 $0x0;
	s12 =	simm.s32 @!p1 $0x4;
	[sflag:s21] =	ssyncadd.s32 $0xFFFFC000  }
0xb5: {  	[tilespmem:s9], [sflag:$0x4] =	stream.linear.gather @!p1 [hbm4b:s14+s9], $0x100, $0x38;
	[tilespmem:$0x1FB80] =	vst v63  }
0xb6: {  	_ =	swait.ge @!p1 [sflag:s12], $0x100  }
0xb7: {  	[sflag:s12] =	ssyncset.done @!p1 $0x0  }
0xb8: {  	s13 =	simm.s32 @!p1 $0x300;
	[sflag:s12] =	ssyncadd.s32 @!p1 $0xFFFFFF00;
	s12 =	simm.s32 @!p1 $0x80  }
0xb9: {  	[tilespmem:s13], [sflag:$0x1] =	stream.indirect.gather @!p1 [hbm4b:s4+s12], $0x80, s9, s12, $0xb8;
	[tilespmem:$0x1FB80] =	vst v63  }
0xba: {  	s9 =	simm.s32 @!p1 $0x1  }
0xbb: {  	_ =	swait.ge @!p1 [sflag:s9], $0x4000  }
0xbc: {  	[sflag:s9] =	ssyncset.done @!p1 $0x0  }
0xbd: {  	[sflag:s9] =	ssyncadd.s32 @!p1 $0xFFFFC000;
	s9 =	simm.s32 @!p1 $0x7  }
0xbe: {  	[spmem:s1] =	stream.indirect.scatter.add.f32 @!p1 [tilespmem:s13], [sflag:$0x7], $0x80, s12, s12, $0xb8;
	[tilespmem:$0x1FB80] =	vst v63  }
0xbf: {  	_ =	swait.ge @!p1 [sflag:s9], $0x4000  }
0xc0: {  	s12 =	stileid.u32;
	[sflag:s9] =	ssyncset.done @!p1 $0x0  }
0xc1: {  	[sflag:s9] =	ssyncadd.s32 @!p1 $0xFFFFC000;
	s9 =	sshll.u32 s12, $0x6  }
0xc2: {  	s13 =	sshrl.u32 s5, $0x3;
	[bflag:$0x0] =	sbarrier.arrive $0xFFFF;
	s9 =	sor.u32 $0x1C07, s9  }
0xc3: {  	[hbm:s15], [sflag:s9] =	dma.local [spmem:s13], $0x2700  }
0xc4: {  	_ =	swait.ge [sflag:s21], $0x2700  }
0xc5: {  	s8 =	sadd.s32 $0x1, s8;
	[sflag:s21] =	ssyncset.done $0x0  }
0xc6: {  	p2 =	sne.s32 s8, s17;
	s12 =	sshrl.u32 @!p0 s10, $0x3;
	[sflag:s21] =	ssyncadd.s32 $0xFFFFD900  }
0xc7: {  	[hbm:s16], [sflag:s9] =	dma.local @!p0 [spmem:s12], $0x100  }
.Ltmp2:
0xc8: {  	_ = 	snop;
	(pc) =	sbr.rel @p2 .LBB2_1-.Ltmp2, $4  }
0xc9: {  	s9 =	simm.s32 @!p0 $0x7  }
0xca: {  	_ =	swait.ge @!p0 [sflag:s9], $0x100  }
0xcb: {  	[sflag:s9] =	ssyncset.done @!p0 $0x0  }
0xcc: {  	[sflag:s9] =	ssyncadd.s32 @!p0 $0xFFFFFF00  }
0xcd: {  	_ =	sfence.sel $0x180000  }
0xce: {  	[bflag:$0x0] =	sbarrier.arrive $0xFFFF  }
0xcf: {  	_ =	strace $0x90000047  }
0xd0: {  	s0 =	stileid.u32;
	[bflag:$0x2] =	sbarrier.arrive $0xFFFF  }
0xd1: {  	p0 =	sne.s32 s0, $0x0;
	s0 =	rddreg [dreg:$0x3]  }
0xd2: {  	s0 =	sadd.s32 @!p0 $0x100000, s0  }
0xd3: {  	[sflag:s0] =	ssyncadd.tile.s32 @!p0 $0x1;
	_ =	shalt  }
.Lfunc_end2:
_tile_overlayer_lowered:
.L_overlay_start_2:
0xd4: {  	(tag) =	ssettag $0x2  }
0xd5: {  	s0 =	rddreg [dreg:$0x0];
	s2 =	stileid.u32  }
0xd6: {  	s1 =	rddreg [dreg:$0x1];
	p0 =	sne.s32 s2, $0x0  }
0xd7: {  	s3 =	rddreg [dreg:$0x2];
	[bflag:$0x3] =	sbarrier.arrive $0xFFFF;
	s2 =	simm.s32 @!p0 $0x1C07  }
0xd8: {  	[timem:s3], [sflag:s2] =	dma.local @!p0 [hbm:s0], s1  }
0xd9: {  	s0 =	simm.s32 @!p0 $0x7  }
0xda: {  	_ =	swait.ge @!p0 [sflag:s0], s1  }
0xdb: {  	s1 =	ssub.s32 @!p0 $0x0, s1;
	[sflag:s0] =	ssyncset.done @!p0 $0x0  }
0xdc: {  	[sflag:s0] =	ssyncadd.s32 @!p0 s1  }
0xdd: {  	[bflag:$0x3] =	sbarrier.arrive $0xFFFF  }
0xde: {  	_ =	shalt  }

</sc_bundles>
